<compile_context>
chip_gen: v7x
topology: tpu7x:2x2x1
jax: 0.10.2.dev20260603
libtpu: 0.0.44.dev20260713+nightly
codegen_flags: <defaults>
</compile_context>

<pallas_src>
import dataclasses
import functools

import jax
import jax.numpy as jnp
from jax import lax
from jax.experimental import pallas as pl
from jax.experimental.pallas import tpu as pltpu
from jax.experimental.pallas import tpu_sc as plsc

NC = 2
NS = 16
L = 16
K = 80
KA = 80
BS = 1024

THETA = (0.5, 0.3, 0.1, 0.05, 0.05)

_SC_PARAMS = pltpu.CompilerParams()
if "needs_layout_passes" in pltpu.CompilerParams.__dataclass_fields__:
    _SC_PARAMS = dataclasses.replace(_SC_PARAMS, needs_layout_passes=False)


def _sc_degree(npad, ept, k):
    nr = npad // 128
    nchunks = ept // k
    mesh = plsc.VectorSubcoreMesh(core_axis_name="c", subcore_axis_name="s")

    @functools.partial(
        pl.kernel,
        mesh=mesh,
        compiler_params=_SC_PARAMS,
        out_type=jax.ShapeDtypeStruct((2 * nr, 128), jnp.float32),
        scratch_types=[
            pltpu.VMEM((1, k), jnp.int32),
            pltpu.VMEM((nr, 128), jnp.float32),
            pltpu.VMEM((1, nr), jnp.int32),
            pltpu.VMEM_SHARED((nr, 128), jnp.float32),
            pltpu.SemaphoreType.DMA,
        ],
    )
    def deg_kernel(row_hbm, out_hbm, idx_v, hist_v, iden_v, acc_sh, sem):
        cid = lax.axis_index("c")
        sid = lax.axis_index("s")

        @pl.loop(0, nr)
        def _(i):
            @pl.loop(0, 128, step=L)
            def _(j):
                hist_v[i, pl.ds(j, L)] = jnp.zeros((L,), jnp.float32)

        @pl.loop(0, nr, step=L)
        def _(i):
            iden_v[0, pl.ds(i, L)] = lax.iota(jnp.int32, L) + i

        @pl.when(sid < nr // 8)
        def _():
            pltpu.sync_copy(hist_v.at[pl.ds(sid * 8, 8)],
                            acc_sh.at[pl.ds(sid * 8, 8)])
        plsc.subcore_barrier()

        base = (cid * NS + sid) * ept
        ones16 = jnp.full((L,), 1.0, jnp.float32)

        @pl.loop(0, nchunks)
        def _(i):
            pltpu.sync_copy(row_hbm.at[pl.ds(base + i * k, k)], idx_v.at[0])

            @pl.loop(0, k, step=L)
            def _(j):
                idx = idx_v[0, pl.ds(j, L)]
                r = lax.shift_right_logical(idx, 7)
                c = lax.bitwise_and(idx, 127)
                plsc.addupdate_scatter(hist_v, [r, c], ones16)

        pltpu.sync_copy(hist_v, acc_sh.at[iden_v.at[0]], add=True)
        plsc.subcore_barrier()

        @pl.when(sid < nr // 8)
        def _():
            pltpu.sync_copy(acc_sh.at[pl.ds(sid * 8, 8)],
                            out_hbm.at[pl.ds(cid * nr + sid * 8, 8)])

    return deg_kernel


def _sc_apply(npad, d, cpt, k):
    rpt = npad // NS
    mesh = plsc.VectorSubcoreMesh(core_axis_name="c", subcore_axis_name="s")

    @functools.partial(
        pl.kernel,
        mesh=mesh,
        compiler_params=_SC_PARAMS,
        out_type=jax.ShapeDtypeStruct((2 * npad, d), jnp.float32),
        scratch_types=[
            pltpu.VMEM((1, k), jnp.int32),
            pltpu.VMEM((1, k), jnp.int32),
            pltpu.VMEM((1, k), jnp.int32),
            pltpu.VMEM((1, k), jnp.int32),
            pltpu.VMEM((k, d), jnp.float32),
            pltpu.VMEM((k, d), jnp.float32),
            pltpu.VMEM_SHARED((npad, d), jnp.float32),
            pltpu.SemaphoreType.DMA,
            pltpu.SemaphoreType.DMA,
            pltpu.SemaphoreType.DMA,
            pltpu.SemaphoreType.DMA,
            pltpu.SemaphoreType.DMA,
            pltpu.SemaphoreType.DMA,
        ],
    )
    def apply_kernel(s_hbm, col_hbm, row_hbm, out_hbm,
                     c0, r0, c1, r1, buf0, buf1, acc_sh,
                     gi0, gi1, g0, g1, s0, s1):
        cid = lax.axis_index("c")
        sid = lax.axis_index("s")
        base = (cid * NS + sid) * cpt * k

        def idx_load(cb, rb, sem, i):
            pltpu.async_copy(col_hbm.at[pl.ds(base + i * k, k)], cb.at[0], sem)
            pltpu.async_copy(row_hbm.at[pl.ds(base + i * k, k)], rb.at[0], sem)

        def idx_wait(cb, rb, sem):
            pltpu.make_async_copy(col_hbm.at[pl.ds(0, k)], cb.at[0], sem).wait()
            pltpu.make_async_copy(row_hbm.at[pl.ds(0, k)], rb.at[0], sem).wait()

        def gather_start(cb, buf, sem):
            pltpu.async_copy(s_hbm.at[cb.at[0]], buf, sem)

        def gather_wait(buf, sem):
            pltpu.make_async_copy(s_hbm.at[pl.ds(0, k)], buf, sem).wait()

        def scatter_start(buf, rb, sem):
            pltpu.async_copy(buf, acc_sh.at[rb.at[0]], sem, add=True)

        def scatter_wait(buf, sem):
            pltpu.make_async_copy(buf, acc_sh.at[pl.ds(0, k)], sem).wait()

        idx_load(c0, r0, gi0, 0)
        idx_load(c1, r1, gi1, 1)

        @pl.loop(0, k)
        def _(i):
            @pl.loop(0, d, step=L)
            def _(j):
                buf0[i, pl.ds(j, L)] = jnp.zeros((L,), jnp.float32)

        rz = sid * rpt

        @pl.loop(0, rpt, step=k)
        def _(r):
            pltpu.sync_copy(buf0, acc_sh.at[pl.ds(rz + r, k)])

        plsc.subcore_barrier()

        idx_wait(c0, r0, gi0)
        gather_start(c0, buf0, g0)

        @pl.loop(0, cpt, step=2)
        def _(i):
            gather_wait(buf0, g0)
            scatter_start(buf0, r0, s0)
            idx_wait(c1, r1, gi1)
            gather_start(c1, buf1, g1)
            scatter_wait(buf0, s0)

            @pl.when(i + 2 < cpt)
            def _():
                idx_load(c0, r0, gi0, i + 2)

            gather_wait(buf1, g1)
            scatter_start(buf1, r1, s1)

            @pl.when(i + 2 < cpt)
            def _():
                idx_wait(c0, r0, gi0)
                gather_start(c0, buf0, g0)

            scatter_wait(buf1, s1)

            @pl.when(i + 3 < cpt)
            def _():
                idx_load(c1, r1, gi1, i + 3)

        plsc.subcore_barrier()
        pltpu.sync_copy(acc_sh.at[pl.ds(rz, rpt)],
                        out_hbm.at[pl.ds(cid * npad + rz, rpt)])

    return apply_kernel


def _tc_init(npad, d, theta0):
    nb = npad // BS
    nr = npad // 128
    rpb = BS // 128

    def body(h_ref, d0_ref, d1_ref, dinv_ref, s_ref, oa_ref):
        deg = d0_ref[...] + d1_ref[...]
        dinv8 = jnp.where(deg > 0, lax.rsqrt(deg), 0.0)
        jrow = lax.broadcasted_iota(jnp.int32, (BS, rpb), 0) // 128
        sel = (jrow == lax.broadcasted_iota(jnp.int32, (BS, rpb), 1))
        spread = jax.lax.dot_general(
            sel.astype(jnp.float32), dinv8,
            dimension_numbers=(((1,), (0,)), ((), ())),
            preferred_element_type=jnp.float32)
        jcol = lax.broadcasted_iota(jnp.int32, (BS, 128), 0) % 128
        mask = (jcol == lax.broadcasted_iota(jnp.int32, (BS, 128), 1))
        dinv_col = jnp.sum(jnp.where(mask, spread, 0.0), axis=1,
                           keepdims=True)
        dinv_blk = lax.broadcast_in_dim(dinv_col, (BS, d), (0, 1))
        dinv_ref[...] = dinv_blk
        hb = h_ref[...]
        s_ref[...] = dinv_blk * hb
        oa_ref[...] = theta0 * hb

    return pl.pallas_call(
        body,
        grid=(nb,),
        in_specs=[
            pl.BlockSpec((BS, d), lambda i: (i, 0)),
            pl.BlockSpec((rpb, 128), lambda i: (i, 0)),
            pl.BlockSpec((rpb, 128), lambda i: (i + nb, 0)),
        ],
        out_specs=[
            pl.BlockSpec((BS, d), lambda i: (i, 0)),
            pl.BlockSpec((BS, d), lambda i: (i, 0)),
            pl.BlockSpec((BS, d), lambda i: (i, 0)),
        ],
        out_shape=[
            jax.ShapeDtypeStruct((npad, d), jnp.float32),
            jax.ShapeDtypeStruct((npad, d), jnp.float32),
            jax.ShapeDtypeStruct((npad, d), jnp.float32),
        ],
    )


def _tc_combine(npad, d, theta_k):
    nb = npad // BS

    def body(f_ref, p0_ref, p1_ref, dinv_ref, oa_ref,
             fn_ref, oan_ref, sn_ref):
        dinv = dinv_ref[...]
        fn = f_ref[...] - dinv * (p0_ref[...] + p1_ref[...])
        fn_ref[...] = fn
        oan_ref[...] = oa_ref[...] + theta_k * fn
        sn_ref[...] = dinv * fn

    return pl.pallas_call(
        body,
        grid=(nb,),
        in_specs=[
            pl.BlockSpec((BS, d), lambda i: (i, 0)),
            pl.BlockSpec((BS, d), lambda i: (i, 0)),
            pl.BlockSpec((BS, d), lambda i: (i + nb, 0)),
            pl.BlockSpec((BS, d), lambda i: (i, 0)),
            pl.BlockSpec((BS, d), lambda i: (i, 0)),
        ],
        out_specs=[
            pl.BlockSpec((BS, d), lambda i: (i, 0)),
            pl.BlockSpec((BS, d), lambda i: (i, 0)),
            pl.BlockSpec((BS, d), lambda i: (i, 0)),
        ],
        out_shape=[
            jax.ShapeDtypeStruct((npad, d), jnp.float32),
            jax.ShapeDtypeStruct((npad, d), jnp.float32),
            jax.ShapeDtypeStruct((npad, d), jnp.float32),
        ],
    )


def kernel(h, edge_index):
    n, d = h.shape
    e = edge_index.shape[1]

    npad = ((n + NS * KA - 1) // (NS * KA)) * (NS * KA)
    echunk = NC * NS * KA * 2
    epad = ((e + echunk - 1) // echunk) * echunk
    cpt = epad // (NC * NS * KA)
    ept = epad // (NC * NS)

    row = edge_index[0]
    col = edge_index[1]
    if epad != e:
        row = jnp.concatenate(
            [row, jnp.full((epad - e,), npad - 1, jnp.int32)])
        col = jnp.concatenate([col, jnp.zeros((epad - e,), jnp.int32)])
    h_pad = jnp.pad(h, ((0, npad - n), (0, 0))) if npad != n else h

    deg_p = _sc_degree(npad, ept, K)(row)
    dinv, s, out = _tc_init(npad, d, THETA[0])(h_pad, deg_p, deg_p)

    sc_apply = _sc_apply(npad, d, cpt, KA)
    feat = h_pad
    for kk in range(1, len(THETA)):
        part = sc_apply(s, col, row)
        feat, out, s = _tc_combine(npad, d, THETA[kk])(
            feat, part, part, dinv, out)

    return out[:n]

# --- scband reference (transcript-rebuilt; emitter-appended) ---
"""Pipeline reference for scband-poly-conv-7138235646045 (READ-ONLY COPY).

The authoritative reference and input builder live on the scoring server;
editing this copy changes nothing except your own understanding.
"""

import jax, jax.numpy as jnp
import numpy as np

N = 10000
E = 320000
D = 128
THETA = [0.5, 0.3, 0.1, 0.05, 0.05]


def setup_inputs(seed: int = 0) -> dict:
    key = jax.random.key(seed)
    k1, k2 = jax.random.split(key)
    h = jax.random.normal(k1, (N, D), dtype=jnp.float32)
    edge_index = jax.random.randint(k2, (2, E), 0, N, dtype=jnp.int32)
    return {"h": h, "edge_index": edge_index}


def reference(h, edge_index):
    # Faithful translation of PolyConv.forward with lin=False.
    row = edge_index[0]
    col = edge_index[1]
    # get_laplacian(edge_index, normalization='sym'):
    # deg computed from unit edge weights scattered on row index
    ones = jnp.ones((E,), dtype=h.dtype)
    deg = jax.ops.segment_sum(ones, row, num_segments=N)
    deg_inv_sqrt = jnp.where(deg > 0, deg ** -0.5, 0.0)
    # off-diagonal Laplacian weights: -D^-1/2 A D^-1/2
    w = -deg_inv_sqrt[row] * deg_inv_sqrt[col]

    def unnLaplacian(feat):
        # sparse L @ feat = (I - D^-1/2 A D^-1/2) @ feat
        msg = feat[col] * w[:, None]
        agg = jax.ops.segment_sum(msg, row, num_segments=N)
        return agg + feat  # diagonal entries of L are 1

    feat = h
    out = THETA[0] * feat
    for k in range(1, len(THETA)):
        feat = unnLaplacian(feat)
        out = out + THETA[k] * feat
    return out

if __name__ == "__main__":
    import jax
    _d = setup_inputs()
    print(jax.jit(kernel)(*tuple(_d.values())))

</pallas_src>

<mosaic_0001>
#map = affine_map<(d0, d1) -> (0, 0)>
#map1 = affine_map<(d0, d1) -> (0)>
module attributes {stable_mosaic.version = 14 : i64} {
  func.func @apply_kernel(%arg0: i32, %arg1: i32, %arg2: memref<10240x128xf32, #tpu.memory_space<hbm>>, %arg3: memref<322560xi32, #tpu.memory_space<hbm>>, %arg4: memref<322560xi32, #tpu.memory_space<hbm>>, %arg5: memref<20480x128xf32, #tpu.memory_space<hbm>>, %arg6: memref<1x80xi32, #tpu.memory_space<vmem>>, %arg7: memref<1x80xi32, #tpu.memory_space<vmem>>, %arg8: memref<1x80xi32, #tpu.memory_space<vmem>>, %arg9: memref<1x80xi32, #tpu.memory_space<vmem>>, %arg10: memref<80x128xf32, #tpu.memory_space<vmem>>, %arg11: memref<80x128xf32, #tpu.memory_space<vmem>>, %arg12: memref<10240x128xf32, #tpu.memory_space<vmem_shared>>, %arg13: memref<!tpu.dma_semaphore, #tpu.memory_space<semaphore_mem>>, %arg14: memref<!tpu.dma_semaphore, #tpu.memory_space<semaphore_mem>>, %arg15: memref<!tpu.dma_semaphore, #tpu.memory_space<semaphore_mem>>, %arg16: memref<!tpu.dma_semaphore, #tpu.memory_space<semaphore_mem>>, %arg17: memref<!tpu.dma_semaphore, #tpu.memory_space<semaphore_mem>>, %arg18: memref<!tpu.dma_semaphore, #tpu.memory_space<semaphore_mem>>) attributes {dimension_semantics = [#tpu.dimension_semantics<core_parallel>, #tpu.dimension_semantics<subcore_parallel>], iteration_bounds = array<i64: 2, 16>, scalar_prefetch = 0 : i64, scratch_operands = 13 : i64, tpu.core_type = #tpu.core_type<sc_vector_subcore>, window_params = [{transform_indices = #map}, {transform_indices = #map1}, {transform_indices = #map1}, {transform_indices = #map}]} {
    %mul3A = arith.constant 16 : i32
    %mul3A_0 = arith.muli %arg0, %mul3A : i32
    %add3A = arith.addi %mul3A_0, %arg1 : i32
    %mul3A_1 = arith.constant 126 : i32
    %mul3A_2 = arith.muli %add3A, %mul3A_1 : i32
    %mul3A_3 = arith.constant 80 : i32
    %mul3A_4 = arith.muli %mul3A_2, %mul3A_3 : i32
    %add3A_5 = arith.constant 0 : i32
    %add3A_6 = arith.addi %mul3A_4, %add3A_5 : i32
    %dma_start3A = arith.constant 0 : i32
    %dma_start3A_7 = arith.constant 0 : i32
    %dma_start3A_8 = tpu.memref_slice %arg6[%dma_start3A, %dma_start3A_7] : memref<1x80xi32, #tpu.memory_space<vmem>> -> memref<1x80xi32, #tpu.memory_space<vmem>>
    %dma_start3A_9 = tpu.memref_squeeze %dma_start3A_8 : memref<1x80xi32, #tpu.memory_space<vmem>> -> memref<80xi32, #tpu.memory_space<vmem>>
    %dma_start3A_10 = tpu.memref_slice %arg3[%add3A_6] : memref<322560xi32, #tpu.memory_space<hbm>> -> memref<80xi32, #tpu.memory_space<hbm>>
    %dma_start3A_11 = arith.constant 0 : i32
    %dma_start3A_12 = tpu.memref_slice %arg6[%dma_start3A, %dma_start3A_11] : memref<1x80xi32, #tpu.memory_space<vmem>> -> memref<1x80xi32, #tpu.memory_space<vmem>>
    %dma_start3A_13 = tpu.memref_squeeze %dma_start3A_12 : memref<1x80xi32, #tpu.memory_space<vmem>> -> memref<80xi32, #tpu.memory_space<vmem>>
    %dma_start3A_14 = tpu.memref_slice %arg3[%add3A_6] : memref<322560xi32, #tpu.memory_space<hbm>> -> memref<80xi32, #tpu.memory_space<hbm>>
    tpu.enqueue_dma source(%dma_start3A_14 : memref<80xi32, #tpu.memory_space<hbm>>) target(%dma_start3A_13 : memref<80xi32, #tpu.memory_space<vmem>>) target_semaphore(%arg13 : memref<!tpu.dma_semaphore, #tpu.memory_space<semaphore_mem>>)
    %add3A_15 = arith.constant 0 : i32
    %add3A_16 = arith.addi %mul3A_4, %add3A_15 : i32
    %dma_start3A_17 = arith.constant 0 : i32
    %dma_start3A_18 = arith.constant 0 : i32
    %dma_start3A_19 = tpu.memref_slice %arg7[%dma_start3A_17, %dma_start3A_18] : memref<1x80xi32, #tpu.memory_space<vmem>> -> memref<1x80xi32, #tpu.memory_space<vmem>>
    %dma_start3A_20 = tpu.memref_squeeze %dma_start3A_19 : memref<1x80xi32, #tpu.memory_space<vmem>> -> memref<80xi32, #tpu.memory_space<vmem>>
    %dma_start3A_21 = tpu.memref_slice %arg4[%add3A_16] : memref<322560xi32, #tpu.memory_space<hbm>> -> memref<80xi32, #tpu.memory_space<hbm>>
    %dma_start3A_22 = arith.constant 0 : i32
    %dma_start3A_23 = tpu.memref_slice %arg7[%dma_start3A_17, %dma_start3A_22] : memref<1x80xi32, #tpu.memory_space<vmem>> -> memref<1x80xi32, #tpu.memory_space<vmem>>
    %dma_start3A_24 = tpu.memref_squeeze %dma_start3A_23 : memref<1x80xi32, #tpu.memory_space<vmem>> -> memref<80xi32, #tpu.memory_space<vmem>>
    %dma_start3A_25 = tpu.memref_slice %arg4[%add3A_16] : memref<322560xi32, #tpu.memory_space<hbm>> -> memref<80xi32, #tpu.memory_space<hbm>>
    tpu.enqueue_dma source(%dma_start3A_25 : memref<80xi32, #tpu.memory_space<hbm>>) target(%dma_start3A_24 : memref<80xi32, #tpu.memory_space<vmem>>) target_semaphore(%arg13 : memref<!tpu.dma_semaphore, #tpu.memory_space<semaphore_mem>>)
    %add3A_26 = arith.constant 80 : i32
    %add3A_27 = arith.addi %mul3A_4, %add3A_26 : i32
    %dma_start3A_28 = arith.constant 0 : i32
    %dma_start3A_29 = arith.constant 0 : i32
    %dma_start3A_30 = tpu.memref_slice %arg8[%dma_start3A_28, %dma_start3A_29] : memref<1x80xi32, #tpu.memory_space<vmem>> -> memref<1x80xi32, #tpu.memory_space<vmem>>
    %dma_start3A_31 = tpu.memref_squeeze %dma_start3A_30 : memref<1x80xi32, #tpu.memory_space<vmem>> -> memref<80xi32, #tpu.memory_space<vmem>>
    %dma_start3A_32 = tpu.memref_slice %arg3[%add3A_27] : memref<322560xi32, #tpu.memory_space<hbm>> -> memref<80xi32, #tpu.memory_space<hbm>>
    %dma_start3A_33 = arith.constant 0 : i32
    %dma_start3A_34 = tpu.memref_slice %arg8[%dma_start3A_28, %dma_start3A_33] : memref<1x80xi32, #tpu.memory_space<vmem>> -> memref<1x80xi32, #tpu.memory_space<vmem>>
    %dma_start3A_35 = tpu.memref_squeeze %dma_start3A_34 : memref<1x80xi32, #tpu.memory_space<vmem>> -> memref<80xi32, #tpu.memory_space<vmem>>
    %dma_start3A_36 = tpu.memref_slice %arg3[%add3A_27] : memref<322560xi32, #tpu.memory_space<hbm>> -> memref<80xi32, #tpu.memory_space<hbm>>
    tpu.enqueue_dma source(%dma_start3A_36 : memref<80xi32, #tpu.memory_space<hbm>>) target(%dma_start3A_35 : memref<80xi32, #tpu.memory_space<vmem>>) target_semaphore(%arg14 : memref<!tpu.dma_semaphore, #tpu.memory_space<semaphore_mem>>)
    %add3A_37 = arith.constant 80 : i32
    %add3A_38 = arith.addi %mul3A_4, %add3A_37 : i32
    %dma_start3A_39 = arith.constant 0 : i32
    %dma_start3A_40 = arith.constant 0 : i32
    %dma_start3A_41 = tpu.memref_slice %arg9[%dma_start3A_39, %dma_start3A_40] : memref<1x80xi32, #tpu.memory_space<vmem>> -> memref<1x80xi32, #tpu.memory_space<vmem>>
    %dma_start3A_42 = tpu.memref_squeeze %dma_start3A_41 : memref<1x80xi32, #tpu.memory_space<vmem>> -> memref<80xi32, #tpu.memory_space<vmem>>
    %dma_start3A_43 = tpu.memref_slice %arg4[%add3A_38] : memref<322560xi32, #tpu.memory_space<hbm>> -> memref<80xi32, #tpu.memory_space<hbm>>
    %dma_start3A_44 = arith.constant 0 : i32
    %dma_start3A_45 = tpu.memref_slice %arg9[%dma_start3A_39, %dma_start3A_44] : memref<1x80xi32, #tpu.memory_space<vmem>> -> memref<1x80xi32, #tpu.memory_space<vmem>>
    %dma_start3A_46 = tpu.memref_squeeze %dma_start3A_45 : memref<1x80xi32, #tpu.memory_space<vmem>> -> memref<80xi32, #tpu.memory_space<vmem>>
    %dma_start3A_47 = tpu.memref_slice %arg4[%add3A_38] : memref<322560xi32, #tpu.memory_space<hbm>> -> memref<80xi32, #tpu.memory_space<hbm>>
    tpu.enqueue_dma source(%dma_start3A_47 : memref<80xi32, #tpu.memory_space<hbm>>) target(%dma_start3A_46 : memref<80xi32, #tpu.memory_space<vmem>>) target_semaphore(%arg14 : memref<!tpu.dma_semaphore, #tpu.memory_space<semaphore_mem>>)
    %scan3A = arith.constant 0 : i32
    %scan3A_48 = arith.constant 80 : i32
    %scan3A_49 = arith.addi %scan3A, %scan3A_48 : i32
    %scan3A_50 = arith.constant 1 : i32
    scf.for %scan3A_96 = %scan3A to %scan3A_49 step %scan3A_50  : i32 {
      %mul3A_97 = arith.constant 1 : i32
      %mul3A_98 = arith.muli %scan3A_96, %mul3A_97 : i32
      %add3A_99 = arith.constant 0 : i32
      %add3A_100 = arith.addi %add3A_99, %mul3A_98 : i32
      %scan3A_101 = arith.constant 0 : i32
      %scan3A_102 = arith.constant 8 : i32
      %scan3A_103 = arith.addi %scan3A_101, %scan3A_102 : i32
      %scan3A_104 = arith.constant 1 : i32
      scf.for %scan3A_106 = %scan3A_101 to %scan3A_103 step %scan3A_104  : i32 {
        %mul3A_107 = arith.constant 16 : i32
        %mul3A_108 = arith.muli %scan3A_106, %mul3A_107 : i32
        %add3A_109 = arith.constant 0 : i32
        %add3A_110 = arith.addi %add3A_109, %mul3A_108 : i32
        %broadcast_in_dim3A = arith.constant 0.000000e+00 : f32
        %broadcast_in_dim3A_111 = vector.broadcast %broadcast_in_dim3A : f32 to vector<16xf32>
        %swap3A = arith.index_cast %add3A_100 : i32 to index
        %swap3A_112 = arith.index_cast %add3A_110 : i32 to index
        %swap3A_113 = tpu.vector_load %arg10[%swap3A, %swap3A_112] {strides = array<i32>} : memref<80x128xf32, #tpu.memory_space<vmem>>, vector<16xf32>,
        tpu.vector_store %arg10[%swap3A, %swap3A_112], %broadcast_in_dim3A_111 {strides = array<i32>} : memref<80x128xf32, #tpu.memory_space<vmem>>, vector<16xf32>,
      }
      %scan3A_105 = arith.constant 8 : i32
    }
    %scan3A_51 = arith.constant 80 : i32
    %mul3A_52 = arith.constant 640 : i32
    %mul3A_53 = arith.muli %arg1, %mul3A_52 : i32
    %scan3A_54 = arith.constant 0 : i32
    %scan3A_55 = arith.constant 8 : i32
    %scan3A_56 = arith.addi %scan3A_54, %scan3A_55 : i32
    %scan3A_57 = arith.constant 1 : i32
    scf.for %scan3A_96 = %scan3A_54 to %scan3A_56 step %scan3A_57  : i32 {
      %mul3A_97 = arith.constant 80 : i32
      %mul3A_98 = arith.muli %scan3A_96, %mul3A_97 : i32
      %add3A_99 = arith.constant 0 : i32
      %add3A_100 = arith.addi %add3A_99, %mul3A_98 : i32
      %add3A_101 = arith.addi %mul3A_53, %add3A_100 : i32
      "tpu.region"() ({
        %run_scoped3A = tpu.sem_alloc : memref<!tpu.dma_semaphore, #tpu.memory_space<semaphore_mem>>
        %dma_start3A_102 = arith.constant 0 : i32
        %dma_start3A_103 = tpu.memref_slice %arg12[%add3A_101, %dma_start3A_102] : memref<10240x128xf32, #tpu.memory_space<vmem_shared>> -> memref<80x128xf32, #tpu.memory_space<vmem_shared>>
        %dma_start3A_104 = arith.constant 0 : i32
        %dma_start3A_105 = tpu.memref_slice %arg12[%add3A_101, %dma_start3A_104] : memref<10240x128xf32, #tpu.memory_space<vmem_shared>> -> memref<80x128xf32, #tpu.memory_space<vmem_shared>>
        tpu.enqueue_dma source(%arg10 : memref<80x128xf32, #tpu.memory_space<vmem>>) target(%dma_start3A_105 : memref<80x128xf32, #tpu.memory_space<vmem_shared>>) target_semaphore(%run_scoped3A : memref<!tpu.dma_semaphore, #tpu.memory_space<semaphore_mem>>)
        %dma_wait3A_106 = arith.constant 0 : i32
        %dma_wait3A_107 = tpu.memref_slice %arg12[%add3A_101, %dma_wait3A_106] : memref<10240x128xf32, #tpu.memory_space<vmem_shared>> -> memref<80x128xf32, #tpu.memory_space<vmem_shared>>
        %dma_wait3A_108 = arith.constant 0 : i32
        %dma_wait3A_109 = tpu.memref_slice %arg12[%add3A_101, %dma_wait3A_108] : memref<10240x128xf32, #tpu.memory_space<vmem_shared>> -> memref<80x128xf32, #tpu.memory_space<vmem_shared>>
        tpu.wait_dma2 semaphore(%run_scoped3A : memref<!tpu.dma_semaphore, #tpu.memory_space<semaphore_mem>>) src(%arg10 : memref<80x128xf32, #tpu.memory_space<vmem>>) dst(%dma_wait3A_109 : memref<80x128xf32, #tpu.memory_space<vmem_shared>>)
        tpu.yield
      }) : () -> ()
    }
    %scan3A_58 = arith.constant 8 : i32
    %barrier3A = arith.constant 0 : index
    tpu.barrier barrier_id(%barrier3A)
    %dma_wait3A = arith.constant 0 : i32
    %dma_wait3A_59 = arith.constant 0 : i32
    %dma_wait3A_60 = tpu.memref_slice %arg6[%dma_wait3A, %dma_wait3A_59] : memref<1x80xi32, #tpu.memory_space<vmem>> -> memref<1x80xi32, #tpu.memory_space<vmem>>
    %dma_wait3A_61 = tpu.memref_squeeze %dma_wait3A_60 : memref<1x80xi32, #tpu.memory_space<vmem>> -> memref<80xi32, #tpu.memory_space<vmem>>
    %dma_wait3A_62 = arith.constant 0 : i32
    %dma_wait3A_63 = tpu.memref_slice %arg3[%dma_wait3A_62] : memref<322560xi32, #tpu.memory_space<hbm>> -> memref<80xi32, #tpu.memory_space<hbm>>
    %dma_wait3A_64 = arith.constant 0 : i32
    %dma_wait3A_65 = tpu.memref_slice %arg6[%dma_wait3A, %dma_wait3A_64] : memref<1x80xi32, #tpu.memory_space<vmem>> -> memref<1x80xi32, #tpu.memory_space<vmem>>
    %dma_wait3A_66 = tpu.memref_squeeze %dma_wait3A_65 : memref<1x80xi32, #tpu.memory_space<vmem>> -> memref<80xi32, #tpu.memory_space<vmem>>
    %dma_wait3A_67 = arith.constant 0 : i32
    %dma_wait3A_68 = tpu.memref_slice %arg3[%dma_wait3A_67] : memref<322560xi32, #tpu.memory_space<hbm>> -> memref<80xi32, #tpu.memory_space<hbm>>
    tpu.wait_dma2 semaphore(%arg13 : memref<!tpu.dma_semaphore, #tpu.memory_space<semaphore_mem>>) src(%dma_wait3A_68 : memref<80xi32, #tpu.memory_space<hbm>>) dst(%dma_wait3A_66 : memref<80xi32, #tpu.memory_space<vmem>>)
    %dma_wait3A_69 = arith.constant 0 : i32
    %dma_wait3A_70 = arith.constant 0 : i32
    %dma_wait3A_71 = tpu.memref_slice %arg7[%dma_wait3A_69, %dma_wait3A_70] : memref<1x80xi32, #tpu.memory_space<vmem>> -> memref<1x80xi32, #tpu.memory_space<vmem>>
    %dma_wait3A_72 = tpu.memref_squeeze %dma_wait3A_71 : memref<1x80xi32, #tpu.memory_space<vmem>> -> memref<80xi32, #tpu.memory_space<vmem>>
    %dma_wait3A_73 = arith.constant 0 : i32
    %dma_wait3A_74 = tpu.memref_slice %arg4[%dma_wait3A_73] : memref<322560xi32, #tpu.memory_space<hbm>> -> memref<80xi32, #tpu.memory_space<hbm>>
    %dma_wait3A_75 = arith.constant 0 : i32
    %dma_wait3A_76 = tpu.memref_slice %arg7[%dma_wait3A_69, %dma_wait3A_75] : memref<1x80xi32, #tpu.memory_space<vmem>> -> memref<1x80xi32, #tpu.memory_space<vmem>>
    %dma_wait3A_77 = tpu.memref_squeeze %dma_wait3A_76 : memref<1x80xi32, #tpu.memory_space<vmem>> -> memref<80xi32, #tpu.memory_space<vmem>>
    %dma_wait3A_78 = arith.constant 0 : i32
    %dma_wait3A_79 = tpu.memref_slice %arg4[%dma_wait3A_78] : memref<322560xi32, #tpu.memory_space<hbm>> -> memref<80xi32, #tpu.memory_space<hbm>>
    tpu.wait_dma2 semaphore(%arg13 : memref<!tpu.dma_semaphore, #tpu.memory_space<semaphore_mem>>) src(%dma_wait3A_79 : memref<80xi32, #tpu.memory_space<hbm>>) dst(%dma_wait3A_77 : memref<80xi32, #tpu.memory_space<vmem>>)
    %dma_start3A_80 = arith.constant 0 : i32
    %dma_start3A_81 = arith.constant 0 : i32
    %dma_start3A_82 = tpu.memref_slice %arg6[%dma_start3A_80, %dma_start3A_81] : memref<1x80xi32, #tpu.memory_space<vmem>> -> memref<1x80xi32, #tpu.memory_space<vmem>>
    %dma_start3A_83 = tpu.memref_squeeze %dma_start3A_82 : memref<1x80xi32, #tpu.memory_space<vmem>> -> memref<80xi32, #tpu.memory_space<vmem>>
    %dma_start3A_84 = arith.constant 0 : i32
    %dma_start3A_85 = arith.constant 0 : i32
    %dma_start3A_86 = tpu.memref_slice %arg2[%dma_start3A_84, %dma_start3A_85] : memref<10240x128xf32, #tpu.memory_space<hbm>> -> memref<10240x128xf32, #tpu.memory_space<hbm>>
    tpu.enqueue_indirect_dma source(%dma_start3A_86 : memref<10240x128xf32, #tpu.memory_space<hbm>>) target(%arg10 : memref<80x128xf32, #tpu.memory_space<vmem>>) offsets(%dma_start3A_83 : memref<80xi32, #tpu.memory_space<vmem>>) semaphore(%arg15 : memref<!tpu.dma_semaphore, #tpu.memory_space<semaphore_mem>>)
    %scan3A_87 = arith.constant 0 : i32
    %scan3A_88 = arith.constant 63 : i32
    %scan3A_89 = arith.addi %scan3A_87, %scan3A_88 : i32
    %scan3A_90 = arith.constant 1 : i32
    scf.for %scan3A_96 = %scan3A_87 to %scan3A_89 step %scan3A_90  : i32 {
      %mul3A_97 = arith.constant 2 : i32
      %mul3A_98 = arith.muli %scan3A_96, %mul3A_97 : i32
      %add3A_99 = arith.constant 0 : i32
      %add3A_100 = arith.addi %add3A_99, %mul3A_98 : i32
      %dma_wait3A_101 = arith.constant 0 : i32
      %dma_wait3A_102 = arith.constant 0 : i32
      %dma_wait3A_103 = tpu.memref_slice %arg2[%dma_wait3A_101, %dma_wait3A_102] : memref<10240x128xf32, #tpu.memory_space<hbm>> -> memref<80x128xf32, #tpu.memory_space<hbm>>
      %dma_wait3A_104 = arith.constant 0 : i32
      %dma_wait3A_105 = arith.constant 0 : i32
      %dma_wait3A_106 = tpu.memref_slice %arg2[%dma_wait3A_104, %dma_wait3A_105] : memref<10240x128xf32, #tpu.memory_space<hbm>> -> memref<80x128xf32, #tpu.memory_space<hbm>>
      tpu.wait_dma2 semaphore(%arg15 : memref<!tpu.dma_semaphore, #tpu.memory_space<semaphore_mem>>) src(%dma_wait3A_106 : memref<80x128xf32, #tpu.memory_space<hbm>>) dst(%arg10 : memref<80x128xf32, #tpu.memory_space<vmem>>)
      %dma_start3A_107 = arith.constant 0 : i32
      %dma_start3A_108 = arith.constant 0 : i32
      %dma_start3A_109 = tpu.memref_slice %arg7[%dma_start3A_107, %dma_start3A_108] : memref<1x80xi32, #tpu.memory_space<vmem>> -> memref<1x80xi32, #tpu.memory_space<vmem>>
      %dma_start3A_110 = tpu.memref_squeeze %dma_start3A_109 : memref<1x80xi32, #tpu.memory_space<vmem>> -> memref<80xi32, #tpu.memory_space<vmem>>
      %dma_start3A_111 = arith.constant 0 : i32
      %dma_start3A_112 = arith.constant 0 : i32
      %dma_start3A_113 = tpu.memref_slice %arg12[%dma_start3A_111, %dma_start3A_112] : memref<10240x128xf32, #tpu.memory_space<vmem_shared>> -> memref<10240x128xf32, #tpu.memory_space<vmem_shared>>
      tpu.enqueue_indirect_dma source(%arg10 : memref<80x128xf32, #tpu.memory_space<vmem>>) target(%dma_start3A_113 : memref<10240x128xf32, #tpu.memory_space<vmem_shared>>) offsets(%dma_start3A_110 : memref<80xi32, #tpu.memory_space<vmem>>) semaphore(%arg17 : memref<!tpu.dma_semaphore, #tpu.memory_space<semaphore_mem>>) {add = true}
      %dma_wait3A_114 = arith.constant 0 : i32
      %dma_wait3A_115 = arith.constant 0 : i32
      %dma_wait3A_116 = tpu.memref_slice %arg8[%dma_wait3A_114, %dma_wait3A_115] : memref<1x80xi32, #tpu.memory_space<vmem>> -> memref<1x80xi32, #tpu.memory_space<vmem>>
      %dma_wait3A_117 = tpu.memref_squeeze %dma_wait3A_116 : memref<1x80xi32, #tpu.memory_space<vmem>> -> memref<80xi32, #tpu.memory_space<vmem>>
      %dma_wait3A_118 = arith.constant 0 : i32
      %dma_wait3A_119 = tpu.memref_slice %arg3[%dma_wait3A_118] : memref<322560xi32, #tpu.memory_space<hbm>> -> memref<80xi32, #tpu.memory_space<hbm>>
      %dma_wait3A_120 = arith.constant 0 : i32
      %dma_wait3A_121 = tpu.memref_slice %arg8[%dma_wait3A_114, %dma_wait3A_120] : memref<1x80xi32, #tpu.memory_space<vmem>> -> memref<1x80xi32, #tpu.memory_space<vmem>>
      %dma_wait3A_122 = tpu.memref_squeeze %dma_wait3A_121 : memref<1x80xi32, #tpu.memory_space<vmem>> -> memref<80xi32, #tpu.memory_space<vmem>>
      %dma_wait3A_123 = arith.constant 0 : i32
      %dma_wait3A_124 = tpu.memref_slice %arg3[%dma_wait3A_123] : memref<322560xi32, #tpu.memory_space<hbm>> -> memref<80xi32, #tpu.memory_space<hbm>>
      tpu.wait_dma2 semaphore(%arg14 : memref<!tpu.dma_semaphore, #tpu.memory_space<semaphore_mem>>) src(%dma_wait3A_124 : memref<80xi32, #tpu.memory_space<hbm>>) dst(%dma_wait3A_122 : memref<80xi32, #tpu.memory_space<vmem>>)
      %dma_wait3A_125 = arith.constant 0 : i32
      %dma_wait3A_126 = arith.constant 0 : i32
      %dma_wait3A_127 = tpu.memref_slice %arg9[%dma_wait3A_125, %dma_wait3A_126] : memref<1x80xi32, #tpu.memory_space<vmem>> -> memref<1x80xi32, #tpu.memory_space<vmem>>
      %dma_wait3A_128 = tpu.memref_squeeze %dma_wait3A_127 : memref<1x80xi32, #tpu.memory_space<vmem>> -> memref<80xi32, #tpu.memory_space<vmem>>
      %dma_wait3A_129 = arith.constant 0 : i32
      %dma_wait3A_130 = tpu.memref_slice %arg4[%dma_wait3A_129] : memref<322560xi32, #tpu.memory_space<hbm>> -> memref<80xi32, #tpu.memory_space<hbm>>
      %dma_wait3A_131 = arith.constant 0 : i32
      %dma_wait3A_132 = tpu.memref_slice %arg9[%dma_wait3A_125, %dma_wait3A_131] : memref<1x80xi32, #tpu.memory_space<vmem>> -> memref<1x80xi32, #tpu.memory_space<vmem>>
      %dma_wait3A_133 = tpu.memref_squeeze %dma_wait3A_132 : memref<1x80xi32, #tpu.memory_space<vmem>> -> memref<80xi32, #tpu.memory_space<vmem>>
      %dma_wait3A_134 = arith.constant 0 : i32
      %dma_wait3A_135 = tpu.memref_slice %arg4[%dma_wait3A_134] : memref<322560xi32, #tpu.memory_space<hbm>> -> memref<80xi32, #tpu.memory_space<hbm>>
      tpu.wait_dma2 semaphore(%arg14 : memref<!tpu.dma_semaphore, #tpu.memory_space<semaphore_mem>>) src(%dma_wait3A_135 : memref<80xi32, #tpu.memory_space<hbm>>) dst(%dma_wait3A_133 : memref<80xi32, #tpu.memory_space<vmem>>)
      %dma_start3A_136 = arith.constant 0 : i32
      %dma_start3A_137 = arith.constant 0 : i32
      %dma_start3A_138 = tpu.memref_slice %arg8[%dma_start3A_136, %dma_start3A_137] : memref<1x80xi32, #tpu.memory_space<vmem>> -> memref<1x80xi32, #tpu.memory_space<vmem>>
      %dma_start3A_139 = tpu.memref_squeeze %dma_start3A_138 : memref<1x80xi32, #tpu.memory_space<vmem>> -> memref<80xi32, #tpu.memory_space<vmem>>
      %dma_start3A_140 = arith.constant 0 : i32
      %dma_start3A_141 = arith.constant 0 : i32
      %dma_start3A_142 = tpu.memref_slice %arg2[%dma_start3A_140, %dma_start3A_141] : memref<10240x128xf32, #tpu.memory_space<hbm>> -> memref<10240x128xf32, #tpu.memory_space<hbm>>
      tpu.enqueue_indirect_dma source(%dma_start3A_142 : memref<10240x128xf32, #tpu.memory_space<hbm>>) target(%arg11 : memref<80x128xf32, #tpu.memory_space<vmem>>) offsets(%dma_start3A_139 : memref<80xi32, #tpu.memory_space<vmem>>) semaphore(%arg16 : memref<!tpu.dma_semaphore, #tpu.memory_space<semaphore_mem>>)
      %dma_wait3A_143 = arith.constant 0 : i32
      %dma_wait3A_144 = arith.constant 0 : i32
      %dma_wait3A_145 = tpu.memref_slice %arg12[%dma_wait3A_143, %dma_wait3A_144] : memref<10240x128xf32, #tpu.memory_space<vmem_shared>> -> memref<80x128xf32, #tpu.memory_space<vmem_shared>>
      %dma_wait3A_146 = arith.constant 0 : i32
      %dma_wait3A_147 = arith.constant 0 : i32
      %dma_wait3A_148 = tpu.memref_slice %arg12[%dma_wait3A_146, %dma_wait3A_147] : memref<10240x128xf32, #tpu.memory_space<vmem_shared>> -> memref<80x128xf32, #tpu.memory_space<vmem_shared>>
      tpu.wait_dma2 semaphore(%arg17 : memref<!tpu.dma_semaphore, #tpu.memory_space<semaphore_mem>>) src(%arg10 : memref<80x128xf32, #tpu.memory_space<vmem>>) dst(%dma_wait3A_148 : memref<80x128xf32, #tpu.memory_space<vmem_shared>>)
      %add3A_149 = arith.constant 2 : i32
      %add3A_150 = arith.addi %add3A_100, %add3A_149 : i32
      %lt3A = arith.constant 126 : i32
      %lt3A_151 = arith.cmpi slt, %add3A_150, %lt3A : i32
      %convert_element_type3A = arith.extui %lt3A_151 : i1 to i32
      %cond3A = arith.constant 0 : i32
      %cond3A_152 = arith.cmpi ne, %convert_element_type3A, %cond3A : i32
      scf.if %cond3A_152 {
        %add3A_186 = arith.constant 2 : i32
        %add3A_187 = arith.addi %add3A_100, %add3A_186 : i32
        %mul3A_188 = arith.constant 80 : i32
        %mul3A_189 = arith.muli %add3A_187, %mul3A_188 : i32
        %add3A_190 = arith.addi %mul3A_4, %mul3A_189 : i32
        %dma_start3A_191 = arith.constant 0 : i32
        %dma_start3A_192 = arith.constant 0 : i32
        %dma_start3A_193 = tpu.memref_slice %arg6[%dma_start3A_191, %dma_start3A_192] : memref<1x80xi32, #tpu.memory_space<vmem>> -> memref<1x80xi32, #tpu.memory_space<vmem>>
        %dma_start3A_194 = tpu.memref_squeeze %dma_start3A_193 : memref<1x80xi32, #tpu.memory_space<vmem>> -> memref<80xi32, #tpu.memory_space<vmem>>
        %dma_start3A_195 = tpu.memref_slice %arg3[%add3A_190] : memref<322560xi32, #tpu.memory_space<hbm>> -> memref<80xi32, #tpu.memory_space<hbm>>
        %dma_start3A_196 = arith.constant 0 : i32
        %dma_start3A_197 = tpu.memref_slice %arg6[%dma_start3A_191, %dma_start3A_196] : memref<1x80xi32, #tpu.memory_space<vmem>> -> memref<1x80xi32, #tpu.memory_space<vmem>>
        %dma_start3A_198 = tpu.memref_squeeze %dma_start3A_197 : memref<1x80xi32, #tpu.memory_space<vmem>> -> memref<80xi32, #tpu.memory_space<vmem>>
        %dma_start3A_199 = tpu.memref_slice %arg3[%add3A_190] : memref<322560xi32, #tpu.memory_space<hbm>> -> memref<80xi32, #tpu.memory_space<hbm>>
        tpu.enqueue_dma source(%dma_start3A_199 : memref<80xi32, #tpu.memory_space<hbm>>) target(%dma_start3A_198 : memref<80xi32, #tpu.memory_space<vmem>>) target_semaphore(%arg13 : memref<!tpu.dma_semaphore, #tpu.memory_space<semaphore_mem>>)
        %mul3A_200 = arith.constant 80 : i32
        %mul3A_201 = arith.muli %add3A_187, %mul3A_200 : i32
        %add3A_202 = arith.addi %mul3A_4, %mul3A_201 : i32
        %dma_start3A_203 = arith.constant 0 : i32
        %dma_start3A_204 = arith.constant 0 : i32
        %dma_start3A_205 = tpu.memref_slice %arg7[%dma_start3A_203, %dma_start3A_204] : memref<1x80xi32, #tpu.memory_space<vmem>> -> memref<1x80xi32, #tpu.memory_space<vmem>>
        %dma_start3A_206 = tpu.memref_squeeze %dma_start3A_205 : memref<1x80xi32, #tpu.memory_space<vmem>> -> memref<80xi32, #tpu.memory_space<vmem>>
        %dma_start3A_207 = tpu.memref_slice %arg4[%add3A_202] : memref<322560xi32, #tpu.memory_space<hbm>> -> memref<80xi32, #tpu.memory_space<hbm>>
        %dma_start3A_208 = arith.constant 0 : i32
        %dma_start3A_209 = tpu.memref_slice %arg7[%dma_start3A_203, %dma_start3A_208] : memref<1x80xi32, #tpu.memory_space<vmem>> -> memref<1x80xi32, #tpu.memory_space<vmem>>
        %dma_start3A_210 = tpu.memref_squeeze %dma_start3A_209 : memref<1x80xi32, #tpu.memory_space<vmem>> -> memref<80xi32, #tpu.memory_space<vmem>>
        %dma_start3A_211 = tpu.memref_slice %arg4[%add3A_202] : memref<322560xi32, #tpu.memory_space<hbm>> -> memref<80xi32, #tpu.memory_space<hbm>>
        tpu.enqueue_dma source(%dma_start3A_211 : memref<80xi32, #tpu.memory_space<hbm>>) target(%dma_start3A_210 : memref<80xi32, #tpu.memory_space<vmem>>) target_semaphore(%arg13 : memref<!tpu.dma_semaphore, #tpu.memory_space<semaphore_mem>>)
      } else {
      }
      %dma_wait3A_153 = arith.constant 0 : i32
      %dma_wait3A_154 = arith.constant 0 : i32
      %dma_wait3A_155 = tpu.memref_slice %arg2[%dma_wait3A_153, %dma_wait3A_154] : memref<10240x128xf32, #tpu.memory_space<hbm>> -> memref<80x128xf32, #tpu.memory_space<hbm>>
      %dma_wait3A_156 = arith.constant 0 : i32
      %dma_wait3A_157 = arith.constant 0 : i32
      %dma_wait3A_158 = tpu.memref_slice %arg2[%dma_wait3A_156, %dma_wait3A_157] : memref<10240x128xf32, #tpu.memory_space<hbm>> -> memref<80x128xf32, #tpu.memory_space<hbm>>
      tpu.wait_dma2 semaphore(%arg16 : memref<!tpu.dma_semaphore, #tpu.memory_space<semaphore_mem>>) src(%dma_wait3A_158 : memref<80x128xf32, #tpu.memory_space<hbm>>) dst(%arg11 : memref<80x128xf32, #tpu.memory_space<vmem>>)
      %dma_start3A_159 = arith.constant 0 : i32
      %dma_start3A_160 = arith.constant 0 : i32
      %dma_start3A_161 = tpu.memref_slice %arg9[%dma_start3A_159, %dma_start3A_160] : memref<1x80xi32, #tpu.memory_space<vmem>> -> memref<1x80xi32, #tpu.memory_space<vmem>>
      %dma_start3A_162 = tpu.memref_squeeze %dma_start3A_161 : memref<1x80xi32, #tpu.memory_space<vmem>> -> memref<80xi32, #tpu.memory_space<vmem>>
      %dma_start3A_163 = arith.constant 0 : i32
      %dma_start3A_164 = arith.constant 0 : i32
      %dma_start3A_165 = tpu.memref_slice %arg12[%dma_start3A_163, %dma_start3A_164] : memref<10240x128xf32, #tpu.memory_space<vmem_shared>> -> memref<10240x128xf32, #tpu.memory_space<vmem_shared>>
      tpu.enqueue_indirect_dma source(%arg11 : memref<80x128xf32, #tpu.memory_space<vmem>>) target(%dma_start3A_165 : memref<10240x128xf32, #tpu.memory_space<vmem_shared>>) offsets(%dma_start3A_162 : memref<80xi32, #tpu.memory_space<vmem>>) semaphore(%arg18 : memref<!tpu.dma_semaphore, #tpu.memory_space<semaphore_mem>>) {add = true}
      %add3A_166 = arith.constant 2 : i32
      %add3A_167 = arith.addi %add3A_100, %add3A_166 : i32
      %lt3A_168 = arith.constant 126 : i32
      %lt3A_169 = arith.cmpi slt, %add3A_167, %lt3A_168 : i32
      %convert_element_type3A_170 = arith.extui %lt3A_169 : i1 to i32
      %cond3A_171 = arith.constant 0 : i32
      %cond3A_172 = arith.cmpi ne, %convert_element_type3A_170, %cond3A_171 : i32
      scf.if %cond3A_172 {
        %dma_wait3A_186 = arith.constant 0 : i32
        %dma_wait3A_187 = arith.constant 0 : i32
        %dma_wait3A_188 = tpu.memref_slice %arg6[%dma_wait3A_186, %dma_wait3A_187] : memref<1x80xi32, #tpu.memory_space<vmem>> -> memref<1x80xi32, #tpu.memory_space<vmem>>
        %dma_wait3A_189 = tpu.memref_squeeze %dma_wait3A_188 : memref<1x80xi32, #tpu.memory_space<vmem>> -> memref<80xi32, #tpu.memory_space<vmem>>
        %dma_wait3A_190 = arith.constant 0 : i32
        %dma_wait3A_191 = tpu.memref_slice %arg3[%dma_wait3A_190] : memref<322560xi32, #tpu.memory_space<hbm>> -> memref<80xi32, #tpu.memory_space<hbm>>
        %dma_wait3A_192 = arith.constant 0 : i32
        %dma_wait3A_193 = tpu.memref_slice %arg6[%dma_wait3A_186, %dma_wait3A_192] : memref<1x80xi32, #tpu.memory_space<vmem>> -> memref<1x80xi32, #tpu.memory_space<vmem>>
        %dma_wait3A_194 = tpu.memref_squeeze %dma_wait3A_193 : memref<1x80xi32, #tpu.memory_space<vmem>> -> memref<80xi32, #tpu.memory_space<vmem>>
        %dma_wait3A_195 = arith.constant 0 : i32
        %dma_wait3A_196 = tpu.memref_slice %arg3[%dma_wait3A_195] : memref<322560xi32, #tpu.memory_space<hbm>> -> memref<80xi32, #tpu.memory_space<hbm>>
        tpu.wait_dma2 semaphore(%arg13 : memref<!tpu.dma_semaphore, #tpu.memory_space<semaphore_mem>>) src(%dma_wait3A_196 : memref<80xi32, #tpu.memory_space<hbm>>) dst(%dma_wait3A_194 : memref<80xi32, #tpu.memory_space<vmem>>)
        %dma_wait3A_197 = arith.constant 0 : i32
        %dma_wait3A_198 = arith.constant 0 : i32
        %dma_wait3A_199 = tpu.memref_slice %arg7[%dma_wait3A_197, %dma_wait3A_198] : memref<1x80xi32, #tpu.memory_space<vmem>> -> memref<1x80xi32, #tpu.memory_space<vmem>>
        %dma_wait3A_200 = tpu.memref_squeeze %dma_wait3A_199 : memref<1x80xi32, #tpu.memory_space<vmem>> -> memref<80xi32, #tpu.memory_space<vmem>>
        %dma_wait3A_201 = arith.constant 0 : i32
        %dma_wait3A_202 = tpu.memref_slice %arg4[%dma_wait3A_201] : memref<322560xi32, #tpu.memory_space<hbm>> -> memref<80xi32, #tpu.memory_space<hbm>>
        %dma_wait3A_203 = arith.constant 0 : i32
        %dma_wait3A_204 = tpu.memref_slice %arg7[%dma_wait3A_197, %dma_wait3A_203] : memref<1x80xi32, #tpu.memory_space<vmem>> -> memref<1x80xi32, #tpu.memory_space<vmem>>
        %dma_wait3A_205 = tpu.memref_squeeze %dma_wait3A_204 : memref<1x80xi32, #tpu.memory_space<vmem>> -> memref<80xi32, #tpu.memory_space<vmem>>
        %dma_wait3A_206 = arith.constant 0 : i32
        %dma_wait3A_207 = tpu.memref_slice %arg4[%dma_wait3A_206] : memref<322560xi32, #tpu.memory_space<hbm>> -> memref<80xi32, #tpu.memory_space<hbm>>
        tpu.wait_dma2 semaphore(%arg13 : memref<!tpu.dma_semaphore, #tpu.memory_space<semaphore_mem>>) src(%dma_wait3A_207 : memref<80xi32, #tpu.memory_space<hbm>>) dst(%dma_wait3A_205 : memref<80xi32, #tpu.memory_space<vmem>>)
        %dma_start3A_208 = arith.constant 0 : i32
        %dma_start3A_209 = arith.constant 0 : i32
        %dma_start3A_210 = tpu.memref_slice %arg6[%dma_start3A_208, %dma_start3A_209] : memref<1x80xi32, #tpu.memory_space<vmem>> -> memref<1x80xi32, #tpu.memory_space<vmem>>
        %dma_start3A_211 = tpu.memref_squeeze %dma_start3A_210 : memref<1x80xi32, #tpu.memory_space<vmem>> -> memref<80xi32, #tpu.memory_space<vmem>>
        %dma_start3A_212 = arith.constant 0 : i32
        %dma_start3A_213 = arith.constant 0 : i32
        %dma_start3A_214 = tpu.memref_slice %arg2[%dma_start3A_212, %dma_start3A_213] : memref<10240x128xf32, #tpu.memory_space<hbm>> -> memref<10240x128xf32, #tpu.memory_space<hbm>>
        tpu.enqueue_indirect_dma source(%dma_start3A_214 : memref<10240x128xf32, #tpu.memory_space<hbm>>) target(%arg10 : memref<80x128xf32, #tpu.memory_space<vmem>>) offsets(%dma_start3A_211 : memref<80xi32, #tpu.memory_space<vmem>>) semaphore(%arg15 : memref<!tpu.dma_semaphore, #tpu.memory_space<semaphore_mem>>)
      } else {
      }
      %dma_wait3A_173 = arith.constant 0 : i32
      %dma_wait3A_174 = arith.constant 0 : i32
      %dma_wait3A_175 = tpu.memref_slice %arg12[%dma_wait3A_173, %dma_wait3A_174] : memref<10240x128xf32, #tpu.memory_space<vmem_shared>> -> memref<80x128xf32, #tpu.memory_space<vmem_shared>>
      %dma_wait3A_176 = arith.constant 0 : i32
      %dma_wait3A_177 = arith.constant 0 : i32
      %dma_wait3A_178 = tpu.memref_slice %arg12[%dma_wait3A_176, %dma_wait3A_177] : memref<10240x128xf32, #tpu.memory_space<vmem_shared>> -> memref<80x128xf32, #tpu.memory_space<vmem_shared>>
      tpu.wait_dma2 semaphore(%arg18 : memref<!tpu.dma_semaphore, #tpu.memory_space<semaphore_mem>>) src(%arg11 : memref<80x128xf32, #tpu.memory_space<vmem>>) dst(%dma_wait3A_178 : memref<80x128xf32, #tpu.memory_space<vmem_shared>>)
      %add3A_179 = arith.constant 3 : i32
      %add3A_180 = arith.addi %add3A_100, %add3A_179 : i32
      %lt3A_181 = arith.constant 126 : i32
      %lt3A_182 = arith.cmpi slt, %add3A_180, %lt3A_181 : i32
      %convert_element_type3A_183 = arith.extui %lt3A_182 : i1 to i32
      %cond3A_184 = arith.constant 0 : i32
      %cond3A_185 = arith.cmpi ne, %convert_element_type3A_183, %cond3A_184 : i32
      scf.if %cond3A_185 {
        %add3A_186 = arith.constant 3 : i32
        %add3A_187 = arith.addi %add3A_100, %add3A_186 : i32
        %mul3A_188 = arith.constant 80 : i32
        %mul3A_189 = arith.muli %add3A_187, %mul3A_188 : i32
        %add3A_190 = arith.addi %mul3A_4, %mul3A_189 : i32
        %dma_start3A_191 = arith.constant 0 : i32
        %dma_start3A_192 = arith.constant 0 : i32
        %dma_start3A_193 = tpu.memref_slice %arg8[%dma_start3A_191, %dma_start3A_192] : memref<1x80xi32, #tpu.memory_space<vmem>> -> memref<1x80xi32, #tpu.memory_space<vmem>>
        %dma_start3A_194 = tpu.memref_squeeze %dma_start3A_193 : memref<1x80xi32, #tpu.memory_space<vmem>> -> memref<80xi32, #tpu.memory_space<vmem>>
        %dma_start3A_195 = tpu.memref_slice %arg3[%add3A_190] : memref<322560xi32, #tpu.memory_space<hbm>> -> memref<80xi32, #tpu.memory_space<hbm>>
        %dma_start3A_196 = arith.constant 0 : i32
        %dma_start3A_197 = tpu.memref_slice %arg8[%dma_start3A_191, %dma_start3A_196] : memref<1x80xi32, #tpu.memory_space<vmem>> -> memref<1x80xi32, #tpu.memory_space<vmem>>
        %dma_start3A_198 = tpu.memref_squeeze %dma_start3A_197 : memref<1x80xi32, #tpu.memory_space<vmem>> -> memref<80xi32, #tpu.memory_space<vmem>>
        %dma_start3A_199 = tpu.memref_slice %arg3[%add3A_190] : memref<322560xi32, #tpu.memory_space<hbm>> -> memref<80xi32, #tpu.memory_space<hbm>>
        tpu.enqueue_dma source(%dma_start3A_199 : memref<80xi32, #tpu.memory_space<hbm>>) target(%dma_start3A_198 : memref<80xi32, #tpu.memory_space<vmem>>) target_semaphore(%arg14 : memref<!tpu.dma_semaphore, #tpu.memory_space<semaphore_mem>>)
        %mul3A_200 = arith.constant 80 : i32
        %mul3A_201 = arith.muli %add3A_187, %mul3A_200 : i32
        %add3A_202 = arith.addi %mul3A_4, %mul3A_201 : i32
        %dma_start3A_203 = arith.constant 0 : i32
        %dma_start3A_204 = arith.constant 0 : i32
        %dma_start3A_205 = tpu.memref_slice %arg9[%dma_start3A_203, %dma_start3A_204] : memref<1x80xi32, #tpu.memory_space<vmem>> -> memref<1x80xi32, #tpu.memory_space<vmem>>
        %dma_start3A_206 = tpu.memref_squeeze %dma_start3A_205 : memref<1x80xi32, #tpu.memory_space<vmem>> -> memref<80xi32, #tpu.memory_space<vmem>>
        %dma_start3A_207 = tpu.memref_slice %arg4[%add3A_202] : memref<322560xi32, #tpu.memory_space<hbm>> -> memref<80xi32, #tpu.memory_space<hbm>>
        %dma_start3A_208 = arith.constant 0 : i32
        %dma_start3A_209 = tpu.memref_slice %arg9[%dma_start3A_203, %dma_start3A_208] : memref<1x80xi32, #tpu.memory_space<vmem>> -> memref<1x80xi32, #tpu.memory_space<vmem>>
        %dma_start3A_210 = tpu.memref_squeeze %dma_start3A_209 : memref<1x80xi32, #tpu.memory_space<vmem>> -> memref<80xi32, #tpu.memory_space<vmem>>
        %dma_start3A_211 = tpu.memref_slice %arg4[%add3A_202] : memref<322560xi32, #tpu.memory_space<hbm>> -> memref<80xi32, #tpu.memory_space<hbm>>
        tpu.enqueue_dma source(%dma_start3A_211 : memref<80xi32, #tpu.memory_space<hbm>>) target(%dma_start3A_210 : memref<80xi32, #tpu.memory_space<vmem>>) target_semaphore(%arg14 : memref<!tpu.dma_semaphore, #tpu.memory_space<semaphore_mem>>)
      } else {
      }
    }
    %scan3A_91 = arith.constant 63 : i32
    %barrier3A_92 = arith.constant 0 : index
    tpu.barrier barrier_id(%barrier3A_92)
    %mul3A_93 = arith.constant 10240 : i32
    %mul3A_94 = arith.muli %arg0, %mul3A_93 : i32
    %add3A_95 = arith.addi %mul3A_94, %mul3A_53 : i32
    "tpu.region"() ({
      %run_scoped3A = tpu.sem_alloc : memref<!tpu.dma_semaphore, #tpu.memory_space<semaphore_mem>>
      %dma_start3A_96 = arith.constant 0 : i32
      %dma_start3A_97 = tpu.memref_slice %arg5[%add3A_95, %dma_start3A_96] : memref<20480x128xf32, #tpu.memory_space<hbm>> -> memref<640x128xf32, #tpu.memory_space<hbm>>
      %dma_start3A_98 = arith.constant 0 : i32
      %dma_start3A_99 = tpu.memref_slice %arg12[%mul3A_53, %dma_start3A_98] : memref<10240x128xf32, #tpu.memory_space<vmem_shared>> -> memref<640x128xf32, #tpu.memory_space<vmem_shared>>
      tpu.enqueue_dma source(%dma_start3A_99 : memref<640x128xf32, #tpu.memory_space<vmem_shared>>) target(%dma_start3A_97 : memref<640x128xf32, #tpu.memory_space<hbm>>) target_semaphore(%run_scoped3A : memref<!tpu.dma_semaphore, #tpu.memory_space<semaphore_mem>>)
      %dma_wait3A_100 = arith.constant 0 : i32
      %dma_wait3A_101 = tpu.memref_slice %arg5[%add3A_95, %dma_wait3A_100] : memref<20480x128xf32, #tpu.memory_space<hbm>> -> memref<640x128xf32, #tpu.memory_space<hbm>>
      %dma_wait3A_102 = arith.constant 0 : i32
      %dma_wait3A_103 = tpu.memref_slice %arg12[%mul3A_53, %dma_wait3A_102] : memref<10240x128xf32, #tpu.memory_space<vmem_shared>> -> memref<640x128xf32, #tpu.memory_space<vmem_shared>>
      tpu.wait_dma2 semaphore(%run_scoped3A : memref<!tpu.dma_semaphore, #tpu.memory_space<semaphore_mem>>) src(%dma_wait3A_103 : memref<640x128xf32, #tpu.memory_space<vmem_shared>>) dst(%dma_wait3A_101 : memref<640x128xf32, #tpu.memory_space<hbm>>)
      tpu.yield
    }) : () -> ()
    return
  }
}

#map = affine_map<(d0, d1) -> (0)>
#map1 = affine_map<(d0, d1) -> (0, 0)>
module attributes {stable_mosaic.version = 14 : i64} {
  func.func @deg_kernel(%arg0: i32, %arg1: i32, %arg2: memref<322560xi32, #tpu.memory_space<hbm>>, %arg3: memref<160x128xf32, #tpu.memory_space<hbm>>, %arg4: memref<1x80xi32, #tpu.memory_space<vmem>>, %arg5: memref<80x128xf32, #tpu.memory_space<vmem>>, %arg6: memref<1x80xi32, #tpu.memory_space<vmem>>, %arg7: memref<80x128xf32, #tpu.memory_space<vmem_shared>>, %arg8: memref<!tpu.dma_semaphore, #tpu.memory_space<semaphore_mem>>) attributes {dimension_semantics = [#tpu.dimension_semantics<core_parallel>, #tpu.dimension_semantics<subcore_parallel>], iteration_bounds = array<i64: 2, 16>, scalar_prefetch = 0 : i64, scratch_operands = 5 : i64, tpu.core_type = #tpu.core_type<sc_vector_subcore>, window_params = [{transform_indices = #map}, {transform_indices = #map1}]} {
    %scan3A = arith.constant 0 : i32
    %scan3A_0 = arith.constant 80 : i32
    %scan3A_1 = arith.addi %scan3A, %scan3A_0 : i32
    %scan3A_2 = arith.constant 1 : i32
    scf.for %scan3A_26 = %scan3A to %scan3A_1 step %scan3A_2  : i32 {
      %mul3A_27 = arith.constant 1 : i32
      %mul3A_28 = arith.muli %scan3A_26, %mul3A_27 : i32
      %add3A_29 = arith.constant 0 : i32
      %add3A_30 = arith.addi %add3A_29, %mul3A_28 : i32
      %scan3A_31 = arith.constant 0 : i32
      %scan3A_32 = arith.constant 8 : i32
      %scan3A_33 = arith.addi %scan3A_31, %scan3A_32 : i32
      %scan3A_34 = arith.constant 1 : i32
      scf.for %scan3A_36 = %scan3A_31 to %scan3A_33 step %scan3A_34  : i32 {
        %mul3A_37 = arith.constant 16 : i32
        %mul3A_38 = arith.muli %scan3A_36, %mul3A_37 : i32
        %add3A_39 = arith.constant 0 : i32
        %add3A_40 = arith.addi %add3A_39, %mul3A_38 : i32
        %broadcast_in_dim3A_41 = arith.constant 0.000000e+00 : f32
        %broadcast_in_dim3A_42 = vector.broadcast %broadcast_in_dim3A_41 : f32 to vector<16xf32>
        %swap3A = arith.index_cast %add3A_30 : i32 to index
        %swap3A_43 = arith.index_cast %add3A_40 : i32 to index
        %swap3A_44 = tpu.vector_load %arg5[%swap3A, %swap3A_43] {strides = array<i32>} : memref<80x128xf32, #tpu.memory_space<vmem>>, vector<16xf32>,
        tpu.vector_store %arg5[%swap3A, %swap3A_43], %broadcast_in_dim3A_42 {strides = array<i32>} : memref<80x128xf32, #tpu.memory_space<vmem>>, vector<16xf32>,
      }
      %scan3A_35 = arith.constant 8 : i32
    }
    %scan3A_3 = arith.constant 80 : i32
    %scan3A_4 = arith.constant 0 : i32
    %scan3A_5 = arith.constant 5 : i32
    %scan3A_6 = arith.addi %scan3A_4, %scan3A_5 : i32
    %scan3A_7 = arith.constant 1 : i32
    scf.for %scan3A_26 = %scan3A_4 to %scan3A_6 step %scan3A_7  : i32 {
      %mul3A_27 = arith.constant 16 : i32
      %mul3A_28 = arith.muli %scan3A_26, %mul3A_27 : i32
      %add3A_29 = arith.constant 0 : i32
      %add3A_30 = arith.addi %add3A_29, %mul3A_28 : i32
      %iota3A = tpu.iota {dimensions = array<i32: 0>} : vector<16xi32>
      %add3A_31 = vector.broadcast %add3A_30 : i32 to vector<16xi32>
      %add3A_32 = arith.addi %iota3A, %add3A_31 : vector<16xi32>
      %swap3A = arith.constant 0 : i32
      %swap3A_33 = arith.index_cast %swap3A : i32 to index
      %swap3A_34 = arith.index_cast %add3A_30 : i32 to index
      %swap3A_35 = tpu.vector_load %arg6[%swap3A_33, %swap3A_34] {strides = array<i32>} : memref<1x80xi32, #tpu.memory_space<vmem>>, vector<16xi32>,
      tpu.vector_store %arg6[%swap3A_33, %swap3A_34], %add3A_32 {strides = array<i32>} : memref<1x80xi32, #tpu.memory_space<vmem>>, vector<16xi32>,
    }
    %scan3A_8 = arith.constant 5 : i32
    %lt3A = arith.constant 10 : i32
    %lt3A_9 = arith.cmpi slt, %arg1, %lt3A : i32
    %convert_element_type3A = arith.extui %lt3A_9 : i1 to i32
    %cond3A = arith.constant 0 : i32
    %cond3A_10 = arith.cmpi ne, %convert_element_type3A, %cond3A : i32
    scf.if %cond3A_10 {
      %mul3A_26 = arith.constant 8 : i32
      %mul3A_27 = arith.muli %arg1, %mul3A_26 : i32
      %mul3A_28 = arith.constant 8 : i32
      %mul3A_29 = arith.muli %arg1, %mul3A_28 : i32
      "tpu.region"() ({
        %run_scoped3A_30 = tpu.sem_alloc : memref<!tpu.dma_semaphore, #tpu.memory_space<semaphore_mem>>
        %dma_start3A = arith.constant 0 : i32
        %dma_start3A_31 = tpu.memref_slice %arg5[%mul3A_27, %dma_start3A] : memref<80x128xf32, #tpu.memory_space<vmem>> -> memref<8x128xf32, #tpu.memory_space<vmem>>
        %dma_start3A_32 = arith.constant 0 : i32
        %dma_start3A_33 = tpu.memref_slice %arg7[%mul3A_29, %dma_start3A_32] : memref<80x128xf32, #tpu.memory_space<vmem_shared>> -> memref<8x128xf32, #tpu.memory_space<vmem_shared>>
        %dma_start3A_34 = arith.constant 0 : i32
        %dma_start3A_35 = tpu.memref_slice %arg7[%mul3A_29, %dma_start3A_34] : memref<80x128xf32, #tpu.memory_space<vmem_shared>> -> memref<8x128xf32, #tpu.memory_space<vmem_shared>>
        %dma_start3A_36 = arith.constant 0 : i32
        %dma_start3A_37 = tpu.memref_slice %arg5[%mul3A_27, %dma_start3A_36] : memref<80x128xf32, #tpu.memory_space<vmem>> -> memref<8x128xf32, #tpu.memory_space<vmem>>
        tpu.enqueue_dma source(%dma_start3A_37 : memref<8x128xf32, #tpu.memory_space<vmem>>) target(%dma_start3A_35 : memref<8x128xf32, #tpu.memory_space<vmem_shared>>) target_semaphore(%run_scoped3A_30 : memref<!tpu.dma_semaphore, #tpu.memory_space<semaphore_mem>>)
        %dma_wait3A = arith.constant 0 : i32
        %dma_wait3A_38 = tpu.memref_slice %arg5[%mul3A_27, %dma_wait3A] : memref<80x128xf32, #tpu.memory_space<vmem>> -> memref<8x128xf32, #tpu.memory_space<vmem>>
        %dma_wait3A_39 = arith.constant 0 : i32
        %dma_wait3A_40 = tpu.memref_slice %arg7[%mul3A_29, %dma_wait3A_39] : memref<80x128xf32, #tpu.memory_space<vmem_shared>> -> memref<8x128xf32, #tpu.memory_space<vmem_shared>>
        %dma_wait3A_41 = arith.constant 0 : i32
        %dma_wait3A_42 = tpu.memref_slice %arg7[%mul3A_29, %dma_wait3A_41] : memref<80x128xf32, #tpu.memory_space<vmem_shared>> -> memref<8x128xf32, #tpu.memory_space<vmem_shared>>
        %dma_wait3A_43 = arith.constant 0 : i32
        %dma_wait3A_44 = tpu.memref_slice %arg5[%mul3A_27, %dma_wait3A_43] : memref<80x128xf32, #tpu.memory_space<vmem>> -> memref<8x128xf32, #tpu.memory_space<vmem>>
        tpu.wait_dma2 semaphore(%run_scoped3A_30 : memref<!tpu.dma_semaphore, #tpu.memory_space<semaphore_mem>>) src(%dma_wait3A_44 : memref<8x128xf32, #tpu.memory_space<vmem>>) dst(%dma_wait3A_42 : memref<8x128xf32, #tpu.memory_space<vmem_shared>>)
        tpu.yield
      }) : () -> ()
    } else {
    }
    %barrier3A = arith.constant 0 : index
    tpu.barrier barrier_id(%barrier3A)
    %mul3A = arith.constant 16 : i32
    %mul3A_11 = arith.muli %arg0, %mul3A : i32
    %add3A = arith.addi %mul3A_11, %arg1 : i32
    %mul3A_12 = arith.constant 10080 : i32
    %mul3A_13 = arith.muli %add3A, %mul3A_12 : i32
    %broadcast_in_dim3A = arith.constant 1.000000e+00 : f32
    %broadcast_in_dim3A_14 = vector.broadcast %broadcast_in_dim3A : f32 to vector<16xf32>
    %scan3A_15 = arith.constant 0 : i32
    %scan3A_16 = arith.constant 126 : i32
    %scan3A_17 = arith.addi %scan3A_15, %scan3A_16 : i32
    %scan3A_18 = arith.constant 1 : i32
    scf.for %scan3A_26 = %scan3A_15 to %scan3A_17 step %scan3A_18  : i32 {
      %mul3A_27 = arith.constant 1 : i32
      %mul3A_28 = arith.muli %scan3A_26, %mul3A_27 : i32
      %add3A_29 = arith.constant 0 : i32
      %add3A_30 = arith.addi %add3A_29, %mul3A_28 : i32
      %mul3A_31 = arith.constant 80 : i32
      %mul3A_32 = arith.muli %add3A_30, %mul3A_31 : i32
      %add3A_33 = arith.addi %mul3A_13, %mul3A_32 : i32
      %run_scoped3A_34 = arith.constant 0 : i32
      "tpu.region"() ({
        %run_scoped3A_40 = tpu.sem_alloc : memref<!tpu.dma_semaphore, #tpu.memory_space<semaphore_mem>>
        %dma_start3A = arith.constant 0 : i32
        %dma_start3A_41 = tpu.memref_slice %arg4[%run_scoped3A_34, %dma_start3A] : memref<1x80xi32, #tpu.memory_space<vmem>> -> memref<1x80xi32, #tpu.memory_space<vmem>>
        %dma_start3A_42 = tpu.memref_squeeze %dma_start3A_41 : memref<1x80xi32, #tpu.memory_space<vmem>> -> memref<80xi32, #tpu.memory_space<vmem>>
        %dma_start3A_43 = tpu.memref_slice %arg2[%add3A_33] : memref<322560xi32, #tpu.memory_space<hbm>> -> memref<80xi32, #tpu.memory_space<hbm>>
        %dma_start3A_44 = arith.constant 0 : i32
        %dma_start3A_45 = tpu.memref_slice %arg4[%run_scoped3A_34, %dma_start3A_44] : memref<1x80xi32, #tpu.memory_space<vmem>> -> memref<1x80xi32, #tpu.memory_space<vmem>>
        %dma_start3A_46 = tpu.memref_squeeze %dma_start3A_45 : memref<1x80xi32, #tpu.memory_space<vmem>> -> memref<80xi32, #tpu.memory_space<vmem>>
        %dma_start3A_47 = tpu.memref_slice %arg2[%add3A_33] : memref<322560xi32, #tpu.memory_space<hbm>> -> memref<80xi32, #tpu.memory_space<hbm>>
        tpu.enqueue_dma source(%dma_start3A_47 : memref<80xi32, #tpu.memory_space<hbm>>) target(%dma_start3A_46 : memref<80xi32, #tpu.memory_space<vmem>>) target_semaphore(%run_scoped3A_40 : memref<!tpu.dma_semaphore, #tpu.memory_space<semaphore_mem>>)
        %dma_wait3A = arith.constant 0 : i32
        %dma_wait3A_48 = tpu.memref_slice %arg4[%run_scoped3A_34, %dma_wait3A] : memref<1x80xi32, #tpu.memory_space<vmem>> -> memref<1x80xi32, #tpu.memory_space<vmem>>
        %dma_wait3A_49 = tpu.memref_squeeze %dma_wait3A_48 : memref<1x80xi32, #tpu.memory_space<vmem>> -> memref<80xi32, #tpu.memory_space<vmem>>
        %dma_wait3A_50 = tpu.memref_slice %arg2[%add3A_33] : memref<322560xi32, #tpu.memory_space<hbm>> -> memref<80xi32, #tpu.memory_space<hbm>>
        %dma_wait3A_51 = arith.constant 0 : i32
        %dma_wait3A_52 = tpu.memref_slice %arg4[%run_scoped3A_34, %dma_wait3A_51] : memref<1x80xi32, #tpu.memory_space<vmem>> -> memref<1x80xi32, #tpu.memory_space<vmem>>
        %dma_wait3A_53 = tpu.memref_squeeze %dma_wait3A_52 : memref<1x80xi32, #tpu.memory_space<vmem>> -> memref<80xi32, #tpu.memory_space<vmem>>
        %dma_wait3A_54 = tpu.memref_slice %arg2[%add3A_33] : memref<322560xi32, #tpu.memory_space<hbm>> -> memref<80xi32, #tpu.memory_space<hbm>>
        tpu.wait_dma2 semaphore(%run_scoped3A_40 : memref<!tpu.dma_semaphore, #tpu.memory_space<semaphore_mem>>) src(%dma_wait3A_54 : memref<80xi32, #tpu.memory_space<hbm>>) dst(%dma_wait3A_53 : memref<80xi32, #tpu.memory_space<vmem>>)
        tpu.yield
      }) : () -> ()
      %scan3A_35 = arith.constant 0 : i32
      %scan3A_36 = arith.constant 5 : i32
      %scan3A_37 = arith.addi %scan3A_35, %scan3A_36 : i32
      %scan3A_38 = arith.constant 1 : i32
      scf.for %scan3A_40 = %scan3A_35 to %scan3A_37 step %scan3A_38  : i32 {
        %mul3A_41 = arith.constant 16 : i32
        %mul3A_42 = arith.muli %scan3A_40, %mul3A_41 : i32
        %add3A_43 = arith.constant 0 : i32
        %add3A_44 = arith.addi %add3A_43, %mul3A_42 : i32
        %get3A = arith.constant 0 : i32
        %get3A_45 = arith.index_cast %get3A : i32 to index
        %get3A_46 = arith.index_cast %add3A_44 : i32 to index
        %get3A_47 = tpu.vector_load %arg4[%get3A_45, %get3A_46] {strides = array<i32>} : memref<1x80xi32, #tpu.memory_space<vmem>>, vector<16xi32>,
        %shift_right_logical3A = arith.constant 7 : i32
        %shift_right_logical3A_48 = vector.broadcast %shift_right_logical3A : i32 to vector<16xi32>
        %shift_right_logical3A_49 = arith.shrui %get3A_47, %shift_right_logical3A_48 : vector<16xi32>
        %and3A = arith.constant 127 : i32
        %and3A_50 = vector.broadcast %and3A : i32 to vector<16xi32>
        %and3A_51 = arith.andi %get3A_47, %and3A_50 : vector<16xi32>
        tpu.vector_store_idx %arg5[%shift_right_logical3A_49, %and3A_51], %broadcast_in_dim3A_14 {add = true} : memref<80x128xf32, #tpu.memory_space<vmem>>[vector<16xi32>, vector<16xi32>], vector<16xf32>,
      }
      %scan3A_39 = arith.constant 5 : i32
    }
    %scan3A_19 = arith.constant 126 : i32
    %run_scoped3A = arith.constant 0 : i32
    "tpu.region"() ({
      %run_scoped3A_26 = tpu.sem_alloc : memref<!tpu.dma_semaphore, #tpu.memory_space<semaphore_mem>>
      %dma_start3A = arith.constant 0 : i32
      %dma_start3A_27 = tpu.memref_slice %arg6[%run_scoped3A, %dma_start3A] : memref<1x80xi32, #tpu.memory_space<vmem>> -> memref<1x80xi32, #tpu.memory_space<vmem>>
      %dma_start3A_28 = tpu.memref_squeeze %dma_start3A_27 : memref<1x80xi32, #tpu.memory_space<vmem>> -> memref<80xi32, #tpu.memory_space<vmem>>
      %dma_start3A_29 = arith.constant 0 : i32
      %dma_start3A_30 = arith.constant 0 : i32
      %dma_start3A_31 = tpu.memref_slice %arg7[%dma_start3A_29, %dma_start3A_30] : memref<80x128xf32, #tpu.memory_space<vmem_shared>> -> memref<80x128xf32, #tpu.memory_space<vmem_shared>>
      tpu.enqueue_indirect_dma source(%arg5 : memref<80x128xf32, #tpu.memory_space<vmem>>) target(%dma_start3A_31 : memref<80x128xf32, #tpu.memory_space<vmem_shared>>) offsets(%dma_start3A_28 : memref<80xi32, #tpu.memory_space<vmem>>) semaphore(%run_scoped3A_26 : memref<!tpu.dma_semaphore, #tpu.memory_space<semaphore_mem>>) {add = true}
      %dma_wait3A = arith.constant 0 : i32
      %dma_wait3A_32 = tpu.memref_slice %arg6[%run_scoped3A, %dma_wait3A] : memref<1x80xi32, #tpu.memory_space<vmem>> -> memref<1x80xi32, #tpu.memory_space<vmem>>
      %dma_wait3A_33 = tpu.memref_squeeze %dma_wait3A_32 : memref<1x80xi32, #tpu.memory_space<vmem>> -> memref<80xi32, #tpu.memory_space<vmem>>
      %dma_wait3A_34 = arith.constant 0 : i32
      %dma_wait3A_35 = arith.constant 0 : i32
      %dma_wait3A_36 = tpu.memref_slice %arg7[%dma_wait3A_34, %dma_wait3A_35] : memref<80x128xf32, #tpu.memory_space<vmem_shared>> -> memref<80x128xf32, #tpu.memory_space<vmem_shared>>
      tpu.wait_indirect_dma semaphore(%run_scoped3A_26 : memref<!tpu.dma_semaphore, #tpu.memory_space<semaphore_mem>>) src(%arg5 : memref<80x128xf32, #tpu.memory_space<vmem>>) dst(%dma_wait3A_36 : memref<80x128xf32, #tpu.memory_space<vmem_shared>>)
      tpu.yield
    }) : () -> ()
    %barrier3A_20 = arith.constant 0 : index
    tpu.barrier barrier_id(%barrier3A_20)
    %lt3A_21 = arith.constant 10 : i32
    %lt3A_22 = arith.cmpi slt, %arg1, %lt3A_21 : i32
    %convert_element_type3A_23 = arith.extui %lt3A_22 : i1 to i32
    %cond3A_24 = arith.constant 0 : i32
    %cond3A_25 = arith.cmpi ne, %convert_element_type3A_23, %cond3A_24 : i32
    scf.if %cond3A_25 {
      %mul3A_26 = arith.constant 8 : i32
      %mul3A_27 = arith.muli %arg1, %mul3A_26 : i32
      %mul3A_28 = arith.constant 80 : i32
      %mul3A_29 = arith.muli %arg0, %mul3A_28 : i32
      %mul3A_30 = arith.constant 8 : i32
      %mul3A_31 = arith.muli %arg1, %mul3A_30 : i32
      %add3A_32 = arith.addi %mul3A_29, %mul3A_31 : i32
      "tpu.region"() ({
        %run_scoped3A_33 = tpu.sem_alloc : memref<!tpu.dma_semaphore, #tpu.memory_space<semaphore_mem>>
        %dma_start3A = arith.constant 0 : i32
        %dma_start3A_34 = tpu.memref_slice %arg3[%add3A_32, %dma_start3A] : memref<160x128xf32, #tpu.memory_space<hbm>> -> memref<8x128xf32, #tpu.memory_space<hbm>>
        %dma_start3A_35 = arith.constant 0 : i32
        %dma_start3A_36 = tpu.memref_slice %arg7[%mul3A_27, %dma_start3A_35] : memref<80x128xf32, #tpu.memory_space<vmem_shared>> -> memref<8x128xf32, #tpu.memory_space<vmem_shared>>
        tpu.enqueue_dma source(%dma_start3A_36 : memref<8x128xf32, #tpu.memory_space<vmem_shared>>) target(%dma_start3A_34 : memref<8x128xf32, #tpu.memory_space<hbm>>) target_semaphore(%run_scoped3A_33 : memref<!tpu.dma_semaphore, #tpu.memory_space<semaphore_mem>>)
        %dma_wait3A = arith.constant 0 : i32
        %dma_wait3A_37 = tpu.memref_slice %arg3[%add3A_32, %dma_wait3A] : memref<160x128xf32, #tpu.memory_space<hbm>> -> memref<8x128xf32, #tpu.memory_space<hbm>>
        %dma_wait3A_38 = arith.constant 0 : i32
        %dma_wait3A_39 = tpu.memref_slice %arg7[%mul3A_27, %dma_wait3A_38] : memref<80x128xf32, #tpu.memory_space<vmem_shared>> -> memref<8x128xf32, #tpu.memory_space<vmem_shared>>
        tpu.wait_dma2 semaphore(%run_scoped3A_33 : memref<!tpu.dma_semaphore, #tpu.memory_space<semaphore_mem>>) src(%dma_wait3A_39 : memref<8x128xf32, #tpu.memory_space<vmem_shared>>) dst(%dma_wait3A_37 : memref<8x128xf32, #tpu.memory_space<hbm>>)
        tpu.yield
      }) : () -> ()
    } else {
    }
    return
  }
}

#map = affine_map<(d0, d1) -> (0, 0)>
#map1 = affine_map<(d0, d1) -> (0)>
module attributes {stable_mosaic.version = 14 : i64} {
  func.func @apply_kernel(%arg0: i32, %arg1: i32, %arg2: memref<10240x128xf32, #tpu.memory_space<hbm>>, %arg3: memref<322560xi32, #tpu.memory_space<hbm>>, %arg4: memref<322560xi32, #tpu.memory_space<hbm>>, %arg5: memref<20480x128xf32, #tpu.memory_space<hbm>>, %arg6: memref<1x80xi32, #tpu.memory_space<vmem>>, %arg7: memref<1x80xi32, #tpu.memory_space<vmem>>, %arg8: memref<1x80xi32, #tpu.memory_space<vmem>>, %arg9: memref<1x80xi32, #tpu.memory_space<vmem>>, %arg10: memref<80x128xf32, #tpu.memory_space<vmem>>, %arg11: memref<80x128xf32, #tpu.memory_space<vmem>>, %arg12: memref<10240x128xf32, #tpu.memory_space<vmem_shared>>, %arg13: memref<!tpu.dma_semaphore, #tpu.memory_space<semaphore_mem>>, %arg14: memref<!tpu.dma_semaphore, #tpu.memory_space<semaphore_mem>>, %arg15: memref<!tpu.dma_semaphore, #tpu.memory_space<semaphore_mem>>, %arg16: memref<!tpu.dma_semaphore, #tpu.memory_space<semaphore_mem>>, %arg17: memref<!tpu.dma_semaphore, #tpu.memory_space<semaphore_mem>>, %arg18: memref<!tpu.dma_semaphore, #tpu.memory_space<semaphore_mem>>) attributes {dimension_semantics = [#tpu.dimension_semantics<core_parallel>, #tpu.dimension_semantics<subcore_parallel>], iteration_bounds = array<i64: 2, 16>, scalar_prefetch = 0 : i64, scratch_operands = 13 : i64, tpu.core_type = #tpu.core_type<sc_vector_subcore>, window_params = [{transform_indices = #map}, {transform_indices = #map1}, {transform_indices = #map1}, {transform_indices = #map}]} {
    %mul3A = arith.constant 16 : i32
    %mul3A_0 = arith.muli %arg0, %mul3A : i32
    %add3A = arith.addi %mul3A_0, %arg1 : i32
    %mul3A_1 = arith.constant 126 : i32
    %mul3A_2 = arith.muli %add3A, %mul3A_1 : i32
    %mul3A_3 = arith.constant 80 : i32
    %mul3A_4 = arith.muli %mul3A_2, %mul3A_3 : i32
    %add3A_5 = arith.constant 0 : i32
    %add3A_6 = arith.addi %mul3A_4, %add3A_5 : i32
    %dma_start3A = arith.constant 0 : i32
    %dma_start3A_7 = arith.constant 0 : i32
    %dma_start3A_8 = tpu.memref_slice %arg6[%dma_start3A, %dma_start3A_7] : memref<1x80xi32, #tpu.memory_space<vmem>> -> memref<1x80xi32, #tpu.memory_space<vmem>>
    %dma_start3A_9 = tpu.memref_squeeze %dma_start3A_8 : memref<1x80xi32, #tpu.memory_space<vmem>> -> memref<80xi32, #tpu.memory_space<vmem>>
    %dma_start3A_10 = tpu.memref_slice %arg3[%add3A_6] : memref<322560xi32, #tpu.memory_space<hbm>> -> memref<80xi32, #tpu.memory_space<hbm>>
    %dma_start3A_11 = arith.constant 0 : i32
    %dma_start3A_12 = tpu.memref_slice %arg6[%dma_start3A, %dma_start3A_11] : memref<1x80xi32, #tpu.memory_space<vmem>> -> memref<1x80xi32, #tpu.memory_space<vmem>>
    %dma_start3A_13 = tpu.memref_squeeze %dma_start3A_12 : memref<1x80xi32, #tpu.memory_space<vmem>> -> memref<80xi32, #tpu.memory_space<vmem>>
    %dma_start3A_14 = tpu.memref_slice %arg3[%add3A_6] : memref<322560xi32, #tpu.memory_space<hbm>> -> memref<80xi32, #tpu.memory_space<hbm>>
    tpu.enqueue_dma source(%dma_start3A_14 : memref<80xi32, #tpu.memory_space<hbm>>) target(%dma_start3A_13 : memref<80xi32, #tpu.memory_space<vmem>>) target_semaphore(%arg13 : memref<!tpu.dma_semaphore, #tpu.memory_space<semaphore_mem>>)
    %add3A_15 = arith.constant 0 : i32
    %add3A_16 = arith.addi %mul3A_4, %add3A_15 : i32
    %dma_start3A_17 = arith.constant 0 : i32
    %dma_start3A_18 = arith.constant 0 : i32
    %dma_start3A_19 = tpu.memref_slice %arg7[%dma_start3A_17, %dma_start3A_18] : memref<1x80xi32, #tpu.memory_space<vmem>> -> memref<1x80xi32, #tpu.memory_space<vmem>>
    %dma_start3A_20 = tpu.memref_squeeze %dma_start3A_19 : memref<1x80xi32, #tpu.memory_space<vmem>> -> memref<80xi32, #tpu.memory_space<vmem>>
    %dma_start3A_21 = tpu.memref_slice %arg4[%add3A_16] : memref<322560xi32, #tpu.memory_space<hbm>> -> memref<80xi32, #tpu.memory_space<hbm>>
    %dma_start3A_22 = arith.constant 0 : i32
    %dma_start3A_23 = tpu.memref_slice %arg7[%dma_start3A_17, %dma_start3A_22] : memref<1x80xi32, #tpu.memory_space<vmem>> -> memref<1x80xi32, #tpu.memory_space<vmem>>
    %dma_start3A_24 = tpu.memref_squeeze %dma_start3A_23 : memref<1x80xi32, #tpu.memory_space<vmem>> -> memref<80xi32, #tpu.memory_space<vmem>>
    %dma_start3A_25 = tpu.memref_slice %arg4[%add3A_16] : memref<322560xi32, #tpu.memory_space<hbm>> -> memref<80xi32, #tpu.memory_space<hbm>>
    tpu.enqueue_dma source(%dma_start3A_25 : memref<80xi32, #tpu.memory_space<hbm>>) target(%dma_start3A_24 : memref<80xi32, #tpu.memory_space<vmem>>) target_semaphore(%arg13 : memref<!tpu.dma_semaphore, #tpu.memory_space<semaphore_mem>>)
    %add3A_26 = arith.constant 80 : i32
    %add3A_27 = arith.addi %mul3A_4, %add3A_26 : i32
    %dma_start3A_28 = arith.constant 0 : i32
    %dma_start3A_29 = arith.constant 0 : i32
    %dma_start3A_30 = tpu.memref_slice %arg8[%dma_start3A_28, %dma_start3A_29] : memref<1x80xi32, #tpu.memory_space<vmem>> -> memref<1x80xi32, #tpu.memory_space<vmem>>
    %dma_start3A_31 = tpu.memref_squeeze %dma_start3A_30 : memref<1x80xi32, #tpu.memory_space<vmem>> -> memref<80xi32, #tpu.memory_space<vmem>>
    %dma_start3A_32 = tpu.memref_slice %arg3[%add3A_27] : memref<322560xi32, #tpu.memory_space<hbm>> -> memref<80xi32, #tpu.memory_space<hbm>>
    %dma_start3A_33 = arith.constant 0 : i32
    %dma_start3A_34 = tpu.memref_slice %arg8[%dma_start3A_28, %dma_start3A_33] : memref<1x80xi32, #tpu.memory_space<vmem>> -> memref<1x80xi32, #tpu.memory_space<vmem>>
    %dma_start3A_35 = tpu.memref_squeeze %dma_start3A_34 : memref<1x80xi32, #tpu.memory_space<vmem>> -> memref<80xi32, #tpu.memory_space<vmem>>
    %dma_start3A_36 = tpu.memref_slice %arg3[%add3A_27] : memref<322560xi32, #tpu.memory_space<hbm>> -> memref<80xi32, #tpu.memory_space<hbm>>
    tpu.enqueue_dma source(%dma_start3A_36 : memref<80xi32, #tpu.memory_space<hbm>>) target(%dma_start3A_35 : memref<80xi32, #tpu.memory_space<vmem>>) target_semaphore(%arg14 : memref<!tpu.dma_semaphore, #tpu.memory_space<semaphore_mem>>)
    %add3A_37 = arith.constant 80 : i32
    %add3A_38 = arith.addi %mul3A_4, %add3A_37 : i32
    %dma_start3A_39 = arith.constant 0 : i32
    %dma_start3A_40 = arith.constant 0 : i32
    %dma_start3A_41 = tpu.memref_slice %arg9[%dma_start3A_39, %dma_start3A_40] : memref<1x80xi32, #tpu.memory_space<vmem>> -> memref<1x80xi32, #tpu.memory_space<vmem>>
    %dma_start3A_42 = tpu.memref_squeeze %dma_start3A_41 : memref<1x80xi32, #tpu.memory_space<vmem>> -> memref<80xi32, #tpu.memory_space<vmem>>
    %dma_start3A_43 = tpu.memref_slice %arg4[%add3A_38] : memref<322560xi32, #tpu.memory_space<hbm>> -> memref<80xi32, #tpu.memory_space<hbm>>
    %dma_start3A_44 = arith.constant 0 : i32
    %dma_start3A_45 = tpu.memref_slice %arg9[%dma_start3A_39, %dma_start3A_44] : memref<1x80xi32, #tpu.memory_space<vmem>> -> memref<1x80xi32, #tpu.memory_space<vmem>>
    %dma_start3A_46 = tpu.memref_squeeze %dma_start3A_45 : memref<1x80xi32, #tpu.memory_space<vmem>> -> memref<80xi32, #tpu.memory_space<vmem>>
    %dma_start3A_47 = tpu.memref_slice %arg4[%add3A_38] : memref<322560xi32, #tpu.memory_space<hbm>> -> memref<80xi32, #tpu.memory_space<hbm>>
    tpu.enqueue_dma source(%dma_start3A_47 : memref<80xi32, #tpu.memory_space<hbm>>) target(%dma_start3A_46 : memref<80xi32, #tpu.memory_space<vmem>>) target_semaphore(%arg14 : memref<!tpu.dma_semaphore, #tpu.memory_space<semaphore_mem>>)
    %scan3A = arith.constant 0 : i32
    %scan3A_48 = arith.constant 80 : i32
    %scan3A_49 = arith.addi %scan3A, %scan3A_48 : i32
    %scan3A_50 = arith.constant 1 : i32
    scf.for %scan3A_96 = %scan3A to %scan3A_49 step %scan3A_50  : i32 {
      %mul3A_97 = arith.constant 1 : i32
      %mul3A_98 = arith.muli %scan3A_96, %mul3A_97 : i32
      %add3A_99 = arith.constant 0 : i32
      %add3A_100 = arith.addi %add3A_99, %mul3A_98 : i32
      %scan3A_101 = arith.constant 0 : i32
      %scan3A_102 = arith.constant 8 : i32
      %scan3A_103 = arith.addi %scan3A_101, %scan3A_102 : i32
      %scan3A_104 = arith.constant 1 : i32
      scf.for %scan3A_106 = %scan3A_101 to %scan3A_103 step %scan3A_104  : i32 {
        %mul3A_107 = arith.constant 16 : i32
        %mul3A_108 = arith.muli %scan3A_106, %mul3A_107 : i32
        %add3A_109 = arith.constant 0 : i32
        %add3A_110 = arith.addi %add3A_109, %mul3A_108 : i32
        %broadcast_in_dim3A = arith.constant 0.000000e+00 : f32
        %broadcast_in_dim3A_111 = vector.broadcast %broadcast_in_dim3A : f32 to vector<16xf32>
        %swap3A = arith.index_cast %add3A_100 : i32 to index
        %swap3A_112 = arith.index_cast %add3A_110 : i32 to index
        %swap3A_113 = tpu.vector_load %arg10[%swap3A, %swap3A_112] {strides = array<i32>} : memref<80x128xf32, #tpu.memory_space<vmem>>, vector<16xf32>,
        tpu.vector_store %arg10[%swap3A, %swap3A_112], %broadcast_in_dim3A_111 {strides = array<i32>} : memref<80x128xf32, #tpu.memory_space<vmem>>, vector<16xf32>,
      }
      %scan3A_105 = arith.constant 8 : i32
    }
    %scan3A_51 = arith.constant 80 : i32
    %mul3A_52 = arith.constant 640 : i32
    %mul3A_53 = arith.muli %arg1, %mul3A_52 : i32
    %scan3A_54 = arith.constant 0 : i32
    %scan3A_55 = arith.constant 8 : i32
    %scan3A_56 = arith.addi %scan3A_54, %scan3A_55 : i32
    %scan3A_57 = arith.constant 1 : i32
    scf.for %scan3A_96 = %scan3A_54 to %scan3A_56 step %scan3A_57  : i32 {
      %mul3A_97 = arith.constant 80 : i32
      %mul3A_98 = arith.muli %scan3A_96, %mul3A_97 : i32
      %add3A_99 = arith.constant 0 : i32
      %add3A_100 = arith.addi %add3A_99, %mul3A_98 : i32
      %add3A_101 = arith.addi %mul3A_53, %add3A_100 : i32
      "tpu.region"() ({
        %run_scoped3A = tpu.sem_alloc : memref<!tpu.dma_semaphore, #tpu.memory_space<semaphore_mem>>
        %dma_start3A_102 = arith.constant 0 : i32
        %dma_start3A_103 = tpu.memref_slice %arg12[%add3A_101, %dma_start3A_102] : memref<10240x128xf32, #tpu.memory_space<vmem_shared>> -> memref<80x128xf32, #tpu.memory_space<vmem_shared>>
        %dma_start3A_104 = arith.constant 0 : i32
        %dma_start3A_105 = tpu.memref_slice %arg12[%add3A_101, %dma_start3A_104] : memref<10240x128xf32, #tpu.memory_space<vmem_shared>> -> memref<80x128xf32, #tpu.memory_space<vmem_shared>>
        tpu.enqueue_dma source(%arg10 : memref<80x128xf32, #tpu.memory_space<vmem>>) target(%dma_start3A_105 : memref<80x128xf32, #tpu.memory_space<vmem_shared>>) target_semaphore(%run_scoped3A : memref<!tpu.dma_semaphore, #tpu.memory_space<semaphore_mem>>)
        %dma_wait3A_106 = arith.constant 0 : i32
        %dma_wait3A_107 = tpu.memref_slice %arg12[%add3A_101, %dma_wait3A_106] : memref<10240x128xf32, #tpu.memory_space<vmem_shared>> -> memref<80x128xf32, #tpu.memory_space<vmem_shared>>
        %dma_wait3A_108 = arith.constant 0 : i32
        %dma_wait3A_109 = tpu.memref_slice %arg12[%add3A_101, %dma_wait3A_108] : memref<10240x128xf32, #tpu.memory_space<vmem_shared>> -> memref<80x128xf32, #tpu.memory_space<vmem_shared>>
        tpu.wait_dma2 semaphore(%run_scoped3A : memref<!tpu.dma_semaphore, #tpu.memory_space<semaphore_mem>>) src(%arg10 : memref<80x128xf32, #tpu.memory_space<vmem>>) dst(%dma_wait3A_109 : memref<80x128xf32, #tpu.memory_space<vmem_shared>>)
        tpu.yield
      }) : () -> ()
    }
    %scan3A_58 = arith.constant 8 : i32
    %barrier3A = arith.constant 0 : index
    tpu.barrier barrier_id(%barrier3A)
    %dma_wait3A = arith.constant 0 : i32
    %dma_wait3A_59 = arith.constant 0 : i32
    %dma_wait3A_60 = tpu.memref_slice %arg6[%dma_wait3A, %dma_wait3A_59] : memref<1x80xi32, #tpu.memory_space<vmem>> -> memref<1x80xi32, #tpu.memory_space<vmem>>
    %dma_wait3A_61 = tpu.memref_squeeze %dma_wait3A_60 : memref<1x80xi32, #tpu.memory_space<vmem>> -> memref<80xi32, #tpu.memory_space<vmem>>
    %dma_wait3A_62 = arith.constant 0 : i32
    %dma_wait3A_63 = tpu.memref_slice %arg3[%dma_wait3A_62] : memref<322560xi32, #tpu.memory_space<hbm>> -> memref<80xi32, #tpu.memory_space<hbm>>
    %dma_wait3A_64 = arith.constant 0 : i32
    %dma_wait3A_65 = tpu.memref_slice %arg6[%dma_wait3A, %dma_wait3A_64] : memref<1x80xi32, #tpu.memory_space<vmem>> -> memref<1x80xi32, #tpu.memory_space<vmem>>
    %dma_wait3A_66 = tpu.memref_squeeze %dma_wait3A_65 : memref<1x80xi32, #tpu.memory_space<vmem>> -> memref<80xi32, #tpu.memory_space<vmem>>
    %dma_wait3A_67 = arith.constant 0 : i32
    %dma_wait3A_68 = tpu.memref_slice %arg3[%dma_wait3A_67] : memref<322560xi32, #tpu.memory_space<hbm>> -> memref<80xi32, #tpu.memory_space<hbm>>
    tpu.wait_dma2 semaphore(%arg13 : memref<!tpu.dma_semaphore, #tpu.memory_space<semaphore_mem>>) src(%dma_wait3A_68 : memref<80xi32, #tpu.memory_space<hbm>>) dst(%dma_wait3A_66 : memref<80xi32, #tpu.memory_space<vmem>>)
    %dma_wait3A_69 = arith.constant 0 : i32
    %dma_wait3A_70 = arith.constant 0 : i32
    %dma_wait3A_71 = tpu.memref_slice %arg7[%dma_wait3A_69, %dma_wait3A_70] : memref<1x80xi32, #tpu.memory_space<vmem>> -> memref<1x80xi32, #tpu.memory_space<vmem>>
    %dma_wait3A_72 = tpu.memref_squeeze %dma_wait3A_71 : memref<1x80xi32, #tpu.memory_space<vmem>> -> memref<80xi32, #tpu.memory_space<vmem>>
    %dma_wait3A_73 = arith.constant 0 : i32
    %dma_wait3A_74 = tpu.memref_slice %arg4[%dma_wait3A_73] : memref<322560xi32, #tpu.memory_space<hbm>> -> memref<80xi32, #tpu.memory_space<hbm>>
    %dma_wait3A_75 = arith.constant 0 : i32
    %dma_wait3A_76 = tpu.memref_slice %arg7[%dma_wait3A_69, %dma_wait3A_75] : memref<1x80xi32, #tpu.memory_space<vmem>> -> memref<1x80xi32, #tpu.memory_space<vmem>>
    %dma_wait3A_77 = tpu.memref_squeeze %dma_wait3A_76 : memref<1x80xi32, #tpu.memory_space<vmem>> -> memref<80xi32, #tpu.memory_space<vmem>>
    %dma_wait3A_78 = arith.constant 0 : i32
    %dma_wait3A_79 = tpu.memref_slice %arg4[%dma_wait3A_78] : memref<322560xi32, #tpu.memory_space<hbm>> -> memref<80xi32, #tpu.memory_space<hbm>>
    tpu.wait_dma2 semaphore(%arg13 : memref<!tpu.dma_semaphore, #tpu.memory_space<semaphore_mem>>) src(%dma_wait3A_79 : memref<80xi32, #tpu.memory_space<hbm>>) dst(%dma_wait3A_77 : memref<80xi32, #tpu.memory_space<vmem>>)
    %dma_start3A_80 = arith.constant 0 : i32
    %dma_start3A_81 = arith.constant 0 : i32
    %dma_start3A_82 = tpu.memref_slice %arg6[%dma_start3A_80, %dma_start3A_81] : memref<1x80xi32, #tpu.memory_space<vmem>> -> memref<1x80xi32, #tpu.memory_space<vmem>>
    %dma_start3A_83 = tpu.memref_squeeze %dma_start3A_82 : memref<1x80xi32, #tpu.memory_space<vmem>> -> memref<80xi32, #tpu.memory_space<vmem>>
    %dma_start3A_84 = arith.constant 0 : i32
    %dma_start3A_85 = arith.constant 0 : i32
    %dma_start3A_86 = tpu.memref_slice %arg2[%dma_start3A_84, %dma_start3A_85] : memref<10240x128xf32, #tpu.memory_space<hbm>> -> memref<10240x128xf32, #tpu.memory_space<hbm>>
    tpu.enqueue_indirect_dma source(%dma_start3A_86 : memref<10240x128xf32, #tpu.memory_space<hbm>>) target(%arg10 : memref<80x128xf32, #tpu.memory_space<vmem>>) offsets(%dma_start3A_83 : memref<80xi32, #tpu.memory_space<vmem>>) semaphore(%arg15 : memref<!tpu.dma_semaphore, #tpu.memory_space<semaphore_mem>>)
    %scan3A_87 = arith.constant 0 : i32
    %scan3A_88 = arith.constant 63 : i32
    %scan3A_89 = arith.addi %scan3A_87, %scan3A_88 : i32
    %scan3A_90 = arith.constant 1 : i32
    scf.for %scan3A_96 = %scan3A_87 to %scan3A_89 step %scan3A_90  : i32 {
      %mul3A_97 = arith.constant 2 : i32
      %mul3A_98 = arith.muli %scan3A_96, %mul3A_97 : i32
      %add3A_99 = arith.constant 0 : i32
      %add3A_100 = arith.addi %add3A_99, %mul3A_98 : i32
      %dma_wait3A_101 = arith.constant 0 : i32
      %dma_wait3A_102 = arith.constant 0 : i32
      %dma_wait3A_103 = tpu.memref_slice %arg2[%dma_wait3A_101, %dma_wait3A_102] : memref<10240x128xf32, #tpu.memory_space<hbm>> -> memref<80x128xf32, #tpu.memory_space<hbm>>
      %dma_wait3A_104 = arith.constant 0 : i32
      %dma_wait3A_105 = arith.constant 0 : i32
      %dma_wait3A_106 = tpu.memref_slice %arg2[%dma_wait3A_104, %dma_wait3A_105] : memref<10240x128xf32, #tpu.memory_space<hbm>> -> memref<80x128xf32, #tpu.memory_space<hbm>>
      tpu.wait_dma2 semaphore(%arg15 : memref<!tpu.dma_semaphore, #tpu.memory_space<semaphore_mem>>) src(%dma_wait3A_106 : memref<80x128xf32, #tpu.memory_space<hbm>>) dst(%arg10 : memref<80x128xf32, #tpu.memory_space<vmem>>)
      %dma_start3A_107 = arith.constant 0 : i32
      %dma_start3A_108 = arith.constant 0 : i32
      %dma_start3A_109 = tpu.memref_slice %arg7[%dma_start3A_107, %dma_start3A_108] : memref<1x80xi32, #tpu.memory_space<vmem>> -> memref<1x80xi32, #tpu.memory_space<vmem>>
      %dma_start3A_110 = tpu.memref_squeeze %dma_start3A_109 : memref<1x80xi32, #tpu.memory_space<vmem>> -> memref<80xi32, #tpu.memory_space<vmem>>
      %dma_start3A_111 = arith.constant 0 : i32
      %dma_start3A_112 = arith.constant 0 : i32
      %dma_start3A_113 = tpu.memref_slice %arg12[%dma_start3A_111, %dma_start3A_112] : memref<10240x128xf32, #tpu.memory_space<vmem_shared>> -> memref<10240x128xf32, #tpu.memory_space<vmem_shared>>
      tpu.enqueue_indirect_dma source(%arg10 : memref<80x128xf32, #tpu.memory_space<vmem>>) target(%dma_start3A_113 : memref<10240x128xf32, #tpu.memory_space<vmem_shared>>) offsets(%dma_start3A_110 : memref<80xi32, #tpu.memory_space<vmem>>) semaphore(%arg17 : memref<!tpu.dma_semaphore, #tpu.memory_space<semaphore_mem>>) {add = true}
      %dma_wait3A_114 = arith.constant 0 : i32
      %dma_wait3A_115 = arith.constant 0 : i32
      %dma_wait3A_116 = tpu.memref_slice %arg8[%dma_wait3A_114, %dma_wait3A_115] : memref<1x80xi32, #tpu.memory_space<vmem>> -> memref<1x80xi32, #tpu.memory_space<vmem>>
      %dma_wait3A_117 = tpu.memref_squeeze %dma_wait3A_116 : memref<1x80xi32, #tpu.memory_space<vmem>> -> memref<80xi32, #tpu.memory_space<vmem>>
      %dma_wait3A_118 = arith.constant 0 : i32
      %dma_wait3A_119 = tpu.memref_slice %arg3[%dma_wait3A_118] : memref<322560xi32, #tpu.memory_space<hbm>> -> memref<80xi32, #tpu.memory_space<hbm>>
      %dma_wait3A_120 = arith.constant 0 : i32
      %dma_wait3A_121 = tpu.memref_slice %arg8[%dma_wait3A_114, %dma_wait3A_120] : memref<1x80xi32, #tpu.memory_space<vmem>> -> memref<1x80xi32, #tpu.memory_space<vmem>>
      %dma_wait3A_122 = tpu.memref_squeeze %dma_wait3A_121 : memref<1x80xi32, #tpu.memory_space<vmem>> -> memref<80xi32, #tpu.memory_space<vmem>>
      %dma_wait3A_123 = arith.constant 0 : i32
      %dma_wait3A_124 = tpu.memref_slice %arg3[%dma_wait3A_123] : memref<322560xi32, #tpu.memory_space<hbm>> -> memref<80xi32, #tpu.memory_space<hbm>>
      tpu.wait_dma2 semaphore(%arg14 : memref<!tpu.dma_semaphore, #tpu.memory_space<semaphore_mem>>) src(%dma_wait3A_124 : memref<80xi32, #tpu.memory_space<hbm>>) dst(%dma_wait3A_122 : memref<80xi32, #tpu.memory_space<vmem>>)
      %dma_wait3A_125 = arith.constant 0 : i32
      %dma_wait3A_126 = arith.constant 0 : i32
      %dma_wait3A_127 = tpu.memref_slice %arg9[%dma_wait3A_125, %dma_wait3A_126] : memref<1x80xi32, #tpu.memory_space<vmem>> -> memref<1x80xi32, #tpu.memory_space<vmem>>
      %dma_wait3A_128 = tpu.memref_squeeze %dma_wait3A_127 : memref<1x80xi32, #tpu.memory_space<vmem>> -> memref<80xi32, #tpu.memory_space<vmem>>
      %dma_wait3A_129 = arith.constant 0 : i32
      %dma_wait3A_130 = tpu.memref_slice %arg4[%dma_wait3A_129] : memref<322560xi32, #tpu.memory_space<hbm>> -> memref<80xi32, #tpu.memory_space<hbm>>
      %dma_wait3A_131 = arith.constant 0 : i32
      %dma_wait3A_132 = tpu.memref_slice %arg9[%dma_wait3A_125, %dma_wait3A_131] : memref<1x80xi32, #tpu.memory_space<vmem>> -> memref<1x80xi32, #tpu.memory_space<vmem>>
      %dma_wait3A_133 = tpu.memref_squeeze %dma_wait3A_132 : memref<1x80xi32, #tpu.memory_space<vmem>> -> memref<80xi32, #tpu.memory_space<vmem>>
      %dma_wait3A_134 = arith.constant 0 : i32
      %dma_wait3A_135 = tpu.memref_slice %arg4[%dma_wait3A_134] : memref<322560xi32, #tpu.memory_space<hbm>> -> memref<80xi32, #tpu.memory_space<hbm>>
      tpu.wait_dma2 semaphore(%arg14 : memref<!tpu.dma_semaphore, #tpu.memory_space<semaphore_mem>>) src(%dma_wait3A_135 : memref<80xi32, #tpu.memory_space<hbm>>) dst(%dma_wait3A_133 : memref<80xi32, #tpu.memory_space<vmem>>)
      %dma_start3A_136 = arith.constant 0 : i32
      %dma_start3A_137 = arith.constant 0 : i32
      %dma_start3A_138 = tpu.memref_slice %arg8[%dma_start3A_136, %dma_start3A_137] : memref<1x80xi32, #tpu.memory_space<vmem>> -> memref<1x80xi32, #tpu.memory_space<vmem>>
      %dma_start3A_139 = tpu.memref_squeeze %dma_start3A_138 : memref<1x80xi32, #tpu.memory_space<vmem>> -> memref<80xi32, #tpu.memory_space<vmem>>
      %dma_start3A_140 = arith.constant 0 : i32
      %dma_start3A_141 = arith.constant 0 : i32
      %dma_start3A_142 = tpu.memref_slice %arg2[%dma_start3A_140, %dma_start3A_141] : memref<10240x128xf32, #tpu.memory_space<hbm>> -> memref<10240x128xf32, #tpu.memory_space<hbm>>
      tpu.enqueue_indirect_dma source(%dma_start3A_142 : memref<10240x128xf32, #tpu.memory_space<hbm>>) target(%arg11 : memref<80x128xf32, #tpu.memory_space<vmem>>) offsets(%dma_start3A_139 : memref<80xi32, #tpu.memory_space<vmem>>) semaphore(%arg16 : memref<!tpu.dma_semaphore, #tpu.memory_space<semaphore_mem>>)
      %dma_wait3A_143 = arith.constant 0 : i32
      %dma_wait3A_144 = arith.constant 0 : i32
      %dma_wait3A_145 = tpu.memref_slice %arg12[%dma_wait3A_143, %dma_wait3A_144] : memref<10240x128xf32, #tpu.memory_space<vmem_shared>> -> memref<80x128xf32, #tpu.memory_space<vmem_shared>>
      %dma_wait3A_146 = arith.constant 0 : i32
      %dma_wait3A_147 = arith.constant 0 : i32
      %dma_wait3A_148 = tpu.memref_slice %arg12[%dma_wait3A_146, %dma_wait3A_147] : memref<10240x128xf32, #tpu.memory_space<vmem_shared>> -> memref<80x128xf32, #tpu.memory_space<vmem_shared>>
      tpu.wait_dma2 semaphore(%arg17 : memref<!tpu.dma_semaphore, #tpu.memory_space<semaphore_mem>>) src(%arg10 : memref<80x128xf32, #tpu.memory_space<vmem>>) dst(%dma_wait3A_148 : memref<80x128xf32, #tpu.memory_space<vmem_shared>>)
      %add3A_149 = arith.constant 2 : i32
      %add3A_150 = arith.addi %add3A_100, %add3A_149 : i32
      %lt3A = arith.constant 126 : i32
      %lt3A_151 = arith.cmpi slt, %add3A_150, %lt3A : i32
      %convert_element_type3A = arith.extui %lt3A_151 : i1 to i32
      %cond3A = arith.constant 0 : i32
      %cond3A_152 = arith.cmpi ne, %convert_element_type3A, %cond3A : i32
      scf.if %cond3A_152 {
        %add3A_186 = arith.constant 2 : i32
        %add3A_187 = arith.addi %add3A_100, %add3A_186 : i32
        %mul3A_188 = arith.constant 80 : i32
        %mul3A_189 = arith.muli %add3A_187, %mul3A_188 : i32
        %add3A_190 = arith.addi %mul3A_4, %mul3A_189 : i32
        %dma_start3A_191 = arith.constant 0 : i32
        %dma_start3A_192 = arith.constant 0 : i32
        %dma_start3A_193 = tpu.memref_slice %arg6[%dma_start3A_191, %dma_start3A_192] : memref<1x80xi32, #tpu.memory_space<vmem>> -> memref<1x80xi32, #tpu.memory_space<vmem>>
        %dma_start3A_194 = tpu.memref_squeeze %dma_start3A_193 : memref<1x80xi32, #tpu.memory_space<vmem>> -> memref<80xi32, #tpu.memory_space<vmem>>
        %dma_start3A_195 = tpu.memref_slice %arg3[%add3A_190] : memref<322560xi32, #tpu.memory_space<hbm>> -> memref<80xi32, #tpu.memory_space<hbm>>
        %dma_start3A_196 = arith.constant 0 : i32
        %dma_start3A_197 = tpu.memref_slice %arg6[%dma_start3A_191, %dma_start3A_196] : memref<1x80xi32, #tpu.memory_space<vmem>> -> memref<1x80xi32, #tpu.memory_space<vmem>>
        %dma_start3A_198 = tpu.memref_squeeze %dma_start3A_197 : memref<1x80xi32, #tpu.memory_space<vmem>> -> memref<80xi32, #tpu.memory_space<vmem>>
        %dma_start3A_199 = tpu.memref_slice %arg3[%add3A_190] : memref<322560xi32, #tpu.memory_space<hbm>> -> memref<80xi32, #tpu.memory_space<hbm>>
        tpu.enqueue_dma source(%dma_start3A_199 : memref<80xi32, #tpu.memory_space<hbm>>) target(%dma_start3A_198 : memref<80xi32, #tpu.memory_space<vmem>>) target_semaphore(%arg13 : memref<!tpu.dma_semaphore, #tpu.memory_space<semaphore_mem>>)
        %mul3A_200 = arith.constant 80 : i32
        %mul3A_201 = arith.muli %add3A_187, %mul3A_200 : i32
        %add3A_202 = arith.addi %mul3A_4, %mul3A_201 : i32
        %dma_start3A_203 = arith.constant 0 : i32
        %dma_start3A_204 = arith.constant 0 : i32
        %dma_start3A_205 = tpu.memref_slice %arg7[%dma_start3A_203, %dma_start3A_204] : memref<1x80xi32, #tpu.memory_space<vmem>> -> memref<1x80xi32, #tpu.memory_space<vmem>>
        %dma_start3A_206 = tpu.memref_squeeze %dma_start3A_205 : memref<1x80xi32, #tpu.memory_space<vmem>> -> memref<80xi32, #tpu.memory_space<vmem>>
        %dma_start3A_207 = tpu.memref_slice %arg4[%add3A_202] : memref<322560xi32, #tpu.memory_space<hbm>> -> memref<80xi32, #tpu.memory_space<hbm>>
        %dma_start3A_208 = arith.constant 0 : i32
        %dma_start3A_209 = tpu.memref_slice %arg7[%dma_start3A_203, %dma_start3A_208] : memref<1x80xi32, #tpu.memory_space<vmem>> -> memref<1x80xi32, #tpu.memory_space<vmem>>
        %dma_start3A_210 = tpu.memref_squeeze %dma_start3A_209 : memref<1x80xi32, #tpu.memory_space<vmem>> -> memref<80xi32, #tpu.memory_space<vmem>>
        %dma_start3A_211 = tpu.memref_slice %arg4[%add3A_202] : memref<322560xi32, #tpu.memory_space<hbm>> -> memref<80xi32, #tpu.memory_space<hbm>>
        tpu.enqueue_dma source(%dma_start3A_211 : memref<80xi32, #tpu.memory_space<hbm>>) target(%dma_start3A_210 : memref<80xi32, #tpu.memory_space<vmem>>) target_semaphore(%arg13 : memref<!tpu.dma_semaphore, #tpu.memory_space<semaphore_mem>>)
      } else {
      }
      %dma_wait3A_153 = arith.constant 0 : i32
      %dma_wait3A_154 = arith.constant 0 : i32
      %dma_wait3A_155 = tpu.memref_slice %arg2[%dma_wait3A_153, %dma_wait3A_154] : memref<10240x128xf32, #tpu.memory_space<hbm>> -> memref<80x128xf32, #tpu.memory_space<hbm>>
      %dma_wait3A_156 = arith.constant 0 : i32
      %dma_wait3A_157 = arith.constant 0 : i32
      %dma_wait3A_158 = tpu.memref_slice %arg2[%dma_wait3A_156, %dma_wait3A_157] : memref<10240x128xf32, #tpu.memory_space<hbm>> -> memref<80x128xf32, #tpu.memory_space<hbm>>
      tpu.wait_dma2 semaphore(%arg16 : memref<!tpu.dma_semaphore, #tpu.memory_space<semaphore_mem>>) src(%dma_wait3A_158 : memref<80x128xf32, #tpu.memory_space<hbm>>) dst(%arg11 : memref<80x128xf32, #tpu.memory_space<vmem>>)
      %dma_start3A_159 = arith.constant 0 : i32
      %dma_start3A_160 = arith.constant 0 : i32
      %dma_start3A_161 = tpu.memref_slice %arg9[%dma_start3A_159, %dma_start3A_160] : memref<1x80xi32, #tpu.memory_space<vmem>> -> memref<1x80xi32, #tpu.memory_space<vmem>>
      %dma_start3A_162 = tpu.memref_squeeze %dma_start3A_161 : memref<1x80xi32, #tpu.memory_space<vmem>> -> memref<80xi32, #tpu.memory_space<vmem>>
      %dma_start3A_163 = arith.constant 0 : i32
      %dma_start3A_164 = arith.constant 0 : i32
      %dma_start3A_165 = tpu.memref_slice %arg12[%dma_start3A_163, %dma_start3A_164] : memref<10240x128xf32, #tpu.memory_space<vmem_shared>> -> memref<10240x128xf32, #tpu.memory_space<vmem_shared>>
      tpu.enqueue_indirect_dma source(%arg11 : memref<80x128xf32, #tpu.memory_space<vmem>>) target(%dma_start3A_165 : memref<10240x128xf32, #tpu.memory_space<vmem_shared>>) offsets(%dma_start3A_162 : memref<80xi32, #tpu.memory_space<vmem>>) semaphore(%arg18 : memref<!tpu.dma_semaphore, #tpu.memory_space<semaphore_mem>>) {add = true}
      %add3A_166 = arith.constant 2 : i32
      %add3A_167 = arith.addi %add3A_100, %add3A_166 : i32
      %lt3A_168 = arith.constant 126 : i32
      %lt3A_169 = arith.cmpi slt, %add3A_167, %lt3A_168 : i32
      %convert_element_type3A_170 = arith.extui %lt3A_169 : i1 to i32
      %cond3A_171 = arith.constant 0 : i32
      %cond3A_172 = arith.cmpi ne, %convert_element_type3A_170, %cond3A_171 : i32
      scf.if %cond3A_172 {
        %dma_wait3A_186 = arith.constant 0 : i32
        %dma_wait3A_187 = arith.constant 0 : i32
        %dma_wait3A_188 = tpu.memref_slice %arg6[%dma_wait3A_186, %dma_wait3A_187] : memref<1x80xi32, #tpu.memory_space<vmem>> -> memref<1x80xi32, #tpu.memory_space<vmem>>
        %dma_wait3A_189 = tpu.memref_squeeze %dma_wait3A_188 : memref<1x80xi32, #tpu.memory_space<vmem>> -> memref<80xi32, #tpu.memory_space<vmem>>
        %dma_wait3A_190 = arith.constant 0 : i32
        %dma_wait3A_191 = tpu.memref_slice %arg3[%dma_wait3A_190] : memref<322560xi32, #tpu.memory_space<hbm>> -> memref<80xi32, #tpu.memory_space<hbm>>
        %dma_wait3A_192 = arith.constant 0 : i32
        %dma_wait3A_193 = tpu.memref_slice %arg6[%dma_wait3A_186, %dma_wait3A_192] : memref<1x80xi32, #tpu.memory_space<vmem>> -> memref<1x80xi32, #tpu.memory_space<vmem>>
        %dma_wait3A_194 = tpu.memref_squeeze %dma_wait3A_193 : memref<1x80xi32, #tpu.memory_space<vmem>> -> memref<80xi32, #tpu.memory_space<vmem>>
        %dma_wait3A_195 = arith.constant 0 : i32
        %dma_wait3A_196 = tpu.memref_slice %arg3[%dma_wait3A_195] : memref<322560xi32, #tpu.memory_space<hbm>> -> memref<80xi32, #tpu.memory_space<hbm>>
        tpu.wait_dma2 semaphore(%arg13 : memref<!tpu.dma_semaphore, #tpu.memory_space<semaphore_mem>>) src(%dma_wait3A_196 : memref<80xi32, #tpu.memory_space<hbm>>) dst(%dma_wait3A_194 : memref<80xi32, #tpu.memory_space<vmem>>)
        %dma_wait3A_197 = arith.constant 0 : i32
        %dma_wait3A_198 = arith.constant 0 : i32
        %dma_wait3A_199 = tpu.memref_slice %arg7[%dma_wait3A_197, %dma_wait3A_198] : memref<1x80xi32, #tpu.memory_space<vmem>> -> memref<1x80xi32, #tpu.memory_space<vmem>>
        %dma_wait3A_200 = tpu.memref_squeeze %dma_wait3A_199 : memref<1x80xi32, #tpu.memory_space<vmem>> -> memref<80xi32, #tpu.memory_space<vmem>>
        %dma_wait3A_201 = arith.constant 0 : i32
        %dma_wait3A_202 = tpu.memref_slice %arg4[%dma_wait3A_201] : memref<322560xi32, #tpu.memory_space<hbm>> -> memref<80xi32, #tpu.memory_space<hbm>>
        %dma_wait3A_203 = arith.constant 0 : i32
        %dma_wait3A_204 = tpu.memref_slice %arg7[%dma_wait3A_197, %dma_wait3A_203] : memref<1x80xi32, #tpu.memory_space<vmem>> -> memref<1x80xi32, #tpu.memory_space<vmem>>
        %dma_wait3A_205 = tpu.memref_squeeze %dma_wait3A_204 : memref<1x80xi32, #tpu.memory_space<vmem>> -> memref<80xi32, #tpu.memory_space<vmem>>
        %dma_wait3A_206 = arith.constant 0 : i32
        %dma_wait3A_207 = tpu.memref_slice %arg4[%dma_wait3A_206] : memref<322560xi32, #tpu.memory_space<hbm>> -> memref<80xi32, #tpu.memory_space<hbm>>
        tpu.wait_dma2 semaphore(%arg13 : memref<!tpu.dma_semaphore, #tpu.memory_space<semaphore_mem>>) src(%dma_wait3A_207 : memref<80xi32, #tpu.memory_space<hbm>>) dst(%dma_wait3A_205 : memref<80xi32, #tpu.memory_space<vmem>>)
        %dma_start3A_208 = arith.constant 0 : i32
        %dma_start3A_209 = arith.constant 0 : i32
        %dma_start3A_210 = tpu.memref_slice %arg6[%dma_start3A_208, %dma_start3A_209] : memref<1x80xi32, #tpu.memory_space<vmem>> -> memref<1x80xi32, #tpu.memory_space<vmem>>
        %dma_start3A_211 = tpu.memref_squeeze %dma_start3A_210 : memref<1x80xi32, #tpu.memory_space<vmem>> -> memref<80xi32, #tpu.memory_space<vmem>>
        %dma_start3A_212 = arith.constant 0 : i32
        %dma_start3A_213 = arith.constant 0 : i32
        %dma_start3A_214 = tpu.memref_slice %arg2[%dma_start3A_212, %dma_start3A_213] : memref<10240x128xf32, #tpu.memory_space<hbm>> -> memref<10240x128xf32, #tpu.memory_space<hbm>>
        tpu.enqueue_indirect_dma source(%dma_start3A_214 : memref<10240x128xf32, #tpu.memory_space<hbm>>) target(%arg10 : memref<80x128xf32, #tpu.memory_space<vmem>>) offsets(%dma_start3A_211 : memref<80xi32, #tpu.memory_space<vmem>>) semaphore(%arg15 : memref<!tpu.dma_semaphore, #tpu.memory_space<semaphore_mem>>)
      } else {
      }
      %dma_wait3A_173 = arith.constant 0 : i32
      %dma_wait3A_174 = arith.constant 0 : i32
      %dma_wait3A_175 = tpu.memref_slice %arg12[%dma_wait3A_173, %dma_wait3A_174] : memref<10240x128xf32, #tpu.memory_space<vmem_shared>> -> memref<80x128xf32, #tpu.memory_space<vmem_shared>>
      %dma_wait3A_176 = arith.constant 0 : i32
      %dma_wait3A_177 = arith.constant 0 : i32
      %dma_wait3A_178 = tpu.memref_slice %arg12[%dma_wait3A_176, %dma_wait3A_177] : memref<10240x128xf32, #tpu.memory_space<vmem_shared>> -> memref<80x128xf32, #tpu.memory_space<vmem_shared>>
      tpu.wait_dma2 semaphore(%arg18 : memref<!tpu.dma_semaphore, #tpu.memory_space<semaphore_mem>>) src(%arg11 : memref<80x128xf32, #tpu.memory_space<vmem>>) dst(%dma_wait3A_178 : memref<80x128xf32, #tpu.memory_space<vmem_shared>>)
      %add3A_179 = arith.constant 3 : i32
      %add3A_180 = arith.addi %add3A_100, %add3A_179 : i32
      %lt3A_181 = arith.constant 126 : i32
      %lt3A_182 = arith.cmpi slt, %add3A_180, %lt3A_181 : i32
      %convert_element_type3A_183 = arith.extui %lt3A_182 : i1 to i32
      %cond3A_184 = arith.constant 0 : i32
      %cond3A_185 = arith.cmpi ne, %convert_element_type3A_183, %cond3A_184 : i32
      scf.if %cond3A_185 {
        %add3A_186 = arith.constant 3 : i32
        %add3A_187 = arith.addi %add3A_100, %add3A_186 : i32
        %mul3A_188 = arith.constant 80 : i32
        %mul3A_189 = arith.muli %add3A_187, %mul3A_188 : i32
        %add3A_190 = arith.addi %mul3A_4, %mul3A_189 : i32
        %dma_start3A_191 = arith.constant 0 : i32
        %dma_start3A_192 = arith.constant 0 : i32
        %dma_start3A_193 = tpu.memref_slice %arg8[%dma_start3A_191, %dma_start3A_192] : memref<1x80xi32, #tpu.memory_space<vmem>> -> memref<1x80xi32, #tpu.memory_space<vmem>>
        %dma_start3A_194 = tpu.memref_squeeze %dma_start3A_193 : memref<1x80xi32, #tpu.memory_space<vmem>> -> memref<80xi32, #tpu.memory_space<vmem>>
        %dma_start3A_195 = tpu.memref_slice %arg3[%add3A_190] : memref<322560xi32, #tpu.memory_space<hbm>> -> memref<80xi32, #tpu.memory_space<hbm>>
        %dma_start3A_196 = arith.constant 0 : i32
        %dma_start3A_197 = tpu.memref_slice %arg8[%dma_start3A_191, %dma_start3A_196] : memref<1x80xi32, #tpu.memory_space<vmem>> -> memref<1x80xi32, #tpu.memory_space<vmem>>
        %dma_start3A_198 = tpu.memref_squeeze %dma_start3A_197 : memref<1x80xi32, #tpu.memory_space<vmem>> -> memref<80xi32, #tpu.memory_space<vmem>>
        %dma_start3A_199 = tpu.memref_slice %arg3[%add3A_190] : memref<322560xi32, #tpu.memory_space<hbm>> -> memref<80xi32, #tpu.memory_space<hbm>>
        tpu.enqueue_dma source(%dma_start3A_199 : memref<80xi32, #tpu.memory_space<hbm>>) target(%dma_start3A_198 : memref<80xi32, #tpu.memory_space<vmem>>) target_semaphore(%arg14 : memref<!tpu.dma_semaphore, #tpu.memory_space<semaphore_mem>>)
        %mul3A_200 = arith.constant 80 : i32
        %mul3A_201 = arith.muli %add3A_187, %mul3A_200 : i32
        %add3A_202 = arith.addi %mul3A_4, %mul3A_201 : i32
        %dma_start3A_203 = arith.constant 0 : i32
        %dma_start3A_204 = arith.constant 0 : i32
        %dma_start3A_205 = tpu.memref_slice %arg9[%dma_start3A_203, %dma_start3A_204] : memref<1x80xi32, #tpu.memory_space<vmem>> -> memref<1x80xi32, #tpu.memory_space<vmem>>
        %dma_start3A_206 = tpu.memref_squeeze %dma_start3A_205 : memref<1x80xi32, #tpu.memory_space<vmem>> -> memref<80xi32, #tpu.memory_space<vmem>>
        %dma_start3A_207 = tpu.memref_slice %arg4[%add3A_202] : memref<322560xi32, #tpu.memory_space<hbm>> -> memref<80xi32, #tpu.memory_space<hbm>>
        %dma_start3A_208 = arith.constant 0 : i32
        %dma_start3A_209 = tpu.memref_slice %arg9[%dma_start3A_203, %dma_start3A_208] : memref<1x80xi32, #tpu.memory_space<vmem>> -> memref<1x80xi32, #tpu.memory_space<vmem>>
        %dma_start3A_210 = tpu.memref_squeeze %dma_start3A_209 : memref<1x80xi32, #tpu.memory_space<vmem>> -> memref<80xi32, #tpu.memory_space<vmem>>
        %dma_start3A_211 = tpu.memref_slice %arg4[%add3A_202] : memref<322560xi32, #tpu.memory_space<hbm>> -> memref<80xi32, #tpu.memory_space<hbm>>
        tpu.enqueue_dma source(%dma_start3A_211 : memref<80xi32, #tpu.memory_space<hbm>>) target(%dma_start3A_210 : memref<80xi32, #tpu.memory_space<vmem>>) target_semaphore(%arg14 : memref<!tpu.dma_semaphore, #tpu.memory_space<semaphore_mem>>)
      } else {
      }
    }
    %scan3A_91 = arith.constant 63 : i32
    %barrier3A_92 = arith.constant 0 : index
    tpu.barrier barrier_id(%barrier3A_92)
    %mul3A_93 = arith.constant 10240 : i32
    %mul3A_94 = arith.muli %arg0, %mul3A_93 : i32
    %add3A_95 = arith.addi %mul3A_94, %mul3A_53 : i32
    "tpu.region"() ({
      %run_scoped3A = tpu.sem_alloc : memref<!tpu.dma_semaphore, #tpu.memory_space<semaphore_mem>>
      %dma_start3A_96 = arith.constant 0 : i32
      %dma_start3A_97 = tpu.memref_slice %arg5[%add3A_95, %dma_start3A_96] : memref<20480x128xf32, #tpu.memory_space<hbm>> -> memref<640x128xf32, #tpu.memory_space<hbm>>
      %dma_start3A_98 = arith.constant 0 : i32
      %dma_start3A_99 = tpu.memref_slice %arg12[%mul3A_53, %dma_start3A_98] : memref<10240x128xf32, #tpu.memory_space<vmem_shared>> -> memref<640x128xf32, #tpu.memory_space<vmem_shared>>
      tpu.enqueue_dma source(%dma_start3A_99 : memref<640x128xf32, #tpu.memory_space<vmem_shared>>) target(%dma_start3A_97 : memref<640x128xf32, #tpu.memory_space<hbm>>) target_semaphore(%run_scoped3A : memref<!tpu.dma_semaphore, #tpu.memory_space<semaphore_mem>>)
      %dma_wait3A_100 = arith.constant 0 : i32
      %dma_wait3A_101 = tpu.memref_slice %arg5[%add3A_95, %dma_wait3A_100] : memref<20480x128xf32, #tpu.memory_space<hbm>> -> memref<640x128xf32, #tpu.memory_space<hbm>>
      %dma_wait3A_102 = arith.constant 0 : i32
      %dma_wait3A_103 = tpu.memref_slice %arg12[%mul3A_53, %dma_wait3A_102] : memref<10240x128xf32, #tpu.memory_space<vmem_shared>> -> memref<640x128xf32, #tpu.memory_space<vmem_shared>>
      tpu.wait_dma2 semaphore(%run_scoped3A : memref<!tpu.dma_semaphore, #tpu.memory_space<semaphore_mem>>) src(%dma_wait3A_103 : memref<640x128xf32, #tpu.memory_space<vmem_shared>>) dst(%dma_wait3A_101 : memref<640x128xf32, #tpu.memory_space<hbm>>)
      tpu.yield
    }) : () -> ()
    return
  }
}

#map = affine_map<(d0, d1) -> (0, 0)>
#map1 = affine_map<(d0, d1) -> (0)>
module attributes {stable_mosaic.version = 14 : i64} {
  func.func @apply_kernel(%arg0: i32, %arg1: i32, %arg2: memref<10240x128xf32, #tpu.memory_space<hbm>>, %arg3: memref<322560xi32, #tpu.memory_space<hbm>>, %arg4: memref<322560xi32, #tpu.memory_space<hbm>>, %arg5: memref<20480x128xf32, #tpu.memory_space<hbm>>, %arg6: memref<1x80xi32, #tpu.memory_space<vmem>>, %arg7: memref<1x80xi32, #tpu.memory_space<vmem>>, %arg8: memref<1x80xi32, #tpu.memory_space<vmem>>, %arg9: memref<1x80xi32, #tpu.memory_space<vmem>>, %arg10: memref<80x128xf32, #tpu.memory_space<vmem>>, %arg11: memref<80x128xf32, #tpu.memory_space<vmem>>, %arg12: memref<10240x128xf32, #tpu.memory_space<vmem_shared>>, %arg13: memref<!tpu.dma_semaphore, #tpu.memory_space<semaphore_mem>>, %arg14: memref<!tpu.dma_semaphore, #tpu.memory_space<semaphore_mem>>, %arg15: memref<!tpu.dma_semaphore, #tpu.memory_space<semaphore_mem>>, %arg16: memref<!tpu.dma_semaphore, #tpu.memory_space<semaphore_mem>>, %arg17: memref<!tpu.dma_semaphore, #tpu.memory_space<semaphore_mem>>, %arg18: memref<!tpu.dma_semaphore, #tpu.memory_space<semaphore_mem>>) attributes {dimension_semantics = [#tpu.dimension_semantics<core_parallel>, #tpu.dimension_semantics<subcore_parallel>], iteration_bounds = array<i64: 2, 16>, scalar_prefetch = 0 : i64, scratch_operands = 13 : i64, tpu.core_type = #tpu.core_type<sc_vector_subcore>, window_params = [{transform_indices = #map}, {transform_indices = #map1}, {transform_indices = #map1}, {transform_indices = #map}]} {
    %mul3A = arith.constant 16 : i32
    %mul3A_0 = arith.muli %arg0, %mul3A : i32
    %add3A = arith.addi %mul3A_0, %arg1 : i32
    %mul3A_1 = arith.constant 126 : i32
    %mul3A_2 = arith.muli %add3A, %mul3A_1 : i32
    %mul3A_3 = arith.constant 80 : i32
    %mul3A_4 = arith.muli %mul3A_2, %mul3A_3 : i32
    %add3A_5 = arith.constant 0 : i32
    %add3A_6 = arith.addi %mul3A_4, %add3A_5 : i32
    %dma_start3A = arith.constant 0 : i32
    %dma_start3A_7 = arith.constant 0 : i32
    %dma_start3A_8 = tpu.memref_slice %arg6[%dma_start3A, %dma_start3A_7] : memref<1x80xi32, #tpu.memory_space<vmem>> -> memref<1x80xi32, #tpu.memory_space<vmem>>
    %dma_start3A_9 = tpu.memref_squeeze %dma_start3A_8 : memref<1x80xi32, #tpu.memory_space<vmem>> -> memref<80xi32, #tpu.memory_space<vmem>>
    %dma_start3A_10 = tpu.memref_slice %arg3[%add3A_6] : memref<322560xi32, #tpu.memory_space<hbm>> -> memref<80xi32, #tpu.memory_space<hbm>>
    %dma_start3A_11 = arith.constant 0 : i32
    %dma_start3A_12 = tpu.memref_slice %arg6[%dma_start3A, %dma_start3A_11] : memref<1x80xi32, #tpu.memory_space<vmem>> -> memref<1x80xi32, #tpu.memory_space<vmem>>
    %dma_start3A_13 = tpu.memref_squeeze %dma_start3A_12 : memref<1x80xi32, #tpu.memory_space<vmem>> -> memref<80xi32, #tpu.memory_space<vmem>>
    %dma_start3A_14 = tpu.memref_slice %arg3[%add3A_6] : memref<322560xi32, #tpu.memory_space<hbm>> -> memref<80xi32, #tpu.memory_space<hbm>>
    tpu.enqueue_dma source(%dma_start3A_14 : memref<80xi32, #tpu.memory_space<hbm>>) target(%dma_start3A_13 : memref<80xi32, #tpu.memory_space<vmem>>) target_semaphore(%arg13 : memref<!tpu.dma_semaphore, #tpu.memory_space<semaphore_mem>>)
    %add3A_15 = arith.constant 0 : i32
    %add3A_16 = arith.addi %mul3A_4, %add3A_15 : i32
    %dma_start3A_17 = arith.constant 0 : i32
    %dma_start3A_18 = arith.constant 0 : i32
    %dma_start3A_19 = tpu.memref_slice %arg7[%dma_start3A_17, %dma_start3A_18] : memref<1x80xi32, #tpu.memory_space<vmem>> -> memref<1x80xi32, #tpu.memory_space<vmem>>
    %dma_start3A_20 = tpu.memref_squeeze %dma_start3A_19 : memref<1x80xi32, #tpu.memory_space<vmem>> -> memref<80xi32, #tpu.memory_space<vmem>>
    %dma_start3A_21 = tpu.memref_slice %arg4[%add3A_16] : memref<322560xi32, #tpu.memory_space<hbm>> -> memref<80xi32, #tpu.memory_space<hbm>>
    %dma_start3A_22 = arith.constant 0 : i32
    %dma_start3A_23 = tpu.memref_slice %arg7[%dma_start3A_17, %dma_start3A_22] : memref<1x80xi32, #tpu.memory_space<vmem>> -> memref<1x80xi32, #tpu.memory_space<vmem>>
    %dma_start3A_24 = tpu.memref_squeeze %dma_start3A_23 : memref<1x80xi32, #tpu.memory_space<vmem>> -> memref<80xi32, #tpu.memory_space<vmem>>
    %dma_start3A_25 = tpu.memref_slice %arg4[%add3A_16] : memref<322560xi32, #tpu.memory_space<hbm>> -> memref<80xi32, #tpu.memory_space<hbm>>
    tpu.enqueue_dma source(%dma_start3A_25 : memref<80xi32, #tpu.memory_space<hbm>>) target(%dma_start3A_24 : memref<80xi32, #tpu.memory_space<vmem>>) target_semaphore(%arg13 : memref<!tpu.dma_semaphore, #tpu.memory_space<semaphore_mem>>)
    %add3A_26 = arith.constant 80 : i32
    %add3A_27 = arith.addi %mul3A_4, %add3A_26 : i32
    %dma_start3A_28 = arith.constant 0 : i32
    %dma_start3A_29 = arith.constant 0 : i32
    %dma_start3A_30 = tpu.memref_slice %arg8[%dma_start3A_28, %dma_start3A_29] : memref<1x80xi32, #tpu.memory_space<vmem>> -> memref<1x80xi32, #tpu.memory_space<vmem>>
    %dma_start3A_31 = tpu.memref_squeeze %dma_start3A_30 : memref<1x80xi32, #tpu.memory_space<vmem>> -> memref<80xi32, #tpu.memory_space<vmem>>
    %dma_start3A_32 = tpu.memref_slice %arg3[%add3A_27] : memref<322560xi32, #tpu.memory_space<hbm>> -> memref<80xi32, #tpu.memory_space<hbm>>
    %dma_start3A_33 = arith.constant 0 : i32
    %dma_start3A_34 = tpu.memref_slice %arg8[%dma_start3A_28, %dma_start3A_33] : memref<1x80xi32, #tpu.memory_space<vmem>> -> memref<1x80xi32, #tpu.memory_space<vmem>>
    %dma_start3A_35 = tpu.memref_squeeze %dma_start3A_34 : memref<1x80xi32, #tpu.memory_space<vmem>> -> memref<80xi32, #tpu.memory_space<vmem>>
    %dma_start3A_36 = tpu.memref_slice %arg3[%add3A_27] : memref<322560xi32, #tpu.memory_space<hbm>> -> memref<80xi32, #tpu.memory_space<hbm>>
    tpu.enqueue_dma source(%dma_start3A_36 : memref<80xi32, #tpu.memory_space<hbm>>) target(%dma_start3A_35 : memref<80xi32, #tpu.memory_space<vmem>>) target_semaphore(%arg14 : memref<!tpu.dma_semaphore, #tpu.memory_space<semaphore_mem>>)
    %add3A_37 = arith.constant 80 : i32
    %add3A_38 = arith.addi %mul3A_4, %add3A_37 : i32
    %dma_start3A_39 = arith.constant 0 : i32
    %dma_start3A_40 = arith.constant 0 : i32
    %dma_start3A_41 = tpu.memref_slice %arg9[%dma_start3A_39, %dma_start3A_40] : memref<1x80xi32, #tpu.memory_space<vmem>> -> memref<1x80xi32, #tpu.memory_space<vmem>>
    %dma_start3A_42 = tpu.memref_squeeze %dma_start3A_41 : memref<1x80xi32, #tpu.memory_space<vmem>> -> memref<80xi32, #tpu.memory_space<vmem>>
    %dma_start3A_43 = tpu.memref_slice %arg4[%add3A_38] : memref<322560xi32, #tpu.memory_space<hbm>> -> memref<80xi32, #tpu.memory_space<hbm>>
    %dma_start3A_44 = arith.constant 0 : i32
    %dma_start3A_45 = tpu.memref_slice %arg9[%dma_start3A_39, %dma_start3A_44] : memref<1x80xi32, #tpu.memory_space<vmem>> -> memref<1x80xi32, #tpu.memory_space<vmem>>
    %dma_start3A_46 = tpu.memref_squeeze %dma_start3A_45 : memref<1x80xi32, #tpu.memory_space<vmem>> -> memref<80xi32, #tpu.memory_space<vmem>>
    %dma_start3A_47 = tpu.memref_slice %arg4[%add3A_38] : memref<322560xi32, #tpu.memory_space<hbm>> -> memref<80xi32, #tpu.memory_space<hbm>>
    tpu.enqueue_dma source(%dma_start3A_47 : memref<80xi32, #tpu.memory_space<hbm>>) target(%dma_start3A_46 : memref<80xi32, #tpu.memory_space<vmem>>) target_semaphore(%arg14 : memref<!tpu.dma_semaphore, #tpu.memory_space<semaphore_mem>>)
    %scan3A = arith.constant 0 : i32
    %scan3A_48 = arith.constant 80 : i32
    %scan3A_49 = arith.addi %scan3A, %scan3A_48 : i32
    %scan3A_50 = arith.constant 1 : i32
    scf.for %scan3A_96 = %scan3A to %scan3A_49 step %scan3A_50  : i32 {
      %mul3A_97 = arith.constant 1 : i32
      %mul3A_98 = arith.muli %scan3A_96, %mul3A_97 : i32
      %add3A_99 = arith.constant 0 : i32
      %add3A_100 = arith.addi %add3A_99, %mul3A_98 : i32
      %scan3A_101 = arith.constant 0 : i32
      %scan3A_102 = arith.constant 8 : i32
      %scan3A_103 = arith.addi %scan3A_101, %scan3A_102 : i32
      %scan3A_104 = arith.constant 1 : i32
      scf.for %scan3A_106 = %scan3A_101 to %scan3A_103 step %scan3A_104  : i32 {
        %mul3A_107 = arith.constant 16 : i32
        %mul3A_108 = arith.muli %scan3A_106, %mul3A_107 : i32
        %add3A_109 = arith.constant 0 : i32
        %add3A_110 = arith.addi %add3A_109, %mul3A_108 : i32
        %broadcast_in_dim3A = arith.constant 0.000000e+00 : f32
        %broadcast_in_dim3A_111 = vector.broadcast %broadcast_in_dim3A : f32 to vector<16xf32>
        %swap3A = arith.index_cast %add3A_100 : i32 to index
        %swap3A_112 = arith.index_cast %add3A_110 : i32 to index
        %swap3A_113 = tpu.vector_load %arg10[%swap3A, %swap3A_112] {strides = array<i32>} : memref<80x128xf32, #tpu.memory_space<vmem>>, vector<16xf32>,
        tpu.vector_store %arg10[%swap3A, %swap3A_112], %broadcast_in_dim3A_111 {strides = array<i32>} : memref<80x128xf32, #tpu.memory_space<vmem>>, vector<16xf32>,
      }
      %scan3A_105 = arith.constant 8 : i32
    }
    %scan3A_51 = arith.constant 80 : i32
    %mul3A_52 = arith.constant 640 : i32
    %mul3A_53 = arith.muli %arg1, %mul3A_52 : i32
    %scan3A_54 = arith.constant 0 : i32
    %scan3A_55 = arith.constant 8 : i32
    %scan3A_56 = arith.addi %scan3A_54, %scan3A_55 : i32
    %scan3A_57 = arith.constant 1 : i32
    scf.for %scan3A_96 = %scan3A_54 to %scan3A_56 step %scan3A_57  : i32 {
      %mul3A_97 = arith.constant 80 : i32
      %mul3A_98 = arith.muli %scan3A_96, %mul3A_97 : i32
      %add3A_99 = arith.constant 0 : i32
      %add3A_100 = arith.addi %add3A_99, %mul3A_98 : i32
      %add3A_101 = arith.addi %mul3A_53, %add3A_100 : i32
      "tpu.region"() ({
        %run_scoped3A = tpu.sem_alloc : memref<!tpu.dma_semaphore, #tpu.memory_space<semaphore_mem>>
        %dma_start3A_102 = arith.constant 0 : i32
        %dma_start3A_103 = tpu.memref_slice %arg12[%add3A_101, %dma_start3A_102] : memref<10240x128xf32, #tpu.memory_space<vmem_shared>> -> memref<80x128xf32, #tpu.memory_space<vmem_shared>>
        %dma_start3A_104 = arith.constant 0 : i32
        %dma_start3A_105 = tpu.memref_slice %arg12[%add3A_101, %dma_start3A_104] : memref<10240x128xf32, #tpu.memory_space<vmem_shared>> -> memref<80x128xf32, #tpu.memory_space<vmem_shared>>
        tpu.enqueue_dma source(%arg10 : memref<80x128xf32, #tpu.memory_space<vmem>>) target(%dma_start3A_105 : memref<80x128xf32, #tpu.memory_space<vmem_shared>>) target_semaphore(%run_scoped3A : memref<!tpu.dma_semaphore, #tpu.memory_space<semaphore_mem>>)
        %dma_wait3A_106 = arith.constant 0 : i32
        %dma_wait3A_107 = tpu.memref_slice %arg12[%add3A_101, %dma_wait3A_106] : memref<10240x128xf32, #tpu.memory_space<vmem_shared>> -> memref<80x128xf32, #tpu.memory_space<vmem_shared>>
        %dma_wait3A_108 = arith.constant 0 : i32
        %dma_wait3A_109 = tpu.memref_slice %arg12[%add3A_101, %dma_wait3A_108] : memref<10240x128xf32, #tpu.memory_space<vmem_shared>> -> memref<80x128xf32, #tpu.memory_space<vmem_shared>>
        tpu.wait_dma2 semaphore(%run_scoped3A : memref<!tpu.dma_semaphore, #tpu.memory_space<semaphore_mem>>) src(%arg10 : memref<80x128xf32, #tpu.memory_space<vmem>>) dst(%dma_wait3A_109 : memref<80x128xf32, #tpu.memory_space<vmem_shared>>)
        tpu.yield
      }) : () -> ()
    }
    %scan3A_58 = arith.constant 8 : i32
    %barrier3A = arith.constant 0 : index
    tpu.barrier barrier_id(%barrier3A)
    %dma_wait3A = arith.constant 0 : i32
    %dma_wait3A_59 = arith.constant 0 : i32
    %dma_wait3A_60 = tpu.memref_slice %arg6[%dma_wait3A, %dma_wait3A_59] : memref<1x80xi32, #tpu.memory_space<vmem>> -> memref<1x80xi32, #tpu.memory_space<vmem>>
    %dma_wait3A_61 = tpu.memref_squeeze %dma_wait3A_60 : memref<1x80xi32, #tpu.memory_space<vmem>> -> memref<80xi32, #tpu.memory_space<vmem>>
    %dma_wait3A_62 = arith.constant 0 : i32
    %dma_wait3A_63 = tpu.memref_slice %arg3[%dma_wait3A_62] : memref<322560xi32, #tpu.memory_space<hbm>> -> memref<80xi32, #tpu.memory_space<hbm>>
    %dma_wait3A_64 = arith.constant 0 : i32
    %dma_wait3A_65 = tpu.memref_slice %arg6[%dma_wait3A, %dma_wait3A_64] : memref<1x80xi32, #tpu.memory_space<vmem>> -> memref<1x80xi32, #tpu.memory_space<vmem>>
    %dma_wait3A_66 = tpu.memref_squeeze %dma_wait3A_65 : memref<1x80xi32, #tpu.memory_space<vmem>> -> memref<80xi32, #tpu.memory_space<vmem>>
    %dma_wait3A_67 = arith.constant 0 : i32
    %dma_wait3A_68 = tpu.memref_slice %arg3[%dma_wait3A_67] : memref<322560xi32, #tpu.memory_space<hbm>> -> memref<80xi32, #tpu.memory_space<hbm>>
    tpu.wait_dma2 semaphore(%arg13 : memref<!tpu.dma_semaphore, #tpu.memory_space<semaphore_mem>>) src(%dma_wait3A_68 : memref<80xi32, #tpu.memory_space<hbm>>) dst(%dma_wait3A_66 : memref<80xi32, #tpu.memory_space<vmem>>)
    %dma_wait3A_69 = arith.constant 0 : i32
    %dma_wait3A_70 = arith.constant 0 : i32
    %dma_wait3A_71 = tpu.memref_slice %arg7[%dma_wait3A_69, %dma_wait3A_70] : memref<1x80xi32, #tpu.memory_space<vmem>> -> memref<1x80xi32, #tpu.memory_space<vmem>>
    %dma_wait3A_72 = tpu.memref_squeeze %dma_wait3A_71 : memref<1x80xi32, #tpu.memory_space<vmem>> -> memref<80xi32, #tpu.memory_space<vmem>>
    %dma_wait3A_73 = arith.constant 0 : i32
    %dma_wait3A_74 = tpu.memref_slice %arg4[%dma_wait3A_73] : memref<322560xi32, #tpu.memory_space<hbm>> -> memref<80xi32, #tpu.memory_space<hbm>>
    %dma_wait3A_75 = arith.constant 0 : i32
    %dma_wait3A_76 = tpu.memref_slice %arg7[%dma_wait3A_69, %dma_wait3A_75] : memref<1x80xi32, #tpu.memory_space<vmem>> -> memref<1x80xi32, #tpu.memory_space<vmem>>
    %dma_wait3A_77 = tpu.memref_squeeze %dma_wait3A_76 : memref<1x80xi32, #tpu.memory_space<vmem>> -> memref<80xi32, #tpu.memory_space<vmem>>
    %dma_wait3A_78 = arith.constant 0 : i32
    %dma_wait3A_79 = tpu.memref_slice %arg4[%dma_wait3A_78] : memref<322560xi32, #tpu.memory_space<hbm>> -> memref<80xi32, #tpu.memory_space<hbm>>
    tpu.wait_dma2 semaphore(%arg13 : memref<!tpu.dma_semaphore, #tpu.memory_space<semaphore_mem>>) src(%dma_wait3A_79 : memref<80xi32, #tpu.memory_space<hbm>>) dst(%dma_wait3A_77 : memref<80xi32, #tpu.memory_space<vmem>>)
    %dma_start3A_80 = arith.constant 0 : i32
    %dma_start3A_81 = arith.constant 0 : i32
    %dma_start3A_82 = tpu.memref_slice %arg6[%dma_start3A_80, %dma_start3A_81] : memref<1x80xi32, #tpu.memory_space<vmem>> -> memref<1x80xi32, #tpu.memory_space<vmem>>
    %dma_start3A_83 = tpu.memref_squeeze %dma_start3A_82 : memref<1x80xi32, #tpu.memory_space<vmem>> -> memref<80xi32, #tpu.memory_space<vmem>>
    %dma_start3A_84 = arith.constant 0 : i32
    %dma_start3A_85 = arith.constant 0 : i32
    %dma_start3A_86 = tpu.memref_slice %arg2[%dma_start3A_84, %dma_start3A_85] : memref<10240x128xf32, #tpu.memory_space<hbm>> -> memref<10240x128xf32, #tpu.memory_space<hbm>>
    tpu.enqueue_indirect_dma source(%dma_start3A_86 : memref<10240x128xf32, #tpu.memory_space<hbm>>) target(%arg10 : memref<80x128xf32, #tpu.memory_space<vmem>>) offsets(%dma_start3A_83 : memref<80xi32, #tpu.memory_space<vmem>>) semaphore(%arg15 : memref<!tpu.dma_semaphore, #tpu.memory_space<semaphore_mem>>)
    %scan3A_87 = arith.constant 0 : i32
    %scan3A_88 = arith.constant 63 : i32
    %scan3A_89 = arith.addi %scan3A_87, %scan3A_88 : i32
    %scan3A_90 = arith.constant 1 : i32
    scf.for %scan3A_96 = %scan3A_87 to %scan3A_89 step %scan3A_90  : i32 {
      %mul3A_97 = arith.constant 2 : i32
      %mul3A_98 = arith.muli %scan3A_96, %mul3A_97 : i32
      %add3A_99 = arith.constant 0 : i32
      %add3A_100 = arith.addi %add3A_99, %mul3A_98 : i32
      %dma_wait3A_101 = arith.constant 0 : i32
      %dma_wait3A_102 = arith.constant 0 : i32
      %dma_wait3A_103 = tpu.memref_slice %arg2[%dma_wait3A_101, %dma_wait3A_102] : memref<10240x128xf32, #tpu.memory_space<hbm>> -> memref<80x128xf32, #tpu.memory_space<hbm>>
      %dma_wait3A_104 = arith.constant 0 : i32
      %dma_wait3A_105 = arith.constant 0 : i32
      %dma_wait3A_106 = tpu.memref_slice %arg2[%dma_wait3A_104, %dma_wait3A_105] : memref<10240x128xf32, #tpu.memory_space<hbm>> -> memref<80x128xf32, #tpu.memory_space<hbm>>
      tpu.wait_dma2 semaphore(%arg15 : memref<!tpu.dma_semaphore, #tpu.memory_space<semaphore_mem>>) src(%dma_wait3A_106 : memref<80x128xf32, #tpu.memory_space<hbm>>) dst(%arg10 : memref<80x128xf32, #tpu.memory_space<vmem>>)
      %dma_start3A_107 = arith.constant 0 : i32
      %dma_start3A_108 = arith.constant 0 : i32
      %dma_start3A_109 = tpu.memref_slice %arg7[%dma_start3A_107, %dma_start3A_108] : memref<1x80xi32, #tpu.memory_space<vmem>> -> memref<1x80xi32, #tpu.memory_space<vmem>>
      %dma_start3A_110 = tpu.memref_squeeze %dma_start3A_109 : memref<1x80xi32, #tpu.memory_space<vmem>> -> memref<80xi32, #tpu.memory_space<vmem>>
      %dma_start3A_111 = arith.constant 0 : i32
      %dma_start3A_112 = arith.constant 0 : i32
      %dma_start3A_113 = tpu.memref_slice %arg12[%dma_start3A_111, %dma_start3A_112] : memref<10240x128xf32, #tpu.memory_space<vmem_shared>> -> memref<10240x128xf32, #tpu.memory_space<vmem_shared>>
      tpu.enqueue_indirect_dma source(%arg10 : memref<80x128xf32, #tpu.memory_space<vmem>>) target(%dma_start3A_113 : memref<10240x128xf32, #tpu.memory_space<vmem_shared>>) offsets(%dma_start3A_110 : memref<80xi32, #tpu.memory_space<vmem>>) semaphore(%arg17 : memref<!tpu.dma_semaphore, #tpu.memory_space<semaphore_mem>>) {add = true}
      %dma_wait3A_114 = arith.constant 0 : i32
      %dma_wait3A_115 = arith.constant 0 : i32
      %dma_wait3A_116 = tpu.memref_slice %arg8[%dma_wait3A_114, %dma_wait3A_115] : memref<1x80xi32, #tpu.memory_space<vmem>> -> memref<1x80xi32, #tpu.memory_space<vmem>>
      %dma_wait3A_117 = tpu.memref_squeeze %dma_wait3A_116 : memref<1x80xi32, #tpu.memory_space<vmem>> -> memref<80xi32, #tpu.memory_space<vmem>>
      %dma_wait3A_118 = arith.constant 0 : i32
      %dma_wait3A_119 = tpu.memref_slice %arg3[%dma_wait3A_118] : memref<322560xi32, #tpu.memory_space<hbm>> -> memref<80xi32, #tpu.memory_space<hbm>>
      %dma_wait3A_120 = arith.constant 0 : i32
      %dma_wait3A_121 = tpu.memref_slice %arg8[%dma_wait3A_114, %dma_wait3A_120] : memref<1x80xi32, #tpu.memory_space<vmem>> -> memref<1x80xi32, #tpu.memory_space<vmem>>
      %dma_wait3A_122 = tpu.memref_squeeze %dma_wait3A_121 : memref<1x80xi32, #tpu.memory_space<vmem>> -> memref<80xi32, #tpu.memory_space<vmem>>
      %dma_wait3A_123 = arith.constant 0 : i32
      %dma_wait3A_124 = tpu.memref_slice %arg3[%dma_wait3A_123] : memref<322560xi32, #tpu.memory_space<hbm>> -> memref<80xi32, #tpu.memory_space<hbm>>
      tpu.wait_dma2 semaphore(%arg14 : memref<!tpu.dma_semaphore, #tpu.memory_space<semaphore_mem>>) src(%dma_wait3A_124 : memref<80xi32, #tpu.memory_space<hbm>>) dst(%dma_wait3A_122 : memref<80xi32, #tpu.memory_space<vmem>>)
      %dma_wait3A_125 = arith.constant 0 : i32
      %dma_wait3A_126 = arith.constant 0 : i32
      %dma_wait3A_127 = tpu.memref_slice %arg9[%dma_wait3A_125, %dma_wait3A_126] : memref<1x80xi32, #tpu.memory_space<vmem>> -> memref<1x80xi32, #tpu.memory_space<vmem>>
      %dma_wait3A_128 = tpu.memref_squeeze %dma_wait3A_127 : memref<1x80xi32, #tpu.memory_space<vmem>> -> memref<80xi32, #tpu.memory_space<vmem>>
      %dma_wait3A_129 = arith.constant 0 : i32
      %dma_wait3A_130 = tpu.memref_slice %arg4[%dma_wait3A_129] : memref<322560xi32, #tpu.memory_space<hbm>> -> memref<80xi32, #tpu.memory_space<hbm>>
      %dma_wait3A_131 = arith.constant 0 : i32
      %dma_wait3A_132 = tpu.memref_slice %arg9[%dma_wait3A_125, %dma_wait3A_131] : memref<1x80xi32, #tpu.memory_space<vmem>> -> memref<1x80xi32, #tpu.memory_space<vmem>>
      %dma_wait3A_133 = tpu.memref_squeeze %dma_wait3A_132 : memref<1x80xi32, #tpu.memory_space<vmem>> -> memref<80xi32, #tpu.memory_space<vmem>>
      %dma_wait3A_134 = arith.constant 0 : i32
      %dma_wait3A_135 = tpu.memref_slice %arg4[%dma_wait3A_134] : memref<322560xi32, #tpu.memory_space<hbm>> -> memref<80xi32, #tpu.memory_space<hbm>>
      tpu.wait_dma2 semaphore(%arg14 : memref<!tpu.dma_semaphore, #tpu.memory_space<semaphore_mem>>) src(%dma_wait3A_135 : memref<80xi32, #tpu.memory_space<hbm>>) dst(%dma_wait3A_133 : memref<80xi32, #tpu.memory_space<vmem>>)
      %dma_start3A_136 = arith.constant 0 : i32
      %dma_start3A_137 = arith.constant 0 : i32
      %dma_start3A_138 = tpu.memref_slice %arg8[%dma_start3A_136, %dma_start3A_137] : memref<1x80xi32, #tpu.memory_space<vmem>> -> memref<1x80xi32, #tpu.memory_space<vmem>>
      %dma_start3A_139 = tpu.memref_squeeze %dma_start3A_138 : memref<1x80xi32, #tpu.memory_space<vmem>> -> memref<80xi32, #tpu.memory_space<vmem>>
      %dma_start3A_140 = arith.constant 0 : i32
      %dma_start3A_141 = arith.constant 0 : i32
      %dma_start3A_142 = tpu.memref_slice %arg2[%dma_start3A_140, %dma_start3A_141] : memref<10240x128xf32, #tpu.memory_space<hbm>> -> memref<10240x128xf32, #tpu.memory_space<hbm>>
      tpu.enqueue_indirect_dma source(%dma_start3A_142 : memref<10240x128xf32, #tpu.memory_space<hbm>>) target(%arg11 : memref<80x128xf32, #tpu.memory_space<vmem>>) offsets(%dma_start3A_139 : memref<80xi32, #tpu.memory_space<vmem>>) semaphore(%arg16 : memref<!tpu.dma_semaphore, #tpu.memory_space<semaphore_mem>>)
      %dma_wait3A_143 = arith.constant 0 : i32
      %dma_wait3A_144 = arith.constant 0 : i32
      %dma_wait3A_145 = tpu.memref_slice %arg12[%dma_wait3A_143, %dma_wait3A_144] : memref<10240x128xf32, #tpu.memory_space<vmem_shared>> -> memref<80x128xf32, #tpu.memory_space<vmem_shared>>
      %dma_wait3A_146 = arith.constant 0 : i32
      %dma_wait3A_147 = arith.constant 0 : i32
      %dma_wait3A_148 = tpu.memref_slice %arg12[%dma_wait3A_146, %dma_wait3A_147] : memref<10240x128xf32, #tpu.memory_space<vmem_shared>> -> memref<80x128xf32, #tpu.memory_space<vmem_shared>>
      tpu.wait_dma2 semaphore(%arg17 : memref<!tpu.dma_semaphore, #tpu.memory_space<semaphore_mem>>) src(%arg10 : memref<80x128xf32, #tpu.memory_space<vmem>>) dst(%dma_wait3A_148 : memref<80x128xf32, #tpu.memory_space<vmem_shared>>)
      %add3A_149 = arith.constant 2 : i32
      %add3A_150 = arith.addi %add3A_100, %add3A_149 : i32
      %lt3A = arith.constant 126 : i32
      %lt3A_151 = arith.cmpi slt, %add3A_150, %lt3A : i32
      %convert_element_type3A = arith.extui %lt3A_151 : i1 to i32
      %cond3A = arith.constant 0 : i32
      %cond3A_152 = arith.cmpi ne, %convert_element_type3A, %cond3A : i32
      scf.if %cond3A_152 {
        %add3A_186 = arith.constant 2 : i32
        %add3A_187 = arith.addi %add3A_100, %add3A_186 : i32
        %mul3A_188 = arith.constant 80 : i32
        %mul3A_189 = arith.muli %add3A_187, %mul3A_188 : i32
        %add3A_190 = arith.addi %mul3A_4, %mul3A_189 : i32
        %dma_start3A_191 = arith.constant 0 : i32
        %dma_start3A_192 = arith.constant 0 : i32
        %dma_start3A_193 = tpu.memref_slice %arg6[%dma_start3A_191, %dma_start3A_192] : memref<1x80xi32, #tpu.memory_space<vmem>> -> memref<1x80xi32, #tpu.memory_space<vmem>>
        %dma_start3A_194 = tpu.memref_squeeze %dma_start3A_193 : memref<1x80xi32, #tpu.memory_space<vmem>> -> memref<80xi32, #tpu.memory_space<vmem>>
        %dma_start3A_195 = tpu.memref_slice %arg3[%add3A_190] : memref<322560xi32, #tpu.memory_space<hbm>> -> memref<80xi32, #tpu.memory_space<hbm>>
        %dma_start3A_196 = arith.constant 0 : i32
        %dma_start3A_197 = tpu.memref_slice %arg6[%dma_start3A_191, %dma_start3A_196] : memref<1x80xi32, #tpu.memory_space<vmem>> -> memref<1x80xi32, #tpu.memory_space<vmem>>
        %dma_start3A_198 = tpu.memref_squeeze %dma_start3A_197 : memref<1x80xi32, #tpu.memory_space<vmem>> -> memref<80xi32, #tpu.memory_space<vmem>>
        %dma_start3A_199 = tpu.memref_slice %arg3[%add3A_190] : memref<322560xi32, #tpu.memory_space<hbm>> -> memref<80xi32, #tpu.memory_space<hbm>>
        tpu.enqueue_dma source(%dma_start3A_199 : memref<80xi32, #tpu.memory_space<hbm>>) target(%dma_start3A_198 : memref<80xi32, #tpu.memory_space<vmem>>) target_semaphore(%arg13 : memref<!tpu.dma_semaphore, #tpu.memory_space<semaphore_mem>>)
        %mul3A_200 = arith.constant 80 : i32
        %mul3A_201 = arith.muli %add3A_187, %mul3A_200 : i32
        %add3A_202 = arith.addi %mul3A_4, %mul3A_201 : i32
        %dma_start3A_203 = arith.constant 0 : i32
        %dma_start3A_204 = arith.constant 0 : i32
        %dma_start3A_205 = tpu.memref_slice %arg7[%dma_start3A_203, %dma_start3A_204] : memref<1x80xi32, #tpu.memory_space<vmem>> -> memref<1x80xi32, #tpu.memory_space<vmem>>
        %dma_start3A_206 = tpu.memref_squeeze %dma_start3A_205 : memref<1x80xi32, #tpu.memory_space<vmem>> -> memref<80xi32, #tpu.memory_space<vmem>>
        %dma_start3A_207 = tpu.memref_slice %arg4[%add3A_202] : memref<322560xi32, #tpu.memory_space<hbm>> -> memref<80xi32, #tpu.memory_space<hbm>>
        %dma_start3A_208 = arith.constant 0 : i32
        %dma_start3A_209 = tpu.memref_slice %arg7[%dma_start3A_203, %dma_start3A_208] : memref<1x80xi32, #tpu.memory_space<vmem>> -> memref<1x80xi32, #tpu.memory_space<vmem>>
        %dma_start3A_210 = tpu.memref_squeeze %dma_start3A_209 : memref<1x80xi32, #tpu.memory_space<vmem>> -> memref<80xi32, #tpu.memory_space<vmem>>
        %dma_start3A_211 = tpu.memref_slice %arg4[%add3A_202] : memref<322560xi32, #tpu.memory_space<hbm>> -> memref<80xi32, #tpu.memory_space<hbm>>
        tpu.enqueue_dma source(%dma_start3A_211 : memref<80xi32, #tpu.memory_space<hbm>>) target(%dma_start3A_210 : memref<80xi32, #tpu.memory_space<vmem>>) target_semaphore(%arg13 : memref<!tpu.dma_semaphore, #tpu.memory_space<semaphore_mem>>)
      } else {
      }
      %dma_wait3A_153 = arith.constant 0 : i32
      %dma_wait3A_154 = arith.constant 0 : i32
      %dma_wait3A_155 = tpu.memref_slice %arg2[%dma_wait3A_153, %dma_wait3A_154] : memref<10240x128xf32, #tpu.memory_space<hbm>> -> memref<80x128xf32, #tpu.memory_space<hbm>>
      %dma_wait3A_156 = arith.constant 0 : i32
      %dma_wait3A_157 = arith.constant 0 : i32
      %dma_wait3A_158 = tpu.memref_slice %arg2[%dma_wait3A_156, %dma_wait3A_157] : memref<10240x128xf32, #tpu.memory_space<hbm>> -> memref<80x128xf32, #tpu.memory_space<hbm>>
      tpu.wait_dma2 semaphore(%arg16 : memref<!tpu.dma_semaphore, #tpu.memory_space<semaphore_mem>>) src(%dma_wait3A_158 : memref<80x128xf32, #tpu.memory_space<hbm>>) dst(%arg11 : memref<80x128xf32, #tpu.memory_space<vmem>>)
      %dma_start3A_159 = arith.constant 0 : i32
      %dma_start3A_160 = arith.constant 0 : i32
      %dma_start3A_161 = tpu.memref_slice %arg9[%dma_start3A_159, %dma_start3A_160] : memref<1x80xi32, #tpu.memory_space<vmem>> -> memref<1x80xi32, #tpu.memory_space<vmem>>
      %dma_start3A_162 = tpu.memref_squeeze %dma_start3A_161 : memref<1x80xi32, #tpu.memory_space<vmem>> -> memref<80xi32, #tpu.memory_space<vmem>>
      %dma_start3A_163 = arith.constant 0 : i32
      %dma_start3A_164 = arith.constant 0 : i32
      %dma_start3A_165 = tpu.memref_slice %arg12[%dma_start3A_163, %dma_start3A_164] : memref<10240x128xf32, #tpu.memory_space<vmem_shared>> -> memref<10240x128xf32, #tpu.memory_space<vmem_shared>>
      tpu.enqueue_indirect_dma source(%arg11 : memref<80x128xf32, #tpu.memory_space<vmem>>) target(%dma_start3A_165 : memref<10240x128xf32, #tpu.memory_space<vmem_shared>>) offsets(%dma_start3A_162 : memref<80xi32, #tpu.memory_space<vmem>>) semaphore(%arg18 : memref<!tpu.dma_semaphore, #tpu.memory_space<semaphore_mem>>) {add = true}
      %add3A_166 = arith.constant 2 : i32
      %add3A_167 = arith.addi %add3A_100, %add3A_166 : i32
      %lt3A_168 = arith.constant 126 : i32
      %lt3A_169 = arith.cmpi slt, %add3A_167, %lt3A_168 : i32
      %convert_element_type3A_170 = arith.extui %lt3A_169 : i1 to i32
      %cond3A_171 = arith.constant 0 : i32
      %cond3A_172 = arith.cmpi ne, %convert_element_type3A_170, %cond3A_171 : i32
      scf.if %cond3A_172 {
        %dma_wait3A_186 = arith.constant 0 : i32
        %dma_wait3A_187 = arith.constant 0 : i32
        %dma_wait3A_188 = tpu.memref_slice %arg6[%dma_wait3A_186, %dma_wait3A_187] : memref<1x80xi32, #tpu.memory_space<vmem>> -> memref<1x80xi32, #tpu.memory_space<vmem>>
        %dma_wait3A_189 = tpu.memref_squeeze %dma_wait3A_188 : memref<1x80xi32, #tpu.memory_space<vmem>> -> memref<80xi32, #tpu.memory_space<vmem>>
        %dma_wait3A_190 = arith.constant 0 : i32
        %dma_wait3A_191 = tpu.memref_slice %arg3[%dma_wait3A_190] : memref<322560xi32, #tpu.memory_space<hbm>> -> memref<80xi32, #tpu.memory_space<hbm>>
        %dma_wait3A_192 = arith.constant 0 : i32
        %dma_wait3A_193 = tpu.memref_slice %arg6[%dma_wait3A_186, %dma_wait3A_192] : memref<1x80xi32, #tpu.memory_space<vmem>> -> memref<1x80xi32, #tpu.memory_space<vmem>>
        %dma_wait3A_194 = tpu.memref_squeeze %dma_wait3A_193 : memref<1x80xi32, #tpu.memory_space<vmem>> -> memref<80xi32, #tpu.memory_space<vmem>>
        %dma_wait3A_195 = arith.constant 0 : i32
        %dma_wait3A_196 = tpu.memref_slice %arg3[%dma_wait3A_195] : memref<322560xi32, #tpu.memory_space<hbm>> -> memref<80xi32, #tpu.memory_space<hbm>>
        tpu.wait_dma2 semaphore(%arg13 : memref<!tpu.dma_semaphore, #tpu.memory_space<semaphore_mem>>) src(%dma_wait3A_196 : memref<80xi32, #tpu.memory_space<hbm>>) dst(%dma_wait3A_194 : memref<80xi32, #tpu.memory_space<vmem>>)
        %dma_wait3A_197 = arith.constant 0 : i32
        %dma_wait3A_198 = arith.constant 0 : i32
        %dma_wait3A_199 = tpu.memref_slice %arg7[%dma_wait3A_197, %dma_wait3A_198] : memref<1x80xi32, #tpu.memory_space<vmem>> -> memref<1x80xi32, #tpu.memory_space<vmem>>
        %dma_wait3A_200 = tpu.memref_squeeze %dma_wait3A_199 : memref<1x80xi32, #tpu.memory_space<vmem>> -> memref<80xi32, #tpu.memory_space<vmem>>
        %dma_wait3A_201 = arith.constant 0 : i32
        %dma_wait3A_202 = tpu.memref_slice %arg4[%dma_wait3A_201] : memref<322560xi32, #tpu.memory_space<hbm>> -> memref<80xi32, #tpu.memory_space<hbm>>
        %dma_wait3A_203 = arith.constant 0 : i32
        %dma_wait3A_204 = tpu.memref_slice %arg7[%dma_wait3A_197, %dma_wait3A_203] : memref<1x80xi32, #tpu.memory_space<vmem>> -> memref<1x80xi32, #tpu.memory_space<vmem>>
        %dma_wait3A_205 = tpu.memref_squeeze %dma_wait3A_204 : memref<1x80xi32, #tpu.memory_space<vmem>> -> memref<80xi32, #tpu.memory_space<vmem>>
        %dma_wait3A_206 = arith.constant 0 : i32
        %dma_wait3A_207 = tpu.memref_slice %arg4[%dma_wait3A_206] : memref<322560xi32, #tpu.memory_space<hbm>> -> memref<80xi32, #tpu.memory_space<hbm>>
        tpu.wait_dma2 semaphore(%arg13 : memref<!tpu.dma_semaphore, #tpu.memory_space<semaphore_mem>>) src(%dma_wait3A_207 : memref<80xi32, #tpu.memory_space<hbm>>) dst(%dma_wait3A_205 : memref<80xi32, #tpu.memory_space<vmem>>)
        %dma_start3A_208 = arith.constant 0 : i32
        %dma_start3A_209 = arith.constant 0 : i32
        %dma_start3A_210 = tpu.memref_slice %arg6[%dma_start3A_208, %dma_start3A_209] : memref<1x80xi32, #tpu.memory_space<vmem>> -> memref<1x80xi32, #tpu.memory_space<vmem>>
        %dma_start3A_211 = tpu.memref_squeeze %dma_start3A_210 : memref<1x80xi32, #tpu.memory_space<vmem>> -> memref<80xi32, #tpu.memory_space<vmem>>
        %dma_start3A_212 = arith.constant 0 : i32
        %dma_start3A_213 = arith.constant 0 : i32
        %dma_start3A_214 = tpu.memref_slice %arg2[%dma_start3A_212, %dma_start3A_213] : memref<10240x128xf32, #tpu.memory_space<hbm>> -> memref<10240x128xf32, #tpu.memory_space<hbm>>
        tpu.enqueue_indirect_dma source(%dma_start3A_214 : memref<10240x128xf32, #tpu.memory_space<hbm>>) target(%arg10 : memref<80x128xf32, #tpu.memory_space<vmem>>) offsets(%dma_start3A_211 : memref<80xi32, #tpu.memory_space<vmem>>) semaphore(%arg15 : memref<!tpu.dma_semaphore, #tpu.memory_space<semaphore_mem>>)
      } else {
      }
      %dma_wait3A_173 = arith.constant 0 : i32
      %dma_wait3A_174 = arith.constant 0 : i32
      %dma_wait3A_175 = tpu.memref_slice %arg12[%dma_wait3A_173, %dma_wait3A_174] : memref<10240x128xf32, #tpu.memory_space<vmem_shared>> -> memref<80x128xf32, #tpu.memory_space<vmem_shared>>
      %dma_wait3A_176 = arith.constant 0 : i32
      %dma_wait3A_177 = arith.constant 0 : i32
      %dma_wait3A_178 = tpu.memref_slice %arg12[%dma_wait3A_176, %dma_wait3A_177] : memref<10240x128xf32, #tpu.memory_space<vmem_shared>> -> memref<80x128xf32, #tpu.memory_space<vmem_shared>>
      tpu.wait_dma2 semaphore(%arg18 : memref<!tpu.dma_semaphore, #tpu.memory_space<semaphore_mem>>) src(%arg11 : memref<80x128xf32, #tpu.memory_space<vmem>>) dst(%dma_wait3A_178 : memref<80x128xf32, #tpu.memory_space<vmem_shared>>)
      %add3A_179 = arith.constant 3 : i32
      %add3A_180 = arith.addi %add3A_100, %add3A_179 : i32
      %lt3A_181 = arith.constant 126 : i32
      %lt3A_182 = arith.cmpi slt, %add3A_180, %lt3A_181 : i32
      %convert_element_type3A_183 = arith.extui %lt3A_182 : i1 to i32
      %cond3A_184 = arith.constant 0 : i32
      %cond3A_185 = arith.cmpi ne, %convert_element_type3A_183, %cond3A_184 : i32
      scf.if %cond3A_185 {
        %add3A_186 = arith.constant 3 : i32
        %add3A_187 = arith.addi %add3A_100, %add3A_186 : i32
        %mul3A_188 = arith.constant 80 : i32
        %mul3A_189 = arith.muli %add3A_187, %mul3A_188 : i32
        %add3A_190 = arith.addi %mul3A_4, %mul3A_189 : i32
        %dma_start3A_191 = arith.constant 0 : i32
        %dma_start3A_192 = arith.constant 0 : i32
        %dma_start3A_193 = tpu.memref_slice %arg8[%dma_start3A_191, %dma_start3A_192] : memref<1x80xi32, #tpu.memory_space<vmem>> -> memref<1x80xi32, #tpu.memory_space<vmem>>
        %dma_start3A_194 = tpu.memref_squeeze %dma_start3A_193 : memref<1x80xi32, #tpu.memory_space<vmem>> -> memref<80xi32, #tpu.memory_space<vmem>>
        %dma_start3A_195 = tpu.memref_slice %arg3[%add3A_190] : memref<322560xi32, #tpu.memory_space<hbm>> -> memref<80xi32, #tpu.memory_space<hbm>>
        %dma_start3A_196 = arith.constant 0 : i32
        %dma_start3A_197 = tpu.memref_slice %arg8[%dma_start3A_191, %dma_start3A_196] : memref<1x80xi32, #tpu.memory_space<vmem>> -> memref<1x80xi32, #tpu.memory_space<vmem>>
        %dma_start3A_198 = tpu.memref_squeeze %dma_start3A_197 : memref<1x80xi32, #tpu.memory_space<vmem>> -> memref<80xi32, #tpu.memory_space<vmem>>
        %dma_start3A_199 = tpu.memref_slice %arg3[%add3A_190] : memref<322560xi32, #tpu.memory_space<hbm>> -> memref<80xi32, #tpu.memory_space<hbm>>
        tpu.enqueue_dma source(%dma_start3A_199 : memref<80xi32, #tpu.memory_space<hbm>>) target(%dma_start3A_198 : memref<80xi32, #tpu.memory_space<vmem>>) target_semaphore(%arg14 : memref<!tpu.dma_semaphore, #tpu.memory_space<semaphore_mem>>)
        %mul3A_200 = arith.constant 80 : i32
        %mul3A_201 = arith.muli %add3A_187, %mul3A_200 : i32
        %add3A_202 = arith.addi %mul3A_4, %mul3A_201 : i32
        %dma_start3A_203 = arith.constant 0 : i32
        %dma_start3A_204 = arith.constant 0 : i32
        %dma_start3A_205 = tpu.memref_slice %arg9[%dma_start3A_203, %dma_start3A_204] : memref<1x80xi32, #tpu.memory_space<vmem>> -> memref<1x80xi32, #tpu.memory_space<vmem>>
        %dma_start3A_206 = tpu.memref_squeeze %dma_start3A_205 : memref<1x80xi32, #tpu.memory_space<vmem>> -> memref<80xi32, #tpu.memory_space<vmem>>
        %dma_start3A_207 = tpu.memref_slice %arg4[%add3A_202] : memref<322560xi32, #tpu.memory_space<hbm>> -> memref<80xi32, #tpu.memory_space<hbm>>
        %dma_start3A_208 = arith.constant 0 : i32
        %dma_start3A_209 = tpu.memref_slice %arg9[%dma_start3A_203, %dma_start3A_208] : memref<1x80xi32, #tpu.memory_space<vmem>> -> memref<1x80xi32, #tpu.memory_space<vmem>>
        %dma_start3A_210 = tpu.memref_squeeze %dma_start3A_209 : memref<1x80xi32, #tpu.memory_space<vmem>> -> memref<80xi32, #tpu.memory_space<vmem>>
        %dma_start3A_211 = tpu.memref_slice %arg4[%add3A_202] : memref<322560xi32, #tpu.memory_space<hbm>> -> memref<80xi32, #tpu.memory_space<hbm>>
        tpu.enqueue_dma source(%dma_start3A_211 : memref<80xi32, #tpu.memory_space<hbm>>) target(%dma_start3A_210 : memref<80xi32, #tpu.memory_space<vmem>>) target_semaphore(%arg14 : memref<!tpu.dma_semaphore, #tpu.memory_space<semaphore_mem>>)
      } else {
      }
    }
    %scan3A_91 = arith.constant 63 : i32
    %barrier3A_92 = arith.constant 0 : index
    tpu.barrier barrier_id(%barrier3A_92)
    %mul3A_93 = arith.constant 10240 : i32
    %mul3A_94 = arith.muli %arg0, %mul3A_93 : i32
    %add3A_95 = arith.addi %mul3A_94, %mul3A_53 : i32
    "tpu.region"() ({
      %run_scoped3A = tpu.sem_alloc : memref<!tpu.dma_semaphore, #tpu.memory_space<semaphore_mem>>
      %dma_start3A_96 = arith.constant 0 : i32
      %dma_start3A_97 = tpu.memref_slice %arg5[%add3A_95, %dma_start3A_96] : memref<20480x128xf32, #tpu.memory_space<hbm>> -> memref<640x128xf32, #tpu.memory_space<hbm>>
      %dma_start3A_98 = arith.constant 0 : i32
      %dma_start3A_99 = tpu.memref_slice %arg12[%mul3A_53, %dma_start3A_98] : memref<10240x128xf32, #tpu.memory_space<vmem_shared>> -> memref<640x128xf32, #tpu.memory_space<vmem_shared>>
      tpu.enqueue_dma source(%dma_start3A_99 : memref<640x128xf32, #tpu.memory_space<vmem_shared>>) target(%dma_start3A_97 : memref<640x128xf32, #tpu.memory_space<hbm>>) target_semaphore(%run_scoped3A : memref<!tpu.dma_semaphore, #tpu.memory_space<semaphore_mem>>)
      %dma_wait3A_100 = arith.constant 0 : i32
      %dma_wait3A_101 = tpu.memref_slice %arg5[%add3A_95, %dma_wait3A_100] : memref<20480x128xf32, #tpu.memory_space<hbm>> -> memref<640x128xf32, #tpu.memory_space<hbm>>
      %dma_wait3A_102 = arith.constant 0 : i32
      %dma_wait3A_103 = tpu.memref_slice %arg12[%mul3A_53, %dma_wait3A_102] : memref<10240x128xf32, #tpu.memory_space<vmem_shared>> -> memref<640x128xf32, #tpu.memory_space<vmem_shared>>
      tpu.wait_dma2 semaphore(%run_scoped3A : memref<!tpu.dma_semaphore, #tpu.memory_space<semaphore_mem>>) src(%dma_wait3A_103 : memref<640x128xf32, #tpu.memory_space<vmem_shared>>) dst(%dma_wait3A_101 : memref<640x128xf32, #tpu.memory_space<hbm>>)
      tpu.yield
    }) : () -> ()
    return
  }
}

#map = affine_map<(d0, d1) -> (0, 0)>
#map1 = affine_map<(d0, d1) -> (0)>
module attributes {stable_mosaic.version = 14 : i64} {
  func.func @apply_kernel(%arg0: i32, %arg1: i32, %arg2: memref<10240x128xf32, #tpu.memory_space<hbm>>, %arg3: memref<322560xi32, #tpu.memory_space<hbm>>, %arg4: memref<322560xi32, #tpu.memory_space<hbm>>, %arg5: memref<20480x128xf32, #tpu.memory_space<hbm>>, %arg6: memref<1x80xi32, #tpu.memory_space<vmem>>, %arg7: memref<1x80xi32, #tpu.memory_space<vmem>>, %arg8: memref<1x80xi32, #tpu.memory_space<vmem>>, %arg9: memref<1x80xi32, #tpu.memory_space<vmem>>, %arg10: memref<80x128xf32, #tpu.memory_space<vmem>>, %arg11: memref<80x128xf32, #tpu.memory_space<vmem>>, %arg12: memref<10240x128xf32, #tpu.memory_space<vmem_shared>>, %arg13: memref<!tpu.dma_semaphore, #tpu.memory_space<semaphore_mem>>, %arg14: memref<!tpu.dma_semaphore, #tpu.memory_space<semaphore_mem>>, %arg15: memref<!tpu.dma_semaphore, #tpu.memory_space<semaphore_mem>>, %arg16: memref<!tpu.dma_semaphore, #tpu.memory_space<semaphore_mem>>, %arg17: memref<!tpu.dma_semaphore, #tpu.memory_space<semaphore_mem>>, %arg18: memref<!tpu.dma_semaphore, #tpu.memory_space<semaphore_mem>>) attributes {dimension_semantics = [#tpu.dimension_semantics<core_parallel>, #tpu.dimension_semantics<subcore_parallel>], iteration_bounds = array<i64: 2, 16>, scalar_prefetch = 0 : i64, scratch_operands = 13 : i64, tpu.core_type = #tpu.core_type<sc_vector_subcore>, window_params = [{transform_indices = #map}, {transform_indices = #map1}, {transform_indices = #map1}, {transform_indices = #map}]} {
    %mul3A = arith.constant 16 : i32
    %mul3A_0 = arith.muli %arg0, %mul3A : i32
    %add3A = arith.addi %mul3A_0, %arg1 : i32
    %mul3A_1 = arith.constant 126 : i32
    %mul3A_2 = arith.muli %add3A, %mul3A_1 : i32
    %mul3A_3 = arith.constant 80 : i32
    %mul3A_4 = arith.muli %mul3A_2, %mul3A_3 : i32
    %add3A_5 = arith.constant 0 : i32
    %add3A_6 = arith.addi %mul3A_4, %add3A_5 : i32
    %dma_start3A = arith.constant 0 : i32
    %dma_start3A_7 = arith.constant 0 : i32
    %dma_start3A_8 = tpu.memref_slice %arg6[%dma_start3A, %dma_start3A_7] : memref<1x80xi32, #tpu.memory_space<vmem>> -> memref<1x80xi32, #tpu.memory_space<vmem>>
    %dma_start3A_9 = tpu.memref_squeeze %dma_start3A_8 : memref<1x80xi32, #tpu.memory_space<vmem>> -> memref<80xi32, #tpu.memory_space<vmem>>
    %dma_start3A_10 = tpu.memref_slice %arg3[%add3A_6] : memref<322560xi32, #tpu.memory_space<hbm>> -> memref<80xi32, #tpu.memory_space<hbm>>
    %dma_start3A_11 = arith.constant 0 : i32
    %dma_start3A_12 = tpu.memref_slice %arg6[%dma_start3A, %dma_start3A_11] : memref<1x80xi32, #tpu.memory_space<vmem>> -> memref<1x80xi32, #tpu.memory_space<vmem>>
    %dma_start3A_13 = tpu.memref_squeeze %dma_start3A_12 : memref<1x80xi32, #tpu.memory_space<vmem>> -> memref<80xi32, #tpu.memory_space<vmem>>
    %dma_start3A_14 = tpu.memref_slice %arg3[%add3A_6] : memref<322560xi32, #tpu.memory_space<hbm>> -> memref<80xi32, #tpu.memory_space<hbm>>
    tpu.enqueue_dma source(%dma_start3A_14 : memref<80xi32, #tpu.memory_space<hbm>>) target(%dma_start3A_13 : memref<80xi32, #tpu.memory_space<vmem>>) target_semaphore(%arg13 : memref<!tpu.dma_semaphore, #tpu.memory_space<semaphore_mem>>)
    %add3A_15 = arith.constant 0 : i32
    %add3A_16 = arith.addi %mul3A_4, %add3A_15 : i32
    %dma_start3A_17 = arith.constant 0 : i32
    %dma_start3A_18 = arith.constant 0 : i32
    %dma_start3A_19 = tpu.memref_slice %arg7[%dma_start3A_17, %dma_start3A_18] : memref<1x80xi32, #tpu.memory_space<vmem>> -> memref<1x80xi32, #tpu.memory_space<vmem>>
    %dma_start3A_20 = tpu.memref_squeeze %dma_start3A_19 : memref<1x80xi32, #tpu.memory_space<vmem>> -> memref<80xi32, #tpu.memory_space<vmem>>
    %dma_start3A_21 = tpu.memref_slice %arg4[%add3A_16] : memref<322560xi32, #tpu.memory_space<hbm>> -> memref<80xi32, #tpu.memory_space<hbm>>
    %dma_start3A_22 = arith.constant 0 : i32
    %dma_start3A_23 = tpu.memref_slice %arg7[%dma_start3A_17, %dma_start3A_22] : memref<1x80xi32, #tpu.memory_space<vmem>> -> memref<1x80xi32, #tpu.memory_space<vmem>>
    %dma_start3A_24 = tpu.memref_squeeze %dma_start3A_23 : memref<1x80xi32, #tpu.memory_space<vmem>> -> memref<80xi32, #tpu.memory_space<vmem>>
    %dma_start3A_25 = tpu.memref_slice %arg4[%add3A_16] : memref<322560xi32, #tpu.memory_space<hbm>> -> memref<80xi32, #tpu.memory_space<hbm>>
    tpu.enqueue_dma source(%dma_start3A_25 : memref<80xi32, #tpu.memory_space<hbm>>) target(%dma_start3A_24 : memref<80xi32, #tpu.memory_space<vmem>>) target_semaphore(%arg13 : memref<!tpu.dma_semaphore, #tpu.memory_space<semaphore_mem>>)
    %add3A_26 = arith.constant 80 : i32
    %add3A_27 = arith.addi %mul3A_4, %add3A_26 : i32
    %dma_start3A_28 = arith.constant 0 : i32
    %dma_start3A_29 = arith.constant 0 : i32
    %dma_start3A_30 = tpu.memref_slice %arg8[%dma_start3A_28, %dma_start3A_29] : memref<1x80xi32, #tpu.memory_space<vmem>> -> memref<1x80xi32, #tpu.memory_space<vmem>>
    %dma_start3A_31 = tpu.memref_squeeze %dma_start3A_30 : memref<1x80xi32, #tpu.memory_space<vmem>> -> memref<80xi32, #tpu.memory_space<vmem>>
    %dma_start3A_32 = tpu.memref_slice %arg3[%add3A_27] : memref<322560xi32, #tpu.memory_space<hbm>> -> memref<80xi32, #tpu.memory_space<hbm>>
    %dma_start3A_33 = arith.constant 0 : i32
    %dma_start3A_34 = tpu.memref_slice %arg8[%dma_start3A_28, %dma_start3A_33] : memref<1x80xi32, #tpu.memory_space<vmem>> -> memref<1x80xi32, #tpu.memory_space<vmem>>
    %dma_start3A_35 = tpu.memref_squeeze %dma_start3A_34 : memref<1x80xi32, #tpu.memory_space<vmem>> -> memref<80xi32, #tpu.memory_space<vmem>>
    %dma_start3A_36 = tpu.memref_slice %arg3[%add3A_27] : memref<322560xi32, #tpu.memory_space<hbm>> -> memref<80xi32, #tpu.memory_space<hbm>>
    tpu.enqueue_dma source(%dma_start3A_36 : memref<80xi32, #tpu.memory_space<hbm>>) target(%dma_start3A_35 : memref<80xi32, #tpu.memory_space<vmem>>) target_semaphore(%arg14 : memref<!tpu.dma_semaphore, #tpu.memory_space<semaphore_mem>>)
    %add3A_37 = arith.constant 80 : i32
    %add3A_38 = arith.addi %mul3A_4, %add3A_37 : i32
    %dma_start3A_39 = arith.constant 0 : i32
    %dma_start3A_40 = arith.constant 0 : i32
    %dma_start3A_41 = tpu.memref_slice %arg9[%dma_start3A_39, %dma_start3A_40] : memref<1x80xi32, #tpu.memory_space<vmem>> -> memref<1x80xi32, #tpu.memory_space<vmem>>
    %dma_start3A_42 = tpu.memref_squeeze %dma_start3A_41 : memref<1x80xi32, #tpu.memory_space<vmem>> -> memref<80xi32, #tpu.memory_space<vmem>>
    %dma_start3A_43 = tpu.memref_slice %arg4[%add3A_38] : memref<322560xi32, #tpu.memory_space<hbm>> -> memref<80xi32, #tpu.memory_space<hbm>>
    %dma_start3A_44 = arith.constant 0 : i32
    %dma_start3A_45 = tpu.memref_slice %arg9[%dma_start3A_39, %dma_start3A_44] : memref<1x80xi32, #tpu.memory_space<vmem>> -> memref<1x80xi32, #tpu.memory_space<vmem>>
    %dma_start3A_46 = tpu.memref_squeeze %dma_start3A_45 : memref<1x80xi32, #tpu.memory_space<vmem>> -> memref<80xi32, #tpu.memory_space<vmem>>
    %dma_start3A_47 = tpu.memref_slice %arg4[%add3A_38] : memref<322560xi32, #tpu.memory_space<hbm>> -> memref<80xi32, #tpu.memory_space<hbm>>
    tpu.enqueue_dma source(%dma_start3A_47 : memref<80xi32, #tpu.memory_space<hbm>>) target(%dma_start3A_46 : memref<80xi32, #tpu.memory_space<vmem>>) target_semaphore(%arg14 : memref<!tpu.dma_semaphore, #tpu.memory_space<semaphore_mem>>)
    %scan3A = arith.constant 0 : i32
    %scan3A_48 = arith.constant 80 : i32
    %scan3A_49 = arith.addi %scan3A, %scan3A_48 : i32
    %scan3A_50 = arith.constant 1 : i32
    scf.for %scan3A_96 = %scan3A to %scan3A_49 step %scan3A_50  : i32 {
      %mul3A_97 = arith.constant 1 : i32
      %mul3A_98 = arith.muli %scan3A_96, %mul3A_97 : i32
      %add3A_99 = arith.constant 0 : i32
      %add3A_100 = arith.addi %add3A_99, %mul3A_98 : i32
      %scan3A_101 = arith.constant 0 : i32
      %scan3A_102 = arith.constant 8 : i32
      %scan3A_103 = arith.addi %scan3A_101, %scan3A_102 : i32
      %scan3A_104 = arith.constant 1 : i32
      scf.for %scan3A_106 = %scan3A_101 to %scan3A_103 step %scan3A_104  : i32 {
        %mul3A_107 = arith.constant 16 : i32
        %mul3A_108 = arith.muli %scan3A_106, %mul3A_107 : i32
        %add3A_109 = arith.constant 0 : i32
        %add3A_110 = arith.addi %add3A_109, %mul3A_108 : i32
        %broadcast_in_dim3A = arith.constant 0.000000e+00 : f32
        %broadcast_in_dim3A_111 = vector.broadcast %broadcast_in_dim3A : f32 to vector<16xf32>
        %swap3A = arith.index_cast %add3A_100 : i32 to index
        %swap3A_112 = arith.index_cast %add3A_110 : i32 to index
        %swap3A_113 = tpu.vector_load %arg10[%swap3A, %swap3A_112] {strides = array<i32>} : memref<80x128xf32, #tpu.memory_space<vmem>>, vector<16xf32>,
        tpu.vector_store %arg10[%swap3A, %swap3A_112], %broadcast_in_dim3A_111 {strides = array<i32>} : memref<80x128xf32, #tpu.memory_space<vmem>>, vector<16xf32>,
      }
      %scan3A_105 = arith.constant 8 : i32
    }
    %scan3A_51 = arith.constant 80 : i32
    %mul3A_52 = arith.constant 640 : i32
    %mul3A_53 = arith.muli %arg1, %mul3A_52 : i32
    %scan3A_54 = arith.constant 0 : i32
    %scan3A_55 = arith.constant 8 : i32
    %scan3A_56 = arith.addi %scan3A_54, %scan3A_55 : i32
    %scan3A_57 = arith.constant 1 : i32
    scf.for %scan3A_96 = %scan3A_54 to %scan3A_56 step %scan3A_57  : i32 {
      %mul3A_97 = arith.constant 80 : i32
      %mul3A_98 = arith.muli %scan3A_96, %mul3A_97 : i32
      %add3A_99 = arith.constant 0 : i32
      %add3A_100 = arith.addi %add3A_99, %mul3A_98 : i32
      %add3A_101 = arith.addi %mul3A_53, %add3A_100 : i32
      "tpu.region"() ({
        %run_scoped3A = tpu.sem_alloc : memref<!tpu.dma_semaphore, #tpu.memory_space<semaphore_mem>>
        %dma_start3A_102 = arith.constant 0 : i32
        %dma_start3A_103 = tpu.memref_slice %arg12[%add3A_101, %dma_start3A_102] : memref<10240x128xf32, #tpu.memory_space<vmem_shared>> -> memref<80x128xf32, #tpu.memory_space<vmem_shared>>
        %dma_start3A_104 = arith.constant 0 : i32
        %dma_start3A_105 = tpu.memref_slice %arg12[%add3A_101, %dma_start3A_104] : memref<10240x128xf32, #tpu.memory_space<vmem_shared>> -> memref<80x128xf32, #tpu.memory_space<vmem_shared>>
        tpu.enqueue_dma source(%arg10 : memref<80x128xf32, #tpu.memory_space<vmem>>) target(%dma_start3A_105 : memref<80x128xf32, #tpu.memory_space<vmem_shared>>) target_semaphore(%run_scoped3A : memref<!tpu.dma_semaphore, #tpu.memory_space<semaphore_mem>>)
        %dma_wait3A_106 = arith.constant 0 : i32
        %dma_wait3A_107 = tpu.memref_slice %arg12[%add3A_101, %dma_wait3A_106] : memref<10240x128xf32, #tpu.memory_space<vmem_shared>> -> memref<80x128xf32, #tpu.memory_space<vmem_shared>>
        %dma_wait3A_108 = arith.constant 0 : i32
        %dma_wait3A_109 = tpu.memref_slice %arg12[%add3A_101, %dma_wait3A_108] : memref<10240x128xf32, #tpu.memory_space<vmem_shared>> -> memref<80x128xf32, #tpu.memory_space<vmem_shared>>
        tpu.wait_dma2 semaphore(%run_scoped3A : memref<!tpu.dma_semaphore, #tpu.memory_space<semaphore_mem>>) src(%arg10 : memref<80x128xf32, #tpu.memory_space<vmem>>) dst(%dma_wait3A_109 : memref<80x128xf32, #tpu.memory_space<vmem_shared>>)
        tpu.yield
      }) : () -> ()
    }
    %scan3A_58 = arith.constant 8 : i32
    %barrier3A = arith.constant 0 : index
    tpu.barrier barrier_id(%barrier3A)
    %dma_wait3A = arith.constant 0 : i32
    %dma_wait3A_59 = arith.constant 0 : i32
    %dma_wait3A_60 = tpu.memref_slice %arg6[%dma_wait3A, %dma_wait3A_59] : memref<1x80xi32, #tpu.memory_space<vmem>> -> memref<1x80xi32, #tpu.memory_space<vmem>>
    %dma_wait3A_61 = tpu.memref_squeeze %dma_wait3A_60 : memref<1x80xi32, #tpu.memory_space<vmem>> -> memref<80xi32, #tpu.memory_space<vmem>>
    %dma_wait3A_62 = arith.constant 0 : i32
    %dma_wait3A_63 = tpu.memref_slice %arg3[%dma_wait3A_62] : memref<322560xi32, #tpu.memory_space<hbm>> -> memref<80xi32, #tpu.memory_space<hbm>>
    %dma_wait3A_64 = arith.constant 0 : i32
    %dma_wait3A_65 = tpu.memref_slice %arg6[%dma_wait3A, %dma_wait3A_64] : memref<1x80xi32, #tpu.memory_space<vmem>> -> memref<1x80xi32, #tpu.memory_space<vmem>>
    %dma_wait3A_66 = tpu.memref_squeeze %dma_wait3A_65 : memref<1x80xi32, #tpu.memory_space<vmem>> -> memref<80xi32, #tpu.memory_space<vmem>>
    %dma_wait3A_67 = arith.constant 0 : i32
    %dma_wait3A_68 = tpu.memref_slice %arg3[%dma_wait3A_67] : memref<322560xi32, #tpu.memory_space<hbm>> -> memref<80xi32, #tpu.memory_space<hbm>>
    tpu.wait_dma2 semaphore(%arg13 : memref<!tpu.dma_semaphore, #tpu.memory_space<semaphore_mem>>) src(%dma_wait3A_68 : memref<80xi32, #tpu.memory_space<hbm>>) dst(%dma_wait3A_66 : memref<80xi32, #tpu.memory_space<vmem>>)
    %dma_wait3A_69 = arith.constant 0 : i32
    %dma_wait3A_70 = arith.constant 0 : i32
    %dma_wait3A_71 = tpu.memref_slice %arg7[%dma_wait3A_69, %dma_wait3A_70] : memref<1x80xi32, #tpu.memory_space<vmem>> -> memref<1x80xi32, #tpu.memory_space<vmem>>
    %dma_wait3A_72 = tpu.memref_squeeze %dma_wait3A_71 : memref<1x80xi32, #tpu.memory_space<vmem>> -> memref<80xi32, #tpu.memory_space<vmem>>
    %dma_wait3A_73 = arith.constant 0 : i32
    %dma_wait3A_74 = tpu.memref_slice %arg4[%dma_wait3A_73] : memref<322560xi32, #tpu.memory_space<hbm>> -> memref<80xi32, #tpu.memory_space<hbm>>
    %dma_wait3A_75 = arith.constant 0 : i32
    %dma_wait3A_76 = tpu.memref_slice %arg7[%dma_wait3A_69, %dma_wait3A_75] : memref<1x80xi32, #tpu.memory_space<vmem>> -> memref<1x80xi32, #tpu.memory_space<vmem>>
    %dma_wait3A_77 = tpu.memref_squeeze %dma_wait3A_76 : memref<1x80xi32, #tpu.memory_space<vmem>> -> memref<80xi32, #tpu.memory_space<vmem>>
    %dma_wait3A_78 = arith.constant 0 : i32
    %dma_wait3A_79 = tpu.memref_slice %arg4[%dma_wait3A_78] : memref<322560xi32, #tpu.memory_space<hbm>> -> memref<80xi32, #tpu.memory_space<hbm>>
    tpu.wait_dma2 semaphore(%arg13 : memref<!tpu.dma_semaphore, #tpu.memory_space<semaphore_mem>>) src(%dma_wait3A_79 : memref<80xi32, #tpu.memory_space<hbm>>) dst(%dma_wait3A_77 : memref<80xi32, #tpu.memory_space<vmem>>)
    %dma_start3A_80 = arith.constant 0 : i32
    %dma_start3A_81 = arith.constant 0 : i32
    %dma_start3A_82 = tpu.memref_slice %arg6[%dma_start3A_80, %dma_start3A_81] : memref<1x80xi32, #tpu.memory_space<vmem>> -> memref<1x80xi32, #tpu.memory_space<vmem>>
    %dma_start3A_83 = tpu.memref_squeeze %dma_start3A_82 : memref<1x80xi32, #tpu.memory_space<vmem>> -> memref<80xi32, #tpu.memory_space<vmem>>
    %dma_start3A_84 = arith.constant 0 : i32
    %dma_start3A_85 = arith.constant 0 : i32
    %dma_start3A_86 = tpu.memref_slice %arg2[%dma_start3A_84, %dma_start3A_85] : memref<10240x128xf32, #tpu.memory_space<hbm>> -> memref<10240x128xf32, #tpu.memory_space<hbm>>
    tpu.enqueue_indirect_dma source(%dma_start3A_86 : memref<10240x128xf32, #tpu.memory_space<hbm>>) target(%arg10 : memref<80x128xf32, #tpu.memory_space<vmem>>) offsets(%dma_start3A_83 : memref<80xi32, #tpu.memory_space<vmem>>) semaphore(%arg15 : memref<!tpu.dma_semaphore, #tpu.memory_space<semaphore_mem>>)
    %scan3A_87 = arith.constant 0 : i32
    %scan3A_88 = arith.constant 63 : i32
    %scan3A_89 = arith.addi %scan3A_87, %scan3A_88 : i32
    %scan3A_90 = arith.constant 1 : i32
    scf.for %scan3A_96 = %scan3A_87 to %scan3A_89 step %scan3A_90  : i32 {
      %mul3A_97 = arith.constant 2 : i32
      %mul3A_98 = arith.muli %scan3A_96, %mul3A_97 : i32
      %add3A_99 = arith.constant 0 : i32
      %add3A_100 = arith.addi %add3A_99, %mul3A_98 : i32
      %dma_wait3A_101 = arith.constant 0 : i32
      %dma_wait3A_102 = arith.constant 0 : i32
      %dma_wait3A_103 = tpu.memref_slice %arg2[%dma_wait3A_101, %dma_wait3A_102] : memref<10240x128xf32, #tpu.memory_space<hbm>> -> memref<80x128xf32, #tpu.memory_space<hbm>>
      %dma_wait3A_104 = arith.constant 0 : i32
      %dma_wait3A_105 = arith.constant 0 : i32
      %dma_wait3A_106 = tpu.memref_slice %arg2[%dma_wait3A_104, %dma_wait3A_105] : memref<10240x128xf32, #tpu.memory_space<hbm>> -> memref<80x128xf32, #tpu.memory_space<hbm>>
      tpu.wait_dma2 semaphore(%arg15 : memref<!tpu.dma_semaphore, #tpu.memory_space<semaphore_mem>>) src(%dma_wait3A_106 : memref<80x128xf32, #tpu.memory_space<hbm>>) dst(%arg10 : memref<80x128xf32, #tpu.memory_space<vmem>>)
      %dma_start3A_107 = arith.constant 0 : i32
      %dma_start3A_108 = arith.constant 0 : i32
      %dma_start3A_109 = tpu.memref_slice %arg7[%dma_start3A_107, %dma_start3A_108] : memref<1x80xi32, #tpu.memory_space<vmem>> -> memref<1x80xi32, #tpu.memory_space<vmem>>
      %dma_start3A_110 = tpu.memref_squeeze %dma_start3A_109 : memref<1x80xi32, #tpu.memory_space<vmem>> -> memref<80xi32, #tpu.memory_space<vmem>>
      %dma_start3A_111 = arith.constant 0 : i32
      %dma_start3A_112 = arith.constant 0 : i32
      %dma_start3A_113 = tpu.memref_slice %arg12[%dma_start3A_111, %dma_start3A_112] : memref<10240x128xf32, #tpu.memory_space<vmem_shared>> -> memref<10240x128xf32, #tpu.memory_space<vmem_shared>>
      tpu.enqueue_indirect_dma source(%arg10 : memref<80x128xf32, #tpu.memory_space<vmem>>) target(%dma_start3A_113 : memref<10240x128xf32, #tpu.memory_space<vmem_shared>>) offsets(%dma_start3A_110 : memref<80xi32, #tpu.memory_space<vmem>>) semaphore(%arg17 : memref<!tpu.dma_semaphore, #tpu.memory_space<semaphore_mem>>) {add = true}
      %dma_wait3A_114 = arith.constant 0 : i32
      %dma_wait3A_115 = arith.constant 0 : i32
      %dma_wait3A_116 = tpu.memref_slice %arg8[%dma_wait3A_114, %dma_wait3A_115] : memref<1x80xi32, #tpu.memory_space<vmem>> -> memref<1x80xi32, #tpu.memory_space<vmem>>
      %dma_wait3A_117 = tpu.memref_squeeze %dma_wait3A_116 : memref<1x80xi32, #tpu.memory_space<vmem>> -> memref<80xi32, #tpu.memory_space<vmem>>
      %dma_wait3A_118 = arith.constant 0 : i32
      %dma_wait3A_119 = tpu.memref_slice %arg3[%dma_wait3A_118] : memref<322560xi32, #tpu.memory_space<hbm>> -> memref<80xi32, #tpu.memory_space<hbm>>
      %dma_wait3A_120 = arith.constant 0 : i32
      %dma_wait3A_121 = tpu.memref_slice %arg8[%dma_wait3A_114, %dma_wait3A_120] : memref<1x80xi32, #tpu.memory_space<vmem>> -> memref<1x80xi32, #tpu.memory_space<vmem>>
      %dma_wait3A_122 = tpu.memref_squeeze %dma_wait3A_121 : memref<1x80xi32, #tpu.memory_space<vmem>> -> memref<80xi32, #tpu.memory_space<vmem>>
      %dma_wait3A_123 = arith.constant 0 : i32
      %dma_wait3A_124 = tpu.memref_slice %arg3[%dma_wait3A_123] : memref<322560xi32, #tpu.memory_space<hbm>> -> memref<80xi32, #tpu.memory_space<hbm>>
      tpu.wait_dma2 semaphore(%arg14 : memref<!tpu.dma_semaphore, #tpu.memory_space<semaphore_mem>>) src(%dma_wait3A_124 : memref<80xi32, #tpu.memory_space<hbm>>) dst(%dma_wait3A_122 : memref<80xi32, #tpu.memory_space<vmem>>)
      %dma_wait3A_125 = arith.constant 0 : i32
      %dma_wait3A_126 = arith.constant 0 : i32
      %dma_wait3A_127 = tpu.memref_slice %arg9[%dma_wait3A_125, %dma_wait3A_126] : memref<1x80xi32, #tpu.memory_space<vmem>> -> memref<1x80xi32, #tpu.memory_space<vmem>>
      %dma_wait3A_128 = tpu.memref_squeeze %dma_wait3A_127 : memref<1x80xi32, #tpu.memory_space<vmem>> -> memref<80xi32, #tpu.memory_space<vmem>>
      %dma_wait3A_129 = arith.constant 0 : i32
      %dma_wait3A_130 = tpu.memref_slice %arg4[%dma_wait3A_129] : memref<322560xi32, #tpu.memory_space<hbm>> -> memref<80xi32, #tpu.memory_space<hbm>>
      %dma_wait3A_131 = arith.constant 0 : i32
      %dma_wait3A_132 = tpu.memref_slice %arg9[%dma_wait3A_125, %dma_wait3A_131] : memref<1x80xi32, #tpu.memory_space<vmem>> -> memref<1x80xi32, #tpu.memory_space<vmem>>
      %dma_wait3A_133 = tpu.memref_squeeze %dma_wait3A_132 : memref<1x80xi32, #tpu.memory_space<vmem>> -> memref<80xi32, #tpu.memory_space<vmem>>
      %dma_wait3A_134 = arith.constant 0 : i32
      %dma_wait3A_135 = tpu.memref_slice %arg4[%dma_wait3A_134] : memref<322560xi32, #tpu.memory_space<hbm>> -> memref<80xi32, #tpu.memory_space<hbm>>
      tpu.wait_dma2 semaphore(%arg14 : memref<!tpu.dma_semaphore, #tpu.memory_space<semaphore_mem>>) src(%dma_wait3A_135 : memref<80xi32, #tpu.memory_space<hbm>>) dst(%dma_wait3A_133 : memref<80xi32, #tpu.memory_space<vmem>>)
      %dma_start3A_136 = arith.constant 0 : i32
      %dma_start3A_137 = arith.constant 0 : i32
      %dma_start3A_138 = tpu.memref_slice %arg8[%dma_start3A_136, %dma_start3A_137] : memref<1x80xi32, #tpu.memory_space<vmem>> -> memref<1x80xi32, #tpu.memory_space<vmem>>
      %dma_start3A_139 = tpu.memref_squeeze %dma_start3A_138 : memref<1x80xi32, #tpu.memory_space<vmem>> -> memref<80xi32, #tpu.memory_space<vmem>>
      %dma_start3A_140 = arith.constant 0 : i32
      %dma_start3A_141 = arith.constant 0 : i32
      %dma_start3A_142 = tpu.memref_slice %arg2[%dma_start3A_140, %dma_start3A_141] : memref<10240x128xf32, #tpu.memory_space<hbm>> -> memref<10240x128xf32, #tpu.memory_space<hbm>>
      tpu.enqueue_indirect_dma source(%dma_start3A_142 : memref<10240x128xf32, #tpu.memory_space<hbm>>) target(%arg11 : memref<80x128xf32, #tpu.memory_space<vmem>>) offsets(%dma_start3A_139 : memref<80xi32, #tpu.memory_space<vmem>>) semaphore(%arg16 : memref<!tpu.dma_semaphore, #tpu.memory_space<semaphore_mem>>)
      %dma_wait3A_143 = arith.constant 0 : i32
      %dma_wait3A_144 = arith.constant 0 : i32
      %dma_wait3A_145 = tpu.memref_slice %arg12[%dma_wait3A_143, %dma_wait3A_144] : memref<10240x128xf32, #tpu.memory_space<vmem_shared>> -> memref<80x128xf32, #tpu.memory_space<vmem_shared>>
      %dma_wait3A_146 = arith.constant 0 : i32
      %dma_wait3A_147 = arith.constant 0 : i32
      %dma_wait3A_148 = tpu.memref_slice %arg12[%dma_wait3A_146, %dma_wait3A_147] : memref<10240x128xf32, #tpu.memory_space<vmem_shared>> -> memref<80x128xf32, #tpu.memory_space<vmem_shared>>
      tpu.wait_dma2 semaphore(%arg17 : memref<!tpu.dma_semaphore, #tpu.memory_space<semaphore_mem>>) src(%arg10 : memref<80x128xf32, #tpu.memory_space<vmem>>) dst(%dma_wait3A_148 : memref<80x128xf32, #tpu.memory_space<vmem_shared>>)
      %add3A_149 = arith.constant 2 : i32
      %add3A_150 = arith.addi %add3A_100, %add3A_149 : i32
      %lt3A = arith.constant 126 : i32
      %lt3A_151 = arith.cmpi slt, %add3A_150, %lt3A : i32
      %convert_element_type3A = arith.extui %lt3A_151 : i1 to i32
      %cond3A = arith.constant 0 : i32
      %cond3A_152 = arith.cmpi ne, %convert_element_type3A, %cond3A : i32
      scf.if %cond3A_152 {
        %add3A_186 = arith.constant 2 : i32
        %add3A_187 = arith.addi %add3A_100, %add3A_186 : i32
        %mul3A_188 = arith.constant 80 : i32
        %mul3A_189 = arith.muli %add3A_187, %mul3A_188 : i32
        %add3A_190 = arith.addi %mul3A_4, %mul3A_189 : i32
        %dma_start3A_191 = arith.constant 0 : i32
        %dma_start3A_192 = arith.constant 0 : i32
        %dma_start3A_193 = tpu.memref_slice %arg6[%dma_start3A_191, %dma_start3A_192] : memref<1x80xi32, #tpu.memory_space<vmem>> -> memref<1x80xi32, #tpu.memory_space<vmem>>
        %dma_start3A_194 = tpu.memref_squeeze %dma_start3A_193 : memref<1x80xi32, #tpu.memory_space<vmem>> -> memref<80xi32, #tpu.memory_space<vmem>>
        %dma_start3A_195 = tpu.memref_slice %arg3[%add3A_190] : memref<322560xi32, #tpu.memory_space<hbm>> -> memref<80xi32, #tpu.memory_space<hbm>>
        %dma_start3A_196 = arith.constant 0 : i32
        %dma_start3A_197 = tpu.memref_slice %arg6[%dma_start3A_191, %dma_start3A_196] : memref<1x80xi32, #tpu.memory_space<vmem>> -> memref<1x80xi32, #tpu.memory_space<vmem>>
        %dma_start3A_198 = tpu.memref_squeeze %dma_start3A_197 : memref<1x80xi32, #tpu.memory_space<vmem>> -> memref<80xi32, #tpu.memory_space<vmem>>
        %dma_start3A_199 = tpu.memref_slice %arg3[%add3A_190] : memref<322560xi32, #tpu.memory_space<hbm>> -> memref<80xi32, #tpu.memory_space<hbm>>
        tpu.enqueue_dma source(%dma_start3A_199 : memref<80xi32, #tpu.memory_space<hbm>>) target(%dma_start3A_198 : memref<80xi32, #tpu.memory_space<vmem>>) target_semaphore(%arg13 : memref<!tpu.dma_semaphore, #tpu.memory_space<semaphore_mem>>)
        %mul3A_200 = arith.constant 80 : i32
        %mul3A_201 = arith.muli %add3A_187, %mul3A_200 : i32
        %add3A_202 = arith.addi %mul3A_4, %mul3A_201 : i32
        %dma_start3A_203 = arith.constant 0 : i32
        %dma_start3A_204 = arith.constant 0 : i32
        %dma_start3A_205 = tpu.memref_slice %arg7[%dma_start3A_203, %dma_start3A_204] : memref<1x80xi32, #tpu.memory_space<vmem>> -> memref<1x80xi32, #tpu.memory_space<vmem>>
        %dma_start3A_206 = tpu.memref_squeeze %dma_start3A_205 : memref<1x80xi32, #tpu.memory_space<vmem>> -> memref<80xi32, #tpu.memory_space<vmem>>
        %dma_start3A_207 = tpu.memref_slice %arg4[%add3A_202] : memref<322560xi32, #tpu.memory_space<hbm>> -> memref<80xi32, #tpu.memory_space<hbm>>
        %dma_start3A_208 = arith.constant 0 : i32
        %dma_start3A_209 = tpu.memref_slice %arg7[%dma_start3A_203, %dma_start3A_208] : memref<1x80xi32, #tpu.memory_space<vmem>> -> memref<1x80xi32, #tpu.memory_space<vmem>>
        %dma_start3A_210 = tpu.memref_squeeze %dma_start3A_209 : memref<1x80xi32, #tpu.memory_space<vmem>> -> memref<80xi32, #tpu.memory_space<vmem>>
        %dma_start3A_211 = tpu.memref_slice %arg4[%add3A_202] : memref<322560xi32, #tpu.memory_space<hbm>> -> memref<80xi32, #tpu.memory_space<hbm>>
        tpu.enqueue_dma source(%dma_start3A_211 : memref<80xi32, #tpu.memory_space<hbm>>) target(%dma_start3A_210 : memref<80xi32, #tpu.memory_space<vmem>>) target_semaphore(%arg13 : memref<!tpu.dma_semaphore, #tpu.memory_space<semaphore_mem>>)
      } else {
      }
      %dma_wait3A_153 = arith.constant 0 : i32
      %dma_wait3A_154 = arith.constant 0 : i32
      %dma_wait3A_155 = tpu.memref_slice %arg2[%dma_wait3A_153, %dma_wait3A_154] : memref<10240x128xf32, #tpu.memory_space<hbm>> -> memref<80x128xf32, #tpu.memory_space<hbm>>
      %dma_wait3A_156 = arith.constant 0 : i32
      %dma_wait3A_157 = arith.constant 0 : i32
      %dma_wait3A_158 = tpu.memref_slice %arg2[%dma_wait3A_156, %dma_wait3A_157] : memref<10240x128xf32, #tpu.memory_space<hbm>> -> memref<80x128xf32, #tpu.memory_space<hbm>>
      tpu.wait_dma2 semaphore(%arg16 : memref<!tpu.dma_semaphore, #tpu.memory_space<semaphore_mem>>) src(%dma_wait3A_158 : memref<80x128xf32, #tpu.memory_space<hbm>>) dst(%arg11 : memref<80x128xf32, #tpu.memory_space<vmem>>)
      %dma_start3A_159 = arith.constant 0 : i32
      %dma_start3A_160 = arith.constant 0 : i32
      %dma_start3A_161 = tpu.memref_slice %arg9[%dma_start3A_159, %dma_start3A_160] : memref<1x80xi32, #tpu.memory_space<vmem>> -> memref<1x80xi32, #tpu.memory_space<vmem>>
      %dma_start3A_162 = tpu.memref_squeeze %dma_start3A_161 : memref<1x80xi32, #tpu.memory_space<vmem>> -> memref<80xi32, #tpu.memory_space<vmem>>
      %dma_start3A_163 = arith.constant 0 : i32
      %dma_start3A_164 = arith.constant 0 : i32
      %dma_start3A_165 = tpu.memref_slice %arg12[%dma_start3A_163, %dma_start3A_164] : memref<10240x128xf32, #tpu.memory_space<vmem_shared>> -> memref<10240x128xf32, #tpu.memory_space<vmem_shared>>
      tpu.enqueue_indirect_dma source(%arg11 : memref<80x128xf32, #tpu.memory_space<vmem>>) target(%dma_start3A_165 : memref<10240x128xf32, #tpu.memory_space<vmem_shared>>) offsets(%dma_start3A_162 : memref<80xi32, #tpu.memory_space<vmem>>) semaphore(%arg18 : memref<!tpu.dma_semaphore, #tpu.memory_space<semaphore_mem>>) {add = true}
      %add3A_166 = arith.constant 2 : i32
      %add3A_167 = arith.addi %add3A_100, %add3A_166 : i32
      %lt3A_168 = arith.constant 126 : i32
      %lt3A_169 = arith.cmpi slt, %add3A_167, %lt3A_168 : i32
      %convert_element_type3A_170 = arith.extui %lt3A_169 : i1 to i32
      %cond3A_171 = arith.constant 0 : i32
      %cond3A_172 = arith.cmpi ne, %convert_element_type3A_170, %cond3A_171 : i32
      scf.if %cond3A_172 {
        %dma_wait3A_186 = arith.constant 0 : i32
        %dma_wait3A_187 = arith.constant 0 : i32
        %dma_wait3A_188 = tpu.memref_slice %arg6[%dma_wait3A_186, %dma_wait3A_187] : memref<1x80xi32, #tpu.memory_space<vmem>> -> memref<1x80xi32, #tpu.memory_space<vmem>>
        %dma_wait3A_189 = tpu.memref_squeeze %dma_wait3A_188 : memref<1x80xi32, #tpu.memory_space<vmem>> -> memref<80xi32, #tpu.memory_space<vmem>>
        %dma_wait3A_190 = arith.constant 0 : i32
        %dma_wait3A_191 = tpu.memref_slice %arg3[%dma_wait3A_190] : memref<322560xi32, #tpu.memory_space<hbm>> -> memref<80xi32, #tpu.memory_space<hbm>>
        %dma_wait3A_192 = arith.constant 0 : i32
        %dma_wait3A_193 = tpu.memref_slice %arg6[%dma_wait3A_186, %dma_wait3A_192] : memref<1x80xi32, #tpu.memory_space<vmem>> -> memref<1x80xi32, #tpu.memory_space<vmem>>
        %dma_wait3A_194 = tpu.memref_squeeze %dma_wait3A_193 : memref<1x80xi32, #tpu.memory_space<vmem>> -> memref<80xi32, #tpu.memory_space<vmem>>
        %dma_wait3A_195 = arith.constant 0 : i32
        %dma_wait3A_196 = tpu.memref_slice %arg3[%dma_wait3A_195] : memref<322560xi32, #tpu.memory_space<hbm>> -> memref<80xi32, #tpu.memory_space<hbm>>
        tpu.wait_dma2 semaphore(%arg13 : memref<!tpu.dma_semaphore, #tpu.memory_space<semaphore_mem>>) src(%dma_wait3A_196 : memref<80xi32, #tpu.memory_space<hbm>>) dst(%dma_wait3A_194 : memref<80xi32, #tpu.memory_space<vmem>>)
        %dma_wait3A_197 = arith.constant 0 : i32
        %dma_wait3A_198 = arith.constant 0 : i32
        %dma_wait3A_199 = tpu.memref_slice %arg7[%dma_wait3A_197, %dma_wait3A_198] : memref<1x80xi32, #tpu.memory_space<vmem>> -> memref<1x80xi32, #tpu.memory_space<vmem>>
        %dma_wait3A_200 = tpu.memref_squeeze %dma_wait3A_199 : memref<1x80xi32, #tpu.memory_space<vmem>> -> memref<80xi32, #tpu.memory_space<vmem>>
        %dma_wait3A_201 = arith.constant 0 : i32
        %dma_wait3A_202 = tpu.memref_slice %arg4[%dma_wait3A_201] : memref<322560xi32, #tpu.memory_space<hbm>> -> memref<80xi32, #tpu.memory_space<hbm>>
        %dma_wait3A_203 = arith.constant 0 : i32
        %dma_wait3A_204 = tpu.memref_slice %arg7[%dma_wait3A_197, %dma_wait3A_203] : memref<1x80xi32, #tpu.memory_space<vmem>> -> memref<1x80xi32, #tpu.memory_space<vmem>>
        %dma_wait3A_205 = tpu.memref_squeeze %dma_wait3A_204 : memref<1x80xi32, #tpu.memory_space<vmem>> -> memref<80xi32, #tpu.memory_space<vmem>>
        %dma_wait3A_206 = arith.constant 0 : i32
        %dma_wait3A_207 = tpu.memref_slice %arg4[%dma_wait3A_206] : memref<322560xi32, #tpu.memory_space<hbm>> -> memref<80xi32, #tpu.memory_space<hbm>>
        tpu.wait_dma2 semaphore(%arg13 : memref<!tpu.dma_semaphore, #tpu.memory_space<semaphore_mem>>) src(%dma_wait3A_207 : memref<80xi32, #tpu.memory_space<hbm>>) dst(%dma_wait3A_205 : memref<80xi32, #tpu.memory_space<vmem>>)
        %dma_start3A_208 = arith.constant 0 : i32
        %dma_start3A_209 = arith.constant 0 : i32
        %dma_start3A_210 = tpu.memref_slice %arg6[%dma_start3A_208, %dma_start3A_209] : memref<1x80xi32, #tpu.memory_space<vmem>> -> memref<1x80xi32, #tpu.memory_space<vmem>>
        %dma_start3A_211 = tpu.memref_squeeze %dma_start3A_210 : memref<1x80xi32, #tpu.memory_space<vmem>> -> memref<80xi32, #tpu.memory_space<vmem>>
        %dma_start3A_212 = arith.constant 0 : i32
        %dma_start3A_213 = arith.constant 0 : i32
        %dma_start3A_214 = tpu.memref_slice %arg2[%dma_start3A_212, %dma_start3A_213] : memref<10240x128xf32, #tpu.memory_space<hbm>> -> memref<10240x128xf32, #tpu.memory_space<hbm>>
        tpu.enqueue_indirect_dma source(%dma_start3A_214 : memref<10240x128xf32, #tpu.memory_space<hbm>>) target(%arg10 : memref<80x128xf32, #tpu.memory_space<vmem>>) offsets(%dma_start3A_211 : memref<80xi32, #tpu.memory_space<vmem>>) semaphore(%arg15 : memref<!tpu.dma_semaphore, #tpu.memory_space<semaphore_mem>>)
      } else {
      }
      %dma_wait3A_173 = arith.constant 0 : i32
      %dma_wait3A_174 = arith.constant 0 : i32
      %dma_wait3A_175 = tpu.memref_slice %arg12[%dma_wait3A_173, %dma_wait3A_174] : memref<10240x128xf32, #tpu.memory_space<vmem_shared>> -> memref<80x128xf32, #tpu.memory_space<vmem_shared>>
      %dma_wait3A_176 = arith.constant 0 : i32
      %dma_wait3A_177 = arith.constant 0 : i32
      %dma_wait3A_178 = tpu.memref_slice %arg12[%dma_wait3A_176, %dma_wait3A_177] : memref<10240x128xf32, #tpu.memory_space<vmem_shared>> -> memref<80x128xf32, #tpu.memory_space<vmem_shared>>
      tpu.wait_dma2 semaphore(%arg18 : memref<!tpu.dma_semaphore, #tpu.memory_space<semaphore_mem>>) src(%arg11 : memref<80x128xf32, #tpu.memory_space<vmem>>) dst(%dma_wait3A_178 : memref<80x128xf32, #tpu.memory_space<vmem_shared>>)
      %add3A_179 = arith.constant 3 : i32
      %add3A_180 = arith.addi %add3A_100, %add3A_179 : i32
      %lt3A_181 = arith.constant 126 : i32
      %lt3A_182 = arith.cmpi slt, %add3A_180, %lt3A_181 : i32
      %convert_element_type3A_183 = arith.extui %lt3A_182 : i1 to i32
      %cond3A_184 = arith.constant 0 : i32
      %cond3A_185 = arith.cmpi ne, %convert_element_type3A_183, %cond3A_184 : i32
      scf.if %cond3A_185 {
        %add3A_186 = arith.constant 3 : i32
        %add3A_187 = arith.addi %add3A_100, %add3A_186 : i32
        %mul3A_188 = arith.constant 80 : i32
        %mul3A_189 = arith.muli %add3A_187, %mul3A_188 : i32
        %add3A_190 = arith.addi %mul3A_4, %mul3A_189 : i32
        %dma_start3A_191 = arith.constant 0 : i32
        %dma_start3A_192 = arith.constant 0 : i32
        %dma_start3A_193 = tpu.memref_slice %arg8[%dma_start3A_191, %dma_start3A_192] : memref<1x80xi32, #tpu.memory_space<vmem>> -> memref<1x80xi32, #tpu.memory_space<vmem>>
        %dma_start3A_194 = tpu.memref_squeeze %dma_start3A_193 : memref<1x80xi32, #tpu.memory_space<vmem>> -> memref<80xi32, #tpu.memory_space<vmem>>
        %dma_start3A_195 = tpu.memref_slice %arg3[%add3A_190] : memref<322560xi32, #tpu.memory_space<hbm>> -> memref<80xi32, #tpu.memory_space<hbm>>
        %dma_start3A_196 = arith.constant 0 : i32
        %dma_start3A_197 = tpu.memref_slice %arg8[%dma_start3A_191, %dma_start3A_196] : memref<1x80xi32, #tpu.memory_space<vmem>> -> memref<1x80xi32, #tpu.memory_space<vmem>>
        %dma_start3A_198 = tpu.memref_squeeze %dma_start3A_197 : memref<1x80xi32, #tpu.memory_space<vmem>> -> memref<80xi32, #tpu.memory_space<vmem>>
        %dma_start3A_199 = tpu.memref_slice %arg3[%add3A_190] : memref<322560xi32, #tpu.memory_space<hbm>> -> memref<80xi32, #tpu.memory_space<hbm>>
        tpu.enqueue_dma source(%dma_start3A_199 : memref<80xi32, #tpu.memory_space<hbm>>) target(%dma_start3A_198 : memref<80xi32, #tpu.memory_space<vmem>>) target_semaphore(%arg14 : memref<!tpu.dma_semaphore, #tpu.memory_space<semaphore_mem>>)
        %mul3A_200 = arith.constant 80 : i32
        %mul3A_201 = arith.muli %add3A_187, %mul3A_200 : i32
        %add3A_202 = arith.addi %mul3A_4, %mul3A_201 : i32
        %dma_start3A_203 = arith.constant 0 : i32
        %dma_start3A_204 = arith.constant 0 : i32
        %dma_start3A_205 = tpu.memref_slice %arg9[%dma_start3A_203, %dma_start3A_204] : memref<1x80xi32, #tpu.memory_space<vmem>> -> memref<1x80xi32, #tpu.memory_space<vmem>>
        %dma_start3A_206 = tpu.memref_squeeze %dma_start3A_205 : memref<1x80xi32, #tpu.memory_space<vmem>> -> memref<80xi32, #tpu.memory_space<vmem>>
        %dma_start3A_207 = tpu.memref_slice %arg4[%add3A_202] : memref<322560xi32, #tpu.memory_space<hbm>> -> memref<80xi32, #tpu.memory_space<hbm>>
        %dma_start3A_208 = arith.constant 0 : i32
        %dma_start3A_209 = tpu.memref_slice %arg9[%dma_start3A_203, %dma_start3A_208] : memref<1x80xi32, #tpu.memory_space<vmem>> -> memref<1x80xi32, #tpu.memory_space<vmem>>
        %dma_start3A_210 = tpu.memref_squeeze %dma_start3A_209 : memref<1x80xi32, #tpu.memory_space<vmem>> -> memref<80xi32, #tpu.memory_space<vmem>>
        %dma_start3A_211 = tpu.memref_slice %arg4[%add3A_202] : memref<322560xi32, #tpu.memory_space<hbm>> -> memref<80xi32, #tpu.memory_space<hbm>>
        tpu.enqueue_dma source(%dma_start3A_211 : memref<80xi32, #tpu.memory_space<hbm>>) target(%dma_start3A_210 : memref<80xi32, #tpu.memory_space<vmem>>) target_semaphore(%arg14 : memref<!tpu.dma_semaphore, #tpu.memory_space<semaphore_mem>>)
      } else {
      }
    }
    %scan3A_91 = arith.constant 63 : i32
    %barrier3A_92 = arith.constant 0 : index
    tpu.barrier barrier_id(%barrier3A_92)
    %mul3A_93 = arith.constant 10240 : i32
    %mul3A_94 = arith.muli %arg0, %mul3A_93 : i32
    %add3A_95 = arith.addi %mul3A_94, %mul3A_53 : i32
    "tpu.region"() ({
      %run_scoped3A = tpu.sem_alloc : memref<!tpu.dma_semaphore, #tpu.memory_space<semaphore_mem>>
      %dma_start3A_96 = arith.constant 0 : i32
      %dma_start3A_97 = tpu.memref_slice %arg5[%add3A_95, %dma_start3A_96] : memref<20480x128xf32, #tpu.memory_space<hbm>> -> memref<640x128xf32, #tpu.memory_space<hbm>>
      %dma_start3A_98 = arith.constant 0 : i32
      %dma_start3A_99 = tpu.memref_slice %arg12[%mul3A_53, %dma_start3A_98] : memref<10240x128xf32, #tpu.memory_space<vmem_shared>> -> memref<640x128xf32, #tpu.memory_space<vmem_shared>>
      tpu.enqueue_dma source(%dma_start3A_99 : memref<640x128xf32, #tpu.memory_space<vmem_shared>>) target(%dma_start3A_97 : memref<640x128xf32, #tpu.memory_space<hbm>>) target_semaphore(%run_scoped3A : memref<!tpu.dma_semaphore, #tpu.memory_space<semaphore_mem>>)
      %dma_wait3A_100 = arith.constant 0 : i32
      %dma_wait3A_101 = tpu.memref_slice %arg5[%add3A_95, %dma_wait3A_100] : memref<20480x128xf32, #tpu.memory_space<hbm>> -> memref<640x128xf32, #tpu.memory_space<hbm>>
      %dma_wait3A_102 = arith.constant 0 : i32
      %dma_wait3A_103 = tpu.memref_slice %arg12[%mul3A_53, %dma_wait3A_102] : memref<10240x128xf32, #tpu.memory_space<vmem_shared>> -> memref<640x128xf32, #tpu.memory_space<vmem_shared>>
      tpu.wait_dma2 semaphore(%run_scoped3A : memref<!tpu.dma_semaphore, #tpu.memory_space<semaphore_mem>>) src(%dma_wait3A_103 : memref<640x128xf32, #tpu.memory_space<vmem_shared>>) dst(%dma_wait3A_101 : memref<640x128xf32, #tpu.memory_space<hbm>>)
      tpu.yield
    }) : () -> ()
    return
  }
}

module attributes {stable_mosaic.version = 14 : i64} {
  func.func @body(%arg0: i32, %arg1: memref<1024x128xf32, #tpu.memory_space<vmem>>, %arg2: memref<8x128xf32, #tpu.memory_space<vmem>>, %arg3: memref<8x128xf32, #tpu.memory_space<vmem>>, %arg4: memref<1024x128xf32, #tpu.memory_space<vmem>>, %arg5: memref<1024x128xf32, #tpu.memory_space<vmem>>, %arg6: memref<1024x128xf32, #tpu.memory_space<vmem>>) attributes {dimension_semantics = [#tpu.dimension_semantics<arbitrary>], iteration_bounds = array<i64: 10>, scalar_prefetch = 0 : i64, scratch_operands = 0 : i64, tpu.core_type = #tpu.core_type<tc>, window_params = [{transform_indices = @transform_0, window_bounds = array<i64: 1024, 128>}, {transform_indices = @transform_1, window_bounds = array<i64: 8, 128>}, {transform_indices = @transform_2, window_bounds = array<i64: 8, 128>}, {transform_indices = @transform_3, window_bounds = array<i64: 1024, 128>}, {transform_indices = @transform_4, window_bounds = array<i64: 1024, 128>}, {transform_indices = @transform_5, window_bounds = array<i64: 1024, 128>}]} {
    %get3A = arith.constant 0 : index
    %get3A_0 = arith.constant 0 : index
    %get3A_1 = vector.load %arg2[%get3A, %get3A_0] : memref<8x128xf32, #tpu.memory_space<vmem>>, vector<8x128xf32>
    %get3A_2 = arith.constant 0 : index
    %get3A_3 = arith.constant 0 : index
    %get3A_4 = vector.load %arg3[%get3A_2, %get3A_3] : memref<8x128xf32, #tpu.memory_space<vmem>>, vector<8x128xf32>
    %add3A = arith.addf %get3A_1, %get3A_4 : vector<8x128xf32>
    %gt3A = arith.constant 0.000000e+00 : f32
    %gt3A_5 = vector.broadcast %gt3A : f32 to vector<8x128xf32>
    %gt3A_6 = arith.cmpf ogt, %add3A, %gt3A_5 : vector<8x128xf32>
    %rsqrt3A = math.rsqrt %add3A : vector<8x128xf32>
    %jit3A = arith.constant 0.000000e+00 : f32
    %broadcast_in_dim3A = vector.broadcast %jit3A : f32 to vector<8x128xf32>
    %select_n3A = arith.select %gt3A_6, %rsqrt3A, %broadcast_in_dim3A : vector<8x128xi1>, vector<8x128xf32>
    %iota3A = tpu.iota {dimensions = array<i32: 0>} : vector<1024x8xi32>
    %jit3A_7 = arith.constant 128 : i32
    %div3A = vector.broadcast %jit3A_7 : i32 to vector<1024x8xi32>
    %div3A_8 = arith.divsi %iota3A, %div3A : vector<1024x8xi32>
    %sign3A = arith.constant 0 : i32
    %sign3A_9 = vector.broadcast %sign3A : i32 to vector<1024x8xi32>
    %sign3A_10 = arith.cmpi sgt, %iota3A, %sign3A_9 : vector<1024x8xi32>
    %sign3A_11 = arith.extui %sign3A_10 : vector<1024x8xi1> to vector<1024x8xi32>
    %sign3A_12 = arith.constant 0 : i32
    %sign3A_13 = vector.broadcast %sign3A_12 : i32 to vector<1024x8xi32>
    %sign3A_14 = arith.cmpi slt, %iota3A, %sign3A_13 : vector<1024x8xi32>
    %sign3A_15 = arith.extui %sign3A_14 : vector<1024x8xi1> to vector<1024x8xi32>
    %sign3A_16 = arith.subi %sign3A_11, %sign3A_15 : vector<1024x8xi32>
    %sign3A_17 = arith.constant 0 : i32
    %sign3A_18 = arith.cmpi sgt, %jit3A_7, %sign3A_17 : i32
    %sign3A_19 = arith.extui %sign3A_18 : i1 to i32
    %sign3A_20 = arith.constant 0 : i32
    %sign3A_21 = arith.cmpi slt, %jit3A_7, %sign3A_20 : i32
    %sign3A_22 = arith.extui %sign3A_21 : i1 to i32
    %sign3A_23 = arith.subi %sign3A_19, %sign3A_22 : i32
    %ne3A = vector.broadcast %sign3A_23 : i32 to vector<1024x8xi32>
    %ne3A_24 = arith.cmpi ne, %sign3A_16, %ne3A : vector<1024x8xi32>
    %rem3A = vector.broadcast %jit3A_7 : i32 to vector<1024x8xi32>
    %rem3A_25 = arith.remsi %iota3A, %rem3A : vector<1024x8xi32>
    %ne3A_26 = arith.constant 0 : i32
    %ne3A_27 = vector.broadcast %ne3A_26 : i32 to vector<1024x8xi32>
    %ne3A_28 = arith.cmpi ne, %rem3A_25, %ne3A_27 : vector<1024x8xi32>
    %and3A = arith.andi %ne3A_24, %ne3A_28 : vector<1024x8xi1>
    %sub3A = arith.constant 1 : i32
    %sub3A_29 = vector.broadcast %sub3A : i32 to vector<1024x8xi32>
    %sub3A_30 = arith.subi %div3A_8, %sub3A_29 : vector<1024x8xi32>
    %select_n3A_31 = arith.select %and3A, %sub3A_30, %div3A_8 : vector<1024x8xi1>, vector<1024x8xi32>
    %iota3A_32 = tpu.iota {dimensions = array<i32: 1>} : vector<1024x8xi32>
    %eq3A = arith.cmpi eq, %select_n3A_31, %iota3A_32 : vector<1024x8xi32>
    %convert_element_type3A = arith.extui %eq3A : vector<1024x8xi1> to vector<1024x8xi32>
    %convert_element_type3A_33 = arith.sitofp %convert_element_type3A : vector<1024x8xi32> to vector<1024x8xf32>
    %dot_general3A = arith.constant dense<0.000000e+00> : vector<1024x128xf32>
    %dot_general3A_34 = tpu.matmul %convert_element_type3A_33, %select_n3A, %dot_general3A {dimension_numbers = #tpu.dot_dimension_numbers<[1], [0], [0], [1], [0, 0, 1, 1], [], []>, transpose_lhs_hint = false} : vector<1024x8xf32>, vector<8x128xf32>, vector<1024x128xf32> -> vector<1024x128xf32>
    %iota3A_35 = tpu.iota {dimensions = array<i32: 0>} : vector<1024x128xi32>
    %jit3A_36 = arith.constant 128 : i32
    %eq3A_37 = arith.constant 0 : i32
    %eq3A_38 = arith.cmpi eq, %jit3A_36, %eq3A_37 : i32
    %jit3A_39 = arith.constant 1 : i32
    %select_n3A_40 = arith.select %eq3A_38, %jit3A_39, %jit3A_36 : i32
    %rem3A_41 = vector.broadcast %select_n3A_40 : i32 to vector<1024x128xi32>
    %rem3A_42 = arith.remsi %iota3A_35, %rem3A_41 : vector<1024x128xi32>
    %ne3A_43 = arith.constant 0 : i32
    %ne3A_44 = vector.broadcast %ne3A_43 : i32 to vector<1024x128xi32>
    %ne3A_45 = arith.cmpi ne, %rem3A_42, %ne3A_44 : vector<1024x128xi32>
    %lt3A = arith.constant 0 : i32
    %lt3A_46 = vector.broadcast %lt3A : i32 to vector<1024x128xi32>
    %lt3A_47 = arith.cmpi slt, %rem3A_42, %lt3A_46 : vector<1024x128xi32>
    %lt3A_48 = arith.constant 0 : i32
    %lt3A_49 = arith.cmpi slt, %select_n3A_40, %lt3A_48 : i32
    %ne3A_50 = vector.broadcast %lt3A_49 : i1 to vector<1024x128xi1>
    %ne3A_51 = vector.broadcast %ne3A_50 : vector<1024x128xi1> to vector<1024x128xi1>
    %ne3A_52 = arith.xori %lt3A_47, %ne3A_51 : vector<1024x128xi1>
    %and3A_53 = arith.andi %ne3A_52, %ne3A_45 : vector<1024x128xi1>
    %add3A_54 = vector.broadcast %select_n3A_40 : i32 to vector<1024x128xi32>
    %add3A_55 = arith.addi %rem3A_42, %add3A_54 : vector<1024x128xi32>
    %select_n3A_56 = arith.select %and3A_53, %add3A_55, %rem3A_42 : vector<1024x128xi1>, vector<1024x128xi32>
    %iota3A_57 = tpu.iota {dimensions = array<i32: 1>} : vector<1024x128xi32>
    %eq3A_58 = arith.cmpi eq, %select_n3A_56, %iota3A_57 : vector<1024x128xi32>
    %jit3A_59 = arith.constant 0.000000e+00 : f32
    %broadcast_in_dim3A_60 = vector.broadcast %jit3A_59 : f32 to vector<1024x128xf32>
    %select_n3A_61 = arith.select %eq3A_58, %dot_general3A_34, %broadcast_in_dim3A_60 : vector<1024x128xi1>, vector<1024x128xf32>
    %reduce_sum3A = arith.constant dense<0.000000e+00> : vector<1024xf32>
    %reduce_sum3A_62 = vector.multi_reduction <add>, %select_n3A_61, %reduce_sum3A [1] : vector<1024x128xf32> to vector<1024xf32>
    %broadcast_in_dim3A_63 = vector.shape_cast %reduce_sum3A_62 : vector<1024xf32> to vector<1024x1xf32>
    %broadcast_in_dim3A_64 = vector.shape_cast %broadcast_in_dim3A_63 : vector<1024x1xf32> to vector<1024x1xf32>
    %broadcast_in_dim3A_65 = vector.broadcast %broadcast_in_dim3A_64 : vector<1024x1xf32> to vector<1024x128xf32>
    %swap3A = arith.constant 0 : index
    %swap3A_66 = arith.constant 0 : index
    %swap3A_67 = vector.load %arg4[%swap3A, %swap3A_66] : memref<1024x128xf32, #tpu.memory_space<vmem>>, vector<1024x128xf32>
    tpu.vector_store %arg4[%swap3A, %swap3A_66], %broadcast_in_dim3A_65 {strides = array<i32>} : memref<1024x128xf32, #tpu.memory_space<vmem>>, vector<1024x128xf32>,
    %get3A_68 = arith.constant 0 : index
    %get3A_69 = arith.constant 0 : index
    %get3A_70 = vector.load %arg1[%get3A_68, %get3A_69] : memref<1024x128xf32, #tpu.memory_space<vmem>>, vector<1024x128xf32>
    %mul3A = arith.mulf %broadcast_in_dim3A_65, %get3A_70 : vector<1024x128xf32>
    %swap3A_71 = arith.constant 0 : index
    %swap3A_72 = arith.constant 0 : index
    %swap3A_73 = vector.load %arg5[%swap3A_71, %swap3A_72] : memref<1024x128xf32, #tpu.memory_space<vmem>>, vector<1024x128xf32>
    tpu.vector_store %arg5[%swap3A_71, %swap3A_72], %mul3A {strides = array<i32>} : memref<1024x128xf32, #tpu.memory_space<vmem>>, vector<1024x128xf32>,
    %mul3A_74 = arith.constant 5.000000e-01 : f32
    %mul3A_75 = vector.broadcast %mul3A_74 : f32 to vector<1024x128xf32>
    %mul3A_76 = arith.mulf %mul3A_75, %get3A_70 : vector<1024x128xf32>
    %swap3A_77 = arith.constant 0 : index
    %swap3A_78 = arith.constant 0 : index
    %swap3A_79 = vector.load %arg6[%swap3A_77, %swap3A_78] : memref<1024x128xf32, #tpu.memory_space<vmem>>, vector<1024x128xf32>
    tpu.vector_store %arg6[%swap3A_77, %swap3A_78], %mul3A_76 {strides = array<i32>} : memref<1024x128xf32, #tpu.memory_space<vmem>>, vector<1024x128xf32>,
    return
  }
  func.func @transform_0(%arg0: i32) -> (i32, i32) {
    %c0_i32 = arith.constant 0 : i32
    %c0_i32_0 = arith.constant 0 : i32
    return %arg0, %c0_i32 : i32, i32
  }
  func.func @transform_1(%arg0: i32) -> (i32, i32) {
    %c0_i32 = arith.constant 0 : i32
    %c0_i32_0 = arith.constant 0 : i32
    return %arg0, %c0_i32 : i32, i32
  }
  func.func @transform_2(%arg0: i32) -> (i32, i32) {
    %add3A = arith.constant 10 : i32
    %add3A_0 = arith.addi %arg0, %add3A : i32
    %c0_i32 = arith.constant 0 : i32
    %c0_i32_1 = arith.constant 0 : i32
    return %add3A_0, %c0_i32 : i32, i32
  }
  func.func @transform_3(%arg0: i32) -> (i32, i32) {
    %c0_i32 = arith.constant 0 : i32
    %c0_i32_0 = arith.constant 0 : i32
    return %arg0, %c0_i32 : i32, i32
  }
  func.func @transform_4(%arg0: i32) -> (i32, i32) {
    %c0_i32 = arith.constant 0 : i32
    %c0_i32_0 = arith.constant 0 : i32
    return %arg0, %c0_i32 : i32, i32
  }
  func.func @transform_5(%arg0: i32) -> (i32, i32) {
    %c0_i32 = arith.constant 0 : i32
    %c0_i32_0 = arith.constant 0 : i32
    return %arg0, %c0_i32 : i32, i32
  }
}

module attributes {stable_mosaic.version = 14 : i64} {
  func.func @body(%arg0: i32, %arg1: memref<1024x128xf32, #tpu.memory_space<vmem>>, %arg2: memref<1024x128xf32, #tpu.memory_space<vmem>>, %arg3: memref<1024x128xf32, #tpu.memory_space<vmem>>, %arg4: memref<1024x128xf32, #tpu.memory_space<vmem>>, %arg5: memref<1024x128xf32, #tpu.memory_space<vmem>>, %arg6: memref<1024x128xf32, #tpu.memory_space<vmem>>, %arg7: memref<1024x128xf32, #tpu.memory_space<vmem>>, %arg8: memref<1024x128xf32, #tpu.memory_space<vmem>>) attributes {dimension_semantics = [#tpu.dimension_semantics<arbitrary>], iteration_bounds = array<i64: 10>, scalar_prefetch = 0 : i64, scratch_operands = 0 : i64, tpu.core_type = #tpu.core_type<tc>, window_params = [{transform_indices = @transform_0, window_bounds = array<i64: 1024, 128>}, {transform_indices = @transform_1, window_bounds = array<i64: 1024, 128>}, {transform_indices = @transform_2, window_bounds = array<i64: 1024, 128>}, {transform_indices = @transform_3, window_bounds = array<i64: 1024, 128>}, {transform_indices = @transform_4, window_bounds = array<i64: 1024, 128>}, {transform_indices = @transform_5, window_bounds = array<i64: 1024, 128>}, {transform_indices = @transform_6, window_bounds = array<i64: 1024, 128>}, {transform_indices = @transform_7, window_bounds = array<i64: 1024, 128>}]} {
    %get3A = arith.constant 0 : index
    %get3A_0 = arith.constant 0 : index
    %get3A_1 = vector.load %arg4[%get3A, %get3A_0] : memref<1024x128xf32, #tpu.memory_space<vmem>>, vector<1024x128xf32>
    %get3A_2 = arith.constant 0 : index
    %get3A_3 = arith.constant 0 : index
    %get3A_4 = vector.load %arg1[%get3A_2, %get3A_3] : memref<1024x128xf32, #tpu.memory_space<vmem>>, vector<1024x128xf32>
    %get3A_5 = arith.constant 0 : index
    %get3A_6 = arith.constant 0 : index
    %get3A_7 = vector.load %arg2[%get3A_5, %get3A_6] : memref<1024x128xf32, #tpu.memory_space<vmem>>, vector<1024x128xf32>
    %get3A_8 = arith.constant 0 : index
    %get3A_9 = arith.constant 0 : index
    %get3A_10 = vector.load %arg3[%get3A_8, %get3A_9] : memref<1024x128xf32, #tpu.memory_space<vmem>>, vector<1024x128xf32>
    %add3A = arith.addf %get3A_7, %get3A_10 : vector<1024x128xf32>
    %mul3A = arith.mulf %get3A_1, %add3A : vector<1024x128xf32>
    %sub3A = arith.subf %get3A_4, %mul3A : vector<1024x128xf32>
    %swap3A = arith.constant 0 : index
    %swap3A_11 = arith.constant 0 : index
    %swap3A_12 = vector.load %arg6[%swap3A, %swap3A_11] : memref<1024x128xf32, #tpu.memory_space<vmem>>, vector<1024x128xf32>
    tpu.vector_store %arg6[%swap3A, %swap3A_11], %sub3A {strides = array<i32>} : memref<1024x128xf32, #tpu.memory_space<vmem>>, vector<1024x128xf32>,
    %get3A_13 = arith.constant 0 : index
    %get3A_14 = arith.constant 0 : index
    %get3A_15 = vector.load %arg5[%get3A_13, %get3A_14] : memref<1024x128xf32, #tpu.memory_space<vmem>>, vector<1024x128xf32>
    %mul3A_16 = arith.constant 1.000000e-01 : f32
    %mul3A_17 = vector.broadcast %mul3A_16 : f32 to vector<1024x128xf32>
    %mul3A_18 = arith.mulf %mul3A_17, %sub3A : vector<1024x128xf32>
    %add3A_19 = arith.addf %get3A_15, %mul3A_18 : vector<1024x128xf32>
    %swap3A_20 = arith.constant 0 : index
    %swap3A_21 = arith.constant 0 : index
    %swap3A_22 = vector.load %arg7[%swap3A_20, %swap3A_21] : memref<1024x128xf32, #tpu.memory_space<vmem>>, vector<1024x128xf32>
    tpu.vector_store %arg7[%swap3A_20, %swap3A_21], %add3A_19 {strides = array<i32>} : memref<1024x128xf32, #tpu.memory_space<vmem>>, vector<1024x128xf32>,
    %mul3A_23 = arith.mulf %get3A_1, %sub3A : vector<1024x128xf32>
    %swap3A_24 = arith.constant 0 : index
    %swap3A_25 = arith.constant 0 : index
    %swap3A_26 = vector.load %arg8[%swap3A_24, %swap3A_25] : memref<1024x128xf32, #tpu.memory_space<vmem>>, vector<1024x128xf32>
    tpu.vector_store %arg8[%swap3A_24, %swap3A_25], %mul3A_23 {strides = array<i32>} : memref<1024x128xf32, #tpu.memory_space<vmem>>, vector<1024x128xf32>,
    return
  }
  func.func @transform_0(%arg0: i32) -> (i32, i32) {
    %c0_i32 = arith.constant 0 : i32
    %c0_i32_0 = arith.constant 0 : i32
    return %arg0, %c0_i32 : i32, i32
  }
  func.func @transform_1(%arg0: i32) -> (i32, i32) {
    %c0_i32 = arith.constant 0 : i32
    %c0_i32_0 = arith.constant 0 : i32
    return %arg0, %c0_i32 : i32, i32
  }
  func.func @transform_2(%arg0: i32) -> (i32, i32) {
    %add3A = arith.constant 10 : i32
    %add3A_0 = arith.addi %arg0, %add3A : i32
    %c0_i32 = arith.constant 0 : i32
    %c0_i32_1 = arith.constant 0 : i32
    return %add3A_0, %c0_i32 : i32, i32
  }
  func.func @transform_3(%arg0: i32) -> (i32, i32) {
    %c0_i32 = arith.constant 0 : i32
    %c0_i32_0 = arith.constant 0 : i32
    return %arg0, %c0_i32 : i32, i32
  }
  func.func @transform_4(%arg0: i32) -> (i32, i32) {
    %c0_i32 = arith.constant 0 : i32
    %c0_i32_0 = arith.constant 0 : i32
    return %arg0, %c0_i32 : i32, i32
  }
  func.func @transform_5(%arg0: i32) -> (i32, i32) {
    %c0_i32 = arith.constant 0 : i32
    %c0_i32_0 = arith.constant 0 : i32
    return %arg0, %c0_i32 : i32, i32
  }
  func.func @transform_6(%arg0: i32) -> (i32, i32) {
    %c0_i32 = arith.constant 0 : i32
    %c0_i32_0 = arith.constant 0 : i32
    return %arg0, %c0_i32 : i32, i32
  }
  func.func @transform_7(%arg0: i32) -> (i32, i32) {
    %c0_i32 = arith.constant 0 : i32
    %c0_i32_0 = arith.constant 0 : i32
    return %arg0, %c0_i32 : i32, i32
  }
}

module attributes {stable_mosaic.version = 14 : i64} {
  func.func @body(%arg0: i32, %arg1: memref<1024x128xf32, #tpu.memory_space<vmem>>, %arg2: memref<1024x128xf32, #tpu.memory_space<vmem>>, %arg3: memref<1024x128xf32, #tpu.memory_space<vmem>>, %arg4: memref<1024x128xf32, #tpu.memory_space<vmem>>, %arg5: memref<1024x128xf32, #tpu.memory_space<vmem>>, %arg6: memref<1024x128xf32, #tpu.memory_space<vmem>>, %arg7: memref<1024x128xf32, #tpu.memory_space<vmem>>, %arg8: memref<1024x128xf32, #tpu.memory_space<vmem>>) attributes {dimension_semantics = [#tpu.dimension_semantics<arbitrary>], iteration_bounds = array<i64: 10>, scalar_prefetch = 0 : i64, scratch_operands = 0 : i64, tpu.core_type = #tpu.core_type<tc>, window_params = [{transform_indices = @transform_0, window_bounds = array<i64: 1024, 128>}, {transform_indices = @transform_1, window_bounds = array<i64: 1024, 128>}, {transform_indices = @transform_2, window_bounds = array<i64: 1024, 128>}, {transform_indices = @transform_3, window_bounds = array<i64: 1024, 128>}, {transform_indices = @transform_4, window_bounds = array<i64: 1024, 128>}, {transform_indices = @transform_5, window_bounds = array<i64: 1024, 128>}, {transform_indices = @transform_6, window_bounds = array<i64: 1024, 128>}, {transform_indices = @transform_7, window_bounds = array<i64: 1024, 128>}]} {
    %get3A = arith.constant 0 : index
    %get3A_0 = arith.constant 0 : index
    %get3A_1 = vector.load %arg4[%get3A, %get3A_0] : memref<1024x128xf32, #tpu.memory_space<vmem>>, vector<1024x128xf32>
    %get3A_2 = arith.constant 0 : index
    %get3A_3 = arith.constant 0 : index
    %get3A_4 = vector.load %arg1[%get3A_2, %get3A_3] : memref<1024x128xf32, #tpu.memory_space<vmem>>, vector<1024x128xf32>
    %get3A_5 = arith.constant 0 : index
    %get3A_6 = arith.constant 0 : index
    %get3A_7 = vector.load %arg2[%get3A_5, %get3A_6] : memref<1024x128xf32, #tpu.memory_space<vmem>>, vector<1024x128xf32>
    %get3A_8 = arith.constant 0 : index
    %get3A_9 = arith.constant 0 : index
    %get3A_10 = vector.load %arg3[%get3A_8, %get3A_9] : memref<1024x128xf32, #tpu.memory_space<vmem>>, vector<1024x128xf32>
    %add3A = arith.addf %get3A_7, %get3A_10 : vector<1024x128xf32>
    %mul3A = arith.mulf %get3A_1, %add3A : vector<1024x128xf32>
    %sub3A = arith.subf %get3A_4, %mul3A : vector<1024x128xf32>
    %swap3A = arith.constant 0 : index
    %swap3A_11 = arith.constant 0 : index
    %swap3A_12 = vector.load %arg6[%swap3A, %swap3A_11] : memref<1024x128xf32, #tpu.memory_space<vmem>>, vector<1024x128xf32>
    tpu.vector_store %arg6[%swap3A, %swap3A_11], %sub3A {strides = array<i32>} : memref<1024x128xf32, #tpu.memory_space<vmem>>, vector<1024x128xf32>,
    %get3A_13 = arith.constant 0 : index
    %get3A_14 = arith.constant 0 : index
    %get3A_15 = vector.load %arg5[%get3A_13, %get3A_14] : memref<1024x128xf32, #tpu.memory_space<vmem>>, vector<1024x128xf32>
    %mul3A_16 = arith.constant 3.000000e-01 : f32
    %mul3A_17 = vector.broadcast %mul3A_16 : f32 to vector<1024x128xf32>
    %mul3A_18 = arith.mulf %mul3A_17, %sub3A : vector<1024x128xf32>
    %add3A_19 = arith.addf %get3A_15, %mul3A_18 : vector<1024x128xf32>
    %swap3A_20 = arith.constant 0 : index
    %swap3A_21 = arith.constant 0 : index
    %swap3A_22 = vector.load %arg7[%swap3A_20, %swap3A_21] : memref<1024x128xf32, #tpu.memory_space<vmem>>, vector<1024x128xf32>
    tpu.vector_store %arg7[%swap3A_20, %swap3A_21], %add3A_19 {strides = array<i32>} : memref<1024x128xf32, #tpu.memory_space<vmem>>, vector<1024x128xf32>,
    %mul3A_23 = arith.mulf %get3A_1, %sub3A : vector<1024x128xf32>
    %swap3A_24 = arith.constant 0 : index
    %swap3A_25 = arith.constant 0 : index
    %swap3A_26 = vector.load %arg8[%swap3A_24, %swap3A_25] : memref<1024x128xf32, #tpu.memory_space<vmem>>, vector<1024x128xf32>
    tpu.vector_store %arg8[%swap3A_24, %swap3A_25], %mul3A_23 {strides = array<i32>} : memref<1024x128xf32, #tpu.memory_space<vmem>>, vector<1024x128xf32>,
    return
  }
  func.func @transform_0(%arg0: i32) -> (i32, i32) {
    %c0_i32 = arith.constant 0 : i32
    %c0_i32_0 = arith.constant 0 : i32
    return %arg0, %c0_i32 : i32, i32
  }
  func.func @transform_1(%arg0: i32) -> (i32, i32) {
    %c0_i32 = arith.constant 0 : i32
    %c0_i32_0 = arith.constant 0 : i32
    return %arg0, %c0_i32 : i32, i32
  }
  func.func @transform_2(%arg0: i32) -> (i32, i32) {
    %add3A = arith.constant 10 : i32
    %add3A_0 = arith.addi %arg0, %add3A : i32
    %c0_i32 = arith.constant 0 : i32
    %c0_i32_1 = arith.constant 0 : i32
    return %add3A_0, %c0_i32 : i32, i32
  }
  func.func @transform_3(%arg0: i32) -> (i32, i32) {
    %c0_i32 = arith.constant 0 : i32
    %c0_i32_0 = arith.constant 0 : i32
    return %arg0, %c0_i32 : i32, i32
  }
  func.func @transform_4(%arg0: i32) -> (i32, i32) {
    %c0_i32 = arith.constant 0 : i32
    %c0_i32_0 = arith.constant 0 : i32
    return %arg0, %c0_i32 : i32, i32
  }
  func.func @transform_5(%arg0: i32) -> (i32, i32) {
    %c0_i32 = arith.constant 0 : i32
    %c0_i32_0 = arith.constant 0 : i32
    return %arg0, %c0_i32 : i32, i32
  }
  func.func @transform_6(%arg0: i32) -> (i32, i32) {
    %c0_i32 = arith.constant 0 : i32
    %c0_i32_0 = arith.constant 0 : i32
    return %arg0, %c0_i32 : i32, i32
  }
  func.func @transform_7(%arg0: i32) -> (i32, i32) {
    %c0_i32 = arith.constant 0 : i32
    %c0_i32_0 = arith.constant 0 : i32
    return %arg0, %c0_i32 : i32, i32
  }
}

module attributes {stable_mosaic.version = 14 : i64} {
  func.func @body(%arg0: i32, %arg1: memref<1024x128xf32, #tpu.memory_space<vmem>>, %arg2: memref<1024x128xf32, #tpu.memory_space<vmem>>, %arg3: memref<1024x128xf32, #tpu.memory_space<vmem>>, %arg4: memref<1024x128xf32, #tpu.memory_space<vmem>>, %arg5: memref<1024x128xf32, #tpu.memory_space<vmem>>, %arg6: memref<1024x128xf32, #tpu.memory_space<vmem>>, %arg7: memref<1024x128xf32, #tpu.memory_space<vmem>>, %arg8: memref<1024x128xf32, #tpu.memory_space<vmem>>) attributes {dimension_semantics = [#tpu.dimension_semantics<arbitrary>], iteration_bounds = array<i64: 10>, scalar_prefetch = 0 : i64, scratch_operands = 0 : i64, tpu.core_type = #tpu.core_type<tc>, window_params = [{transform_indices = @transform_0, window_bounds = array<i64: 1024, 128>}, {transform_indices = @transform_1, window_bounds = array<i64: 1024, 128>}, {transform_indices = @transform_2, window_bounds = array<i64: 1024, 128>}, {transform_indices = @transform_3, window_bounds = array<i64: 1024, 128>}, {transform_indices = @transform_4, window_bounds = array<i64: 1024, 128>}, {transform_indices = @transform_5, window_bounds = array<i64: 1024, 128>}, {transform_indices = @transform_6, window_bounds = array<i64: 1024, 128>}, {transform_indices = @transform_7, window_bounds = array<i64: 1024, 128>}]} {
    %get3A = arith.constant 0 : index
    %get3A_0 = arith.constant 0 : index
    %get3A_1 = vector.load %arg4[%get3A, %get3A_0] : memref<1024x128xf32, #tpu.memory_space<vmem>>, vector<1024x128xf32>
    %get3A_2 = arith.constant 0 : index
    %get3A_3 = arith.constant 0 : index
    %get3A_4 = vector.load %arg1[%get3A_2, %get3A_3] : memref<1024x128xf32, #tpu.memory_space<vmem>>, vector<1024x128xf32>
    %get3A_5 = arith.constant 0 : index
    %get3A_6 = arith.constant 0 : index
    %get3A_7 = vector.load %arg2[%get3A_5, %get3A_6] : memref<1024x128xf32, #tpu.memory_space<vmem>>, vector<1024x128xf32>
    %get3A_8 = arith.constant 0 : index
    %get3A_9 = arith.constant 0 : index
    %get3A_10 = vector.load %arg3[%get3A_8, %get3A_9] : memref<1024x128xf32, #tpu.memory_space<vmem>>, vector<1024x128xf32>
    %add3A = arith.addf %get3A_7, %get3A_10 : vector<1024x128xf32>
    %mul3A = arith.mulf %get3A_1, %add3A : vector<1024x128xf32>
    %sub3A = arith.subf %get3A_4, %mul3A : vector<1024x128xf32>
    %swap3A = arith.constant 0 : index
    %swap3A_11 = arith.constant 0 : index
    %swap3A_12 = vector.load %arg6[%swap3A, %swap3A_11] : memref<1024x128xf32, #tpu.memory_space<vmem>>, vector<1024x128xf32>
    tpu.vector_store %arg6[%swap3A, %swap3A_11], %sub3A {strides = array<i32>} : memref<1024x128xf32, #tpu.memory_space<vmem>>, vector<1024x128xf32>,
    %get3A_13 = arith.constant 0 : index
    %get3A_14 = arith.constant 0 : index
    %get3A_15 = vector.load %arg5[%get3A_13, %get3A_14] : memref<1024x128xf32, #tpu.memory_space<vmem>>, vector<1024x128xf32>
    %mul3A_16 = arith.constant 5.000000e-02 : f32
    %mul3A_17 = vector.broadcast %mul3A_16 : f32 to vector<1024x128xf32>
    %mul3A_18 = arith.mulf %mul3A_17, %sub3A : vector<1024x128xf32>
    %add3A_19 = arith.addf %get3A_15, %mul3A_18 : vector<1024x128xf32>
    %swap3A_20 = arith.constant 0 : index
    %swap3A_21 = arith.constant 0 : index
    %swap3A_22 = vector.load %arg7[%swap3A_20, %swap3A_21] : memref<1024x128xf32, #tpu.memory_space<vmem>>, vector<1024x128xf32>
    tpu.vector_store %arg7[%swap3A_20, %swap3A_21], %add3A_19 {strides = array<i32>} : memref<1024x128xf32, #tpu.memory_space<vmem>>, vector<1024x128xf32>,
    %mul3A_23 = arith.mulf %get3A_1, %sub3A : vector<1024x128xf32>
    %swap3A_24 = arith.constant 0 : index
    %swap3A_25 = arith.constant 0 : index
    %swap3A_26 = vector.load %arg8[%swap3A_24, %swap3A_25] : memref<1024x128xf32, #tpu.memory_space<vmem>>, vector<1024x128xf32>
    tpu.vector_store %arg8[%swap3A_24, %swap3A_25], %mul3A_23 {strides = array<i32>} : memref<1024x128xf32, #tpu.memory_space<vmem>>, vector<1024x128xf32>,
    return
  }
  func.func @transform_0(%arg0: i32) -> (i32, i32) {
    %c0_i32 = arith.constant 0 : i32
    %c0_i32_0 = arith.constant 0 : i32
    return %arg0, %c0_i32 : i32, i32
  }
  func.func @transform_1(%arg0: i32) -> (i32, i32) {
    %c0_i32 = arith.constant 0 : i32
    %c0_i32_0 = arith.constant 0 : i32
    return %arg0, %c0_i32 : i32, i32
  }
  func.func @transform_2(%arg0: i32) -> (i32, i32) {
    %add3A = arith.constant 10 : i32
    %add3A_0 = arith.addi %arg0, %add3A : i32
    %c0_i32 = arith.constant 0 : i32
    %c0_i32_1 = arith.constant 0 : i32
    return %add3A_0, %c0_i32 : i32, i32
  }
  func.func @transform_3(%arg0: i32) -> (i32, i32) {
    %c0_i32 = arith.constant 0 : i32
    %c0_i32_0 = arith.constant 0 : i32
    return %arg0, %c0_i32 : i32, i32
  }
  func.func @transform_4(%arg0: i32) -> (i32, i32) {
    %c0_i32 = arith.constant 0 : i32
    %c0_i32_0 = arith.constant 0 : i32
    return %arg0, %c0_i32 : i32, i32
  }
  func.func @transform_5(%arg0: i32) -> (i32, i32) {
    %c0_i32 = arith.constant 0 : i32
    %c0_i32_0 = arith.constant 0 : i32
    return %arg0, %c0_i32 : i32, i32
  }
  func.func @transform_6(%arg0: i32) -> (i32, i32) {
    %c0_i32 = arith.constant 0 : i32
    %c0_i32_0 = arith.constant 0 : i32
    return %arg0, %c0_i32 : i32, i32
  }
  func.func @transform_7(%arg0: i32) -> (i32, i32) {
    %c0_i32 = arith.constant 0 : i32
    %c0_i32_0 = arith.constant 0 : i32
    return %arg0, %c0_i32 : i32, i32
  }
}

module attributes {stable_mosaic.version = 14 : i64} {
  func.func @body(%arg0: i32, %arg1: memref<1024x128xf32, #tpu.memory_space<vmem>>, %arg2: memref<1024x128xf32, #tpu.memory_space<vmem>>, %arg3: memref<1024x128xf32, #tpu.memory_space<vmem>>, %arg4: memref<1024x128xf32, #tpu.memory_space<vmem>>, %arg5: memref<1024x128xf32, #tpu.memory_space<vmem>>, %arg6: memref<1024x128xf32, #tpu.memory_space<vmem>>, %arg7: memref<1024x128xf32, #tpu.memory_space<vmem>>, %arg8: memref<1024x128xf32, #tpu.memory_space<vmem>>) attributes {dimension_semantics = [#tpu.dimension_semantics<arbitrary>], iteration_bounds = array<i64: 10>, scalar_prefetch = 0 : i64, scratch_operands = 0 : i64, tpu.core_type = #tpu.core_type<tc>, window_params = [{transform_indices = @transform_0, window_bounds = array<i64: 1024, 128>}, {transform_indices = @transform_1, window_bounds = array<i64: 1024, 128>}, {transform_indices = @transform_2, window_bounds = array<i64: 1024, 128>}, {transform_indices = @transform_3, window_bounds = array<i64: 1024, 128>}, {transform_indices = @transform_4, window_bounds = array<i64: 1024, 128>}, {transform_indices = @transform_5, window_bounds = array<i64: 1024, 128>}, {transform_indices = @transform_6, window_bounds = array<i64: 1024, 128>}, {transform_indices = @transform_7, window_bounds = array<i64: 1024, 128>}]} {
    %get3A = arith.constant 0 : index
    %get3A_0 = arith.constant 0 : index
    %get3A_1 = vector.load %arg4[%get3A, %get3A_0] : memref<1024x128xf32, #tpu.memory_space<vmem>>, vector<1024x128xf32>
    %get3A_2 = arith.constant 0 : index
    %get3A_3 = arith.constant 0 : index
    %get3A_4 = vector.load %arg1[%get3A_2, %get3A_3] : memref<1024x128xf32, #tpu.memory_space<vmem>>, vector<1024x128xf32>
    %get3A_5 = arith.constant 0 : index
    %get3A_6 = arith.constant 0 : index
    %get3A_7 = vector.load %arg2[%get3A_5, %get3A_6] : memref<1024x128xf32, #tpu.memory_space<vmem>>, vector<1024x128xf32>
    %get3A_8 = arith.constant 0 : index
    %get3A_9 = arith.constant 0 : index
    %get3A_10 = vector.load %arg3[%get3A_8, %get3A_9] : memref<1024x128xf32, #tpu.memory_space<vmem>>, vector<1024x128xf32>
    %add3A = arith.addf %get3A_7, %get3A_10 : vector<1024x128xf32>
    %mul3A = arith.mulf %get3A_1, %add3A : vector<1024x128xf32>
    %sub3A = arith.subf %get3A_4, %mul3A : vector<1024x128xf32>
    %swap3A = arith.constant 0 : index
    %swap3A_11 = arith.constant 0 : index
    %swap3A_12 = vector.load %arg6[%swap3A, %swap3A_11] : memref<1024x128xf32, #tpu.memory_space<vmem>>, vector<1024x128xf32>
    tpu.vector_store %arg6[%swap3A, %swap3A_11], %sub3A {strides = array<i32>} : memref<1024x128xf32, #tpu.memory_space<vmem>>, vector<1024x128xf32>,
    %get3A_13 = arith.constant 0 : index
    %get3A_14 = arith.constant 0 : index
    %get3A_15 = vector.load %arg5[%get3A_13, %get3A_14] : memref<1024x128xf32, #tpu.memory_space<vmem>>, vector<1024x128xf32>
    %mul3A_16 = arith.constant 5.000000e-02 : f32
    %mul3A_17 = vector.broadcast %mul3A_16 : f32 to vector<1024x128xf32>
    %mul3A_18 = arith.mulf %mul3A_17, %sub3A : vector<1024x128xf32>
    %add3A_19 = arith.addf %get3A_15, %mul3A_18 : vector<1024x128xf32>
    %swap3A_20 = arith.constant 0 : index
    %swap3A_21 = arith.constant 0 : index
    %swap3A_22 = vector.load %arg7[%swap3A_20, %swap3A_21] : memref<1024x128xf32, #tpu.memory_space<vmem>>, vector<1024x128xf32>
    tpu.vector_store %arg7[%swap3A_20, %swap3A_21], %add3A_19 {strides = array<i32>} : memref<1024x128xf32, #tpu.memory_space<vmem>>, vector<1024x128xf32>,
    %mul3A_23 = arith.mulf %get3A_1, %sub3A : vector<1024x128xf32>
    %swap3A_24 = arith.constant 0 : index
    %swap3A_25 = arith.constant 0 : index
    %swap3A_26 = vector.load %arg8[%swap3A_24, %swap3A_25] : memref<1024x128xf32, #tpu.memory_space<vmem>>, vector<1024x128xf32>
    tpu.vector_store %arg8[%swap3A_24, %swap3A_25], %mul3A_23 {strides = array<i32>} : memref<1024x128xf32, #tpu.memory_space<vmem>>, vector<1024x128xf32>,
    return
  }
  func.func @transform_0(%arg0: i32) -> (i32, i32) {
    %c0_i32 = arith.constant 0 : i32
    %c0_i32_0 = arith.constant 0 : i32
    return %arg0, %c0_i32 : i32, i32
  }
  func.func @transform_1(%arg0: i32) -> (i32, i32) {
    %c0_i32 = arith.constant 0 : i32
    %c0_i32_0 = arith.constant 0 : i32
    return %arg0, %c0_i32 : i32, i32
  }
  func.func @transform_2(%arg0: i32) -> (i32, i32) {
    %add3A = arith.constant 10 : i32
    %add3A_0 = arith.addi %arg0, %add3A : i32
    %c0_i32 = arith.constant 0 : i32
    %c0_i32_1 = arith.constant 0 : i32
    return %add3A_0, %c0_i32 : i32, i32
  }
  func.func @transform_3(%arg0: i32) -> (i32, i32) {
    %c0_i32 = arith.constant 0 : i32
    %c0_i32_0 = arith.constant 0 : i32
    return %arg0, %c0_i32 : i32, i32
  }
  func.func @transform_4(%arg0: i32) -> (i32, i32) {
    %c0_i32 = arith.constant 0 : i32
    %c0_i32_0 = arith.constant 0 : i32
    return %arg0, %c0_i32 : i32, i32
  }
  func.func @transform_5(%arg0: i32) -> (i32, i32) {
    %c0_i32 = arith.constant 0 : i32
    %c0_i32_0 = arith.constant 0 : i32
    return %arg0, %c0_i32 : i32, i32
  }
  func.func @transform_6(%arg0: i32) -> (i32, i32) {
    %c0_i32 = arith.constant 0 : i32
    %c0_i32_0 = arith.constant 0 : i32
    return %arg0, %c0_i32 : i32, i32
  }
  func.func @transform_7(%arg0: i32) -> (i32, i32) {
    %c0_i32 = arith.constant 0 : i32
    %c0_i32_0 = arith.constant 0 : i32
    return %arg0, %c0_i32 : i32, i32
  }
}

</mosaic_0001>

<sc_bundles>
// kernel: kernel.12.cloned.1.call-start
scs
__scs_entry_jumppad:
0x0: {  	(pc) =	sbr.rel $0x88, $3  }
0x1: {  	(tag) =	ssettag $0x0;
	lr =	simm.s32 $0x1  }
0x2: {  	[smem:$0x3F9F] =	sst lr;
	_ =	strace $0xD0000000  }
0x3: {  	_ = 	snop  }
0x4: {  	_ = 	snop  }
0x5: {  	_ = 	snop  }
0x6: {  	_ = 	snop  }
0x7: {  	_ = 	snop  }
__scs_overlays_trampoline_lowered:
0x8: {  	[smem:$0x3FAE] =	sst s0  }
0x9: {  	[smem:$0x3FAF] =	sst s1  }
0xa: {  	[smem:$0x3FB0] =	sst s2  }
0xb: {  	[smem:$0x3FB1] =	sst s3  }
0xc: {  	[smem:$0x3FB2] =	sst s4  }
0xd: {  	[smem:$0x3FB3] =	sst s5  }
0xe: {  	[smem:$0x3FB4] =	sst s6  }
0xf: {  	[smem:$0x3FB5] =	sst s7  }
0x10: {  	[smem:$0x3FB6] =	sst s8  }
0x11: {  	[smem:$0x3FB7] =	sst s9;
	s0 =	simm.s32 @!p0 $0x0  }
0x12: {  	s1 =	sld [smem:$0x3F9D];
	s0 =	simm.s32 @p0 $0x1  }
0x13: {  	[smem:$0x3FB8] =	sst s0;
	s0 =	simm.s32 @!p1 $0x0  }
0x14: {  	s2 =	sld [smem:$0x3F9C];
	s0 =	simm.s32 @p1 $0x1  }
0x15: {  	[smem:$0x3FB9] =	sst s0;
	s0 =	simm.s32 @!p2 $0x0  }
0x16: {  	s3 =	sld [smem:$0x3FDB];
	s0 =	simm.s32 @p2 $0x1  }
0x17: {  	s4 =	simm.s32 $0x1BF5;
	[smem:$0x3FBB] =	sst s0  }
0x18: {  	s0 =	sld [smem:$0x3F9E];
	_ =	swait.ge [sflag:s4], $0x0  }
0x19: {  	s7 =	sld [smem:$0x3F9F]  }
0x1a: {  	s8 =	sadd.s32 $0xFFFFE003, lr  }
0x1b: {  	s9 =	sadd.s32 $0xFFFFFEF7, lr;
	s5 =	simm.s32 $0xFFFFFFFF;
	p2 =	slt.u32 s8, $0xFFFFF086  }
0x1c: {  	p1 =	slt.u32 s9, $0xF7A;
	s5 =	simm.s32 @!p2 $0x0  }
0x1d: {  	s5 =	simm.s32 @p1 $0x1;
	p0 =	seq.s32 s7, s2  }
0x1e: {  	s7 =	smul.u32 @!p0 $0xF7A, s2;
	p2 =	seq.s32 @!p0 s5, $0x0  }
0x1f: {  	s9 =	smul.u32 $0xF7A, s1;
	s8 =	simm.s32 @!p0 $0x1BF5;
	p2 =	por !p2, p0  }
0x20: {  	[sflag:s8] =	ssyncset.s32 @!p0 $0xFFFFF086;
	s6 =	sadd.s32 @!p0 s3, s7;
	s7 =	simm.s32 @!p0 $0x108  }
0x21: {  	s3 =	sadd.s32 s3, s9;
	s6 =	sadd.s32 @!p0 $0x88, s6;
	s7 =	simm.s32 @p2 $0x1082  }
0x22: {  	[simem:s7], [sflag:s8] =	dma.local @!p0 [hbm:s6], $0xF7A  }
0x23: {  	s9 =	sor.u32 $0xD0000000, s2;
	s6 =	simm.s32 $0x108;
	_ =	swait.ge @!p0 [sflag:s8], $0x0  }
0x24: {  	s3 =	sadd.s32 $0x88, s3;
	s6 =	simm.s32 @!p1 $0x1082;
	[sflag:s4] =	ssyncset.s32 $0xFFFFF086  }
0x25: {  	[simem:s6], [sflag:s4] =	dma.local [hbm:s3], $0xF7A  }
0x26: {  	[smem:$0x3F9F] =	sst s1;
	(tag) =	ssettag s2;
	_ =	strace s9  }
0x27: {  	s1 =	sld [smem:$0x3FAF]  }
0x28: {  	s2 =	sld [smem:$0x3FB0]  }
0x29: {  	s4 =	sld [smem:$0x3FB2]  }
0x2a: {  	p0 =	seq.s32 s5, $0x0;
	s5 =	sld [smem:$0x3FB3]  }
0x2b: {  	s6 =	sld [smem:$0x3FB4]  }
0x2c: {  	s7 =	sld [smem:$0x3FB5]  }
0x2d: {  	s3 =	simm.s32 $0x108;
	s8 =	sld [smem:$0x3FB6]  }
0x2e: {  	s3 =	simm.s32 @!p0 $0x1082;
	s9 =	sld [smem:$0x3FB7]  }
0x2f: {  	lr =	sadd.s32 s0, s3;
	s0 =	sld [smem:$0x3FAE]  }
0x30: {  	s3 =	sld [smem:$0x3FB1]  }
0x31: {  	[smem:$0x3FBA] =	sst s10  }
0x32: {  	s10 =	sld [smem:$0x3FB8];
	_ =	sdelay $0x3  }
0x33: {  	p0 =	seq.s32 s10, $0x1;
	s10 =	sld [smem:$0x3FBA];
	_ =	sdelay $0x3  }
0x34: {  	[smem:$0x3FBA] =	sst s10  }
0x35: {  	s10 =	sld [smem:$0x3FB9];
	_ =	sdelay $0x3  }
0x36: {  	p1 =	seq.s32 s10, $0x1;
	s10 =	sld [smem:$0x3FBA];
	_ =	sdelay $0x3  }
0x37: {  	[smem:$0x3FBA] =	sst s10  }
0x38: {  	s10 =	sld [smem:$0x3FBB]  }
0x39: {  	_ = 	snop;
	(pc) =	sbr.ind lr, $3  }
0x3a: {  	_ = 	snop  }
0x3b: {  	_ = 	snop  }
0x3c: {  	p2 =	seq.s32 s10, $0x1;
	s10 =	sld [smem:$0x3FBA]  }
0x3d: {  	_ =	shalt  }
0x3e: {  	_ =	shalt  }
0x3f: {  	_ =	shalt  }
0x40: {  	_ =	shalt  }
0x41: {  	_ =	shalt  }
0x42: {  	_ =	shalt  }
0x43: {  	_ =	shalt  }
0x44: {  	_ =	shalt  }
0x45: {  	_ =	shalt  }
0x46: {  	_ =	shalt  }
0x47: {  	_ =	shalt  }
0x48: {  	_ =	shalt  }
0x49: {  	_ =	shalt  }
0x4a: {  	_ =	shalt  }
0x4b: {  	_ =	shalt  }
0x4c: {  	_ =	shalt  }
0x4d: {  	_ =	shalt  }
0x4e: {  	_ =	shalt  }
0x4f: {  	_ =	shalt  }
0x50: {  	_ =	shalt  }
0x51: {  	_ =	shalt  }
0x52: {  	_ =	shalt  }
0x53: {  	_ =	shalt  }
0x54: {  	_ =	shalt  }
0x55: {  	_ =	shalt  }
0x56: {  	_ =	shalt  }
0x57: {  	_ =	shalt  }
0x58: {  	_ =	shalt  }
0x59: {  	_ =	shalt  }
0x5a: {  	_ =	shalt  }
0x5b: {  	_ =	shalt  }
0x5c: {  	_ =	shalt  }
0x5d: {  	_ =	shalt  }
0x5e: {  	_ =	shalt  }
0x5f: {  	_ =	shalt  }
0x60: {  	_ =	shalt  }
0x61: {  	_ =	shalt  }
0x62: {  	_ =	shalt  }
0x63: {  	_ =	shalt  }
0x64: {  	_ =	shalt  }
0x65: {  	_ =	shalt  }
0x66: {  	_ =	shalt  }
0x67: {  	_ =	shalt  }
0x68: {  	_ =	shalt  }
0x69: {  	_ =	shalt  }
0x6a: {  	_ =	shalt  }
0x6b: {  	_ =	shalt  }
0x6c: {  	_ =	shalt  }
0x6d: {  	_ =	shalt  }
0x6e: {  	_ =	shalt  }
0x6f: {  	_ =	shalt  }
0x70: {  	_ =	shalt  }
0x71: {  	_ =	shalt  }
0x72: {  	_ =	shalt  }
0x73: {  	_ =	shalt  }
0x74: {  	_ =	shalt  }
0x75: {  	_ =	shalt  }
0x76: {  	_ =	shalt  }
0x77: {  	_ =	shalt  }
0x78: {  	_ =	shalt  }
0x79: {  	_ =	shalt  }
0x7a: {  	_ =	shalt  }
0x7b: {  	_ =	shalt  }
0x7c: {  	_ =	shalt  }
0x7d: {  	_ =	shalt  }
0x7e: {  	_ =	shalt  }
0x7f: {  	_ =	shalt  }
0x80: {  	_ =	shalt  }
0x81: {  	_ =	shalt  }
0x82: {  	_ =	shalt  }
0x83: {  	_ =	shalt  }
0x84: {  	_ =	shalt  }
0x85: {  	_ =	shalt  }
0x86: {  	_ =	shalt  }
0x87: {  	_ =	shalt  }
.Lfunc_end0:
.L_simem_size_0:
called_computation_lowered:
.L_overlay_start_0:
0x88: {  	s2 =	sld [smem:$0x3FD9]  }
0x89: {  	s3 =	sld [smem:$0x3FFE];
	_ =	sdelay $0x1  }
0x8a: {  	s1 =	srdreg.scid  }
0x8b: {  	s0 =	sand.u32 $0x1, s1  }
0x8c: {  	s17 =	sshll.u32 s0, $0xA;
	s2 =	sadd.s32 s3, s2  }
0x8d: {  	s2 =	sadd.s32 s2, s17  }
0x8e: {  	[smem:$0x3FC6] =	sst s2  }
0x8f: {  	_ = 	snop  }
0x90: {  	s2 =	sld [smem:$0x3FD0];
	(tm) =	ssettm $0x1  }
0x91: {  	s18 =	sld [smem:$0x3FFB];
	_ =	sdelay $0x3  }
0x92: {  	_ =	strace s18  }
0x93: {  	s3 =	sld [smem:$0x3FFC];
	_ =	sdelay $0x3  }
0x94: {  	_ =	strace s3  }
0x95: {  	s3 =	sld [smem:$0x3FFD];
	_ =	sdelay $0x3  }
0x96: {  	_ =	strace s3  }
0x97: {  	_ =	strace $0x8FFFFFFF  }
0x98: {  	s19 =	sld [smem:$0x3FDB];
	_ =	sdelay $0x1  }
0x99: {  	s4 =	simm.s32 $_scs_section_size  }
0x9a: {  	s5 =	simm.s32 $_size__tile_overlayer_lowered;
	s6 =	simm.s32 $_tile_overlayer_lowered  }
0x9b: {  	s22 =	simm.s32 $0x1BFF;
	s21 =	sshll.u32 s6, $0x1;
	s3 =	sadd.s32 s4, s19  }
0x9c: {  	s7 =	simm.s32 $0x0;
	s20 =	sshll.u32 s5, $0x1;
	s5 =	sadd.s32 s21, s3  }
0x9d: {  	[timem:s7], [sflag:s22] =	dma.local [hbm:s5], s20  }
0x9e: {  	_ =	swait.ge [sflag:s22], s20  }
0x9f: {  	s4 =	ssub.s32 $0x0, s20;
	[sflag:s22] =	ssyncset.done $0x0  }
0xa0: {  	[sflag:s22] =	ssyncadd.s32 s4;
	_ =	sdelay $0x1  }
0xa1: {  	s23 =	simm.s32 $0x1B8B  }
0xa2: {  	_ =	swait.ge [sflag:s23], $0x1  }
0xa3: {  	[sflag:s23] =	ssyncset.done $0x0  }
0xa4: {  	s25 =	simm.s32 $0x1B8E;
	s24 =	sld [smem:$0x3FFE];
	[sflag:s23] =	ssyncadd.s32 $0xFFFFFFFF  }
0xa5: {  	s26 =	simm.s32 $execute0_lowered;
	[smem:$0x3FD2] =	sst s25  }
0xa6: {  	s5 =	sshll.u32 s26, $0x1;
	_ =	strace $0x80000046;
	[dreg:$0x1] =	wrdreg $0xFFFFFFFF  }
0xa7: {  	s28 =	simm.s32 $_size_execute0_lowered;
	s3 =	sadd.s32 s3, s5;
	[dreg:$0x0] =	wrdreg $0x0  }
0xa8: {  	s5 =	sshll.u32 s28, $0x1;
	[dreg:$0x2] =	wrdreg s3  }
0xa9: {  	[dreg:$0x3] =	wrdreg s5  }
0xaa: {  	[dreg:$0x4] =	wrdreg $0xC0  }
0xab: {  	_ =	task [dreg:s7], $0x5FFFF  }
0xac: {  	[dreg:$0x1] =	wrdreg $0xFFFFFFFF  }
0xad: {  	[dreg:$0x0] =	wrdreg $0x60  }
0xae: {  	[dreg:$0x2] =	wrdreg s2  }
0xaf: {  	[dreg:$0x3] =	wrdreg s24  }
0xb0: {  	[dreg:$0x4] =	wrdreg $0x29000  }
0xb1: {  	[dreg:$0x5] =	wrdreg $0x9  }
0xb2: {  	_ =	task.clear_ibuf [dreg:s7], $0x6FFFF;
	_ =	strace $0x90000046  }
0xb3: {  	s29 =	simm.s32 $0x9;
	_ =	strace $0x80000048  }
0xb4: {  	_ =	swait.ge [sflag:s29], $0x1  }
0xb5: {  	[sflag:s29] =	ssyncadd.s32 $0xFFFFFFFF  }
0xb6: {  	_ =	strace $0x90000048  }
0xb7: {  	_ =	sfence  }
0xb8: {  	s30 =	sld [smem:$0x0];
	_ =	sdelay $0x2  }
0xb9: {  	s31 =	sshll.u32 s1, $0xD;
	s1 =	sshrl.u32 s1, $0x2  }
0xba: {  	s3 =	sand.u32 $0x4000, s31;
	s1 =	sadd.s32 s1, s30  }
0xbb: {  	s0 =	sor.u32 s3, s0;
	s1 =	sshll.u32 s1, $0x11  }
0xbc: {  	s0 =	sor.u32 s1, s0  }
0xbd: {  	s0 =	sadd.s32 $0x8F2B, s0  }
0xbe: {  	[sflag:s0] =	ssyncadd.remote.s32 $0x1  }
0xbf: {  	_ =	sfence.sel $0xFFFF  }
0xc0: {  	[dreg:$0x0] =	wrdreg $0xFFFFFFFF;
	(pc) =	sbr.abs _section_cstart, $3  }
0xc1: {  	[dreg:$0x1] =	wrdreg $0xFFFFFFFF  }
0xc2: {  	_ =	task.clear_ibuf [dreg:s7], $0x2FFFF;
	_ =	strace $0x9FFFFFFF  }
0xc3: {  	(tm) =	ssettm $0x7FFFFFFF  }
tec
execute0_lowered:
.L_overlay_start_1:
0x0: {  	(tag) =	ssettag $0x1  }
0x1: {  	s8 =	rddreg [dreg:$0x0]  }
0x2: {  	s4 =	rddreg [dreg:$0x1]  }
0x3: {  	s1 =	rddreg [dreg:$0x2]  }
0x4: {  	s2 =	srdreg.scid;
	s0 =	rddreg [dreg:$0x3];
	s3 =	simm.s32 $0x0  }
0x5: {  	s12 =	simm.s32 $0x2880;
	s5 =	sand.u32 $0x1, s2;
	s2 =	stileid.u32  }
0x6: {  	s15 =	simm.s32 $0x0;
	[smem:$0x7FF] =	sst s3;
	s6 =	smul.u32 $0x2800, s5  }
0x7: {  	s7 =	sshll.u32 s2, $0xA;
	s9 =	smul.u32 $0x27600, s5;
	s5 =	ssub.s32 $0x2, s5  }
0x8: {  	s10 =	smul.u32 $0x2760, s2;
	_ =	strace $0x80000047;
	p0 =	sgt.u32 s2, $0x9  }
0x9: {  	s11 =	sshrl.u32 s5, $0x1;
	s13 =	sshll.u32 @!p0 s2, $0x6;
	s6 =	sadd.s32 s6, s7  }
0xa: {  	s11 =	ssub.s32 s5, s11;
	s9 =	sadd.s32 s10, s9;
	s5 =	sor.u32 $0x80, s7  }
0xb: {  	s10 =	simm.s32 $0x80;
	s13 =	sor.u32 @!p0 $0x1C01, s13;
	s6 =	sshrl.u32 s6, $0x3  }
0xc: {  	v0 =	vlaneseq.u32;
	s9 =	sshrl.u32 s9, $0x3;
	s6 =	sadd.s32 s6, s4;
	s4 =	sadd.s32 s7, s1  }
0xd: {  	v1 =	vimm.f32 $0.0e+00;
	v6 =	vimm.f32 $1.000000000e+00;
	v2 =	vor.u32 $0x10, v0;
	s7 =	smax.u32 s11, $0x1;
	s8 =	sadd.s32 s9, s8;
	s9 =	simm.s32 $0x1  }
0xe: {  	v3 =	vor.u32 $0x20, v0;
	v4 =	vor.u32 $0x30, v0;
	v5 =	vor.u32 $0x40, v0;
	s11 =	simm.s32 $0x50;
	s6 =	sadd.s32 $0x3200, s6;
	s14 =	sshrl.u32 @!p0 s4, $0x3  }
.LBB2_1:
0xf: {  	s16 =	simm.s32 $0x70;
	s17 =	simm.s32 $0x3C0  }
.LBB2_2:
0x10: {  	p1 =	sne.s32 s17, $0x9FC0;
	[tilespmem:s16+$0x80] =	vst v1  }
0x11: {  	[tilespmem:s16+$0x10] =	vst v1  }
0x12: {  	[tilespmem:s16+$0x20] =	vst v1  }
.Ltmp0:
0x13: {  	[tilespmem:s16+$0x30] =	vst v1;
	(pc) =	sbr.rel @p1 .LBB2_2-.Ltmp0, $4  }
0x14: {  	[tilespmem:s16+$0x40] =	vst v1  }
0x15: {  	[tilespmem:s16+$0x50] =	vst v1  }
0x16: {  	[tilespmem:s16+$0x60] =	vst v1  }
0x17: {  	[tilespmem:s16+$0x70] =	vst v1;
	s16 =	sshra.s32 s17, $0x2;
	s17 =	sadd.s32 $0x200, s17  }
0x18: {  	[tilespmem:s16+$0x80] =	vst v1  }
0x19: {  	[tilespmem:s16+$0x10] =	vst v1  }
0x1a: {  	[tilespmem:s16+$0x20] =	vst v1  }
0x1b: {  	[tilespmem:s16+$0x30] =	vst v1  }
0x1c: {  	[tilespmem:s16+$0x40] =	vst v1  }
0x1d: {  	[tilespmem:s16+$0x50] =	vst v1  }
0x1e: {  	[tilespmem:s16+$0x60] =	vst v1  }
0x1f: {  	[tilespmem:s16+$0x70] =	vst v1  }
0x20: {  	[tilespmem:$0x2880] =	vst v0  }
0x21: {  	[tilespmem:$0x2890] =	vst v2  }
0x22: {  	[tilespmem:$0x28A0] =	vst v3  }
0x23: {  	[tilespmem:$0x28B0] =	vst v4  }
0x24: {  	s16 =	simm.s32 @!p0 $0x1;
	[tilespmem:$0x28C0] =	vst v5  }
0x25: {  	[spmem:s4] =	stream.linear.scatter @!p0 [tilespmem:s5], [sflag:$0x1], $0x400, $0x38;
	[tilespmem:$0x2B80] =	vst v63  }
0x26: {  	_ =	swait.ge @!p0 [sflag:s16], $0x400  }
0x27: {  	[sflag:s16] =	ssyncset.done @!p0 $0x0  }
0x28: {  	[sflag:s16] =	ssyncadd.s32 @!p0 $0xFFFFFC00  }
0x29: {  	s16 =	simm.s32 $0x0;
	[bflag:$0x0] =	sbarrier.arrive $0xFFFF  }
.LBB2_4:
0x2a: {  	s17 =	sadd.s32 s16, s8  }
0x2b: {  	[tilespmem:s3], [sflag:$0x1] =	stream.linear.gather [hbm4b:s17+s3], $0x50, $0x38;
	[tilespmem:$0x2B80] =	vst v63  }
0x2c: {  	_ =	swait.ge [sflag:s9], $0x50  }
0x2d: {  	[sflag:s9] =	ssyncset.done $0x0  }
0x2e: {  	[sflag:s9] =	ssyncadd.s32 $0xFFFFFFB0  }
0x2f: {  	v7 =	vld [tilespmem:$0x0];
	_ =	sdelay $0x7  }
0x30: {  	[tilespmem:v7+s10+$0x0] =	vst.idx.add.f32.msk $0xffff, v6  }
0x31: {  	v7 =	vld [tilespmem:$0x10];
	_ =	sdelay $0x7  }
0x32: {  	[tilespmem:v7+s10+$0x0] =	vst.idx.add.f32.msk $0xffff, v6  }
0x33: {  	v7 =	vld [tilespmem:$0x20];
	_ =	sdelay $0x7  }
0x34: {  	[tilespmem:v7+s10+$0x0] =	vst.idx.add.f32.msk $0xffff, v6  }
0x35: {  	v7 =	vld [tilespmem:$0x30];
	_ =	sdelay $0x7  }
0x36: {  	[tilespmem:v7+s10+$0x0] =	vst.idx.add.f32.msk $0xffff, v6  }
0x37: {  	v7 =	vld [tilespmem:$0x40];
	_ =	sdelay $0x2  }
0x38: {  	p1 =	sne.s32 s16, $0x4E2  }
.Ltmp1:
0x39: {  	_ = 	snop;
	(pc) =	sbr.rel @p1 .LBB2_4-.Ltmp1, $2  }
0x3a: {  	_ =	sdelay $0x2  }
0x3b: {  	s16 =	sadd.s32 $0xA, s16;
	[tilespmem:v7+s10+$0x0] =	vst.idx.add.f32.msk $0xffff, v6  }
0x3c: {  	[spmem:s1] =	stream.indirect.scatter.add.f32 [tilespmem:s10], [sflag:$0x1], $0x80, s12, s11, $0xb8;
	[tilespmem:$0x2B80] =	vst v63  }
0x3d: {  	_ =	swait.ge [sflag:s9], $0x2800  }
0x3e: {  	s15 =	sadd.s32 $0x1, s15;
	[sflag:s9] =	ssyncset.done $0x0  }
0x3f: {  	p1 =	sne.s32 s15, s7;
	[sflag:s9] =	ssyncadd.s32 $0xFFFFD800  }
.Ltmp2:
0x40: {  	s16 =	simm.s32 @!p0 $0x1;
	[bflag:$0x0] =	sbarrier.arrive $0xFFFF;
	(pc) =	sbr.rel @p1 .LBB2_1-.Ltmp2, $4  }
0x41: {  	[hbm:s6], [sflag:s13] =	dma.local @!p0 [spmem:s14], $0x80  }
0x42: {  	_ =	swait.ge @!p0 [sflag:s16], $0x80  }
0x43: {  	[sflag:s16] =	ssyncset.done @!p0 $0x0  }
0x44: {  	[sflag:s16] =	ssyncadd.s32 @!p0 $0xFFFFFF80  }
0x45: {  	_ =	sfence.sel $0x180000  }
0x46: {  	[bflag:$0x0] =	sbarrier.arrive $0xFFFF  }
0x47: {  	p0 =	sne.s32 s2, $0x0;
	_ =	strace $0x90000047  }
0x48: {  	s0 =	sadd.s32 @!p0 $0x100000, s0;
	[bflag:$0x2] =	sbarrier.arrive $0xFFFF  }
0x49: {  	[sflag:s0] =	ssyncadd.tile.s32 @!p0 $0x1;
	_ =	shalt  }
.Lfunc_end2:
_tile_overlayer_lowered:
.L_overlay_start_2:
0x4a: {  	(tag) =	ssettag $0x2  }
0x4b: {  	s0 =	rddreg [dreg:$0x0];
	s2 =	stileid.u32  }
0x4c: {  	s1 =	rddreg [dreg:$0x1];
	p0 =	sne.s32 s2, $0x0  }
0x4d: {  	s3 =	rddreg [dreg:$0x2];
	[bflag:$0x3] =	sbarrier.arrive $0xFFFF;
	s2 =	simm.s32 @!p0 $0x1C01  }
0x4e: {  	[timem:s3], [sflag:s2] =	dma.local @!p0 [hbm:s0], s1  }
0x4f: {  	s0 =	simm.s32 @!p0 $0x1  }
0x50: {  	_ =	swait.ge @!p0 [sflag:s0], s1  }
0x51: {  	s1 =	ssub.s32 @!p0 $0x0, s1;
	[sflag:s0] =	ssyncset.done @!p0 $0x0  }
0x52: {  	[sflag:s0] =	ssyncadd.s32 @!p0 s1  }
0x53: {  	[bflag:$0x3] =	sbarrier.arrive $0xFFFF  }
0x54: {  	_ =	shalt  }

// kernel: kernel.15.cloned.1.call-start
scs
__scs_entry_jumppad:
0x0: {  	(pc) =	sbr.rel $0x88, $3  }
0x1: {  	(tag) =	ssettag $0x0;
	lr =	simm.s32 $0x1  }
0x2: {  	[smem:$0x3F9F] =	sst lr;
	_ =	strace $0xD0000000  }
0x3: {  	_ = 	snop  }
0x4: {  	_ = 	snop  }
0x5: {  	_ = 	snop  }
0x6: {  	_ = 	snop  }
0x7: {  	_ = 	snop  }
__scs_overlays_trampoline_lowered:
0x8: {  	[smem:$0x3FAE] =	sst s0  }
0x9: {  	[smem:$0x3FAF] =	sst s1  }
0xa: {  	[smem:$0x3FB0] =	sst s2  }
0xb: {  	[smem:$0x3FB1] =	sst s3  }
0xc: {  	[smem:$0x3FB2] =	sst s4  }
0xd: {  	[smem:$0x3FB3] =	sst s5  }
0xe: {  	[smem:$0x3FB4] =	sst s6  }
0xf: {  	[smem:$0x3FB5] =	sst s7  }
0x10: {  	[smem:$0x3FB6] =	sst s8  }
0x11: {  	[smem:$0x3FB7] =	sst s9;
	s0 =	simm.s32 @!p0 $0x0  }
0x12: {  	s1 =	sld [smem:$0x3F9D];
	s0 =	simm.s32 @p0 $0x1  }
0x13: {  	[smem:$0x3FB8] =	sst s0;
	s0 =	simm.s32 @!p1 $0x0  }
0x14: {  	s2 =	sld [smem:$0x3F9C];
	s0 =	simm.s32 @p1 $0x1  }
0x15: {  	[smem:$0x3FB9] =	sst s0;
	s0 =	simm.s32 @!p2 $0x0  }
0x16: {  	s3 =	sld [smem:$0x3FDB];
	s0 =	simm.s32 @p2 $0x1  }
0x17: {  	s4 =	simm.s32 $0x1BF5;
	[smem:$0x3FBB] =	sst s0  }
0x18: {  	s0 =	sld [smem:$0x3F9E];
	_ =	swait.ge [sflag:s4], $0x0  }
0x19: {  	s7 =	sld [smem:$0x3F9F]  }
0x1a: {  	s8 =	sadd.s32 $0xFFFFE003, lr  }
0x1b: {  	s9 =	sadd.s32 $0xFFFFFEF7, lr;
	s5 =	simm.s32 $0xFFFFFFFF;
	p2 =	slt.u32 s8, $0xFFFFF086  }
0x1c: {  	p1 =	slt.u32 s9, $0xF7A;
	s5 =	simm.s32 @!p2 $0x0  }
0x1d: {  	s5 =	simm.s32 @p1 $0x1;
	p0 =	seq.s32 s7, s2  }
0x1e: {  	s7 =	smul.u32 @!p0 $0xF7A, s2;
	p2 =	seq.s32 @!p0 s5, $0x0  }
0x1f: {  	s9 =	smul.u32 $0xF7A, s1;
	s8 =	simm.s32 @!p0 $0x1BF5;
	p2 =	por !p2, p0  }
0x20: {  	[sflag:s8] =	ssyncset.s32 @!p0 $0xFFFFF086;
	s6 =	sadd.s32 @!p0 s3, s7;
	s7 =	simm.s32 @!p0 $0x108  }
0x21: {  	s3 =	sadd.s32 s3, s9;
	s6 =	sadd.s32 @!p0 $0x88, s6;
	s7 =	simm.s32 @p2 $0x1082  }
0x22: {  	[simem:s7], [sflag:s8] =	dma.local @!p0 [hbm:s6], $0xF7A  }
0x23: {  	s9 =	sor.u32 $0xD0000000, s2;
	s6 =	simm.s32 $0x108;
	_ =	swait.ge @!p0 [sflag:s8], $0x0  }
0x24: {  	s3 =	sadd.s32 $0x88, s3;
	s6 =	simm.s32 @!p1 $0x1082;
	[sflag:s4] =	ssyncset.s32 $0xFFFFF086  }
0x25: {  	[simem:s6], [sflag:s4] =	dma.local [hbm:s3], $0xF7A  }
0x26: {  	[smem:$0x3F9F] =	sst s1;
	(tag) =	ssettag s2;
	_ =	strace s9  }
0x27: {  	s1 =	sld [smem:$0x3FAF]  }
0x28: {  	s2 =	sld [smem:$0x3FB0]  }
0x29: {  	s4 =	sld [smem:$0x3FB2]  }
0x2a: {  	p0 =	seq.s32 s5, $0x0;
	s5 =	sld [smem:$0x3FB3]  }
0x2b: {  	s6 =	sld [smem:$0x3FB4]  }
0x2c: {  	s7 =	sld [smem:$0x3FB5]  }
0x2d: {  	s3 =	simm.s32 $0x108;
	s8 =	sld [smem:$0x3FB6]  }
0x2e: {  	s3 =	simm.s32 @!p0 $0x1082;
	s9 =	sld [smem:$0x3FB7]  }
0x2f: {  	lr =	sadd.s32 s0, s3;
	s0 =	sld [smem:$0x3FAE]  }
0x30: {  	s3 =	sld [smem:$0x3FB1]  }
0x31: {  	[smem:$0x3FBA] =	sst s10  }
0x32: {  	s10 =	sld [smem:$0x3FB8];
	_ =	sdelay $0x3  }
0x33: {  	p0 =	seq.s32 s10, $0x1;
	s10 =	sld [smem:$0x3FBA];
	_ =	sdelay $0x3  }
0x34: {  	[smem:$0x3FBA] =	sst s10  }
0x35: {  	s10 =	sld [smem:$0x3FB9];
	_ =	sdelay $0x3  }
0x36: {  	p1 =	seq.s32 s10, $0x1;
	s10 =	sld [smem:$0x3FBA];
	_ =	sdelay $0x3  }
0x37: {  	[smem:$0x3FBA] =	sst s10  }
0x38: {  	s10 =	sld [smem:$0x3FBB]  }
0x39: {  	_ = 	snop;
	(pc) =	sbr.ind lr, $3  }
0x3a: {  	_ = 	snop  }
0x3b: {  	_ = 	snop  }
0x3c: {  	p2 =	seq.s32 s10, $0x1;
	s10 =	sld [smem:$0x3FBA]  }
0x3d: {  	_ =	shalt  }
0x3e: {  	_ =	shalt  }
0x3f: {  	_ =	shalt  }
0x40: {  	_ =	shalt  }
0x41: {  	_ =	shalt  }
0x42: {  	_ =	shalt  }
0x43: {  	_ =	shalt  }
0x44: {  	_ =	shalt  }
0x45: {  	_ =	shalt  }
0x46: {  	_ =	shalt  }
0x47: {  	_ =	shalt  }
0x48: {  	_ =	shalt  }
0x49: {  	_ =	shalt  }
0x4a: {  	_ =	shalt  }
0x4b: {  	_ =	shalt  }
0x4c: {  	_ =	shalt  }
0x4d: {  	_ =	shalt  }
0x4e: {  	_ =	shalt  }
0x4f: {  	_ =	shalt  }
0x50: {  	_ =	shalt  }
0x51: {  	_ =	shalt  }
0x52: {  	_ =	shalt  }
0x53: {  	_ =	shalt  }
0x54: {  	_ =	shalt  }
0x55: {  	_ =	shalt  }
0x56: {  	_ =	shalt  }
0x57: {  	_ =	shalt  }
0x58: {  	_ =	shalt  }
0x59: {  	_ =	shalt  }
0x5a: {  	_ =	shalt  }
0x5b: {  	_ =	shalt  }
0x5c: {  	_ =	shalt  }
0x5d: {  	_ =	shalt  }
0x5e: {  	_ =	shalt  }
0x5f: {  	_ =	shalt  }
0x60: {  	_ =	shalt  }
0x61: {  	_ =	shalt  }
0x62: {  	_ =	shalt  }
0x63: {  	_ =	shalt  }
0x64: {  	_ =	shalt  }
0x65: {  	_ =	shalt  }
0x66: {  	_ =	shalt  }
0x67: {  	_ =	shalt  }
0x68: {  	_ =	shalt  }
0x69: {  	_ =	shalt  }
0x6a: {  	_ =	shalt  }
0x6b: {  	_ =	shalt  }
0x6c: {  	_ =	shalt  }
0x6d: {  	_ =	shalt  }
0x6e: {  	_ =	shalt  }
0x6f: {  	_ =	shalt  }
0x70: {  	_ =	shalt  }
0x71: {  	_ =	shalt  }
0x72: {  	_ =	shalt  }
0x73: {  	_ =	shalt  }
0x74: {  	_ =	shalt  }
0x75: {  	_ =	shalt  }
0x76: {  	_ =	shalt  }
0x77: {  	_ =	shalt  }
0x78: {  	_ =	shalt  }
0x79: {  	_ =	shalt  }
0x7a: {  	_ =	shalt  }
0x7b: {  	_ =	shalt  }
0x7c: {  	_ =	shalt  }
0x7d: {  	_ =	shalt  }
0x7e: {  	_ =	shalt  }
0x7f: {  	_ =	shalt  }
0x80: {  	_ =	shalt  }
0x81: {  	_ =	shalt  }
0x82: {  	_ =	shalt  }
0x83: {  	_ =	shalt  }
0x84: {  	_ =	shalt  }
0x85: {  	_ =	shalt  }
0x86: {  	_ =	shalt  }
0x87: {  	_ =	shalt  }
.Lfunc_end0:
.L_simem_size_0:
called_computation.1_lowered:
.L_overlay_start_0:
0x88: {  	s2 =	sld [smem:$0x3FD9]  }
0x89: {  	s3 =	sld [smem:$0x3FFE];
	_ =	sdelay $0x1  }
0x8a: {  	s1 =	srdreg.scid  }
0x8b: {  	s0 =	sand.u32 $0x1, s1  }
0x8c: {  	s17 =	sshll.u32 s0, $0xA;
	s2 =	sadd.s32 s3, s2  }
0x8d: {  	s2 =	sadd.s32 s2, s17  }
0x8e: {  	[smem:$0x3FC6] =	sst s2  }
0x8f: {  	_ = 	snop  }
0x90: {  	s2 =	sld [smem:$0x3FD0];
	(tm) =	ssettm $0x1  }
0x91: {  	s18 =	sld [smem:$0x3FFB];
	_ =	sdelay $0x3  }
0x92: {  	_ =	strace s18  }
0x93: {  	s3 =	sld [smem:$0x3FFC];
	_ =	sdelay $0x3  }
0x94: {  	_ =	strace s3  }
0x95: {  	s3 =	sld [smem:$0x3FFD];
	_ =	sdelay $0x3  }
0x96: {  	_ =	strace s3  }
0x97: {  	_ =	strace $0x8FFFFFFF  }
0x98: {  	s19 =	sld [smem:$0x3FDB];
	_ =	sdelay $0x1  }
0x99: {  	s4 =	simm.s32 $_scs_section_size  }
0x9a: {  	s5 =	simm.s32 $_size__tile_overlayer_lowered;
	s6 =	simm.s32 $_tile_overlayer_lowered  }
0x9b: {  	s22 =	simm.s32 $0x1BFF;
	s21 =	sshll.u32 s6, $0x1;
	s3 =	sadd.s32 s4, s19  }
0x9c: {  	s7 =	simm.s32 $0x0;
	s20 =	sshll.u32 s5, $0x1;
	s5 =	sadd.s32 s21, s3  }
0x9d: {  	[timem:s7], [sflag:s22] =	dma.local [hbm:s5], s20  }
0x9e: {  	_ =	swait.ge [sflag:s22], s20  }
0x9f: {  	s4 =	ssub.s32 $0x0, s20;
	[sflag:s22] =	ssyncset.done $0x0  }
0xa0: {  	[sflag:s22] =	ssyncadd.s32 s4;
	_ =	sdelay $0x1  }
0xa1: {  	s23 =	simm.s32 $0x1B8B  }
0xa2: {  	_ =	swait.ge [sflag:s23], $0x1  }
0xa3: {  	[sflag:s23] =	ssyncset.done $0x0  }
0xa4: {  	s25 =	simm.s32 $0x1B8E;
	s24 =	sld [smem:$0x3FFE];
	[sflag:s23] =	ssyncadd.s32 $0xFFFFFFFF  }
0xa5: {  	s26 =	simm.s32 $execute0_lowered;
	[smem:$0x3FD2] =	sst s25  }
0xa6: {  	s5 =	sshll.u32 s26, $0x1;
	_ =	strace $0x80000049;
	[dreg:$0x1] =	wrdreg $0xFFFFFFFF  }
0xa7: {  	s28 =	simm.s32 $_size_execute0_lowered;
	s3 =	sadd.s32 s3, s5;
	[dreg:$0x0] =	wrdreg $0x0  }
0xa8: {  	s5 =	sshll.u32 s28, $0x1;
	[dreg:$0x2] =	wrdreg s3  }
0xa9: {  	[dreg:$0x3] =	wrdreg s5  }
0xaa: {  	[dreg:$0x4] =	wrdreg $0xC0  }
0xab: {  	_ =	task [dreg:s7], $0x5FFFF  }
0xac: {  	[dreg:$0x1] =	wrdreg $0xFFFFFFFF  }
0xad: {  	[dreg:$0x0] =	wrdreg $0x60  }
0xae: {  	[dreg:$0x2] =	wrdreg s24  }
0xaf: {  	[dreg:$0x3] =	wrdreg s2  }
0xb0: {  	[dreg:$0x4] =	wrdreg $0x52000  }
0xb1: {  	[dreg:$0x5] =	wrdreg $0x9  }
0xb2: {  	_ =	task.clear_ibuf [dreg:s7], $0x6FFFF;
	_ =	strace $0x90000049  }
0xb3: {  	s29 =	simm.s32 $0x9;
	_ =	strace $0x8000004B  }
0xb4: {  	_ =	swait.ge [sflag:s29], $0x1  }
0xb5: {  	[sflag:s29] =	ssyncadd.s32 $0xFFFFFFFF  }
0xb6: {  	_ =	strace $0x9000004B  }
0xb7: {  	_ =	sfence  }
0xb8: {  	s30 =	sld [smem:$0x0];
	_ =	sdelay $0x2  }
0xb9: {  	s31 =	sshll.u32 s1, $0xD;
	s1 =	sshrl.u32 s1, $0x2  }
0xba: {  	s3 =	sand.u32 $0x4000, s31;
	s1 =	sadd.s32 s1, s30  }
0xbb: {  	s0 =	sor.u32 s3, s0;
	s1 =	sshll.u32 s1, $0x11  }
0xbc: {  	s0 =	sor.u32 s1, s0  }
0xbd: {  	s0 =	sadd.s32 $0x8F2B, s0  }
0xbe: {  	[sflag:s0] =	ssyncadd.remote.s32 $0x1  }
0xbf: {  	_ =	sfence.sel $0xFFFF  }
0xc0: {  	[dreg:$0x0] =	wrdreg $0xFFFFFFFF;
	(pc) =	sbr.abs _section_cstart, $3  }
0xc1: {  	[dreg:$0x1] =	wrdreg $0xFFFFFFFF  }
0xc2: {  	_ =	task.clear_ibuf [dreg:s7], $0x2FFFF;
	_ =	strace $0x9FFFFFFF  }
0xc3: {  	(tm) =	ssettm $0x7FFFFFFF  }
tec
execute0_lowered:
.L_overlay_start_1:
0x0: {  	(tag) =	ssettag $0x1  }
0x1: {  	s0 =	rddreg [dreg:$0x0]  }
0x2: {  	s2 =	rddreg [dreg:$0x1]  }
0x3: {  	s3 =	rddreg [dreg:$0x2]  }
0x4: {  	s1 =	srdreg.scid;
	s11 =	stileid.u32;
	s4 =	simm.s32 $0x0  }
0x5: {  	s28 =	simm.s32 $0x200;
	s29 =	simm.s32 $0x7;
	s6 =	smul.u32 $0x280, s11  }
0x6: {  	s30 =	simm.s32 $0x1;
	s31 =	simm.s32 $0x50;
	s15 =	smul.u32 $0x50000, s11  }
0x7: {  	s1 =	sand.u32 $0x1, s1;
	[smem:$0x7FF] =	sst s4;
	s19 =	smul.u32 $0x2760, s11  }
0x8: {  	s5 =	sadd.s32 $0xDA00, s0;
	s7 =	smul.u32 $0x2800, s1;
	s8 =	sshll.u32 s1, $0x4  }
0x9: {  	_ =	strace $0x8000004A;
	s9 =	ssub.s32 $0x2, s1;
	s1 =	smul.u32 $0x27600, s1  }
0xa: {  	s8 =	sor.u32 s11, s8;
	s10 =	sshrl.u32 s9, $0x1;
	s18 =	sshrl.u32 s15, $0x2  }
0xb: {  	s7 =	sadd.s32 s6, s7;
	s8 =	smul.u32 $0x2760, s8;
	s6 =	sadd.s32 $0x3C00, s0  }
0xc: {  	s12 =	ssub.s32 s9, s10;
	s11 =	sadd.s32 s18, s3;
	s23 =	sadd.s32 s19, s1  }
0xd: {  	s9 =	simm.s32 $0x4;
	s10 =	simm.s32 $0x6;
	s7 =	sshll.u32 s7, $0x4  }
0xe: {  	s20 =	smax.u32 s12, $0x1;
	s21 =	sadd.s32 $0x2800, s11;
	s22 =	sadd.s32 $0x5000, s11  }
0xf: {  	s24 =	sadd.s32 $0x7800, s11;
	s25 =	sadd.s32 $0xA000, s11;
	[dreg:$0x9] =	wrdreg s20  }
0x10: {  	s26 =	sadd.s32 $0xF0, s23;
	s18 =	sadd.s32 $0xC800, s11;
	[dreg:$0xa] =	wrdreg s21  }
0x11: {  	s19 =	sadd.s32 $0xF000, s11;
	s23 =	sadd.s32 $0xA0, s23;
	[dreg:$0xb] =	wrdreg s22  }
0x12: {  	s12 =	simm.s32 $0x0;
	s0 =	sadd.s32 s7, s0;
	[dreg:$0xc] =	wrdreg s24  }
0x13: {  	s8 =	sshrl.u32 s8, $0x3;
	[dreg:$0xd] =	wrdreg s25;
	s1 =	sshrl.u32 s26, $0x3  }
0x14: {  	s20 =	sadd.s32 $0x11800, s11;
	s24 =	simm.s32 $0x80;
	s25 =	simm.s32 $0x100  }
0x15: {  	s26 =	simm.s32 $0x180;
	s7 =	simm.s32 $0x2A00;
	s13 =	sadd.s32 s6, s8  }
0x16: {  	s14 =	sadd.s32 $0xA, s8;
	s8 =	sadd.s32 s2, s8;
	[dreg:$0x4] =	wrdreg s13  }
0x17: {  	s0 =	sadd.s32 $0x85A00, s0;
	s21 =	sadd.s32 s1, s2;
	[dreg:$0x5] =	wrdreg s8  }
0x18: {  	s22 =	sadd.s32 s1, s6;
	s16 =	sadd.s32 s6, s14;
	[dreg:$0x8] =	wrdreg s0  }
0x19: {  	s1 =	simm.s32 $0x2;
	s17 =	sadd.s32 s2, s14;
	[dreg:$0x6] =	wrdreg s16  }
0x1a: {  	v0 =	vimm.f32 $0.0e+00;
	s0 =	simm.s32 $0x3;
	s8 =	simm.s32 $0x5;
	[dreg:$0x7] =	wrdreg s17  }
.LBB2_1:
0x1b: {  	s13 =	rddreg [dreg:$0x4]  }
0x1c: {  	[tilespmem:s4], [sflag:$0x1] =	stream.linear.gather [hbm4b:s13+s4], $0x50, $0x38;
	[tilespmem:$0x19200] =	vst v63  }
0x1d: {  	s15 =	rddreg [dreg:$0x5]  }
0x1e: {  	[tilespmem:s24], [sflag:$0x1] =	stream.linear.gather [hbm4b:s15+s4], $0x50, $0x38;
	[tilespmem:$0x19200] =	vst v63  }
0x1f: {  	s16 =	rddreg [dreg:$0x6]  }
0x20: {  	[tilespmem:s25], [sflag:$0x2] =	stream.linear.gather [hbm4b:s16+s4], $0x50, $0x38;
	[tilespmem:$0x19200] =	vst v63  }
0x21: {  	s17 =	rddreg [dreg:$0x7];
	s14 =	simm.s32 $0x3C0;
	s13 =	simm.s32 $0x70  }
0x22: {  	[tilespmem:s26], [sflag:$0x2] =	stream.linear.gather [hbm4b:s17+s4], $0x50, $0x38;
	[tilespmem:$0x19200] =	vst v63  }
.LBB2_2:
0x23: {  	p0 =	sne.s32 s14, $0x9FC0;
	[tilespmem:s13+$0x200] =	vst v0  }
0x24: {  	[tilespmem:s13+$0x190] =	vst v0  }
0x25: {  	[tilespmem:s13+$0x1A0] =	vst v0  }
.Ltmp0:
0x26: {  	[tilespmem:s13+$0x1B0] =	vst v0;
	(pc) =	sbr.rel @p0 .LBB2_2-.Ltmp0, $4  }
0x27: {  	[tilespmem:s13+$0x1C0] =	vst v0  }
0x28: {  	[tilespmem:s13+$0x1D0] =	vst v0  }
0x29: {  	[tilespmem:s13+$0x1E0] =	vst v0  }
0x2a: {  	[tilespmem:s13+$0x1F0] =	vst v0;
	s13 =	sshra.s32 s14, $0x2;
	s14 =	sadd.s32 $0x200, s14  }
0x2b: {  	[tilespmem:s13+$0x200] =	vst v0  }
0x2c: {  	[tilespmem:s13+$0x190] =	vst v0  }
0x2d: {  	[tilespmem:s13+$0x1A0] =	vst v0  }
0x2e: {  	[tilespmem:s13+$0x1B0] =	vst v0  }
0x2f: {  	[tilespmem:s13+$0x1C0] =	vst v0  }
0x30: {  	[tilespmem:s13+$0x1D0] =	vst v0  }
0x31: {  	[tilespmem:s13+$0x1E0] =	vst v0  }
0x32: {  	[tilespmem:s13+$0x1F0] =	vst v0  }
0x33: {  	[spmem:s11] =	stream.linear.scatter [tilespmem:s28], [sflag:$0x7], $0x2800, $0x38;
	[tilespmem:$0x19200] =	vst v63  }
0x34: {  	_ =	swait.ge [sflag:s29], $0x2800  }
0x35: {  	[sflag:s29] =	ssyncset.done $0x0  }
0x36: {  	s15 =	rddreg [dreg:$0xa];
	[sflag:s29] =	ssyncadd.s32 $0xFFFFD800  }
0x37: {  	[spmem:s15] =	stream.linear.scatter [tilespmem:s28], [sflag:$0x7], $0x2800, $0x38;
	[tilespmem:$0x19200] =	vst v63  }
0x38: {  	_ =	swait.ge [sflag:s29], $0x2800  }
0x39: {  	[sflag:s29] =	ssyncset.done $0x0  }
0x3a: {  	s16 =	rddreg [dreg:$0xb];
	[sflag:s29] =	ssyncadd.s32 $0xFFFFD800  }
0x3b: {  	[spmem:s16] =	stream.linear.scatter [tilespmem:s28], [sflag:$0x7], $0x2800, $0x38;
	[tilespmem:$0x19200] =	vst v63  }
0x3c: {  	_ =	swait.ge [sflag:s29], $0x2800  }
0x3d: {  	[sflag:s29] =	ssyncset.done $0x0  }
0x3e: {  	s17 =	rddreg [dreg:$0xc];
	[sflag:s29] =	ssyncadd.s32 $0xFFFFD800  }
0x3f: {  	[spmem:s17] =	stream.linear.scatter [tilespmem:s28], [sflag:$0x7], $0x2800, $0x38;
	[tilespmem:$0x19200] =	vst v63  }
0x40: {  	_ =	swait.ge [sflag:s29], $0x2800  }
0x41: {  	[sflag:s29] =	ssyncset.done $0x0  }
0x42: {  	s14 =	rddreg [dreg:$0xd];
	[sflag:s29] =	ssyncadd.s32 $0xFFFFD800  }
0x43: {  	[spmem:s14] =	stream.linear.scatter [tilespmem:s28], [sflag:$0x7], $0x2800, $0x38;
	[tilespmem:$0x19200] =	vst v63  }
0x44: {  	_ =	swait.ge [sflag:s29], $0x2800  }
0x45: {  	[sflag:s29] =	ssyncset.done $0x0  }
0x46: {  	[sflag:s29] =	ssyncadd.s32 $0xFFFFD800  }
0x47: {  	[spmem:s18] =	stream.linear.scatter [tilespmem:s28], [sflag:$0x7], $0x2800, $0x38;
	[tilespmem:$0x19200] =	vst v63  }
0x48: {  	_ =	swait.ge [sflag:s29], $0x2800  }
0x49: {  	[sflag:s29] =	ssyncset.done $0x0  }
0x4a: {  	[sflag:s29] =	ssyncadd.s32 $0xFFFFD800  }
0x4b: {  	[spmem:s19] =	stream.linear.scatter [tilespmem:s28], [sflag:$0x7], $0x2800, $0x38;
	[tilespmem:$0x19200] =	vst v63  }
0x4c: {  	_ =	swait.ge [sflag:s29], $0x2800  }
0x4d: {  	[sflag:s29] =	ssyncset.done $0x0  }
0x4e: {  	[sflag:s29] =	ssyncadd.s32 $0xFFFFD800  }
0x4f: {  	[spmem:s20] =	stream.linear.scatter [tilespmem:s28], [sflag:$0x7], $0x2800, $0x38;
	[tilespmem:$0x19200] =	vst v63  }
0x50: {  	_ =	swait.ge [sflag:s29], $0x2800  }
0x51: {  	[sflag:s29] =	ssyncset.done $0x0  }
0x52: {  	[sflag:s29] =	ssyncadd.s32 $0xFFFFD800  }
0x53: {  	[bflag:$0x0] =	sbarrier.arrive $0xFFFF  }
0x54: {  	_ =	swait.ge [sflag:s30], $0x50  }
0x55: {  	[sflag:s30] =	ssyncset.done $0x0  }
0x56: {  	[sflag:s30] =	ssyncadd.s32 $0xFFFFFFB0  }
0x57: {  	_ =	swait.ge [sflag:s30], $0x50  }
0x58: {  	[sflag:s30] =	ssyncset.done $0x0  }
0x59: {  	s15 =	simm.s32 $0x0;
	[sflag:s30] =	ssyncadd.s32 $0xFFFFFFB0  }
0x5a: {  	[tilespmem:s28], [sflag:$0x3] =	stream.indirect.gather [hbm4b:s5+s31], $0x80, s15, s31, $0xb8;
	[tilespmem:$0x19200] =	vst v63  }
0x5b: {  	_ =	swait.ge [sflag:s0], $0x2800  }
0x5c: {  	[sflag:s0] =	ssyncset.done $0x0  }
0x5d: {  	[sflag:s0] =	ssyncadd.s32 $0xFFFFD800  }
0x5e: {  	[spmem:s3] =	stream.indirect.scatter.add.f32 [tilespmem:s28], [sflag:$0x5], $0x80, s24, s31, $0xb8;
	[tilespmem:$0x19200] =	vst v63  }
0x5f: {  	_ =	swait.ge [sflag:s1], $0x50  }
0x60: {  	[sflag:s1] =	ssyncset.done $0x0  }
0x61: {  	[sflag:s1] =	ssyncadd.s32 $0xFFFFFFB0  }
0x62: {  	_ =	swait.ge [sflag:s1], $0x50  }
0x63: {  	[sflag:s1] =	ssyncset.done $0x0  }
0x64: {  	[sflag:s1] =	ssyncadd.s32 $0xFFFFFFB0  }
0x65: {  	[tilespmem:s7], [sflag:$0x4] =	stream.indirect.gather [hbm4b:s5+s31], $0x80, s25, s31, $0xb8;
	[tilespmem:$0x19200] =	vst v63  }
0x66: {  	_ =	swait.ge [sflag:s8], $0x2800  }
0x67: {  	s16 =	sshrl.u32 s23, $0x3;
	[sflag:s8] =	ssyncset.done $0x0  }
0x68: {  	s14 =	sadd.s32 s6, s16;
	[sflag:s8] =	ssyncadd.s32 $0xFFFFD800  }
0x69: {  	[tilespmem:s4], [sflag:$0x1] =	stream.linear.gather [hbm4b:s14+s4], $0x50, $0x38;
	[tilespmem:$0x19200] =	vst v63  }
0x6a: {  	s13 =	sadd.s32 s2, s16  }
0x6b: {  	[tilespmem:s24], [sflag:$0x1] =	stream.linear.gather [hbm4b:s13+s4], $0x50, $0x38;
	[tilespmem:$0x19200] =	vst v63  }
0x6c: {  	_ =	swait.ge [sflag:s9], $0x2800  }
0x6d: {  	[sflag:s9] =	ssyncset.done $0x0  }
0x6e: {  	[sflag:s9] =	ssyncadd.s32 $0xFFFFD800  }
0x6f: {  	[spmem:s3] =	stream.indirect.scatter.add.f32 [tilespmem:s7], [sflag:$0x6], $0x80, s26, s31, $0xb8;
	[tilespmem:$0x19200] =	vst v63  }
0x70: {  	_ =	swait.ge [sflag:s30], $0x50  }
0x71: {  	[sflag:s30] =	ssyncset.done $0x0  }
0x72: {  	[sflag:s30] =	ssyncadd.s32 $0xFFFFFFB0  }
0x73: {  	_ =	swait.ge [sflag:s30], $0x50  }
0x74: {  	[sflag:s30] =	ssyncset.done $0x0  }
0x75: {  	[sflag:s30] =	ssyncadd.s32 $0xFFFFFFB0  }
0x76: {  	[tilespmem:s28], [sflag:$0x3] =	stream.indirect.gather [hbm4b:s5+s31], $0x80, s4, s31, $0xb8;
	[tilespmem:$0x19200] =	vst v63  }
0x77: {  	_ =	swait.ge [sflag:s10], $0x2800  }
0x78: {  	s17 =	sadd.s32 $0x0, s22;
	s15 =	sadd.s32 $0x0, s21;
	[sflag:s10] =	ssyncset.done $0x0  }
0x79: {  	s14 =	sadd.s32 $0xA0, s23;
	s13 =	simm.s32 $0x14;
	[sflag:s10] =	ssyncadd.s32 $0xFFFFD800  }
0x7a: {  	[tilespmem:s25], [sflag:$0x2] =	stream.linear.gather [hbm4b:s17+s4], $0x50, $0x38;
	[tilespmem:$0x19200] =	vst v63  }
.LBB2_4:
0x7b: {  	[tilespmem:s26], [sflag:$0x2] =	stream.linear.gather [hbm4b:s15+s4], $0x50, $0x38;
	[tilespmem:$0x19200] =	vst v63  }
0x7c: {  	s15 =	smov.u32 s13  }
0x7d: {  	p0 =	sne.s32 s13, $0x4C4;
	s13 =	sadd.s32 $0x14, s13;
	_ =	swait.ge [sflag:s0], $0x2800  }
0x7e: {  	[sflag:s0] =	ssyncset.done $0x0  }
0x7f: {  	[sflag:s0] =	ssyncadd.s32 $0xFFFFD800  }
0x80: {  	[spmem:s3] =	stream.indirect.scatter.add.f32 [tilespmem:s28], [sflag:$0x5], $0x80, s24, s31, $0xb8;
	[tilespmem:$0x19200] =	vst v63  }
0x81: {  	_ =	swait.ge [sflag:s1], $0x50  }
0x82: {  	[sflag:s1] =	ssyncset.done $0x0  }
0x83: {  	[sflag:s1] =	ssyncadd.s32 $0xFFFFFFB0  }
0x84: {  	_ =	swait.ge [sflag:s1], $0x50  }
0x85: {  	[sflag:s1] =	ssyncset.done $0x0  }
0x86: {  	[sflag:s1] =	ssyncadd.s32 $0xFFFFFFB0  }
0x87: {  	[tilespmem:s7], [sflag:$0x4] =	stream.indirect.gather [hbm4b:s5+s31], $0x80, s25, s31, $0xb8;
	[tilespmem:$0x19200] =	vst v63  }
0x88: {  	_ =	swait.ge [sflag:s8], $0x2800  }
0x89: {  	s16 =	sshrl.u32 s14, $0x3;
	[sflag:s8] =	ssyncset.done $0x0  }
0x8a: {  	s17 =	sadd.s32 s6, s16;
	[sflag:s8] =	ssyncadd.s32 $0xFFFFD800  }
0x8b: {  	[tilespmem:s4], [sflag:$0x1] =	stream.linear.gather [hbm4b:s17+s4], $0x50, $0x38;
	[tilespmem:$0x19200] =	vst v63  }
0x8c: {  	s16 =	sadd.s32 s2, s16  }
0x8d: {  	[tilespmem:s24], [sflag:$0x1] =	stream.linear.gather [hbm4b:s16+s4], $0x50, $0x38;
	[tilespmem:$0x19200] =	vst v63  }
0x8e: {  	_ =	swait.ge [sflag:s9], $0x2800  }
0x8f: {  	[sflag:s9] =	ssyncset.done $0x0  }
0x90: {  	[sflag:s9] =	ssyncadd.s32 $0xFFFFD800  }
0x91: {  	[spmem:s3] =	stream.indirect.scatter.add.f32 [tilespmem:s7], [sflag:$0x6], $0x80, s26, s31, $0xb8;
	[tilespmem:$0x19200] =	vst v63  }
0x92: {  	_ =	swait.ge [sflag:s30], $0x50  }
0x93: {  	[sflag:s30] =	ssyncset.done $0x0  }
0x94: {  	[sflag:s30] =	ssyncadd.s32 $0xFFFFFFB0  }
0x95: {  	_ =	swait.ge [sflag:s30], $0x50  }
0x96: {  	[sflag:s30] =	ssyncset.done $0x0  }
0x97: {  	[sflag:s30] =	ssyncadd.s32 $0xFFFFFFB0  }
0x98: {  	[tilespmem:s28], [sflag:$0x3] =	stream.indirect.gather [hbm4b:s5+s31], $0x80, s4, s31, $0xb8;
	[tilespmem:$0x19200] =	vst v63  }
.Ltmp1:
0x99: {  	_ =	swait.ge [sflag:s10], $0x2800;
	(pc) =	sbr.rel @p0 .LBB2_4-.Ltmp1, $4  }
0x9a: {  	[sflag:s10] =	ssyncset.done $0x0  }
0x9b: {  	s16 =	sadd.s32 s15, s22;
	[sflag:s10] =	ssyncadd.s32 $0xFFFFD800  }
0x9c: {  	[tilespmem:s25], [sflag:$0x2] =	stream.linear.gather [hbm4b:s16+s4], $0x50, $0x38;
	[tilespmem:$0x19200] =	vst v63  }
0x9d: {  	s14 =	sadd.s32 $0xA0, s14;
	s15 =	sadd.s32 s15, s21  }
0x9e: {  	[tilespmem:s26], [sflag:$0x2] =	stream.linear.gather [hbm4b:s15+s4], $0x50, $0x38;
	[tilespmem:$0x19200] =	vst v63  }
0x9f: {  	_ =	swait.ge [sflag:s0], $0x2800  }
0xa0: {  	[sflag:s0] =	ssyncset.done $0x0  }
0xa1: {  	[sflag:s0] =	ssyncadd.s32 $0xFFFFD800  }
0xa2: {  	[spmem:s3] =	stream.indirect.scatter.add.f32 [tilespmem:s28], [sflag:$0x5], $0x80, s24, s31, $0xb8;
	[tilespmem:$0x19200] =	vst v63  }
0xa3: {  	_ =	swait.ge [sflag:s1], $0x50  }
0xa4: {  	[sflag:s1] =	ssyncset.done $0x0  }
0xa5: {  	[sflag:s1] =	ssyncadd.s32 $0xFFFFFFB0  }
0xa6: {  	_ =	swait.ge [sflag:s1], $0x50  }
0xa7: {  	[sflag:s1] =	ssyncset.done $0x0  }
0xa8: {  	[sflag:s1] =	ssyncadd.s32 $0xFFFFFFB0  }
0xa9: {  	[tilespmem:s7], [sflag:$0x4] =	stream.indirect.gather [hbm4b:s5+s31], $0x80, s25, s31, $0xb8;
	[tilespmem:$0x19200] =	vst v63  }
0xaa: {  	_ =	swait.ge [sflag:s8], $0x2800  }
0xab: {  	[sflag:s8] =	ssyncset.done $0x0  }
0xac: {  	[sflag:s8] =	ssyncadd.s32 $0xFFFFD800  }
0xad: {  	_ =	swait.ge [sflag:s9], $0x2800  }
0xae: {  	[sflag:s9] =	ssyncset.done $0x0  }
0xaf: {  	[sflag:s9] =	ssyncadd.s32 $0xFFFFD800  }
0xb0: {  	[spmem:s3] =	stream.indirect.scatter.add.f32 [tilespmem:s7], [sflag:$0x6], $0x80, s26, s31, $0xb8;
	[tilespmem:$0x19200] =	vst v63  }
0xb1: {  	_ =	swait.ge [sflag:s10], $0x2800  }
0xb2: {  	[sflag:s10] =	ssyncset.done $0x0  }
0xb3: {  	s13 =	stileid.u32;
	[sflag:s10] =	ssyncadd.s32 $0xFFFFD800  }
0xb4: {  	s13 =	sshll.u32 s13, $0x6;
	[bflag:$0x0] =	sbarrier.arrive $0xFFFF  }
0xb5: {  	s14 =	sshrl.u32 s11, $0x3;
	s13 =	sor.u32 $0x1C07, s13;
	s16 =	rddreg [dreg:$0x8]  }
0xb6: {  	[hbm:s16], [sflag:s13] =	dma.local [spmem:s14], $0x2800  }
0xb7: {  	_ =	swait.ge [sflag:s29], $0x2800  }
0xb8: {  	s12 =	sadd.s32 $0x1, s12;
	s17 =	rddreg [dreg:$0x9]  }
0xb9: {  	p0 =	sne.s32 s12, s17  }
.Ltmp2:
0xba: {  	_ = 	snop;
	(pc) =	sbr.rel @p0 .LBB2_1-.Ltmp2, $3  }
0xbb: {  	_ =	sdelay $0x1  }
0xbc: {  	[sflag:s29] =	ssyncset.done $0x0  }
0xbd: {  	[sflag:s29] =	ssyncadd.s32 $0xFFFFD800  }
0xbe: {  	_ =	sfence.sel $0x180000  }
0xbf: {  	[bflag:$0x0] =	sbarrier.arrive $0xFFFF  }
0xc0: {  	_ =	strace $0x9000004A  }
0xc1: {  	s0 =	stileid.u32;
	[bflag:$0x2] =	sbarrier.arrive $0xFFFF  }
0xc2: {  	p0 =	sne.s32 s0, $0x0;
	s0 =	rddreg [dreg:$0x3]  }
0xc3: {  	s0 =	sadd.s32 @!p0 $0x100000, s0  }
0xc4: {  	[sflag:s0] =	ssyncadd.tile.s32 @!p0 $0x1;
	_ =	shalt  }
.Lfunc_end2:
_tile_overlayer_lowered:
.L_overlay_start_2:
0xc5: {  	(tag) =	ssettag $0x2  }
0xc6: {  	s0 =	rddreg [dreg:$0x0];
	s2 =	stileid.u32  }
0xc7: {  	s1 =	rddreg [dreg:$0x1];
	p0 =	sne.s32 s2, $0x0  }
0xc8: {  	s3 =	rddreg [dreg:$0x2];
	[bflag:$0x3] =	sbarrier.arrive $0xFFFF;
	s2 =	simm.s32 @!p0 $0x1C07  }
0xc9: {  	[timem:s3], [sflag:s2] =	dma.local @!p0 [hbm:s0], s1  }
0xca: {  	s0 =	simm.s32 @!p0 $0x7  }
0xcb: {  	_ =	swait.ge @!p0 [sflag:s0], s1  }
0xcc: {  	s1 =	ssub.s32 @!p0 $0x0, s1;
	[sflag:s0] =	ssyncset.done @!p0 $0x0  }
0xcd: {  	[sflag:s0] =	ssyncadd.s32 @!p0 s1  }
0xce: {  	[bflag:$0x3] =	sbarrier.arrive $0xFFFF  }
0xcf: {  	_ =	shalt  }

// kernel: kernel.18.cloned.1.call-start
scs
__scs_entry_jumppad:
0x0: {  	(pc) =	sbr.rel $0x88, $3  }
0x1: {  	(tag) =	ssettag $0x0;
	lr =	simm.s32 $0x1  }
0x2: {  	[smem:$0x3F9F] =	sst lr;
	_ =	strace $0xD0000000  }
0x3: {  	_ = 	snop  }
0x4: {  	_ = 	snop  }
0x5: {  	_ = 	snop  }
0x6: {  	_ = 	snop  }
0x7: {  	_ = 	snop  }
__scs_overlays_trampoline_lowered:
0x8: {  	[smem:$0x3FAE] =	sst s0  }
0x9: {  	[smem:$0x3FAF] =	sst s1  }
0xa: {  	[smem:$0x3FB0] =	sst s2  }
0xb: {  	[smem:$0x3FB1] =	sst s3  }
0xc: {  	[smem:$0x3FB2] =	sst s4  }
0xd: {  	[smem:$0x3FB3] =	sst s5  }
0xe: {  	[smem:$0x3FB4] =	sst s6  }
0xf: {  	[smem:$0x3FB5] =	sst s7  }
0x10: {  	[smem:$0x3FB6] =	sst s8  }
0x11: {  	[smem:$0x3FB7] =	sst s9;
	s0 =	simm.s32 @!p0 $0x0  }
0x12: {  	s1 =	sld [smem:$0x3F9D];
	s0 =	simm.s32 @p0 $0x1  }
0x13: {  	[smem:$0x3FB8] =	sst s0;
	s0 =	simm.s32 @!p1 $0x0  }
0x14: {  	s2 =	sld [smem:$0x3F9C];
	s0 =	simm.s32 @p1 $0x1  }
0x15: {  	[smem:$0x3FB9] =	sst s0;
	s0 =	simm.s32 @!p2 $0x0  }
0x16: {  	s3 =	sld [smem:$0x3FDB];
	s0 =	simm.s32 @p2 $0x1  }
0x17: {  	s4 =	simm.s32 $0x1BF5;
	[smem:$0x3FBB] =	sst s0  }
0x18: {  	s0 =	sld [smem:$0x3F9E];
	_ =	swait.ge [sflag:s4], $0x0  }
0x19: {  	s7 =	sld [smem:$0x3F9F]  }
0x1a: {  	s8 =	sadd.s32 $0xFFFFE003, lr  }
0x1b: {  	s9 =	sadd.s32 $0xFFFFFEF7, lr;
	s5 =	simm.s32 $0xFFFFFFFF;
	p2 =	slt.u32 s8, $0xFFFFF086  }
0x1c: {  	p1 =	slt.u32 s9, $0xF7A;
	s5 =	simm.s32 @!p2 $0x0  }
0x1d: {  	s5 =	simm.s32 @p1 $0x1;
	p0 =	seq.s32 s7, s2  }
0x1e: {  	s7 =	smul.u32 @!p0 $0xF7A, s2;
	p2 =	seq.s32 @!p0 s5, $0x0  }
0x1f: {  	s9 =	smul.u32 $0xF7A, s1;
	s8 =	simm.s32 @!p0 $0x1BF5;
	p2 =	por !p2, p0  }
0x20: {  	[sflag:s8] =	ssyncset.s32 @!p0 $0xFFFFF086;
	s6 =	sadd.s32 @!p0 s3, s7;
	s7 =	simm.s32 @!p0 $0x108  }
0x21: {  	s3 =	sadd.s32 s3, s9;
	s6 =	sadd.s32 @!p0 $0x88, s6;
	s7 =	simm.s32 @p2 $0x1082  }
0x22: {  	[simem:s7], [sflag:s8] =	dma.local @!p0 [hbm:s6], $0xF7A  }
0x23: {  	s9 =	sor.u32 $0xD0000000, s2;
	s6 =	simm.s32 $0x108;
	_ =	swait.ge @!p0 [sflag:s8], $0x0  }
0x24: {  	s3 =	sadd.s32 $0x88, s3;
	s6 =	simm.s32 @!p1 $0x1082;
	[sflag:s4] =	ssyncset.s32 $0xFFFFF086  }
0x25: {  	[simem:s6], [sflag:s4] =	dma.local [hbm:s3], $0xF7A  }
0x26: {  	[smem:$0x3F9F] =	sst s1;
	(tag) =	ssettag s2;
	_ =	strace s9  }
0x27: {  	s1 =	sld [smem:$0x3FAF]  }
0x28: {  	s2 =	sld [smem:$0x3FB0]  }
0x29: {  	s4 =	sld [smem:$0x3FB2]  }
0x2a: {  	p0 =	seq.s32 s5, $0x0;
	s5 =	sld [smem:$0x3FB3]  }
0x2b: {  	s6 =	sld [smem:$0x3FB4]  }
0x2c: {  	s7 =	sld [smem:$0x3FB5]  }
0x2d: {  	s3 =	simm.s32 $0x108;
	s8 =	sld [smem:$0x3FB6]  }
0x2e: {  	s3 =	simm.s32 @!p0 $0x1082;
	s9 =	sld [smem:$0x3FB7]  }
0x2f: {  	lr =	sadd.s32 s0, s3;
	s0 =	sld [smem:$0x3FAE]  }
0x30: {  	s3 =	sld [smem:$0x3FB1]  }
0x31: {  	[smem:$0x3FBA] =	sst s10  }
0x32: {  	s10 =	sld [smem:$0x3FB8];
	_ =	sdelay $0x3  }
0x33: {  	p0 =	seq.s32 s10, $0x1;
	s10 =	sld [smem:$0x3FBA];
	_ =	sdelay $0x3  }
0x34: {  	[smem:$0x3FBA] =	sst s10  }
0x35: {  	s10 =	sld [smem:$0x3FB9];
	_ =	sdelay $0x3  }
0x36: {  	p1 =	seq.s32 s10, $0x1;
	s10 =	sld [smem:$0x3FBA];
	_ =	sdelay $0x3  }
0x37: {  	[smem:$0x3FBA] =	sst s10  }
0x38: {  	s10 =	sld [smem:$0x3FBB]  }
0x39: {  	_ = 	snop;
	(pc) =	sbr.ind lr, $3  }
0x3a: {  	_ = 	snop  }
0x3b: {  	_ = 	snop  }
0x3c: {  	p2 =	seq.s32 s10, $0x1;
	s10 =	sld [smem:$0x3FBA]  }
0x3d: {  	_ =	shalt  }
0x3e: {  	_ =	shalt  }
0x3f: {  	_ =	shalt  }
0x40: {  	_ =	shalt  }
0x41: {  	_ =	shalt  }
0x42: {  	_ =	shalt  }
0x43: {  	_ =	shalt  }
0x44: {  	_ =	shalt  }
0x45: {  	_ =	shalt  }
0x46: {  	_ =	shalt  }
0x47: {  	_ =	shalt  }
0x48: {  	_ =	shalt  }
0x49: {  	_ =	shalt  }
0x4a: {  	_ =	shalt  }
0x4b: {  	_ =	shalt  }
0x4c: {  	_ =	shalt  }
0x4d: {  	_ =	shalt  }
0x4e: {  	_ =	shalt  }
0x4f: {  	_ =	shalt  }
0x50: {  	_ =	shalt  }
0x51: {  	_ =	shalt  }
0x52: {  	_ =	shalt  }
0x53: {  	_ =	shalt  }
0x54: {  	_ =	shalt  }
0x55: {  	_ =	shalt  }
0x56: {  	_ =	shalt  }
0x57: {  	_ =	shalt  }
0x58: {  	_ =	shalt  }
0x59: {  	_ =	shalt  }
0x5a: {  	_ =	shalt  }
0x5b: {  	_ =	shalt  }
0x5c: {  	_ =	shalt  }
0x5d: {  	_ =	shalt  }
0x5e: {  	_ =	shalt  }
0x5f: {  	_ =	shalt  }
0x60: {  	_ =	shalt  }
0x61: {  	_ =	shalt  }
0x62: {  	_ =	shalt  }
0x63: {  	_ =	shalt  }
0x64: {  	_ =	shalt  }
0x65: {  	_ =	shalt  }
0x66: {  	_ =	shalt  }
0x67: {  	_ =	shalt  }
0x68: {  	_ =	shalt  }
0x69: {  	_ =	shalt  }
0x6a: {  	_ =	shalt  }
0x6b: {  	_ =	shalt  }
0x6c: {  	_ =	shalt  }
0x6d: {  	_ =	shalt  }
0x6e: {  	_ =	shalt  }
0x6f: {  	_ =	shalt  }
0x70: {  	_ =	shalt  }
0x71: {  	_ =	shalt  }
0x72: {  	_ =	shalt  }
0x73: {  	_ =	shalt  }
0x74: {  	_ =	shalt  }
0x75: {  	_ =	shalt  }
0x76: {  	_ =	shalt  }
0x77: {  	_ =	shalt  }
0x78: {  	_ =	shalt  }
0x79: {  	_ =	shalt  }
0x7a: {  	_ =	shalt  }
0x7b: {  	_ =	shalt  }
0x7c: {  	_ =	shalt  }
0x7d: {  	_ =	shalt  }
0x7e: {  	_ =	shalt  }
0x7f: {  	_ =	shalt  }
0x80: {  	_ =	shalt  }
0x81: {  	_ =	shalt  }
0x82: {  	_ =	shalt  }
0x83: {  	_ =	shalt  }
0x84: {  	_ =	shalt  }
0x85: {  	_ =	shalt  }
0x86: {  	_ =	shalt  }
0x87: {  	_ =	shalt  }
.Lfunc_end0:
.L_simem_size_0:
called_computation.2_lowered:
.L_overlay_start_0:
0x88: {  	s2 =	sld [smem:$0x3FD9]  }
0x89: {  	s3 =	sld [smem:$0x3FFE];
	_ =	sdelay $0x1  }
0x8a: {  	s1 =	srdreg.scid  }
0x8b: {  	s0 =	sand.u32 $0x1, s1  }
0x8c: {  	s17 =	sshll.u32 s0, $0xA;
	s2 =	sadd.s32 s3, s2  }
0x8d: {  	s2 =	sadd.s32 s2, s17  }
0x8e: {  	[smem:$0x3FC6] =	sst s2  }
0x8f: {  	_ = 	snop  }
0x90: {  	s2 =	sld [smem:$0x3FD0];
	(tm) =	ssettm $0x1  }
0x91: {  	s18 =	sld [smem:$0x3FFB];
	_ =	sdelay $0x3  }
0x92: {  	_ =	strace s18  }
0x93: {  	s3 =	sld [smem:$0x3FFC];
	_ =	sdelay $0x3  }
0x94: {  	_ =	strace s3  }
0x95: {  	s3 =	sld [smem:$0x3FFD];
	_ =	sdelay $0x3  }
0x96: {  	_ =	strace s3  }
0x97: {  	_ =	strace $0x8FFFFFFF  }
0x98: {  	s19 =	sld [smem:$0x3FDB];
	_ =	sdelay $0x1  }
0x99: {  	s4 =	simm.s32 $_scs_section_size  }
0x9a: {  	s5 =	simm.s32 $_size__tile_overlayer_lowered;
	s6 =	simm.s32 $_tile_overlayer_lowered  }
0x9b: {  	s22 =	simm.s32 $0x1BFF;
	s21 =	sshll.u32 s6, $0x1;
	s3 =	sadd.s32 s4, s19  }
0x9c: {  	s7 =	simm.s32 $0x0;
	s20 =	sshll.u32 s5, $0x1;
	s5 =	sadd.s32 s21, s3  }
0x9d: {  	[timem:s7], [sflag:s22] =	dma.local [hbm:s5], s20  }
0x9e: {  	_ =	swait.ge [sflag:s22], s20  }
0x9f: {  	s4 =	ssub.s32 $0x0, s20;
	[sflag:s22] =	ssyncset.done $0x0  }
0xa0: {  	[sflag:s22] =	ssyncadd.s32 s4;
	_ =	sdelay $0x1  }
0xa1: {  	s23 =	simm.s32 $0x1B8B  }
0xa2: {  	_ =	swait.ge [sflag:s23], $0x1  }
0xa3: {  	[sflag:s23] =	ssyncset.done $0x0  }
0xa4: {  	s25 =	simm.s32 $0x1B8E;
	s24 =	sld [smem:$0x3FFE];
	[sflag:s23] =	ssyncadd.s32 $0xFFFFFFFF  }
0xa5: {  	s26 =	simm.s32 $execute0_lowered;
	[smem:$0x3FD2] =	sst s25  }
0xa6: {  	s5 =	sshll.u32 s26, $0x1;
	_ =	strace $0x8000004C;
	[dreg:$0x1] =	wrdreg $0xFFFFFFFF  }
0xa7: {  	s28 =	simm.s32 $_size_execute0_lowered;
	s3 =	sadd.s32 s3, s5;
	[dreg:$0x0] =	wrdreg $0x0  }
0xa8: {  	s5 =	sshll.u32 s28, $0x1;
	[dreg:$0x2] =	wrdreg s3  }
0xa9: {  	[dreg:$0x3] =	wrdreg s5  }
0xaa: {  	[dreg:$0x4] =	wrdreg $0xC0  }
0xab: {  	_ =	task [dreg:s7], $0x5FFFF  }
0xac: {  	[dreg:$0x1] =	wrdreg $0xFFFFFFFF  }
0xad: {  	[dreg:$0x0] =	wrdreg $0x60  }
0xae: {  	[dreg:$0x2] =	wrdreg s24  }
0xaf: {  	[dreg:$0x3] =	wrdreg s2  }
0xb0: {  	[dreg:$0x4] =	wrdreg $0x52000  }
0xb1: {  	[dreg:$0x5] =	wrdreg $0x9  }
0xb2: {  	_ =	task.clear_ibuf [dreg:s7], $0x6FFFF;
	_ =	strace $0x9000004C  }
0xb3: {  	s29 =	simm.s32 $0x9;
	_ =	strace $0x8000004E  }
0xb4: {  	_ =	swait.ge [sflag:s29], $0x1  }
0xb5: {  	[sflag:s29] =	ssyncadd.s32 $0xFFFFFFFF  }
0xb6: {  	_ =	strace $0x9000004E  }
0xb7: {  	_ =	sfence  }
0xb8: {  	s30 =	sld [smem:$0x0];
	_ =	sdelay $0x2  }
0xb9: {  	s31 =	sshll.u32 s1, $0xD;
	s1 =	sshrl.u32 s1, $0x2  }
0xba: {  	s3 =	sand.u32 $0x4000, s31;
	s1 =	sadd.s32 s1, s30  }
0xbb: {  	s0 =	sor.u32 s3, s0;
	s1 =	sshll.u32 s1, $0x11  }
0xbc: {  	s0 =	sor.u32 s1, s0  }
0xbd: {  	s0 =	sadd.s32 $0x8F2B, s0  }
0xbe: {  	[sflag:s0] =	ssyncadd.remote.s32 $0x1  }
0xbf: {  	_ =	sfence.sel $0xFFFF  }
0xc0: {  	[dreg:$0x0] =	wrdreg $0xFFFFFFFF;
	(pc) =	sbr.abs _section_cstart, $3  }
0xc1: {  	[dreg:$0x1] =	wrdreg $0xFFFFFFFF  }
0xc2: {  	_ =	task.clear_ibuf [dreg:s7], $0x2FFFF;
	_ =	strace $0x9FFFFFFF  }
0xc3: {  	(tm) =	ssettm $0x7FFFFFFF  }
tec
execute0_lowered:
.L_overlay_start_1:
0x0: {  	(tag) =	ssettag $0x1  }
0x1: {  	s0 =	rddreg [dreg:$0x0]  }
0x2: {  	s2 =	rddreg [dreg:$0x1]  }
0x3: {  	s3 =	rddreg [dreg:$0x2]  }
0x4: {  	s1 =	srdreg.scid;
	s11 =	stileid.u32;
	s4 =	simm.s32 $0x0  }
0x5: {  	s28 =	simm.s32 $0x200;
	s29 =	simm.s32 $0x7;
	s6 =	smul.u32 $0x280, s11  }
0x6: {  	s30 =	simm.s32 $0x1;
	s31 =	simm.s32 $0x50;
	s15 =	smul.u32 $0x50000, s11  }
0x7: {  	s1 =	sand.u32 $0x1, s1;
	[smem:$0x7FF] =	sst s4;
	s19 =	smul.u32 $0x2760, s11  }
0x8: {  	s5 =	sadd.s32 $0xDA00, s0;
	s7 =	smul.u32 $0x2800, s1;
	s8 =	sshll.u32 s1, $0x4  }
0x9: {  	_ =	strace $0x8000004D;
	s9 =	ssub.s32 $0x2, s1;
	s1 =	smul.u32 $0x27600, s1  }
0xa: {  	s8 =	sor.u32 s11, s8;
	s10 =	sshrl.u32 s9, $0x1;
	s18 =	sshrl.u32 s15, $0x2  }
0xb: {  	s7 =	sadd.s32 s6, s7;
	s8 =	smul.u32 $0x2760, s8;
	s6 =	sadd.s32 $0x3C00, s0  }
0xc: {  	s12 =	ssub.s32 s9, s10;
	s11 =	sadd.s32 s18, s3;
	s23 =	sadd.s32 s19, s1  }
0xd: {  	s9 =	simm.s32 $0x4;
	s10 =	simm.s32 $0x6;
	s7 =	sshll.u32 s7, $0x4  }
0xe: {  	s20 =	smax.u32 s12, $0x1;
	s21 =	sadd.s32 $0x2800, s11;
	s22 =	sadd.s32 $0x5000, s11  }
0xf: {  	s24 =	sadd.s32 $0x7800, s11;
	s25 =	sadd.s32 $0xA000, s11;
	[dreg:$0x9] =	wrdreg s20  }
0x10: {  	s26 =	sadd.s32 $0xF0, s23;
	s18 =	sadd.s32 $0xC800, s11;
	[dreg:$0xa] =	wrdreg s21  }
0x11: {  	s19 =	sadd.s32 $0xF000, s11;
	s23 =	sadd.s32 $0xA0, s23;
	[dreg:$0xb] =	wrdreg s22  }
0x12: {  	s12 =	simm.s32 $0x0;
	s0 =	sadd.s32 s7, s0;
	[dreg:$0xc] =	wrdreg s24  }
0x13: {  	s8 =	sshrl.u32 s8, $0x3;
	[dreg:$0xd] =	wrdreg s25;
	s1 =	sshrl.u32 s26, $0x3  }
0x14: {  	s20 =	sadd.s32 $0x11800, s11;
	s24 =	simm.s32 $0x80;
	s25 =	simm.s32 $0x100  }
0x15: {  	s26 =	simm.s32 $0x180;
	s7 =	simm.s32 $0x2A00;
	s13 =	sadd.s32 s6, s8  }
0x16: {  	s14 =	sadd.s32 $0xA, s8;
	s8 =	sadd.s32 s2, s8;
	[dreg:$0x4] =	wrdreg s13  }
0x17: {  	s0 =	sadd.s32 $0x85A00, s0;
	s21 =	sadd.s32 s1, s2;
	[dreg:$0x5] =	wrdreg s8  }
0x18: {  	s22 =	sadd.s32 s1, s6;
	s16 =	sadd.s32 s6, s14;
	[dreg:$0x8] =	wrdreg s0  }
0x19: {  	s1 =	simm.s32 $0x2;
	s17 =	sadd.s32 s2, s14;
	[dreg:$0x6] =	wrdreg s16  }
0x1a: {  	v0 =	vimm.f32 $0.0e+00;
	s0 =	simm.s32 $0x3;
	s8 =	simm.s32 $0x5;
	[dreg:$0x7] =	wrdreg s17  }
.LBB2_1:
0x1b: {  	s13 =	rddreg [dreg:$0x4]  }
0x1c: {  	[tilespmem:s4], [sflag:$0x1] =	stream.linear.gather [hbm4b:s13+s4], $0x50, $0x38;
	[tilespmem:$0x19200] =	vst v63  }
0x1d: {  	s15 =	rddreg [dreg:$0x5]  }
0x1e: {  	[tilespmem:s24], [sflag:$0x1] =	stream.linear.gather [hbm4b:s15+s4], $0x50, $0x38;
	[tilespmem:$0x19200] =	vst v63  }
0x1f: {  	s16 =	rddreg [dreg:$0x6]  }
0x20: {  	[tilespmem:s25], [sflag:$0x2] =	stream.linear.gather [hbm4b:s16+s4], $0x50, $0x38;
	[tilespmem:$0x19200] =	vst v63  }
0x21: {  	s17 =	rddreg [dreg:$0x7];
	s14 =	simm.s32 $0x3C0;
	s13 =	simm.s32 $0x70  }
0x22: {  	[tilespmem:s26], [sflag:$0x2] =	stream.linear.gather [hbm4b:s17+s4], $0x50, $0x38;
	[tilespmem:$0x19200] =	vst v63  }
.LBB2_2:
0x23: {  	p0 =	sne.s32 s14, $0x9FC0;
	[tilespmem:s13+$0x200] =	vst v0  }
0x24: {  	[tilespmem:s13+$0x190] =	vst v0  }
0x25: {  	[tilespmem:s13+$0x1A0] =	vst v0  }
.Ltmp0:
0x26: {  	[tilespmem:s13+$0x1B0] =	vst v0;
	(pc) =	sbr.rel @p0 .LBB2_2-.Ltmp0, $4  }
0x27: {  	[tilespmem:s13+$0x1C0] =	vst v0  }
0x28: {  	[tilespmem:s13+$0x1D0] =	vst v0  }
0x29: {  	[tilespmem:s13+$0x1E0] =	vst v0  }
0x2a: {  	[tilespmem:s13+$0x1F0] =	vst v0;
	s13 =	sshra.s32 s14, $0x2;
	s14 =	sadd.s32 $0x200, s14  }
0x2b: {  	[tilespmem:s13+$0x200] =	vst v0  }
0x2c: {  	[tilespmem:s13+$0x190] =	vst v0  }
0x2d: {  	[tilespmem:s13+$0x1A0] =	vst v0  }
0x2e: {  	[tilespmem:s13+$0x1B0] =	vst v0  }
0x2f: {  	[tilespmem:s13+$0x1C0] =	vst v0  }
0x30: {  	[tilespmem:s13+$0x1D0] =	vst v0  }
0x31: {  	[tilespmem:s13+$0x1E0] =	vst v0  }
0x32: {  	[tilespmem:s13+$0x1F0] =	vst v0  }
0x33: {  	[spmem:s11] =	stream.linear.scatter [tilespmem:s28], [sflag:$0x7], $0x2800, $0x38;
	[tilespmem:$0x19200] =	vst v63  }
0x34: {  	_ =	swait.ge [sflag:s29], $0x2800  }
0x35: {  	[sflag:s29] =	ssyncset.done $0x0  }
0x36: {  	s15 =	rddreg [dreg:$0xa];
	[sflag:s29] =	ssyncadd.s32 $0xFFFFD800  }
0x37: {  	[spmem:s15] =	stream.linear.scatter [tilespmem:s28], [sflag:$0x7], $0x2800, $0x38;
	[tilespmem:$0x19200] =	vst v63  }
0x38: {  	_ =	swait.ge [sflag:s29], $0x2800  }
0x39: {  	[sflag:s29] =	ssyncset.done $0x0  }
0x3a: {  	s16 =	rddreg [dreg:$0xb];
	[sflag:s29] =	ssyncadd.s32 $0xFFFFD800  }
0x3b: {  	[spmem:s16] =	stream.linear.scatter [tilespmem:s28], [sflag:$0x7], $0x2800, $0x38;
	[tilespmem:$0x19200] =	vst v63  }
0x3c: {  	_ =	swait.ge [sflag:s29], $0x2800  }
0x3d: {  	[sflag:s29] =	ssyncset.done $0x0  }
0x3e: {  	s17 =	rddreg [dreg:$0xc];
	[sflag:s29] =	ssyncadd.s32 $0xFFFFD800  }
0x3f: {  	[spmem:s17] =	stream.linear.scatter [tilespmem:s28], [sflag:$0x7], $0x2800, $0x38;
	[tilespmem:$0x19200] =	vst v63  }
0x40: {  	_ =	swait.ge [sflag:s29], $0x2800  }
0x41: {  	[sflag:s29] =	ssyncset.done $0x0  }
0x42: {  	s14 =	rddreg [dreg:$0xd];
	[sflag:s29] =	ssyncadd.s32 $0xFFFFD800  }
0x43: {  	[spmem:s14] =	stream.linear.scatter [tilespmem:s28], [sflag:$0x7], $0x2800, $0x38;
	[tilespmem:$0x19200] =	vst v63  }
0x44: {  	_ =	swait.ge [sflag:s29], $0x2800  }
0x45: {  	[sflag:s29] =	ssyncset.done $0x0  }
0x46: {  	[sflag:s29] =	ssyncadd.s32 $0xFFFFD800  }
0x47: {  	[spmem:s18] =	stream.linear.scatter [tilespmem:s28], [sflag:$0x7], $0x2800, $0x38;
	[tilespmem:$0x19200] =	vst v63  }
0x48: {  	_ =	swait.ge [sflag:s29], $0x2800  }
0x49: {  	[sflag:s29] =	ssyncset.done $0x0  }
0x4a: {  	[sflag:s29] =	ssyncadd.s32 $0xFFFFD800  }
0x4b: {  	[spmem:s19] =	stream.linear.scatter [tilespmem:s28], [sflag:$0x7], $0x2800, $0x38;
	[tilespmem:$0x19200] =	vst v63  }
0x4c: {  	_ =	swait.ge [sflag:s29], $0x2800  }
0x4d: {  	[sflag:s29] =	ssyncset.done $0x0  }
0x4e: {  	[sflag:s29] =	ssyncadd.s32 $0xFFFFD800  }
0x4f: {  	[spmem:s20] =	stream.linear.scatter [tilespmem:s28], [sflag:$0x7], $0x2800, $0x38;
	[tilespmem:$0x19200] =	vst v63  }
0x50: {  	_ =	swait.ge [sflag:s29], $0x2800  }
0x51: {  	[sflag:s29] =	ssyncset.done $0x0  }
0x52: {  	[sflag:s29] =	ssyncadd.s32 $0xFFFFD800  }
0x53: {  	[bflag:$0x0] =	sbarrier.arrive $0xFFFF  }
0x54: {  	_ =	swait.ge [sflag:s30], $0x50  }
0x55: {  	[sflag:s30] =	ssyncset.done $0x0  }
0x56: {  	[sflag:s30] =	ssyncadd.s32 $0xFFFFFFB0  }
0x57: {  	_ =	swait.ge [sflag:s30], $0x50  }
0x58: {  	[sflag:s30] =	ssyncset.done $0x0  }
0x59: {  	s15 =	simm.s32 $0x0;
	[sflag:s30] =	ssyncadd.s32 $0xFFFFFFB0  }
0x5a: {  	[tilespmem:s28], [sflag:$0x3] =	stream.indirect.gather [hbm4b:s5+s31], $0x80, s15, s31, $0xb8;
	[tilespmem:$0x19200] =	vst v63  }
0x5b: {  	_ =	swait.ge [sflag:s0], $0x2800  }
0x5c: {  	[sflag:s0] =	ssyncset.done $0x0  }
0x5d: {  	[sflag:s0] =	ssyncadd.s32 $0xFFFFD800  }
0x5e: {  	[spmem:s3] =	stream.indirect.scatter.add.f32 [tilespmem:s28], [sflag:$0x5], $0x80, s24, s31, $0xb8;
	[tilespmem:$0x19200] =	vst v63  }
0x5f: {  	_ =	swait.ge [sflag:s1], $0x50  }
0x60: {  	[sflag:s1] =	ssyncset.done $0x0  }
0x61: {  	[sflag:s1] =	ssyncadd.s32 $0xFFFFFFB0  }
0x62: {  	_ =	swait.ge [sflag:s1], $0x50  }
0x63: {  	[sflag:s1] =	ssyncset.done $0x0  }
0x64: {  	[sflag:s1] =	ssyncadd.s32 $0xFFFFFFB0  }
0x65: {  	[tilespmem:s7], [sflag:$0x4] =	stream.indirect.gather [hbm4b:s5+s31], $0x80, s25, s31, $0xb8;
	[tilespmem:$0x19200] =	vst v63  }
0x66: {  	_ =	swait.ge [sflag:s8], $0x2800  }
0x67: {  	s16 =	sshrl.u32 s23, $0x3;
	[sflag:s8] =	ssyncset.done $0x0  }
0x68: {  	s14 =	sadd.s32 s6, s16;
	[sflag:s8] =	ssyncadd.s32 $0xFFFFD800  }
0x69: {  	[tilespmem:s4], [sflag:$0x1] =	stream.linear.gather [hbm4b:s14+s4], $0x50, $0x38;
	[tilespmem:$0x19200] =	vst v63  }
0x6a: {  	s13 =	sadd.s32 s2, s16  }
0x6b: {  	[tilespmem:s24], [sflag:$0x1] =	stream.linear.gather [hbm4b:s13+s4], $0x50, $0x38;
	[tilespmem:$0x19200] =	vst v63  }
0x6c: {  	_ =	swait.ge [sflag:s9], $0x2800  }
0x6d: {  	[sflag:s9] =	ssyncset.done $0x0  }
0x6e: {  	[sflag:s9] =	ssyncadd.s32 $0xFFFFD800  }
0x6f: {  	[spmem:s3] =	stream.indirect.scatter.add.f32 [tilespmem:s7], [sflag:$0x6], $0x80, s26, s31, $0xb8;
	[tilespmem:$0x19200] =	vst v63  }
0x70: {  	_ =	swait.ge [sflag:s30], $0x50  }
0x71: {  	[sflag:s30] =	ssyncset.done $0x0  }
0x72: {  	[sflag:s30] =	ssyncadd.s32 $0xFFFFFFB0  }
0x73: {  	_ =	swait.ge [sflag:s30], $0x50  }
0x74: {  	[sflag:s30] =	ssyncset.done $0x0  }
0x75: {  	[sflag:s30] =	ssyncadd.s32 $0xFFFFFFB0  }
0x76: {  	[tilespmem:s28], [sflag:$0x3] =	stream.indirect.gather [hbm4b:s5+s31], $0x80, s4, s31, $0xb8;
	[tilespmem:$0x19200] =	vst v63  }
0x77: {  	_ =	swait.ge [sflag:s10], $0x2800  }
0x78: {  	s17 =	sadd.s32 $0x0, s22;
	s15 =	sadd.s32 $0x0, s21;
	[sflag:s10] =	ssyncset.done $0x0  }
0x79: {  	s14 =	sadd.s32 $0xA0, s23;
	s13 =	simm.s32 $0x14;
	[sflag:s10] =	ssyncadd.s32 $0xFFFFD800  }
0x7a: {  	[tilespmem:s25], [sflag:$0x2] =	stream.linear.gather [hbm4b:s17+s4], $0x50, $0x38;
	[tilespmem:$0x19200] =	vst v63  }
.LBB2_4:
0x7b: {  	[tilespmem:s26], [sflag:$0x2] =	stream.linear.gather [hbm4b:s15+s4], $0x50, $0x38;
	[tilespmem:$0x19200] =	vst v63  }
0x7c: {  	s15 =	smov.u32 s13  }
0x7d: {  	p0 =	sne.s32 s13, $0x4C4;
	s13 =	sadd.s32 $0x14, s13;
	_ =	swait.ge [sflag:s0], $0x2800  }
0x7e: {  	[sflag:s0] =	ssyncset.done $0x0  }
0x7f: {  	[sflag:s0] =	ssyncadd.s32 $0xFFFFD800  }
0x80: {  	[spmem:s3] =	stream.indirect.scatter.add.f32 [tilespmem:s28], [sflag:$0x5], $0x80, s24, s31, $0xb8;
	[tilespmem:$0x19200] =	vst v63  }
0x81: {  	_ =	swait.ge [sflag:s1], $0x50  }
0x82: {  	[sflag:s1] =	ssyncset.done $0x0  }
0x83: {  	[sflag:s1] =	ssyncadd.s32 $0xFFFFFFB0  }
0x84: {  	_ =	swait.ge [sflag:s1], $0x50  }
0x85: {  	[sflag:s1] =	ssyncset.done $0x0  }
0x86: {  	[sflag:s1] =	ssyncadd.s32 $0xFFFFFFB0  }
0x87: {  	[tilespmem:s7], [sflag:$0x4] =	stream.indirect.gather [hbm4b:s5+s31], $0x80, s25, s31, $0xb8;
	[tilespmem:$0x19200] =	vst v63  }
0x88: {  	_ =	swait.ge [sflag:s8], $0x2800  }
0x89: {  	s16 =	sshrl.u32 s14, $0x3;
	[sflag:s8] =	ssyncset.done $0x0  }
0x8a: {  	s17 =	sadd.s32 s6, s16;
	[sflag:s8] =	ssyncadd.s32 $0xFFFFD800  }
0x8b: {  	[tilespmem:s4], [sflag:$0x1] =	stream.linear.gather [hbm4b:s17+s4], $0x50, $0x38;
	[tilespmem:$0x19200] =	vst v63  }
0x8c: {  	s16 =	sadd.s32 s2, s16  }
0x8d: {  	[tilespmem:s24], [sflag:$0x1] =	stream.linear.gather [hbm4b:s16+s4], $0x50, $0x38;
	[tilespmem:$0x19200] =	vst v63  }
0x8e: {  	_ =	swait.ge [sflag:s9], $0x2800  }
0x8f: {  	[sflag:s9] =	ssyncset.done $0x0  }
0x90: {  	[sflag:s9] =	ssyncadd.s32 $0xFFFFD800  }
0x91: {  	[spmem:s3] =	stream.indirect.scatter.add.f32 [tilespmem:s7], [sflag:$0x6], $0x80, s26, s31, $0xb8;
	[tilespmem:$0x19200] =	vst v63  }
0x92: {  	_ =	swait.ge [sflag:s30], $0x50  }
0x93: {  	[sflag:s30] =	ssyncset.done $0x0  }
0x94: {  	[sflag:s30] =	ssyncadd.s32 $0xFFFFFFB0  }
0x95: {  	_ =	swait.ge [sflag:s30], $0x50  }
0x96: {  	[sflag:s30] =	ssyncset.done $0x0  }
0x97: {  	[sflag:s30] =	ssyncadd.s32 $0xFFFFFFB0  }
0x98: {  	[tilespmem:s28], [sflag:$0x3] =	stream.indirect.gather [hbm4b:s5+s31], $0x80, s4, s31, $0xb8;
	[tilespmem:$0x19200] =	vst v63  }
.Ltmp1:
0x99: {  	_ =	swait.ge [sflag:s10], $0x2800;
	(pc) =	sbr.rel @p0 .LBB2_4-.Ltmp1, $4  }
0x9a: {  	[sflag:s10] =	ssyncset.done $0x0  }
0x9b: {  	s16 =	sadd.s32 s15, s22;
	[sflag:s10] =	ssyncadd.s32 $0xFFFFD800  }
0x9c: {  	[tilespmem:s25], [sflag:$0x2] =	stream.linear.gather [hbm4b:s16+s4], $0x50, $0x38;
	[tilespmem:$0x19200] =	vst v63  }
0x9d: {  	s14 =	sadd.s32 $0xA0, s14;
	s15 =	sadd.s32 s15, s21  }
0x9e: {  	[tilespmem:s26], [sflag:$0x2] =	stream.linear.gather [hbm4b:s15+s4], $0x50, $0x38;
	[tilespmem:$0x19200] =	vst v63  }
0x9f: {  	_ =	swait.ge [sflag:s0], $0x2800  }
0xa0: {  	[sflag:s0] =	ssyncset.done $0x0  }
0xa1: {  	[sflag:s0] =	ssyncadd.s32 $0xFFFFD800  }
0xa2: {  	[spmem:s3] =	stream.indirect.scatter.add.f32 [tilespmem:s28], [sflag:$0x5], $0x80, s24, s31, $0xb8;
	[tilespmem:$0x19200] =	vst v63  }
0xa3: {  	_ =	swait.ge [sflag:s1], $0x50  }
0xa4: {  	[sflag:s1] =	ssyncset.done $0x0  }
0xa5: {  	[sflag:s1] =	ssyncadd.s32 $0xFFFFFFB0  }
0xa6: {  	_ =	swait.ge [sflag:s1], $0x50  }
0xa7: {  	[sflag:s1] =	ssyncset.done $0x0  }
0xa8: {  	[sflag:s1] =	ssyncadd.s32 $0xFFFFFFB0  }
0xa9: {  	[tilespmem:s7], [sflag:$0x4] =	stream.indirect.gather [hbm4b:s5+s31], $0x80, s25, s31, $0xb8;
	[tilespmem:$0x19200] =	vst v63  }
0xaa: {  	_ =	swait.ge [sflag:s8], $0x2800  }
0xab: {  	[sflag:s8] =	ssyncset.done $0x0  }
0xac: {  	[sflag:s8] =	ssyncadd.s32 $0xFFFFD800  }
0xad: {  	_ =	swait.ge [sflag:s9], $0x2800  }
0xae: {  	[sflag:s9] =	ssyncset.done $0x0  }
0xaf: {  	[sflag:s9] =	ssyncadd.s32 $0xFFFFD800  }
0xb0: {  	[spmem:s3] =	stream.indirect.scatter.add.f32 [tilespmem:s7], [sflag:$0x6], $0x80, s26, s31, $0xb8;
	[tilespmem:$0x19200] =	vst v63  }
0xb1: {  	_ =	swait.ge [sflag:s10], $0x2800  }
0xb2: {  	[sflag:s10] =	ssyncset.done $0x0  }
0xb3: {  	s13 =	stileid.u32;
	[sflag:s10] =	ssyncadd.s32 $0xFFFFD800  }
0xb4: {  	s13 =	sshll.u32 s13, $0x6;
	[bflag:$0x0] =	sbarrier.arrive $0xFFFF  }
0xb5: {  	s14 =	sshrl.u32 s11, $0x3;
	s13 =	sor.u32 $0x1C07, s13;
	s16 =	rddreg [dreg:$0x8]  }
0xb6: {  	[hbm:s16], [sflag:s13] =	dma.local [spmem:s14], $0x2800  }
0xb7: {  	_ =	swait.ge [sflag:s29], $0x2800  }
0xb8: {  	s12 =	sadd.s32 $0x1, s12;
	s17 =	rddreg [dreg:$0x9]  }
0xb9: {  	p0 =	sne.s32 s12, s17  }
.Ltmp2:
0xba: {  	_ = 	snop;
	(pc) =	sbr.rel @p0 .LBB2_1-.Ltmp2, $3  }
0xbb: {  	_ =	sdelay $0x1  }
0xbc: {  	[sflag:s29] =	ssyncset.done $0x0  }
0xbd: {  	[sflag:s29] =	ssyncadd.s32 $0xFFFFD800  }
0xbe: {  	_ =	sfence.sel $0x180000  }
0xbf: {  	[bflag:$0x0] =	sbarrier.arrive $0xFFFF  }
0xc0: {  	_ =	strace $0x9000004D  }
0xc1: {  	s0 =	stileid.u32;
	[bflag:$0x2] =	sbarrier.arrive $0xFFFF  }
0xc2: {  	p0 =	sne.s32 s0, $0x0;
	s0 =	rddreg [dreg:$0x3]  }
0xc3: {  	s0 =	sadd.s32 @!p0 $0x100000, s0  }
0xc4: {  	[sflag:s0] =	ssyncadd.tile.s32 @!p0 $0x1;
	_ =	shalt  }
.Lfunc_end2:
_tile_overlayer_lowered:
.L_overlay_start_2:
0xc5: {  	(tag) =	ssettag $0x2  }
0xc6: {  	s0 =	rddreg [dreg:$0x0];
	s2 =	stileid.u32  }
0xc7: {  	s1 =	rddreg [dreg:$0x1];
	p0 =	sne.s32 s2, $0x0  }
0xc8: {  	s3 =	rddreg [dreg:$0x2];
	[bflag:$0x3] =	sbarrier.arrive $0xFFFF;
	s2 =	simm.s32 @!p0 $0x1C07  }
0xc9: {  	[timem:s3], [sflag:s2] =	dma.local @!p0 [hbm:s0], s1  }
0xca: {  	s0 =	simm.s32 @!p0 $0x7  }
0xcb: {  	_ =	swait.ge @!p0 [sflag:s0], s1  }
0xcc: {  	s1 =	ssub.s32 @!p0 $0x0, s1;
	[sflag:s0] =	ssyncset.done @!p0 $0x0  }
0xcd: {  	[sflag:s0] =	ssyncadd.s32 @!p0 s1  }
0xce: {  	[bflag:$0x3] =	sbarrier.arrive $0xFFFF  }
0xcf: {  	_ =	shalt  }

// kernel: kernel.21.cloned.1.call-start
scs
__scs_entry_jumppad:
0x0: {  	(pc) =	sbr.rel $0x88, $3  }
0x1: {  	(tag) =	ssettag $0x0;
	lr =	simm.s32 $0x1  }
0x2: {  	[smem:$0x3F9F] =	sst lr;
	_ =	strace $0xD0000000  }
0x3: {  	_ = 	snop  }
0x4: {  	_ = 	snop  }
0x5: {  	_ = 	snop  }
0x6: {  	_ = 	snop  }
0x7: {  	_ = 	snop  }
__scs_overlays_trampoline_lowered:
0x8: {  	[smem:$0x3FAE] =	sst s0  }
0x9: {  	[smem:$0x3FAF] =	sst s1  }
0xa: {  	[smem:$0x3FB0] =	sst s2  }
0xb: {  	[smem:$0x3FB1] =	sst s3  }
0xc: {  	[smem:$0x3FB2] =	sst s4  }
0xd: {  	[smem:$0x3FB3] =	sst s5  }
0xe: {  	[smem:$0x3FB4] =	sst s6  }
0xf: {  	[smem:$0x3FB5] =	sst s7  }
0x10: {  	[smem:$0x3FB6] =	sst s8  }
0x11: {  	[smem:$0x3FB7] =	sst s9;
	s0 =	simm.s32 @!p0 $0x0  }
0x12: {  	s1 =	sld [smem:$0x3F9D];
	s0 =	simm.s32 @p0 $0x1  }
0x13: {  	[smem:$0x3FB8] =	sst s0;
	s0 =	simm.s32 @!p1 $0x0  }
0x14: {  	s2 =	sld [smem:$0x3F9C];
	s0 =	simm.s32 @p1 $0x1  }
0x15: {  	[smem:$0x3FB9] =	sst s0;
	s0 =	simm.s32 @!p2 $0x0  }
0x16: {  	s3 =	sld [smem:$0x3FDB];
	s0 =	simm.s32 @p2 $0x1  }
0x17: {  	s4 =	simm.s32 $0x1BF5;
	[smem:$0x3FBB] =	sst s0  }
0x18: {  	s0 =	sld [smem:$0x3F9E];
	_ =	swait.ge [sflag:s4], $0x0  }
0x19: {  	s7 =	sld [smem:$0x3F9F]  }
0x1a: {  	s8 =	sadd.s32 $0xFFFFE003, lr  }
0x1b: {  	s9 =	sadd.s32 $0xFFFFFEF7, lr;
	s5 =	simm.s32 $0xFFFFFFFF;
	p2 =	slt.u32 s8, $0xFFFFF086  }
0x1c: {  	p1 =	slt.u32 s9, $0xF7A;
	s5 =	simm.s32 @!p2 $0x0  }
0x1d: {  	s5 =	simm.s32 @p1 $0x1;
	p0 =	seq.s32 s7, s2  }
0x1e: {  	s7 =	smul.u32 @!p0 $0xF7A, s2;
	p2 =	seq.s32 @!p0 s5, $0x0  }
0x1f: {  	s9 =	smul.u32 $0xF7A, s1;
	s8 =	simm.s32 @!p0 $0x1BF5;
	p2 =	por !p2, p0  }
0x20: {  	[sflag:s8] =	ssyncset.s32 @!p0 $0xFFFFF086;
	s6 =	sadd.s32 @!p0 s3, s7;
	s7 =	simm.s32 @!p0 $0x108  }
0x21: {  	s3 =	sadd.s32 s3, s9;
	s6 =	sadd.s32 @!p0 $0x88, s6;
	s7 =	simm.s32 @p2 $0x1082  }
0x22: {  	[simem:s7], [sflag:s8] =	dma.local @!p0 [hbm:s6], $0xF7A  }
0x23: {  	s9 =	sor.u32 $0xD0000000, s2;
	s6 =	simm.s32 $0x108;
	_ =	swait.ge @!p0 [sflag:s8], $0x0  }
0x24: {  	s3 =	sadd.s32 $0x88, s3;
	s6 =	simm.s32 @!p1 $0x1082;
	[sflag:s4] =	ssyncset.s32 $0xFFFFF086  }
0x25: {  	[simem:s6], [sflag:s4] =	dma.local [hbm:s3], $0xF7A  }
0x26: {  	[smem:$0x3F9F] =	sst s1;
	(tag) =	ssettag s2;
	_ =	strace s9  }
0x27: {  	s1 =	sld [smem:$0x3FAF]  }
0x28: {  	s2 =	sld [smem:$0x3FB0]  }
0x29: {  	s4 =	sld [smem:$0x3FB2]  }
0x2a: {  	p0 =	seq.s32 s5, $0x0;
	s5 =	sld [smem:$0x3FB3]  }
0x2b: {  	s6 =	sld [smem:$0x3FB4]  }
0x2c: {  	s7 =	sld [smem:$0x3FB5]  }
0x2d: {  	s3 =	simm.s32 $0x108;
	s8 =	sld [smem:$0x3FB6]  }
0x2e: {  	s3 =	simm.s32 @!p0 $0x1082;
	s9 =	sld [smem:$0x3FB7]  }
0x2f: {  	lr =	sadd.s32 s0, s3;
	s0 =	sld [smem:$0x3FAE]  }
0x30: {  	s3 =	sld [smem:$0x3FB1]  }
0x31: {  	[smem:$0x3FBA] =	sst s10  }
0x32: {  	s10 =	sld [smem:$0x3FB8];
	_ =	sdelay $0x3  }
0x33: {  	p0 =	seq.s32 s10, $0x1;
	s10 =	sld [smem:$0x3FBA];
	_ =	sdelay $0x3  }
0x34: {  	[smem:$0x3FBA] =	sst s10  }
0x35: {  	s10 =	sld [smem:$0x3FB9];
	_ =	sdelay $0x3  }
0x36: {  	p1 =	seq.s32 s10, $0x1;
	s10 =	sld [smem:$0x3FBA];
	_ =	sdelay $0x3  }
0x37: {  	[smem:$0x3FBA] =	sst s10  }
0x38: {  	s10 =	sld [smem:$0x3FBB]  }
0x39: {  	_ = 	snop;
	(pc) =	sbr.ind lr, $3  }
0x3a: {  	_ = 	snop  }
0x3b: {  	_ = 	snop  }
0x3c: {  	p2 =	seq.s32 s10, $0x1;
	s10 =	sld [smem:$0x3FBA]  }
0x3d: {  	_ =	shalt  }
0x3e: {  	_ =	shalt  }
0x3f: {  	_ =	shalt  }
0x40: {  	_ =	shalt  }
0x41: {  	_ =	shalt  }
0x42: {  	_ =	shalt  }
0x43: {  	_ =	shalt  }
0x44: {  	_ =	shalt  }
0x45: {  	_ =	shalt  }
0x46: {  	_ =	shalt  }
0x47: {  	_ =	shalt  }
0x48: {  	_ =	shalt  }
0x49: {  	_ =	shalt  }
0x4a: {  	_ =	shalt  }
0x4b: {  	_ =	shalt  }
0x4c: {  	_ =	shalt  }
0x4d: {  	_ =	shalt  }
0x4e: {  	_ =	shalt  }
0x4f: {  	_ =	shalt  }
0x50: {  	_ =	shalt  }
0x51: {  	_ =	shalt  }
0x52: {  	_ =	shalt  }
0x53: {  	_ =	shalt  }
0x54: {  	_ =	shalt  }
0x55: {  	_ =	shalt  }
0x56: {  	_ =	shalt  }
0x57: {  	_ =	shalt  }
0x58: {  	_ =	shalt  }
0x59: {  	_ =	shalt  }
0x5a: {  	_ =	shalt  }
0x5b: {  	_ =	shalt  }
0x5c: {  	_ =	shalt  }
0x5d: {  	_ =	shalt  }
0x5e: {  	_ =	shalt  }
0x5f: {  	_ =	shalt  }
0x60: {  	_ =	shalt  }
0x61: {  	_ =	shalt  }
0x62: {  	_ =	shalt  }
0x63: {  	_ =	shalt  }
0x64: {  	_ =	shalt  }
0x65: {  	_ =	shalt  }
0x66: {  	_ =	shalt  }
0x67: {  	_ =	shalt  }
0x68: {  	_ =	shalt  }
0x69: {  	_ =	shalt  }
0x6a: {  	_ =	shalt  }
0x6b: {  	_ =	shalt  }
0x6c: {  	_ =	shalt  }
0x6d: {  	_ =	shalt  }
0x6e: {  	_ =	shalt  }
0x6f: {  	_ =	shalt  }
0x70: {  	_ =	shalt  }
0x71: {  	_ =	shalt  }
0x72: {  	_ =	shalt  }
0x73: {  	_ =	shalt  }
0x74: {  	_ =	shalt  }
0x75: {  	_ =	shalt  }
0x76: {  	_ =	shalt  }
0x77: {  	_ =	shalt  }
0x78: {  	_ =	shalt  }
0x79: {  	_ =	shalt  }
0x7a: {  	_ =	shalt  }
0x7b: {  	_ =	shalt  }
0x7c: {  	_ =	shalt  }
0x7d: {  	_ =	shalt  }
0x7e: {  	_ =	shalt  }
0x7f: {  	_ =	shalt  }
0x80: {  	_ =	shalt  }
0x81: {  	_ =	shalt  }
0x82: {  	_ =	shalt  }
0x83: {  	_ =	shalt  }
0x84: {  	_ =	shalt  }
0x85: {  	_ =	shalt  }
0x86: {  	_ =	shalt  }
0x87: {  	_ =	shalt  }
.Lfunc_end0:
.L_simem_size_0:
called_computation.3_lowered:
.L_overlay_start_0:
0x88: {  	s2 =	sld [smem:$0x3FD9]  }
0x89: {  	s3 =	sld [smem:$0x3FFE];
	_ =	sdelay $0x1  }
0x8a: {  	s1 =	srdreg.scid  }
0x8b: {  	s0 =	sand.u32 $0x1, s1  }
0x8c: {  	s17 =	sshll.u32 s0, $0xA;
	s2 =	sadd.s32 s3, s2  }
0x8d: {  	s2 =	sadd.s32 s2, s17  }
0x8e: {  	[smem:$0x3FC6] =	sst s2  }
0x8f: {  	_ = 	snop  }
0x90: {  	s2 =	sld [smem:$0x3FD0];
	(tm) =	ssettm $0x1  }
0x91: {  	s18 =	sld [smem:$0x3FFB];
	_ =	sdelay $0x3  }
0x92: {  	_ =	strace s18  }
0x93: {  	s3 =	sld [smem:$0x3FFC];
	_ =	sdelay $0x3  }
0x94: {  	_ =	strace s3  }
0x95: {  	s3 =	sld [smem:$0x3FFD];
	_ =	sdelay $0x3  }
0x96: {  	_ =	strace s3  }
0x97: {  	_ =	strace $0x8FFFFFFF  }
0x98: {  	s19 =	sld [smem:$0x3FDB];
	_ =	sdelay $0x1  }
0x99: {  	s4 =	simm.s32 $_scs_section_size  }
0x9a: {  	s5 =	simm.s32 $_size__tile_overlayer_lowered;
	s6 =	simm.s32 $_tile_overlayer_lowered  }
0x9b: {  	s22 =	simm.s32 $0x1BFF;
	s21 =	sshll.u32 s6, $0x1;
	s3 =	sadd.s32 s4, s19  }
0x9c: {  	s7 =	simm.s32 $0x0;
	s20 =	sshll.u32 s5, $0x1;
	s5 =	sadd.s32 s21, s3  }
0x9d: {  	[timem:s7], [sflag:s22] =	dma.local [hbm:s5], s20  }
0x9e: {  	_ =	swait.ge [sflag:s22], s20  }
0x9f: {  	s4 =	ssub.s32 $0x0, s20;
	[sflag:s22] =	ssyncset.done $0x0  }
0xa0: {  	[sflag:s22] =	ssyncadd.s32 s4;
	_ =	sdelay $0x1  }
0xa1: {  	s23 =	simm.s32 $0x1B8B  }
0xa2: {  	_ =	swait.ge [sflag:s23], $0x1  }
0xa3: {  	[sflag:s23] =	ssyncset.done $0x0  }
0xa4: {  	s25 =	simm.s32 $0x1B8E;
	s24 =	sld [smem:$0x3FFE];
	[sflag:s23] =	ssyncadd.s32 $0xFFFFFFFF  }
0xa5: {  	s26 =	simm.s32 $execute0_lowered;
	[smem:$0x3FD2] =	sst s25  }
0xa6: {  	s5 =	sshll.u32 s26, $0x1;
	_ =	strace $0x8000004F;
	[dreg:$0x1] =	wrdreg $0xFFFFFFFF  }
0xa7: {  	s28 =	simm.s32 $_size_execute0_lowered;
	s3 =	sadd.s32 s3, s5;
	[dreg:$0x0] =	wrdreg $0x0  }
0xa8: {  	s5 =	sshll.u32 s28, $0x1;
	[dreg:$0x2] =	wrdreg s3  }
0xa9: {  	[dreg:$0x3] =	wrdreg s5  }
0xaa: {  	[dreg:$0x4] =	wrdreg $0xC0  }
0xab: {  	_ =	task [dreg:s7], $0x5FFFF  }
0xac: {  	[dreg:$0x1] =	wrdreg $0xFFFFFFFF  }
0xad: {  	[dreg:$0x0] =	wrdreg $0x60  }
0xae: {  	[dreg:$0x2] =	wrdreg s24  }
0xaf: {  	[dreg:$0x3] =	wrdreg s2  }
0xb0: {  	[dreg:$0x4] =	wrdreg $0x52000  }
0xb1: {  	[dreg:$0x5] =	wrdreg $0x9  }
0xb2: {  	_ =	task.clear_ibuf [dreg:s7], $0x6FFFF;
	_ =	strace $0x9000004F  }
0xb3: {  	s29 =	simm.s32 $0x9;
	_ =	strace $0x80000051  }
0xb4: {  	_ =	swait.ge [sflag:s29], $0x1  }
0xb5: {  	[sflag:s29] =	ssyncadd.s32 $0xFFFFFFFF  }
0xb6: {  	_ =	strace $0x90000051  }
0xb7: {  	_ =	sfence  }
0xb8: {  	s30 =	sld [smem:$0x0];
	_ =	sdelay $0x2  }
0xb9: {  	s31 =	sshll.u32 s1, $0xD;
	s1 =	sshrl.u32 s1, $0x2  }
0xba: {  	s3 =	sand.u32 $0x4000, s31;
	s1 =	sadd.s32 s1, s30  }
0xbb: {  	s0 =	sor.u32 s3, s0;
	s1 =	sshll.u32 s1, $0x11  }
0xbc: {  	s0 =	sor.u32 s1, s0  }
0xbd: {  	s0 =	sadd.s32 $0x8F2B, s0  }
0xbe: {  	[sflag:s0] =	ssyncadd.remote.s32 $0x1  }
0xbf: {  	_ =	sfence.sel $0xFFFF  }
0xc0: {  	[dreg:$0x0] =	wrdreg $0xFFFFFFFF;
	(pc) =	sbr.abs _section_cstart, $3  }
0xc1: {  	[dreg:$0x1] =	wrdreg $0xFFFFFFFF  }
0xc2: {  	_ =	task.clear_ibuf [dreg:s7], $0x2FFFF;
	_ =	strace $0x9FFFFFFF  }
0xc3: {  	(tm) =	ssettm $0x7FFFFFFF  }
tec
execute0_lowered:
.L_overlay_start_1:
0x0: {  	(tag) =	ssettag $0x1  }
0x1: {  	s0 =	rddreg [dreg:$0x0]  }
0x2: {  	s2 =	rddreg [dreg:$0x1]  }
0x3: {  	s3 =	rddreg [dreg:$0x2]  }
0x4: {  	s1 =	srdreg.scid;
	s11 =	stileid.u32;
	s4 =	simm.s32 $0x0  }
0x5: {  	s28 =	simm.s32 $0x200;
	s29 =	simm.s32 $0x7;
	s6 =	smul.u32 $0x280, s11  }
0x6: {  	s30 =	simm.s32 $0x1;
	s31 =	simm.s32 $0x50;
	s15 =	smul.u32 $0x50000, s11  }
0x7: {  	s1 =	sand.u32 $0x1, s1;
	[smem:$0x7FF] =	sst s4;
	s19 =	smul.u32 $0x2760, s11  }
0x8: {  	s5 =	sadd.s32 $0xDA00, s0;
	s7 =	smul.u32 $0x2800, s1;
	s8 =	sshll.u32 s1, $0x4  }
0x9: {  	_ =	strace $0x80000050;
	s9 =	ssub.s32 $0x2, s1;
	s1 =	smul.u32 $0x27600, s1  }
0xa: {  	s8 =	sor.u32 s11, s8;
	s10 =	sshrl.u32 s9, $0x1;
	s18 =	sshrl.u32 s15, $0x2  }
0xb: {  	s7 =	sadd.s32 s6, s7;
	s8 =	smul.u32 $0x2760, s8;
	s6 =	sadd.s32 $0x3C00, s0  }
0xc: {  	s12 =	ssub.s32 s9, s10;
	s11 =	sadd.s32 s18, s3;
	s23 =	sadd.s32 s19, s1  }
0xd: {  	s9 =	simm.s32 $0x4;
	s10 =	simm.s32 $0x6;
	s7 =	sshll.u32 s7, $0x4  }
0xe: {  	s20 =	smax.u32 s12, $0x1;
	s21 =	sadd.s32 $0x2800, s11;
	s22 =	sadd.s32 $0x5000, s11  }
0xf: {  	s24 =	sadd.s32 $0x7800, s11;
	s25 =	sadd.s32 $0xA000, s11;
	[dreg:$0x9] =	wrdreg s20  }
0x10: {  	s26 =	sadd.s32 $0xF0, s23;
	s18 =	sadd.s32 $0xC800, s11;
	[dreg:$0xa] =	wrdreg s21  }
0x11: {  	s19 =	sadd.s32 $0xF000, s11;
	s23 =	sadd.s32 $0xA0, s23;
	[dreg:$0xb] =	wrdreg s22  }
0x12: {  	s12 =	simm.s32 $0x0;
	s0 =	sadd.s32 s7, s0;
	[dreg:$0xc] =	wrdreg s24  }
0x13: {  	s8 =	sshrl.u32 s8, $0x3;
	[dreg:$0xd] =	wrdreg s25;
	s1 =	sshrl.u32 s26, $0x3  }
0x14: {  	s20 =	sadd.s32 $0x11800, s11;
	s24 =	simm.s32 $0x80;
	s25 =	simm.s32 $0x100  }
0x15: {  	s26 =	simm.s32 $0x180;
	s7 =	simm.s32 $0x2A00;
	s13 =	sadd.s32 s6, s8  }
0x16: {  	s14 =	sadd.s32 $0xA, s8;
	s8 =	sadd.s32 s2, s8;
	[dreg:$0x4] =	wrdreg s13  }
0x17: {  	s0 =	sadd.s32 $0x85A00, s0;
	s21 =	sadd.s32 s1, s2;
	[dreg:$0x5] =	wrdreg s8  }
0x18: {  	s22 =	sadd.s32 s1, s6;
	s16 =	sadd.s32 s6, s14;
	[dreg:$0x8] =	wrdreg s0  }
0x19: {  	s1 =	simm.s32 $0x2;
	s17 =	sadd.s32 s2, s14;
	[dreg:$0x6] =	wrdreg s16  }
0x1a: {  	v0 =	vimm.f32 $0.0e+00;
	s0 =	simm.s32 $0x3;
	s8 =	simm.s32 $0x5;
	[dreg:$0x7] =	wrdreg s17  }
.LBB2_1:
0x1b: {  	s13 =	rddreg [dreg:$0x4]  }
0x1c: {  	[tilespmem:s4], [sflag:$0x1] =	stream.linear.gather [hbm4b:s13+s4], $0x50, $0x38;
	[tilespmem:$0x19200] =	vst v63  }
0x1d: {  	s15 =	rddreg [dreg:$0x5]  }
0x1e: {  	[tilespmem:s24], [sflag:$0x1] =	stream.linear.gather [hbm4b:s15+s4], $0x50, $0x38;
	[tilespmem:$0x19200] =	vst v63  }
0x1f: {  	s16 =	rddreg [dreg:$0x6]  }
0x20: {  	[tilespmem:s25], [sflag:$0x2] =	stream.linear.gather [hbm4b:s16+s4], $0x50, $0x38;
	[tilespmem:$0x19200] =	vst v63  }
0x21: {  	s17 =	rddreg [dreg:$0x7];
	s14 =	simm.s32 $0x3C0;
	s13 =	simm.s32 $0x70  }
0x22: {  	[tilespmem:s26], [sflag:$0x2] =	stream.linear.gather [hbm4b:s17+s4], $0x50, $0x38;
	[tilespmem:$0x19200] =	vst v63  }
.LBB2_2:
0x23: {  	p0 =	sne.s32 s14, $0x9FC0;
	[tilespmem:s13+$0x200] =	vst v0  }
0x24: {  	[tilespmem:s13+$0x190] =	vst v0  }
0x25: {  	[tilespmem:s13+$0x1A0] =	vst v0  }
.Ltmp0:
0x26: {  	[tilespmem:s13+$0x1B0] =	vst v0;
	(pc) =	sbr.rel @p0 .LBB2_2-.Ltmp0, $4  }
0x27: {  	[tilespmem:s13+$0x1C0] =	vst v0  }
0x28: {  	[tilespmem:s13+$0x1D0] =	vst v0  }
0x29: {  	[tilespmem:s13+$0x1E0] =	vst v0  }
0x2a: {  	[tilespmem:s13+$0x1F0] =	vst v0;
	s13 =	sshra.s32 s14, $0x2;
	s14 =	sadd.s32 $0x200, s14  }
0x2b: {  	[tilespmem:s13+$0x200] =	vst v0  }
0x2c: {  	[tilespmem:s13+$0x190] =	vst v0  }
0x2d: {  	[tilespmem:s13+$0x1A0] =	vst v0  }
0x2e: {  	[tilespmem:s13+$0x1B0] =	vst v0  }
0x2f: {  	[tilespmem:s13+$0x1C0] =	vst v0  }
0x30: {  	[tilespmem:s13+$0x1D0] =	vst v0  }
0x31: {  	[tilespmem:s13+$0x1E0] =	vst v0  }
0x32: {  	[tilespmem:s13+$0x1F0] =	vst v0  }
0x33: {  	[spmem:s11] =	stream.linear.scatter [tilespmem:s28], [sflag:$0x7], $0x2800, $0x38;
	[tilespmem:$0x19200] =	vst v63  }
0x34: {  	_ =	swait.ge [sflag:s29], $0x2800  }
0x35: {  	[sflag:s29] =	ssyncset.done $0x0  }
0x36: {  	s15 =	rddreg [dreg:$0xa];
	[sflag:s29] =	ssyncadd.s32 $0xFFFFD800  }
0x37: {  	[spmem:s15] =	stream.linear.scatter [tilespmem:s28], [sflag:$0x7], $0x2800, $0x38;
	[tilespmem:$0x19200] =	vst v63  }
0x38: {  	_ =	swait.ge [sflag:s29], $0x2800  }
0x39: {  	[sflag:s29] =	ssyncset.done $0x0  }
0x3a: {  	s16 =	rddreg [dreg:$0xb];
	[sflag:s29] =	ssyncadd.s32 $0xFFFFD800  }
0x3b: {  	[spmem:s16] =	stream.linear.scatter [tilespmem:s28], [sflag:$0x7], $0x2800, $0x38;
	[tilespmem:$0x19200] =	vst v63  }
0x3c: {  	_ =	swait.ge [sflag:s29], $0x2800  }
0x3d: {  	[sflag:s29] =	ssyncset.done $0x0  }
0x3e: {  	s17 =	rddreg [dreg:$0xc];
	[sflag:s29] =	ssyncadd.s32 $0xFFFFD800  }
0x3f: {  	[spmem:s17] =	stream.linear.scatter [tilespmem:s28], [sflag:$0x7], $0x2800, $0x38;
	[tilespmem:$0x19200] =	vst v63  }
0x40: {  	_ =	swait.ge [sflag:s29], $0x2800  }
0x41: {  	[sflag:s29] =	ssyncset.done $0x0  }
0x42: {  	s14 =	rddreg [dreg:$0xd];
	[sflag:s29] =	ssyncadd.s32 $0xFFFFD800  }
0x43: {  	[spmem:s14] =	stream.linear.scatter [tilespmem:s28], [sflag:$0x7], $0x2800, $0x38;
	[tilespmem:$0x19200] =	vst v63  }
0x44: {  	_ =	swait.ge [sflag:s29], $0x2800  }
0x45: {  	[sflag:s29] =	ssyncset.done $0x0  }
0x46: {  	[sflag:s29] =	ssyncadd.s32 $0xFFFFD800  }
0x47: {  	[spmem:s18] =	stream.linear.scatter [tilespmem:s28], [sflag:$0x7], $0x2800, $0x38;
	[tilespmem:$0x19200] =	vst v63  }
0x48: {  	_ =	swait.ge [sflag:s29], $0x2800  }
0x49: {  	[sflag:s29] =	ssyncset.done $0x0  }
0x4a: {  	[sflag:s29] =	ssyncadd.s32 $0xFFFFD800  }
0x4b: {  	[spmem:s19] =	stream.linear.scatter [tilespmem:s28], [sflag:$0x7], $0x2800, $0x38;
	[tilespmem:$0x19200] =	vst v63  }
0x4c: {  	_ =	swait.ge [sflag:s29], $0x2800  }
0x4d: {  	[sflag:s29] =	ssyncset.done $0x0  }
0x4e: {  	[sflag:s29] =	ssyncadd.s32 $0xFFFFD800  }
0x4f: {  	[spmem:s20] =	stream.linear.scatter [tilespmem:s28], [sflag:$0x7], $0x2800, $0x38;
	[tilespmem:$0x19200] =	vst v63  }
0x50: {  	_ =	swait.ge [sflag:s29], $0x2800  }
0x51: {  	[sflag:s29] =	ssyncset.done $0x0  }
0x52: {  	[sflag:s29] =	ssyncadd.s32 $0xFFFFD800  }
0x53: {  	[bflag:$0x0] =	sbarrier.arrive $0xFFFF  }
0x54: {  	_ =	swait.ge [sflag:s30], $0x50  }
0x55: {  	[sflag:s30] =	ssyncset.done $0x0  }
0x56: {  	[sflag:s30] =	ssyncadd.s32 $0xFFFFFFB0  }
0x57: {  	_ =	swait.ge [sflag:s30], $0x50  }
0x58: {  	[sflag:s30] =	ssyncset.done $0x0  }
0x59: {  	s15 =	simm.s32 $0x0;
	[sflag:s30] =	ssyncadd.s32 $0xFFFFFFB0  }
0x5a: {  	[tilespmem:s28], [sflag:$0x3] =	stream.indirect.gather [hbm4b:s5+s31], $0x80, s15, s31, $0xb8;
	[tilespmem:$0x19200] =	vst v63  }
0x5b: {  	_ =	swait.ge [sflag:s0], $0x2800  }
0x5c: {  	[sflag:s0] =	ssyncset.done $0x0  }
0x5d: {  	[sflag:s0] =	ssyncadd.s32 $0xFFFFD800  }
0x5e: {  	[spmem:s3] =	stream.indirect.scatter.add.f32 [tilespmem:s28], [sflag:$0x5], $0x80, s24, s31, $0xb8;
	[tilespmem:$0x19200] =	vst v63  }
0x5f: {  	_ =	swait.ge [sflag:s1], $0x50  }
0x60: {  	[sflag:s1] =	ssyncset.done $0x0  }
0x61: {  	[sflag:s1] =	ssyncadd.s32 $0xFFFFFFB0  }
0x62: {  	_ =	swait.ge [sflag:s1], $0x50  }
0x63: {  	[sflag:s1] =	ssyncset.done $0x0  }
0x64: {  	[sflag:s1] =	ssyncadd.s32 $0xFFFFFFB0  }
0x65: {  	[tilespmem:s7], [sflag:$0x4] =	stream.indirect.gather [hbm4b:s5+s31], $0x80, s25, s31, $0xb8;
	[tilespmem:$0x19200] =	vst v63  }
0x66: {  	_ =	swait.ge [sflag:s8], $0x2800  }
0x67: {  	s16 =	sshrl.u32 s23, $0x3;
	[sflag:s8] =	ssyncset.done $0x0  }
0x68: {  	s14 =	sadd.s32 s6, s16;
	[sflag:s8] =	ssyncadd.s32 $0xFFFFD800  }
0x69: {  	[tilespmem:s4], [sflag:$0x1] =	stream.linear.gather [hbm4b:s14+s4], $0x50, $0x38;
	[tilespmem:$0x19200] =	vst v63  }
0x6a: {  	s13 =	sadd.s32 s2, s16  }
0x6b: {  	[tilespmem:s24], [sflag:$0x1] =	stream.linear.gather [hbm4b:s13+s4], $0x50, $0x38;
	[tilespmem:$0x19200] =	vst v63  }
0x6c: {  	_ =	swait.ge [sflag:s9], $0x2800  }
0x6d: {  	[sflag:s9] =	ssyncset.done $0x0  }
0x6e: {  	[sflag:s9] =	ssyncadd.s32 $0xFFFFD800  }
0x6f: {  	[spmem:s3] =	stream.indirect.scatter.add.f32 [tilespmem:s7], [sflag:$0x6], $0x80, s26, s31, $0xb8;
	[tilespmem:$0x19200] =	vst v63  }
0x70: {  	_ =	swait.ge [sflag:s30], $0x50  }
0x71: {  	[sflag:s30] =	ssyncset.done $0x0  }
0x72: {  	[sflag:s30] =	ssyncadd.s32 $0xFFFFFFB0  }
0x73: {  	_ =	swait.ge [sflag:s30], $0x50  }
0x74: {  	[sflag:s30] =	ssyncset.done $0x0  }
0x75: {  	[sflag:s30] =	ssyncadd.s32 $0xFFFFFFB0  }
0x76: {  	[tilespmem:s28], [sflag:$0x3] =	stream.indirect.gather [hbm4b:s5+s31], $0x80, s4, s31, $0xb8;
	[tilespmem:$0x19200] =	vst v63  }
0x77: {  	_ =	swait.ge [sflag:s10], $0x2800  }
0x78: {  	s17 =	sadd.s32 $0x0, s22;
	s15 =	sadd.s32 $0x0, s21;
	[sflag:s10] =	ssyncset.done $0x0  }
0x79: {  	s14 =	sadd.s32 $0xA0, s23;
	s13 =	simm.s32 $0x14;
	[sflag:s10] =	ssyncadd.s32 $0xFFFFD800  }
0x7a: {  	[tilespmem:s25], [sflag:$0x2] =	stream.linear.gather [hbm4b:s17+s4], $0x50, $0x38;
	[tilespmem:$0x19200] =	vst v63  }
.LBB2_4:
0x7b: {  	[tilespmem:s26], [sflag:$0x2] =	stream.linear.gather [hbm4b:s15+s4], $0x50, $0x38;
	[tilespmem:$0x19200] =	vst v63  }
0x7c: {  	s15 =	smov.u32 s13  }
0x7d: {  	p0 =	sne.s32 s13, $0x4C4;
	s13 =	sadd.s32 $0x14, s13;
	_ =	swait.ge [sflag:s0], $0x2800  }
0x7e: {  	[sflag:s0] =	ssyncset.done $0x0  }
0x7f: {  	[sflag:s0] =	ssyncadd.s32 $0xFFFFD800  }
0x80: {  	[spmem:s3] =	stream.indirect.scatter.add.f32 [tilespmem:s28], [sflag:$0x5], $0x80, s24, s31, $0xb8;
	[tilespmem:$0x19200] =	vst v63  }
0x81: {  	_ =	swait.ge [sflag:s1], $0x50  }
0x82: {  	[sflag:s1] =	ssyncset.done $0x0  }
0x83: {  	[sflag:s1] =	ssyncadd.s32 $0xFFFFFFB0  }
0x84: {  	_ =	swait.ge [sflag:s1], $0x50  }
0x85: {  	[sflag:s1] =	ssyncset.done $0x0  }
0x86: {  	[sflag:s1] =	ssyncadd.s32 $0xFFFFFFB0  }
0x87: {  	[tilespmem:s7], [sflag:$0x4] =	stream.indirect.gather [hbm4b:s5+s31], $0x80, s25, s31, $0xb8;
	[tilespmem:$0x19200] =	vst v63  }
0x88: {  	_ =	swait.ge [sflag:s8], $0x2800  }
0x89: {  	s16 =	sshrl.u32 s14, $0x3;
	[sflag:s8] =	ssyncset.done $0x0  }
0x8a: {  	s17 =	sadd.s32 s6, s16;
	[sflag:s8] =	ssyncadd.s32 $0xFFFFD800  }
0x8b: {  	[tilespmem:s4], [sflag:$0x1] =	stream.linear.gather [hbm4b:s17+s4], $0x50, $0x38;
	[tilespmem:$0x19200] =	vst v63  }
0x8c: {  	s16 =	sadd.s32 s2, s16  }
0x8d: {  	[tilespmem:s24], [sflag:$0x1] =	stream.linear.gather [hbm4b:s16+s4], $0x50, $0x38;
	[tilespmem:$0x19200] =	vst v63  }
0x8e: {  	_ =	swait.ge [sflag:s9], $0x2800  }
0x8f: {  	[sflag:s9] =	ssyncset.done $0x0  }
0x90: {  	[sflag:s9] =	ssyncadd.s32 $0xFFFFD800  }
0x91: {  	[spmem:s3] =	stream.indirect.scatter.add.f32 [tilespmem:s7], [sflag:$0x6], $0x80, s26, s31, $0xb8;
	[tilespmem:$0x19200] =	vst v63  }
0x92: {  	_ =	swait.ge [sflag:s30], $0x50  }
0x93: {  	[sflag:s30] =	ssyncset.done $0x0  }
0x94: {  	[sflag:s30] =	ssyncadd.s32 $0xFFFFFFB0  }
0x95: {  	_ =	swait.ge [sflag:s30], $0x50  }
0x96: {  	[sflag:s30] =	ssyncset.done $0x0  }
0x97: {  	[sflag:s30] =	ssyncadd.s32 $0xFFFFFFB0  }
0x98: {  	[tilespmem:s28], [sflag:$0x3] =	stream.indirect.gather [hbm4b:s5+s31], $0x80, s4, s31, $0xb8;
	[tilespmem:$0x19200] =	vst v63  }
.Ltmp1:
0x99: {  	_ =	swait.ge [sflag:s10], $0x2800;
	(pc) =	sbr.rel @p0 .LBB2_4-.Ltmp1, $4  }
0x9a: {  	[sflag:s10] =	ssyncset.done $0x0  }
0x9b: {  	s16 =	sadd.s32 s15, s22;
	[sflag:s10] =	ssyncadd.s32 $0xFFFFD800  }
0x9c: {  	[tilespmem:s25], [sflag:$0x2] =	stream.linear.gather [hbm4b:s16+s4], $0x50, $0x38;
	[tilespmem:$0x19200] =	vst v63  }
0x9d: {  	s14 =	sadd.s32 $0xA0, s14;
	s15 =	sadd.s32 s15, s21  }
0x9e: {  	[tilespmem:s26], [sflag:$0x2] =	stream.linear.gather [hbm4b:s15+s4], $0x50, $0x38;
	[tilespmem:$0x19200] =	vst v63  }
0x9f: {  	_ =	swait.ge [sflag:s0], $0x2800  }
0xa0: {  	[sflag:s0] =	ssyncset.done $0x0  }
0xa1: {  	[sflag:s0] =	ssyncadd.s32 $0xFFFFD800  }
0xa2: {  	[spmem:s3] =	stream.indirect.scatter.add.f32 [tilespmem:s28], [sflag:$0x5], $0x80, s24, s31, $0xb8;
	[tilespmem:$0x19200] =	vst v63  }
0xa3: {  	_ =	swait.ge [sflag:s1], $0x50  }
0xa4: {  	[sflag:s1] =	ssyncset.done $0x0  }
0xa5: {  	[sflag:s1] =	ssyncadd.s32 $0xFFFFFFB0  }
0xa6: {  	_ =	swait.ge [sflag:s1], $0x50  }
0xa7: {  	[sflag:s1] =	ssyncset.done $0x0  }
0xa8: {  	[sflag:s1] =	ssyncadd.s32 $0xFFFFFFB0  }
0xa9: {  	[tilespmem:s7], [sflag:$0x4] =	stream.indirect.gather [hbm4b:s5+s31], $0x80, s25, s31, $0xb8;
	[tilespmem:$0x19200] =	vst v63  }
0xaa: {  	_ =	swait.ge [sflag:s8], $0x2800  }
0xab: {  	[sflag:s8] =	ssyncset.done $0x0  }
0xac: {  	[sflag:s8] =	ssyncadd.s32 $0xFFFFD800  }
0xad: {  	_ =	swait.ge [sflag:s9], $0x2800  }
0xae: {  	[sflag:s9] =	ssyncset.done $0x0  }
0xaf: {  	[sflag:s9] =	ssyncadd.s32 $0xFFFFD800  }
0xb0: {  	[spmem:s3] =	stream.indirect.scatter.add.f32 [tilespmem:s7], [sflag:$0x6], $0x80, s26, s31, $0xb8;
	[tilespmem:$0x19200] =	vst v63  }
0xb1: {  	_ =	swait.ge [sflag:s10], $0x2800  }
0xb2: {  	[sflag:s10] =	ssyncset.done $0x0  }
0xb3: {  	s13 =	stileid.u32;
	[sflag:s10] =	ssyncadd.s32 $0xFFFFD800  }
0xb4: {  	s13 =	sshll.u32 s13, $0x6;
	[bflag:$0x0] =	sbarrier.arrive $0xFFFF  }
0xb5: {  	s14 =	sshrl.u32 s11, $0x3;
	s13 =	sor.u32 $0x1C07, s13;
	s16 =	rddreg [dreg:$0x8]  }
0xb6: {  	[hbm:s16], [sflag:s13] =	dma.local [spmem:s14], $0x2800  }
0xb7: {  	_ =	swait.ge [sflag:s29], $0x2800  }
0xb8: {  	s12 =	sadd.s32 $0x1, s12;
	s17 =	rddreg [dreg:$0x9]  }
0xb9: {  	p0 =	sne.s32 s12, s17  }
.Ltmp2:
0xba: {  	_ = 	snop;
	(pc) =	sbr.rel @p0 .LBB2_1-.Ltmp2, $3  }
0xbb: {  	_ =	sdelay $0x1  }
0xbc: {  	[sflag:s29] =	ssyncset.done $0x0  }
0xbd: {  	[sflag:s29] =	ssyncadd.s32 $0xFFFFD800  }
0xbe: {  	_ =	sfence.sel $0x180000  }
0xbf: {  	[bflag:$0x0] =	sbarrier.arrive $0xFFFF  }
0xc0: {  	_ =	strace $0x90000050  }
0xc1: {  	s0 =	stileid.u32;
	[bflag:$0x2] =	sbarrier.arrive $0xFFFF  }
0xc2: {  	p0 =	sne.s32 s0, $0x0;
	s0 =	rddreg [dreg:$0x3]  }
0xc3: {  	s0 =	sadd.s32 @!p0 $0x100000, s0  }
0xc4: {  	[sflag:s0] =	ssyncadd.tile.s32 @!p0 $0x1;
	_ =	shalt  }
.Lfunc_end2:
_tile_overlayer_lowered:
.L_overlay_start_2:
0xc5: {  	(tag) =	ssettag $0x2  }
0xc6: {  	s0 =	rddreg [dreg:$0x0];
	s2 =	stileid.u32  }
0xc7: {  	s1 =	rddreg [dreg:$0x1];
	p0 =	sne.s32 s2, $0x0  }
0xc8: {  	s3 =	rddreg [dreg:$0x2];
	[bflag:$0x3] =	sbarrier.arrive $0xFFFF;
	s2 =	simm.s32 @!p0 $0x1C07  }
0xc9: {  	[timem:s3], [sflag:s2] =	dma.local @!p0 [hbm:s0], s1  }
0xca: {  	s0 =	simm.s32 @!p0 $0x7  }
0xcb: {  	_ =	swait.ge @!p0 [sflag:s0], s1  }
0xcc: {  	s1 =	ssub.s32 @!p0 $0x0, s1;
	[sflag:s0] =	ssyncset.done @!p0 $0x0  }
0xcd: {  	[sflag:s0] =	ssyncadd.s32 @!p0 s1  }
0xce: {  	[bflag:$0x3] =	sbarrier.arrive $0xFFFF  }
0xcf: {  	_ =	shalt  }

// kernel: kernel.24.cloned.1.call-start
scs
__scs_entry_jumppad:
0x0: {  	(pc) =	sbr.rel $0x88, $3  }
0x1: {  	(tag) =	ssettag $0x0;
	lr =	simm.s32 $0x1  }
0x2: {  	[smem:$0x3F9F] =	sst lr;
	_ =	strace $0xD0000000  }
0x3: {  	_ = 	snop  }
0x4: {  	_ = 	snop  }
0x5: {  	_ = 	snop  }
0x6: {  	_ = 	snop  }
0x7: {  	_ = 	snop  }
__scs_overlays_trampoline_lowered:
0x8: {  	[smem:$0x3FAE] =	sst s0  }
0x9: {  	[smem:$0x3FAF] =	sst s1  }
0xa: {  	[smem:$0x3FB0] =	sst s2  }
0xb: {  	[smem:$0x3FB1] =	sst s3  }
0xc: {  	[smem:$0x3FB2] =	sst s4  }
0xd: {  	[smem:$0x3FB3] =	sst s5  }
0xe: {  	[smem:$0x3FB4] =	sst s6  }
0xf: {  	[smem:$0x3FB5] =	sst s7  }
0x10: {  	[smem:$0x3FB6] =	sst s8  }
0x11: {  	[smem:$0x3FB7] =	sst s9;
	s0 =	simm.s32 @!p0 $0x0  }
0x12: {  	s1 =	sld [smem:$0x3F9D];
	s0 =	simm.s32 @p0 $0x1  }
0x13: {  	[smem:$0x3FB8] =	sst s0;
	s0 =	simm.s32 @!p1 $0x0  }
0x14: {  	s2 =	sld [smem:$0x3F9C];
	s0 =	simm.s32 @p1 $0x1  }
0x15: {  	[smem:$0x3FB9] =	sst s0;
	s0 =	simm.s32 @!p2 $0x0  }
0x16: {  	s3 =	sld [smem:$0x3FDB];
	s0 =	simm.s32 @p2 $0x1  }
0x17: {  	s4 =	simm.s32 $0x1BF5;
	[smem:$0x3FBB] =	sst s0  }
0x18: {  	s0 =	sld [smem:$0x3F9E];
	_ =	swait.ge [sflag:s4], $0x0  }
0x19: {  	s7 =	sld [smem:$0x3F9F]  }
0x1a: {  	s8 =	sadd.s32 $0xFFFFE003, lr  }
0x1b: {  	s9 =	sadd.s32 $0xFFFFFEF7, lr;
	s5 =	simm.s32 $0xFFFFFFFF;
	p2 =	slt.u32 s8, $0xFFFFF086  }
0x1c: {  	p1 =	slt.u32 s9, $0xF7A;
	s5 =	simm.s32 @!p2 $0x0  }
0x1d: {  	s5 =	simm.s32 @p1 $0x1;
	p0 =	seq.s32 s7, s2  }
0x1e: {  	s7 =	smul.u32 @!p0 $0xF7A, s2;
	p2 =	seq.s32 @!p0 s5, $0x0  }
0x1f: {  	s9 =	smul.u32 $0xF7A, s1;
	s8 =	simm.s32 @!p0 $0x1BF5;
	p2 =	por !p2, p0  }
0x20: {  	[sflag:s8] =	ssyncset.s32 @!p0 $0xFFFFF086;
	s6 =	sadd.s32 @!p0 s3, s7;
	s7 =	simm.s32 @!p0 $0x108  }
0x21: {  	s3 =	sadd.s32 s3, s9;
	s6 =	sadd.s32 @!p0 $0x88, s6;
	s7 =	simm.s32 @p2 $0x1082  }
0x22: {  	[simem:s7], [sflag:s8] =	dma.local @!p0 [hbm:s6], $0xF7A  }
0x23: {  	s9 =	sor.u32 $0xD0000000, s2;
	s6 =	simm.s32 $0x108;
	_ =	swait.ge @!p0 [sflag:s8], $0x0  }
0x24: {  	s3 =	sadd.s32 $0x88, s3;
	s6 =	simm.s32 @!p1 $0x1082;
	[sflag:s4] =	ssyncset.s32 $0xFFFFF086  }
0x25: {  	[simem:s6], [sflag:s4] =	dma.local [hbm:s3], $0xF7A  }
0x26: {  	[smem:$0x3F9F] =	sst s1;
	(tag) =	ssettag s2;
	_ =	strace s9  }
0x27: {  	s1 =	sld [smem:$0x3FAF]  }
0x28: {  	s2 =	sld [smem:$0x3FB0]  }
0x29: {  	s4 =	sld [smem:$0x3FB2]  }
0x2a: {  	p0 =	seq.s32 s5, $0x0;
	s5 =	sld [smem:$0x3FB3]  }
0x2b: {  	s6 =	sld [smem:$0x3FB4]  }
0x2c: {  	s7 =	sld [smem:$0x3FB5]  }
0x2d: {  	s3 =	simm.s32 $0x108;
	s8 =	sld [smem:$0x3FB6]  }
0x2e: {  	s3 =	simm.s32 @!p0 $0x1082;
	s9 =	sld [smem:$0x3FB7]  }
0x2f: {  	lr =	sadd.s32 s0, s3;
	s0 =	sld [smem:$0x3FAE]  }
0x30: {  	s3 =	sld [smem:$0x3FB1]  }
0x31: {  	[smem:$0x3FBA] =	sst s10  }
0x32: {  	s10 =	sld [smem:$0x3FB8];
	_ =	sdelay $0x3  }
0x33: {  	p0 =	seq.s32 s10, $0x1;
	s10 =	sld [smem:$0x3FBA];
	_ =	sdelay $0x3  }
0x34: {  	[smem:$0x3FBA] =	sst s10  }
0x35: {  	s10 =	sld [smem:$0x3FB9];
	_ =	sdelay $0x3  }
0x36: {  	p1 =	seq.s32 s10, $0x1;
	s10 =	sld [smem:$0x3FBA];
	_ =	sdelay $0x3  }
0x37: {  	[smem:$0x3FBA] =	sst s10  }
0x38: {  	s10 =	sld [smem:$0x3FBB]  }
0x39: {  	_ = 	snop;
	(pc) =	sbr.ind lr, $3  }
0x3a: {  	_ = 	snop  }
0x3b: {  	_ = 	snop  }
0x3c: {  	p2 =	seq.s32 s10, $0x1;
	s10 =	sld [smem:$0x3FBA]  }
0x3d: {  	_ =	shalt  }
0x3e: {  	_ =	shalt  }
0x3f: {  	_ =	shalt  }
0x40: {  	_ =	shalt  }
0x41: {  	_ =	shalt  }
0x42: {  	_ =	shalt  }
0x43: {  	_ =	shalt  }
0x44: {  	_ =	shalt  }
0x45: {  	_ =	shalt  }
0x46: {  	_ =	shalt  }
0x47: {  	_ =	shalt  }
0x48: {  	_ =	shalt  }
0x49: {  	_ =	shalt  }
0x4a: {  	_ =	shalt  }
0x4b: {  	_ =	shalt  }
0x4c: {  	_ =	shalt  }
0x4d: {  	_ =	shalt  }
0x4e: {  	_ =	shalt  }
0x4f: {  	_ =	shalt  }
0x50: {  	_ =	shalt  }
0x51: {  	_ =	shalt  }
0x52: {  	_ =	shalt  }
0x53: {  	_ =	shalt  }
0x54: {  	_ =	shalt  }
0x55: {  	_ =	shalt  }
0x56: {  	_ =	shalt  }
0x57: {  	_ =	shalt  }
0x58: {  	_ =	shalt  }
0x59: {  	_ =	shalt  }
0x5a: {  	_ =	shalt  }
0x5b: {  	_ =	shalt  }
0x5c: {  	_ =	shalt  }
0x5d: {  	_ =	shalt  }
0x5e: {  	_ =	shalt  }
0x5f: {  	_ =	shalt  }
0x60: {  	_ =	shalt  }
0x61: {  	_ =	shalt  }
0x62: {  	_ =	shalt  }
0x63: {  	_ =	shalt  }
0x64: {  	_ =	shalt  }
0x65: {  	_ =	shalt  }
0x66: {  	_ =	shalt  }
0x67: {  	_ =	shalt  }
0x68: {  	_ =	shalt  }
0x69: {  	_ =	shalt  }
0x6a: {  	_ =	shalt  }
0x6b: {  	_ =	shalt  }
0x6c: {  	_ =	shalt  }
0x6d: {  	_ =	shalt  }
0x6e: {  	_ =	shalt  }
0x6f: {  	_ =	shalt  }
0x70: {  	_ =	shalt  }
0x71: {  	_ =	shalt  }
0x72: {  	_ =	shalt  }
0x73: {  	_ =	shalt  }
0x74: {  	_ =	shalt  }
0x75: {  	_ =	shalt  }
0x76: {  	_ =	shalt  }
0x77: {  	_ =	shalt  }
0x78: {  	_ =	shalt  }
0x79: {  	_ =	shalt  }
0x7a: {  	_ =	shalt  }
0x7b: {  	_ =	shalt  }
0x7c: {  	_ =	shalt  }
0x7d: {  	_ =	shalt  }
0x7e: {  	_ =	shalt  }
0x7f: {  	_ =	shalt  }
0x80: {  	_ =	shalt  }
0x81: {  	_ =	shalt  }
0x82: {  	_ =	shalt  }
0x83: {  	_ =	shalt  }
0x84: {  	_ =	shalt  }
0x85: {  	_ =	shalt  }
0x86: {  	_ =	shalt  }
0x87: {  	_ =	shalt  }
.Lfunc_end0:
.L_simem_size_0:
called_computation.4_lowered:
.L_overlay_start_0:
0x88: {  	s2 =	sld [smem:$0x3FD9]  }
0x89: {  	s3 =	sld [smem:$0x3FFE];
	_ =	sdelay $0x1  }
0x8a: {  	s1 =	srdreg.scid  }
0x8b: {  	s0 =	sand.u32 $0x1, s1  }
0x8c: {  	s17 =	sshll.u32 s0, $0xA;
	s2 =	sadd.s32 s3, s2  }
0x8d: {  	s2 =	sadd.s32 s2, s17  }
0x8e: {  	[smem:$0x3FC6] =	sst s2  }
0x8f: {  	_ = 	snop  }
0x90: {  	s2 =	sld [smem:$0x3FD0];
	(tm) =	ssettm $0x1  }
0x91: {  	s18 =	sld [smem:$0x3FFB];
	_ =	sdelay $0x3  }
0x92: {  	_ =	strace s18  }
0x93: {  	s3 =	sld [smem:$0x3FFC];
	_ =	sdelay $0x3  }
0x94: {  	_ =	strace s3  }
0x95: {  	s3 =	sld [smem:$0x3FFD];
	_ =	sdelay $0x3  }
0x96: {  	_ =	strace s3  }
0x97: {  	_ =	strace $0x8FFFFFFF  }
0x98: {  	s19 =	sld [smem:$0x3FDB];
	_ =	sdelay $0x1  }
0x99: {  	s4 =	simm.s32 $_scs_section_size  }
0x9a: {  	s5 =	simm.s32 $_size__tile_overlayer_lowered;
	s6 =	simm.s32 $_tile_overlayer_lowered  }
0x9b: {  	s22 =	simm.s32 $0x1BFF;
	s21 =	sshll.u32 s6, $0x1;
	s3 =	sadd.s32 s4, s19  }
0x9c: {  	s7 =	simm.s32 $0x0;
	s20 =	sshll.u32 s5, $0x1;
	s5 =	sadd.s32 s21, s3  }
0x9d: {  	[timem:s7], [sflag:s22] =	dma.local [hbm:s5], s20  }
0x9e: {  	_ =	swait.ge [sflag:s22], s20  }
0x9f: {  	s4 =	ssub.s32 $0x0, s20;
	[sflag:s22] =	ssyncset.done $0x0  }
0xa0: {  	[sflag:s22] =	ssyncadd.s32 s4;
	_ =	sdelay $0x1  }
0xa1: {  	s23 =	simm.s32 $0x1B8B  }
0xa2: {  	_ =	swait.ge [sflag:s23], $0x1  }
0xa3: {  	[sflag:s23] =	ssyncset.done $0x0  }
0xa4: {  	s25 =	simm.s32 $0x1B8E;
	s24 =	sld [smem:$0x3FFE];
	[sflag:s23] =	ssyncadd.s32 $0xFFFFFFFF  }
0xa5: {  	s26 =	simm.s32 $execute0_lowered;
	[smem:$0x3FD2] =	sst s25  }
0xa6: {  	s5 =	sshll.u32 s26, $0x1;
	_ =	strace $0x80000052;
	[dreg:$0x1] =	wrdreg $0xFFFFFFFF  }
0xa7: {  	s28 =	simm.s32 $_size_execute0_lowered;
	s3 =	sadd.s32 s3, s5;
	[dreg:$0x0] =	wrdreg $0x0  }
0xa8: {  	s5 =	sshll.u32 s28, $0x1;
	[dreg:$0x2] =	wrdreg s3  }
0xa9: {  	[dreg:$0x3] =	wrdreg s5  }
0xaa: {  	[dreg:$0x4] =	wrdreg $0xC0  }
0xab: {  	_ =	task [dreg:s7], $0x5FFFF  }
0xac: {  	[dreg:$0x1] =	wrdreg $0xFFFFFFFF  }
0xad: {  	[dreg:$0x0] =	wrdreg $0x60  }
0xae: {  	[dreg:$0x2] =	wrdreg s24  }
0xaf: {  	[dreg:$0x3] =	wrdreg s2  }
0xb0: {  	[dreg:$0x4] =	wrdreg $0x52000  }
0xb1: {  	[dreg:$0x5] =	wrdreg $0x9  }
0xb2: {  	_ =	task.clear_ibuf [dreg:s7], $0x6FFFF;
	_ =	strace $0x90000052  }
0xb3: {  	s29 =	simm.s32 $0x9;
	_ =	strace $0x80000054  }
0xb4: {  	_ =	swait.ge [sflag:s29], $0x1  }
0xb5: {  	[sflag:s29] =	ssyncadd.s32 $0xFFFFFFFF  }
0xb6: {  	_ =	strace $0x90000054  }
0xb7: {  	_ =	sfence  }
0xb8: {  	s30 =	sld [smem:$0x0];
	_ =	sdelay $0x2  }
0xb9: {  	s31 =	sshll.u32 s1, $0xD;
	s1 =	sshrl.u32 s1, $0x2  }
0xba: {  	s3 =	sand.u32 $0x4000, s31;
	s1 =	sadd.s32 s1, s30  }
0xbb: {  	s0 =	sor.u32 s3, s0;
	s1 =	sshll.u32 s1, $0x11  }
0xbc: {  	s0 =	sor.u32 s1, s0  }
0xbd: {  	s0 =	sadd.s32 $0x8F2B, s0  }
0xbe: {  	[sflag:s0] =	ssyncadd.remote.s32 $0x1  }
0xbf: {  	_ =	sfence.sel $0xFFFF  }
0xc0: {  	[dreg:$0x0] =	wrdreg $0xFFFFFFFF;
	(pc) =	sbr.abs _section_cstart, $3  }
0xc1: {  	[dreg:$0x1] =	wrdreg $0xFFFFFFFF  }
0xc2: {  	_ =	task.clear_ibuf [dreg:s7], $0x2FFFF;
	_ =	strace $0x9FFFFFFF  }
0xc3: {  	(tm) =	ssettm $0x7FFFFFFF  }
tec
execute0_lowered:
.L_overlay_start_1:
0x0: {  	(tag) =	ssettag $0x1  }
0x1: {  	s0 =	rddreg [dreg:$0x0]  }
0x2: {  	s2 =	rddreg [dreg:$0x1]  }
0x3: {  	s3 =	rddreg [dreg:$0x2]  }
0x4: {  	s1 =	srdreg.scid;
	s11 =	stileid.u32;
	s4 =	simm.s32 $0x0  }
0x5: {  	s28 =	simm.s32 $0x200;
	s29 =	simm.s32 $0x7;
	s6 =	smul.u32 $0x280, s11  }
0x6: {  	s30 =	simm.s32 $0x1;
	s31 =	simm.s32 $0x50;
	s15 =	smul.u32 $0x50000, s11  }
0x7: {  	s1 =	sand.u32 $0x1, s1;
	[smem:$0x7FF] =	sst s4;
	s19 =	smul.u32 $0x2760, s11  }
0x8: {  	s5 =	sadd.s32 $0xDA00, s0;
	s7 =	smul.u32 $0x2800, s1;
	s8 =	sshll.u32 s1, $0x4  }
0x9: {  	_ =	strace $0x80000053;
	s9 =	ssub.s32 $0x2, s1;
	s1 =	smul.u32 $0x27600, s1  }
0xa: {  	s8 =	sor.u32 s11, s8;
	s10 =	sshrl.u32 s9, $0x1;
	s18 =	sshrl.u32 s15, $0x2  }
0xb: {  	s7 =	sadd.s32 s6, s7;
	s8 =	smul.u32 $0x2760, s8;
	s6 =	sadd.s32 $0x3C00, s0  }
0xc: {  	s12 =	ssub.s32 s9, s10;
	s11 =	sadd.s32 s18, s3;
	s23 =	sadd.s32 s19, s1  }
0xd: {  	s9 =	simm.s32 $0x4;
	s10 =	simm.s32 $0x6;
	s7 =	sshll.u32 s7, $0x4  }
0xe: {  	s20 =	smax.u32 s12, $0x1;
	s21 =	sadd.s32 $0x2800, s11;
	s22 =	sadd.s32 $0x5000, s11  }
0xf: {  	s24 =	sadd.s32 $0x7800, s11;
	s25 =	sadd.s32 $0xA000, s11;
	[dreg:$0x9] =	wrdreg s20  }
0x10: {  	s26 =	sadd.s32 $0xF0, s23;
	s18 =	sadd.s32 $0xC800, s11;
	[dreg:$0xa] =	wrdreg s21  }
0x11: {  	s19 =	sadd.s32 $0xF000, s11;
	s23 =	sadd.s32 $0xA0, s23;
	[dreg:$0xb] =	wrdreg s22  }
0x12: {  	s12 =	simm.s32 $0x0;
	s0 =	sadd.s32 s7, s0;
	[dreg:$0xc] =	wrdreg s24  }
0x13: {  	s8 =	sshrl.u32 s8, $0x3;
	[dreg:$0xd] =	wrdreg s25;
	s1 =	sshrl.u32 s26, $0x3  }
0x14: {  	s20 =	sadd.s32 $0x11800, s11;
	s24 =	simm.s32 $0x80;
	s25 =	simm.s32 $0x100  }
0x15: {  	s26 =	simm.s32 $0x180;
	s7 =	simm.s32 $0x2A00;
	s13 =	sadd.s32 s6, s8  }
0x16: {  	s14 =	sadd.s32 $0xA, s8;
	s8 =	sadd.s32 s2, s8;
	[dreg:$0x4] =	wrdreg s13  }
0x17: {  	s0 =	sadd.s32 $0x85A00, s0;
	s21 =	sadd.s32 s1, s2;
	[dreg:$0x5] =	wrdreg s8  }
0x18: {  	s22 =	sadd.s32 s1, s6;
	s16 =	sadd.s32 s6, s14;
	[dreg:$0x8] =	wrdreg s0  }
0x19: {  	s1 =	simm.s32 $0x2;
	s17 =	sadd.s32 s2, s14;
	[dreg:$0x6] =	wrdreg s16  }
0x1a: {  	v0 =	vimm.f32 $0.0e+00;
	s0 =	simm.s32 $0x3;
	s8 =	simm.s32 $0x5;
	[dreg:$0x7] =	wrdreg s17  }
.LBB2_1:
0x1b: {  	s13 =	rddreg [dreg:$0x4]  }
0x1c: {  	[tilespmem:s4], [sflag:$0x1] =	stream.linear.gather [hbm4b:s13+s4], $0x50, $0x38;
	[tilespmem:$0x19200] =	vst v63  }
0x1d: {  	s15 =	rddreg [dreg:$0x5]  }
0x1e: {  	[tilespmem:s24], [sflag:$0x1] =	stream.linear.gather [hbm4b:s15+s4], $0x50, $0x38;
	[tilespmem:$0x19200] =	vst v63  }
0x1f: {  	s16 =	rddreg [dreg:$0x6]  }
0x20: {  	[tilespmem:s25], [sflag:$0x2] =	stream.linear.gather [hbm4b:s16+s4], $0x50, $0x38;
	[tilespmem:$0x19200] =	vst v63  }
0x21: {  	s17 =	rddreg [dreg:$0x7];
	s14 =	simm.s32 $0x3C0;
	s13 =	simm.s32 $0x70  }
0x22: {  	[tilespmem:s26], [sflag:$0x2] =	stream.linear.gather [hbm4b:s17+s4], $0x50, $0x38;
	[tilespmem:$0x19200] =	vst v63  }
.LBB2_2:
0x23: {  	p0 =	sne.s32 s14, $0x9FC0;
	[tilespmem:s13+$0x200] =	vst v0  }
0x24: {  	[tilespmem:s13+$0x190] =	vst v0  }
0x25: {  	[tilespmem:s13+$0x1A0] =	vst v0  }
.Ltmp0:
0x26: {  	[tilespmem:s13+$0x1B0] =	vst v0;
	(pc) =	sbr.rel @p0 .LBB2_2-.Ltmp0, $4  }
0x27: {  	[tilespmem:s13+$0x1C0] =	vst v0  }
0x28: {  	[tilespmem:s13+$0x1D0] =	vst v0  }
0x29: {  	[tilespmem:s13+$0x1E0] =	vst v0  }
0x2a: {  	[tilespmem:s13+$0x1F0] =	vst v0;
	s13 =	sshra.s32 s14, $0x2;
	s14 =	sadd.s32 $0x200, s14  }
0x2b: {  	[tilespmem:s13+$0x200] =	vst v0  }
0x2c: {  	[tilespmem:s13+$0x190] =	vst v0  }
0x2d: {  	[tilespmem:s13+$0x1A0] =	vst v0  }
0x2e: {  	[tilespmem:s13+$0x1B0] =	vst v0  }
0x2f: {  	[tilespmem:s13+$0x1C0] =	vst v0  }
0x30: {  	[tilespmem:s13+$0x1D0] =	vst v0  }
0x31: {  	[tilespmem:s13+$0x1E0] =	vst v0  }
0x32: {  	[tilespmem:s13+$0x1F0] =	vst v0  }
0x33: {  	[spmem:s11] =	stream.linear.scatter [tilespmem:s28], [sflag:$0x7], $0x2800, $0x38;
	[tilespmem:$0x19200] =	vst v63  }
0x34: {  	_ =	swait.ge [sflag:s29], $0x2800  }
0x35: {  	[sflag:s29] =	ssyncset.done $0x0  }
0x36: {  	s15 =	rddreg [dreg:$0xa];
	[sflag:s29] =	ssyncadd.s32 $0xFFFFD800  }
0x37: {  	[spmem:s15] =	stream.linear.scatter [tilespmem:s28], [sflag:$0x7], $0x2800, $0x38;
	[tilespmem:$0x19200] =	vst v63  }
0x38: {  	_ =	swait.ge [sflag:s29], $0x2800  }
0x39: {  	[sflag:s29] =	ssyncset.done $0x0  }
0x3a: {  	s16 =	rddreg [dreg:$0xb];
	[sflag:s29] =	ssyncadd.s32 $0xFFFFD800  }
0x3b: {  	[spmem:s16] =	stream.linear.scatter [tilespmem:s28], [sflag:$0x7], $0x2800, $0x38;
	[tilespmem:$0x19200] =	vst v63  }
0x3c: {  	_ =	swait.ge [sflag:s29], $0x2800  }
0x3d: {  	[sflag:s29] =	ssyncset.done $0x0  }
0x3e: {  	s17 =	rddreg [dreg:$0xc];
	[sflag:s29] =	ssyncadd.s32 $0xFFFFD800  }
0x3f: {  	[spmem:s17] =	stream.linear.scatter [tilespmem:s28], [sflag:$0x7], $0x2800, $0x38;
	[tilespmem:$0x19200] =	vst v63  }
0x40: {  	_ =	swait.ge [sflag:s29], $0x2800  }
0x41: {  	[sflag:s29] =	ssyncset.done $0x0  }
0x42: {  	s14 =	rddreg [dreg:$0xd];
	[sflag:s29] =	ssyncadd.s32 $0xFFFFD800  }
0x43: {  	[spmem:s14] =	stream.linear.scatter [tilespmem:s28], [sflag:$0x7], $0x2800, $0x38;
	[tilespmem:$0x19200] =	vst v63  }
0x44: {  	_ =	swait.ge [sflag:s29], $0x2800  }
0x45: {  	[sflag:s29] =	ssyncset.done $0x0  }
0x46: {  	[sflag:s29] =	ssyncadd.s32 $0xFFFFD800  }
0x47: {  	[spmem:s18] =	stream.linear.scatter [tilespmem:s28], [sflag:$0x7], $0x2800, $0x38;
	[tilespmem:$0x19200] =	vst v63  }
0x48: {  	_ =	swait.ge [sflag:s29], $0x2800  }
0x49: {  	[sflag:s29] =	ssyncset.done $0x0  }
0x4a: {  	[sflag:s29] =	ssyncadd.s32 $0xFFFFD800  }
0x4b: {  	[spmem:s19] =	stream.linear.scatter [tilespmem:s28], [sflag:$0x7], $0x2800, $0x38;
	[tilespmem:$0x19200] =	vst v63  }
0x4c: {  	_ =	swait.ge [sflag:s29], $0x2800  }
0x4d: {  	[sflag:s29] =	ssyncset.done $0x0  }
0x4e: {  	[sflag:s29] =	ssyncadd.s32 $0xFFFFD800  }
0x4f: {  	[spmem:s20] =	stream.linear.scatter [tilespmem:s28], [sflag:$0x7], $0x2800, $0x38;
	[tilespmem:$0x19200] =	vst v63  }
0x50: {  	_ =	swait.ge [sflag:s29], $0x2800  }
0x51: {  	[sflag:s29] =	ssyncset.done $0x0  }
0x52: {  	[sflag:s29] =	ssyncadd.s32 $0xFFFFD800  }
0x53: {  	[bflag:$0x0] =	sbarrier.arrive $0xFFFF  }
0x54: {  	_ =	swait.ge [sflag:s30], $0x50  }
0x55: {  	[sflag:s30] =	ssyncset.done $0x0  }
0x56: {  	[sflag:s30] =	ssyncadd.s32 $0xFFFFFFB0  }
0x57: {  	_ =	swait.ge [sflag:s30], $0x50  }
0x58: {  	[sflag:s30] =	ssyncset.done $0x0  }
0x59: {  	s15 =	simm.s32 $0x0;
	[sflag:s30] =	ssyncadd.s32 $0xFFFFFFB0  }
0x5a: {  	[tilespmem:s28], [sflag:$0x3] =	stream.indirect.gather [hbm4b:s5+s31], $0x80, s15, s31, $0xb8;
	[tilespmem:$0x19200] =	vst v63  }
0x5b: {  	_ =	swait.ge [sflag:s0], $0x2800  }
0x5c: {  	[sflag:s0] =	ssyncset.done $0x0  }
0x5d: {  	[sflag:s0] =	ssyncadd.s32 $0xFFFFD800  }
0x5e: {  	[spmem:s3] =	stream.indirect.scatter.add.f32 [tilespmem:s28], [sflag:$0x5], $0x80, s24, s31, $0xb8;
	[tilespmem:$0x19200] =	vst v63  }
0x5f: {  	_ =	swait.ge [sflag:s1], $0x50  }
0x60: {  	[sflag:s1] =	ssyncset.done $0x0  }
0x61: {  	[sflag:s1] =	ssyncadd.s32 $0xFFFFFFB0  }
0x62: {  	_ =	swait.ge [sflag:s1], $0x50  }
0x63: {  	[sflag:s1] =	ssyncset.done $0x0  }
0x64: {  	[sflag:s1] =	ssyncadd.s32 $0xFFFFFFB0  }
0x65: {  	[tilespmem:s7], [sflag:$0x4] =	stream.indirect.gather [hbm4b:s5+s31], $0x80, s25, s31, $0xb8;
	[tilespmem:$0x19200] =	vst v63  }
0x66: {  	_ =	swait.ge [sflag:s8], $0x2800  }
0x67: {  	s16 =	sshrl.u32 s23, $0x3;
	[sflag:s8] =	ssyncset.done $0x0  }
0x68: {  	s14 =	sadd.s32 s6, s16;
	[sflag:s8] =	ssyncadd.s32 $0xFFFFD800  }
0x69: {  	[tilespmem:s4], [sflag:$0x1] =	stream.linear.gather [hbm4b:s14+s4], $0x50, $0x38;
	[tilespmem:$0x19200] =	vst v63  }
0x6a: {  	s13 =	sadd.s32 s2, s16  }
0x6b: {  	[tilespmem:s24], [sflag:$0x1] =	stream.linear.gather [hbm4b:s13+s4], $0x50, $0x38;
	[tilespmem:$0x19200] =	vst v63  }
0x6c: {  	_ =	swait.ge [sflag:s9], $0x2800  }
0x6d: {  	[sflag:s9] =	ssyncset.done $0x0  }
0x6e: {  	[sflag:s9] =	ssyncadd.s32 $0xFFFFD800  }
0x6f: {  	[spmem:s3] =	stream.indirect.scatter.add.f32 [tilespmem:s7], [sflag:$0x6], $0x80, s26, s31, $0xb8;
	[tilespmem:$0x19200] =	vst v63  }
0x70: {  	_ =	swait.ge [sflag:s30], $0x50  }
0x71: {  	[sflag:s30] =	ssyncset.done $0x0  }
0x72: {  	[sflag:s30] =	ssyncadd.s32 $0xFFFFFFB0  }
0x73: {  	_ =	swait.ge [sflag:s30], $0x50  }
0x74: {  	[sflag:s30] =	ssyncset.done $0x0  }
0x75: {  	[sflag:s30] =	ssyncadd.s32 $0xFFFFFFB0  }
0x76: {  	[tilespmem:s28], [sflag:$0x3] =	stream.indirect.gather [hbm4b:s5+s31], $0x80, s4, s31, $0xb8;
	[tilespmem:$0x19200] =	vst v63  }
0x77: {  	_ =	swait.ge [sflag:s10], $0x2800  }
0x78: {  	s17 =	sadd.s32 $0x0, s22;
	s15 =	sadd.s32 $0x0, s21;
	[sflag:s10] =	ssyncset.done $0x0  }
0x79: {  	s14 =	sadd.s32 $0xA0, s23;
	s13 =	simm.s32 $0x14;
	[sflag:s10] =	ssyncadd.s32 $0xFFFFD800  }
0x7a: {  	[tilespmem:s25], [sflag:$0x2] =	stream.linear.gather [hbm4b:s17+s4], $0x50, $0x38;
	[tilespmem:$0x19200] =	vst v63  }
.LBB2_4:
0x7b: {  	[tilespmem:s26], [sflag:$0x2] =	stream.linear.gather [hbm4b:s15+s4], $0x50, $0x38;
	[tilespmem:$0x19200] =	vst v63  }
0x7c: {  	s15 =	smov.u32 s13  }
0x7d: {  	p0 =	sne.s32 s13, $0x4C4;
	s13 =	sadd.s32 $0x14, s13;
	_ =	swait.ge [sflag:s0], $0x2800  }
0x7e: {  	[sflag:s0] =	ssyncset.done $0x0  }
0x7f: {  	[sflag:s0] =	ssyncadd.s32 $0xFFFFD800  }
0x80: {  	[spmem:s3] =	stream.indirect.scatter.add.f32 [tilespmem:s28], [sflag:$0x5], $0x80, s24, s31, $0xb8;
	[tilespmem:$0x19200] =	vst v63  }
0x81: {  	_ =	swait.ge [sflag:s1], $0x50  }
0x82: {  	[sflag:s1] =	ssyncset.done $0x0  }
0x83: {  	[sflag:s1] =	ssyncadd.s32 $0xFFFFFFB0  }
0x84: {  	_ =	swait.ge [sflag:s1], $0x50  }
0x85: {  	[sflag:s1] =	ssyncset.done $0x0  }
0x86: {  	[sflag:s1] =	ssyncadd.s32 $0xFFFFFFB0  }
0x87: {  	[tilespmem:s7], [sflag:$0x4] =	stream.indirect.gather [hbm4b:s5+s31], $0x80, s25, s31, $0xb8;
	[tilespmem:$0x19200] =	vst v63  }
0x88: {  	_ =	swait.ge [sflag:s8], $0x2800  }
0x89: {  	s16 =	sshrl.u32 s14, $0x3;
	[sflag:s8] =	ssyncset.done $0x0  }
0x8a: {  	s17 =	sadd.s32 s6, s16;
	[sflag:s8] =	ssyncadd.s32 $0xFFFFD800  }
0x8b: {  	[tilespmem:s4], [sflag:$0x1] =	stream.linear.gather [hbm4b:s17+s4], $0x50, $0x38;
	[tilespmem:$0x19200] =	vst v63  }
0x8c: {  	s16 =	sadd.s32 s2, s16  }
0x8d: {  	[tilespmem:s24], [sflag:$0x1] =	stream.linear.gather [hbm4b:s16+s4], $0x50, $0x38;
	[tilespmem:$0x19200] =	vst v63  }
0x8e: {  	_ =	swait.ge [sflag:s9], $0x2800  }
0x8f: {  	[sflag:s9] =	ssyncset.done $0x0  }
0x90: {  	[sflag:s9] =	ssyncadd.s32 $0xFFFFD800  }
0x91: {  	[spmem:s3] =	stream.indirect.scatter.add.f32 [tilespmem:s7], [sflag:$0x6], $0x80, s26, s31, $0xb8;
	[tilespmem:$0x19200] =	vst v63  }
0x92: {  	_ =	swait.ge [sflag:s30], $0x50  }
0x93: {  	[sflag:s30] =	ssyncset.done $0x0  }
0x94: {  	[sflag:s30] =	ssyncadd.s32 $0xFFFFFFB0  }
0x95: {  	_ =	swait.ge [sflag:s30], $0x50  }
0x96: {  	[sflag:s30] =	ssyncset.done $0x0  }
0x97: {  	[sflag:s30] =	ssyncadd.s32 $0xFFFFFFB0  }
0x98: {  	[tilespmem:s28], [sflag:$0x3] =	stream.indirect.gather [hbm4b:s5+s31], $0x80, s4, s31, $0xb8;
	[tilespmem:$0x19200] =	vst v63  }
.Ltmp1:
0x99: {  	_ =	swait.ge [sflag:s10], $0x2800;
	(pc) =	sbr.rel @p0 .LBB2_4-.Ltmp1, $4  }
0x9a: {  	[sflag:s10] =	ssyncset.done $0x0  }
0x9b: {  	s16 =	sadd.s32 s15, s22;
	[sflag:s10] =	ssyncadd.s32 $0xFFFFD800  }
0x9c: {  	[tilespmem:s25], [sflag:$0x2] =	stream.linear.gather [hbm4b:s16+s4], $0x50, $0x38;
	[tilespmem:$0x19200] =	vst v63  }
0x9d: {  	s14 =	sadd.s32 $0xA0, s14;
	s15 =	sadd.s32 s15, s21  }
0x9e: {  	[tilespmem:s26], [sflag:$0x2] =	stream.linear.gather [hbm4b:s15+s4], $0x50, $0x38;
	[tilespmem:$0x19200] =	vst v63  }
0x9f: {  	_ =	swait.ge [sflag:s0], $0x2800  }
0xa0: {  	[sflag:s0] =	ssyncset.done $0x0  }
0xa1: {  	[sflag:s0] =	ssyncadd.s32 $0xFFFFD800  }
0xa2: {  	[spmem:s3] =	stream.indirect.scatter.add.f32 [tilespmem:s28], [sflag:$0x5], $0x80, s24, s31, $0xb8;
	[tilespmem:$0x19200] =	vst v63  }
0xa3: {  	_ =	swait.ge [sflag:s1], $0x50  }
0xa4: {  	[sflag:s1] =	ssyncset.done $0x0  }
0xa5: {  	[sflag:s1] =	ssyncadd.s32 $0xFFFFFFB0  }
0xa6: {  	_ =	swait.ge [sflag:s1], $0x50  }
0xa7: {  	[sflag:s1] =	ssyncset.done $0x0  }
0xa8: {  	[sflag:s1] =	ssyncadd.s32 $0xFFFFFFB0  }
0xa9: {  	[tilespmem:s7], [sflag:$0x4] =	stream.indirect.gather [hbm4b:s5+s31], $0x80, s25, s31, $0xb8;
	[tilespmem:$0x19200] =	vst v63  }
0xaa: {  	_ =	swait.ge [sflag:s8], $0x2800  }
0xab: {  	[sflag:s8] =	ssyncset.done $0x0  }
0xac: {  	[sflag:s8] =	ssyncadd.s32 $0xFFFFD800  }
0xad: {  	_ =	swait.ge [sflag:s9], $0x2800  }
0xae: {  	[sflag:s9] =	ssyncset.done $0x0  }
0xaf: {  	[sflag:s9] =	ssyncadd.s32 $0xFFFFD800  }
0xb0: {  	[spmem:s3] =	stream.indirect.scatter.add.f32 [tilespmem:s7], [sflag:$0x6], $0x80, s26, s31, $0xb8;
	[tilespmem:$0x19200] =	vst v63  }
0xb1: {  	_ =	swait.ge [sflag:s10], $0x2800  }
0xb2: {  	[sflag:s10] =	ssyncset.done $0x0  }
0xb3: {  	s13 =	stileid.u32;
	[sflag:s10] =	ssyncadd.s32 $0xFFFFD800  }
0xb4: {  	s13 =	sshll.u32 s13, $0x6;
	[bflag:$0x0] =	sbarrier.arrive $0xFFFF  }
0xb5: {  	s14 =	sshrl.u32 s11, $0x3;
	s13 =	sor.u32 $0x1C07, s13;
	s16 =	rddreg [dreg:$0x8]  }
0xb6: {  	[hbm:s16], [sflag:s13] =	dma.local [spmem:s14], $0x2800  }
0xb7: {  	_ =	swait.ge [sflag:s29], $0x2800  }
0xb8: {  	s12 =	sadd.s32 $0x1, s12;
	s17 =	rddreg [dreg:$0x9]  }
0xb9: {  	p0 =	sne.s32 s12, s17  }
.Ltmp2:
0xba: {  	_ = 	snop;
	(pc) =	sbr.rel @p0 .LBB2_1-.Ltmp2, $3  }
0xbb: {  	_ =	sdelay $0x1  }
0xbc: {  	[sflag:s29] =	ssyncset.done $0x0  }
0xbd: {  	[sflag:s29] =	ssyncadd.s32 $0xFFFFD800  }
0xbe: {  	_ =	sfence.sel $0x180000  }
0xbf: {  	[bflag:$0x0] =	sbarrier.arrive $0xFFFF  }
0xc0: {  	_ =	strace $0x90000053  }
0xc1: {  	s0 =	stileid.u32;
	[bflag:$0x2] =	sbarrier.arrive $0xFFFF  }
0xc2: {  	p0 =	sne.s32 s0, $0x0;
	s0 =	rddreg [dreg:$0x3]  }
0xc3: {  	s0 =	sadd.s32 @!p0 $0x100000, s0  }
0xc4: {  	[sflag:s0] =	ssyncadd.tile.s32 @!p0 $0x1;
	_ =	shalt  }
.Lfunc_end2:
_tile_overlayer_lowered:
.L_overlay_start_2:
0xc5: {  	(tag) =	ssettag $0x2  }
0xc6: {  	s0 =	rddreg [dreg:$0x0];
	s2 =	stileid.u32  }
0xc7: {  	s1 =	rddreg [dreg:$0x1];
	p0 =	sne.s32 s2, $0x0  }
0xc8: {  	s3 =	rddreg [dreg:$0x2];
	[bflag:$0x3] =	sbarrier.arrive $0xFFFF;
	s2 =	simm.s32 @!p0 $0x1C07  }
0xc9: {  	[timem:s3], [sflag:s2] =	dma.local @!p0 [hbm:s0], s1  }
0xca: {  	s0 =	simm.s32 @!p0 $0x7  }
0xcb: {  	_ =	swait.ge @!p0 [sflag:s0], s1  }
0xcc: {  	s1 =	ssub.s32 @!p0 $0x0, s1;
	[sflag:s0] =	ssyncset.done @!p0 $0x0  }
0xcd: {  	[sflag:s0] =	ssyncadd.s32 @!p0 s1  }
0xce: {  	[bflag:$0x3] =	sbarrier.arrive $0xFFFF  }
0xcf: {  	_ =	shalt  }

</sc_bundles>
